<compile_context>
chip_gen: v7x
topology: tpu7x:2x2x1
jax: 0.10.2.dev20260603
libtpu: 0.0.44.dev20260713+nightly
codegen_flags: <defaults>
</compile_context>

<pallas_src>
import functools

import jax
import jax.numpy as jnp
from jax import lax
from jax.experimental import pallas as pl
from jax.experimental.pallas import tpu as pltpu

N = 23808
E = 380928
F_IN = 128
H = 4
OUT = 24
B = 128
NPG = 186
KW = 62
P = NPG - KW + 1

_HIGH = lax.Precision.HIGHEST


def _lrelu(x, slope):
    return jnp.where(x > 0, x, slope * x)


_PBN = 2976


def _stats_body(x_ref, stat_ref):
    i = pl.program_id(0)
    x = x_ref[...]
    blk = jnp.concatenate([jnp.sum(x, axis=0, keepdims=True),
                           jnp.sum(x * x, axis=0, keepdims=True)], axis=0)

    @pl.when(i == 0)
    def _():
        stat_ref[...] = blk

    @pl.when(i > 0)
    def _():
        stat_ref[...] += blk


def _prep_main_body(x_ref, stat_ref, bnw_ref, bnb_ref, w3t_ref, aw_src_ref,
                    aw_dst_ref, xwp_ref, adt_ref, m_ref, mtab_ref):
    i = pl.program_id(0)
    stat = stat_ref[...]
    mean = stat[0:1] / N
    var = stat[1:2] / N - mean * mean
    rstd = lax.rsqrt(var + 1e-5)
    xh = (x_ref[...] - mean) * (rstd * bnw_ref[...]) + bnb_ref[...]
    xw = jnp.dot(xh, w3t_ref[...], preferred_element_type=jnp.float32)
    a_src = jnp.dot(xw, aw_src_ref[...], preferred_element_type=jnp.float32,
                    precision=_HIGH)
    a_dst = jnp.dot(xw, aw_dst_ref[...], preferred_element_type=jnp.float32,
                    precision=_HIGH)
    z6 = jnp.zeros((_PBN, 6), jnp.float32)

    def packrow(xwc, asc):
        bi = lax.convert_element_type(
            lax.bitcast_convert_type(xwc[:, :32].astype(jnp.bfloat16),
                                     jnp.int16), jnp.int32)
        w = jnp.bitwise_or(jnp.bitwise_and(bi[:, 0:16], 0xFFFF),
                           lax.shift_left(bi[:, 16:32], 16))
        return jnp.concatenate(
            [lax.bitcast_convert_type(w, jnp.float32), xwc[:, 32:48], asc, z6],
            axis=1)

    xwp_ref[0] = packrow(xw[:, : 2 * OUT], a_src[:, 0:2])
    xwp_ref[1] = packrow(xw[:, 2 * OUT:], a_src[:, 2:4])
    adt_ref[0] = jnp.concatenate([a_dst[:, 0:2], z6], axis=1)
    adt_ref[1] = jnp.concatenate([a_dst[:, 2:4], z6], axis=1)
    ms = jnp.max(a_src, axis=0)
    md = jnp.max(a_dst, axis=0)
    row = jnp.pad(jnp.concatenate([ms, jnp.zeros(4, jnp.float32), md]),
                  (0, 116))[None, :]

    @pl.when(i == 0)
    def _():
        m_ref[...] = row

    @pl.when(i > 0)
    def _():
        m_ref[...] = jnp.maximum(m_ref[...], row)

    @pl.when(i == N // _PBN - 1)
    def _():
        a0 = m_ref[0, 0] + m_ref[0, 8]
        a1 = m_ref[0, 1] + m_ref[0, 9]
        a2 = m_ref[0, 2] + m_ref[0, 10]
        a3 = m_ref[0, 3] + m_ref[0, 11]
        col = lax.broadcasted_iota(jnp.int32, (2, 32), 1)
        rowi = lax.broadcasted_iota(jnp.int32, (2, 32), 0)
        mtab_ref[...] = jnp.where(col < 16,
                                  jnp.where(rowi == 0, a0, a2),
                                  jnp.where(rowi == 0, a1, a3))


def _prep(x, bn_w, bn_b, w3t, aw_src, aw_dst):
    nb = N // _PBN
    stat = pl.pallas_call(
        _stats_body,
        grid=(nb,),
        in_specs=[pl.BlockSpec((_PBN, F_IN), lambda i: (i, 0))],
        out_specs=pl.BlockSpec((2, F_IN), lambda i: (0, 0)),
        out_shape=jax.ShapeDtypeStruct((2, F_IN), jnp.float32),
    )(x)
    return pl.pallas_call(
        _prep_main_body,
        grid=(nb,),
        in_specs=[
            pl.BlockSpec((_PBN, F_IN), lambda i: (i, 0)),
            pl.BlockSpec((2, F_IN), lambda i: (0, 0)),
            pl.BlockSpec((1, F_IN), lambda i: (0, 0)),
            pl.BlockSpec((1, F_IN), lambda i: (0, 0)),
            pl.BlockSpec((F_IN, H * OUT), lambda i: (0, 0)),
            pl.BlockSpec((H * OUT, H), lambda i: (0, 0)),
            pl.BlockSpec((H * OUT, H), lambda i: (0, 0)),
        ],
        out_specs=(
            pl.BlockSpec((2, _PBN, 40), lambda i: (0, i, 0)),
            pl.BlockSpec((2, _PBN, 8), lambda i: (0, i, 0)),
            pl.BlockSpec((1, F_IN), lambda i: (0, 0)),
            pl.BlockSpec((2, 32), lambda i: (0, 0)),
        ),
        out_shape=(
            jax.ShapeDtypeStruct((2, N, 40), jnp.float32),
            jax.ShapeDtypeStruct((2, N, 8), jnp.float32),
            jax.ShapeDtypeStruct((1, F_IN), jnp.float32),
            jax.ShapeDtypeStruct((2, 32), jnp.float32),
        ),
    )(x, stat, bn_w[None, :], bn_b[None, :], w3t, aw_src, aw_dst)


_BN = 2976


def _norm_body(acc_ref, xwp_ref, adt_ref, m_ref, gatb_ref, hn_ref):
    lane = lax.broadcasted_iota(jnp.int32, (1, 16), 1)
    hsum = jnp.zeros((_BN, OUT), jnp.float32)
    for c in range(2):
        m0 = m_ref[0, c * 2] + m_ref[0, 8 + c * 2]
        m1 = m_ref[0, c * 2 + 1] + m_ref[0, 9 + c * 2]
        as0 = xwp_ref[c, :, 32:33]
        as1 = xwp_ref[c, :, 33:34]
        ad0 = adt_ref[c, :, 0:1]
        ad1 = adt_ref[c, :, 1:2]
        e0 = jnp.exp(_lrelu(as0 + ad0, 0.2) - m0)
        e1 = jnp.exp(_lrelu(as1 + ad1, 0.2) - m1)
        s0 = acc_ref[c, :, 48:49] + e0
        s1 = acc_ref[c, :, 49:50] + e1
        emix = jnp.where(lane < 8, e0, e1)
        smix = jnp.where(lane < 8, s0, s1)
        w = lax.bitcast_convert_type(xwp_ref[c, :, 0:16], jnp.int32)
        lo = lax.bitcast_convert_type(lax.shift_left(w, 16), jnp.float32)
        hi = lax.bitcast_convert_type(
            jnp.bitwise_and(w, jnp.int32(-65536)), jnp.float32)
        f3 = xwp_ref[c, :, 16:32]
        t0 = (acc_ref[c, :, 0:16] + lo * e0) / s0
        tm = (acc_ref[c, :, 16:32] + hi * emix) / smix
        t1 = (acc_ref[c, :, 32:48] + f3 * e1) / s1
        hsum = hsum + jnp.concatenate([t0, tm[:, :8]], axis=1)
        hsum = hsum + jnp.concatenate([tm[:, 8:], t1], axis=1)
    hn = 0.25 * hsum + gatb_ref[...]
    hn = jnp.where(hn > 0, hn, jnp.exp(jnp.minimum(hn, 0.0)) - 1.0)
    hn_ref[...] = hn.astype(jnp.bfloat16)


def _gat_normalize(acc, xwp, adt, m8, gat_b):
    nb = N // _BN
    return pl.pallas_call(
        _norm_body,
        grid=(nb,),
        in_specs=[
            pl.BlockSpec((2, _BN, 56), lambda i: (0, i, 0)),
            pl.BlockSpec((2, _BN, 40), lambda i: (0, i, 0)),
            pl.BlockSpec((2, _BN, 8), lambda i: (0, i, 0)),
            pl.BlockSpec((1, F_IN), lambda i: (0, 0)),
            pl.BlockSpec((1, OUT), lambda i: (0, 0)),
        ],
        out_specs=pl.BlockSpec((_BN, OUT), lambda i: (i, 0)),
        out_shape=jax.ShapeDtypeStruct((N, OUT), jnp.bfloat16),
    )(acc, xwp, adt, m8, gat_b[None, :])


def _conv_body(hg_ref, w2_ref, convb_ref, out_ref, patch_ref):
    for k in range(KW):
        patch_ref[:, k * OUT:(k + 1) * OUT] = hg_ref[0, k:k + P, :]
    y = jnp.dot(patch_ref[...], w2_ref[...],
                preferred_element_type=jnp.float32)
    y = y + convb_ref[...]
    y = jnp.transpose(y, (1, 0))
    out_ref[0] = _lrelu(y, 0.01)


def _conv(hg, w2, conv_b):
    return pl.pallas_call(
        _conv_body,
        grid=(B,),
        in_specs=[
            pl.BlockSpec((1, NPG, OUT), lambda i: (i, 0, 0)),
            pl.BlockSpec((KW * OUT, 8), lambda i: (0, 0)),
            pl.BlockSpec((1, 8), lambda i: (0, 0)),
        ],
        out_specs=pl.BlockSpec((1, 8, P), lambda i: (i, 0, 0)),
        out_shape=jax.ShapeDtypeStruct((B, 8, P), jnp.float32),
        scratch_shapes=[pltpu.VMEM((P, KW * OUT), jnp.bfloat16)],
    )(hg, w2, conv_b[None, :])


_AW = 56
_EK = 128
_EPT = E // 16
_NCHUNK = _EPT // _EK
_NPT = N // 16
_ZR = 124


def _edge_sc(src, dst, xwp, adt, mtab):
    import jax.experimental.pallas.tpu_sc as plsc

    mesh = plsc.VectorSubcoreMesh(core_axis_name="c", subcore_axis_name="s")

    @functools.partial(
        pl.kernel, mesh=mesh,
        compiler_params=pltpu.CompilerParams(needs_layout_passes=False,
                                             use_tc_tiling_on_sc=False),
        out_type=jax.ShapeDtypeStruct((2, N, _AW), jnp.float32),
        scratch_types=[
            pltpu.VMEM_SHARED((N, _AW), jnp.float32),
            pltpu.VMEM((16,), jnp.int32),
            pltpu.VMEM((16, _EK), jnp.int32),
            pltpu.VMEM((4, _EK), jnp.int32),
            pltpu.VMEM((4, _EK), jnp.int32),
            pltpu.VMEM((2, _EK, 40), jnp.float32),
            pltpu.VMEM((2, _EK, 8), jnp.float32),
            pltpu.VMEM((2, _EK, _AW), jnp.float32),
            pltpu.VMEM((_EK,), jnp.float32),
            pltpu.VMEM((_EK,), jnp.float32),
            pltpu.VMEM((32,), jnp.float32),
            pltpu.SemaphoreType.DMA,
            pltpu.SemaphoreType.DMA,
            pltpu.SemaphoreType.DMA,
            pltpu.SemaphoreType.DMA,
            pltpu.SemaphoreType.DMA,
        ],
    )
    def k(edges_hbm, xwp_hbm, adt_hbm, mtab_hbm, out_hbm,
          acc_sh, idx16, edge_st, srcv, dstv, rowsg, adr, pay, eb0, eb1, m_v,
          esem, gsem0, gsem1, ssem0, ssem1):
        c = lax.axis_index("c")
        s = lax.axis_index("s")
        o16 = jnp.ones((16,), jnp.int32)
        iota = lax.iota(jnp.int32, 16)
        zf = jnp.zeros((16,), jnp.float32)
        gsems = (gsem0, gsem1)
        ssems = (ssem0, ssem1)

        def zrow(j, carry):
            for p2 in range(2):
                for q in range(3):
                    pay[p2, j, pl.ds(16 * q, 16)] = zf
            return carry
        lax.fori_loop(0, _EK, zrow, 0)

        def zcol(j, carry):
            ridx = j * 16 + iota
            for p2 in range(2):
                for col in range(48, _AW):
                    plsc.store_scatter(
                        pay.at[p2], [ridx, jnp.full((16,), col, jnp.int32)],
                        zf)
            return carry
        lax.fori_loop(0, _EK // 16, zcol, 0)
        for t in range(_NPT // _ZR):
            pltpu.sync_copy(pay.at[0].at[pl.ds(0, _ZR)],
                            acc_sh.at[pl.ds(s * _NPT + t * _ZR, _ZR)])

        pltpu.sync_copy(mtab_hbm.at[c], m_v)
        plsc.subcore_barrier()

        m0 = m_v[pl.ds(0, 16)]
        m1 = m_v[pl.ds(16, 16)]
        base = s * _NCHUNK

        def cvt_issue(r2, p, sidx):
            def cvt(q2, carry2):
                for u in range(4):
                    q = q2 * 4 + u
                    ev = edge_st[r2, pl.ds(q * 16, 16)]
                    srcv[sidx, pl.ds(q * 16, 16)] = lax.shift_right_logical(
                        ev, 15)
                    dstv[sidx, pl.ds(q * 16, 16)] = ev & 32767
                return carry2
            lax.fori_loop(0, _EK // 64, cvt, 0)
            pltpu.async_copy(xwp_hbm.at[c].at[srcv.at[sidx]], rowsg.at[p],
                             gsems[p])
            pltpu.async_copy(adt_hbm.at[c].at[dstv.at[sidx]], adr.at[p],
                             gsems[p])

        def superchunk(gs, carry):
            row0 = base + gs * 16
            idx16[...] = jnp.minimum(row0 + iota, (E // _EK) - 1)
            pltpu.async_copy(edges_hbm.at[idx16], edge_st, esem).wait()
            nrows = jnp.minimum(16, _NCHUNK - gs * 16)
            cvt_issue(0, 0, 0)

            @pl.when(jnp.asarray(1) < nrows)
            def _():
                cvt_issue(1, 1, 1)

            def chunk(r, carry1):
                gci = gs * 16 + r
                s4 = r % 4
                s4n = (r + 2) % 4
                for p in range(2):
                    @pl.when(r % 2 == p)
                    def _():
                        pltpu.make_async_copy(
                            xwp_hbm.at[c].at[srcv.at[s4]], rowsg.at[p],
                            gsems[p]).wait()
                        pltpu.make_async_copy(
                            adt_hbm.at[c].at[dstv.at[s4]], adr.at[p],
                            gsems[p]).wait()

                        def evec(j2, carry2):
                          for u in range(2):
                            j = j2 * 2 + u
                            ridx = j * 16 + iota
                            as0 = plsc.load_gather(
                                rowsg.at[p],
                                [ridx, jnp.full((16,), 32, jnp.int32)])
                            as1 = plsc.load_gather(
                                rowsg.at[p],
                                [ridx, jnp.full((16,), 33, jnp.int32)])
                            ad0 = plsc.load_gather(
                                adr.at[p], [ridx, jnp.zeros((16,), jnp.int32)])
                            ad1 = plsc.load_gather(adr.at[p], [ridx, o16])
                            al0 = as0 + ad0
                            al1 = as1 + ad1
                            al0 = jnp.where(al0 > 0, al0, 0.2 * al0)
                            al1 = jnp.where(al1 > 0, al1, 0.2 * al1)
                            e0 = jnp.exp(al0 - m0)
                            e1 = jnp.exp(al1 - m1)
                            eb0[pl.ds(j * 16, 16)] = e0
                            eb1[pl.ds(j * 16, 16)] = e1
                            plsc.store_scatter(
                                pay.at[p],
                                [ridx, jnp.full((16,), 48, jnp.int32)], e0)
                            plsc.store_scatter(
                                pay.at[p],
                                [ridx, jnp.full((16,), 49, jnp.int32)], e1)
                          return carry2

                        def scale(j4, carry2):
                            for u in range(4):
                                j = j4 * 4 + u
                                jv = jnp.full((16,), j, jnp.int32)
                                s0 = plsc.load_gather(eb0, [jv])
                                s1 = plsc.load_gather(eb1, [jv])
                                mix = jnp.where(iota < 8, s0, s1)
                                w1 = plsc.bitcast(
                                    rowsg[p, j, pl.ds(0, 16)], jnp.int32)
                                lo = plsc.bitcast(
                                    lax.shift_left(w1, 16), jnp.float32)
                                hi = plsc.bitcast(
                                    jnp.bitwise_and(w1, jnp.int32(-65536)),
                                    jnp.float32)
                                pay[p, j, pl.ds(0, 16)] = lo * s0
                                pay[p, j, pl.ds(16, 16)] = hi * mix
                                pay[p, j, pl.ds(32, 16)] = (
                                    rowsg[p, j, pl.ds(16, 16)] * s1)
                            return carry2

                        lax.fori_loop(0, _EK // 32, evec, 0)

                        @pl.when(jnp.asarray(2) <= gci)
                        def _():
                            pltpu.make_async_copy(
                                pay.at[p], acc_sh.at[dstv.at[s4n]],
                                ssems[p]).wait()

                        lax.fori_loop(0, _EK // 4, scale, 0)
                        pltpu.async_copy(pay.at[p], acc_sh.at[dstv.at[s4]],
                                         ssems[p], add=True)

                        @pl.when(r + 2 < nrows)
                        def _():
                            cvt_issue(r + 2, p, s4n)
                return carry1
            lax.fori_loop(0, nrows, chunk, 0)
            return carry
        lax.fori_loop(0, (_NCHUNK + 15) // 16, superchunk, 0)

        for p in range(2):
            pltpu.make_async_copy(pay.at[p], acc_sh.at[dstv.at[p]],
                                  ssems[p]).wait()
        plsc.subcore_barrier()
        pltpu.sync_copy(acc_sh.at[pl.ds(s * _NPT, _NPT)],
                        out_hbm.at[c].at[pl.ds(s * _NPT, _NPT)])

    packed = (src * 32768 + dst).reshape(E // _EK, _EK)
    return k(packed, xwp, adt, mtab)


def kernel(x, edge_index, batch, bn_w, bn_b, W3, att_src, att_dst, gat_b,
           conv_w, conv_b):
    w3t = W3.T
    eye = jnp.eye(H, dtype=jnp.float32)
    aw_src = (att_src[0][:, :, None] * eye[:, None, :]).reshape(H * OUT, H)
    aw_dst = (att_dst[0][:, :, None] * eye[:, None, :]).reshape(H * OUT, H)
    w2 = jnp.transpose(conv_w, (2, 1, 0)).reshape(KW * OUT, 8)
    w2 = w2.astype(jnp.bfloat16)

    xwp, adt, m8, mtab = _prep(x, bn_w, bn_b, w3t, aw_src, aw_dst)
    acc = _edge_sc(edge_index[0], edge_index[1], xwp, adt, mtab)
    hn = _gat_normalize(acc, xwp, adt, m8, gat_b)
    return _conv(hn.reshape(B, NPG, OUT), w2, conv_b)

# --- scband reference (transcript-rebuilt; emitter-appended) ---
"""Pipeline reference for scband-gat-33071248179267 (READ-ONLY COPY).

The authoritative reference and input builder live on the scoring server;
editing this copy changes nothing except your own understanding.
"""

import jax, jax.numpy as jnp
import numpy as np

N = 23808
E = 380928
F_IN = 128
H = 4
OUT = 24
B = 128
NPG = 186  # 62*3 nodes per graph


def setup_inputs(seed: int = 0) -> dict:
    key = jax.random.key(seed)
    ks = [jax.random.fold_in(key, i) for i in range(10)]
    x = jax.random.normal(ks[0], (N, F_IN), dtype=jnp.float32)
    edge_index = jax.random.randint(ks[1], (2, E), 0, N)
    batch = jnp.repeat(jnp.arange(B), NPG)  # exactly 186 nodes per graph, sorted
    bn_w = jnp.ones((F_IN,), dtype=jnp.float32)
    bn_b = jnp.zeros((F_IN,), dtype=jnp.float32)
    W3 = jax.random.normal(ks[2], (H * OUT, F_IN), dtype=jnp.float32) * (1.0 / np.sqrt(F_IN))
    att_src = jax.random.normal(ks[3], (1, H, OUT), dtype=jnp.float32) * 0.1
    att_dst = jax.random.normal(ks[4], (1, H, OUT), dtype=jnp.float32) * 0.1
    gat_b = jnp.zeros((OUT,), dtype=jnp.float32)
    conv_w = jax.random.normal(ks[5], (8, OUT, 62), dtype=jnp.float32) * 0.05
    conv_b = jnp.zeros((8,), dtype=jnp.float32)
    return {"x": x, "edge_index": edge_index, "batch": batch, "bn_w": bn_w, "bn_b": bn_b,
            "W3": W3, "att_src": att_src, "att_dst": att_dst, "gat_b": gat_b,
            "conv_w": conv_w, "conv_b": conv_b}


def _gat_conv(xh, src, dst, W3, att_src, att_dst, gat_b):
    # PyG GATConv: add self loops (default), linear, per-head attention, softmax over dst,
    # scatter-add aggregate, mean over heads (concat=False), + bias. Dropout skipped (deterministic).
    n = xh.shape[0]
    loops = jnp.arange(n)
    src = jnp.concatenate([src, loops])
    dst = jnp.concatenate([dst, loops])
    xw = (xh @ W3.T).reshape(n, H, OUT)
    a_src = (xw * att_src).sum(-1)  # [n, H]
    a_dst = (xw * att_dst).sum(-1)
    alpha = a_src[src] + a_dst[dst]
    alpha = jax.nn.leaky_relu(alpha, 0.2)
    m = jax.ops.segment_max(alpha, dst, num_segments=n)
    m = jnp.where(jnp.isfinite(m), m, 0.0)
    e = jnp.exp(alpha - m[dst])
    s = jax.ops.segment_sum(e, dst, num_segments=n)
    att = e / (s[dst] + 1e-16)
    out = jax.ops.segment_sum(att[:, :, None] * xw[src], dst, num_segments=n)  # [n, H, OUT]
    return out.mean(axis=1) + gat_b


def reference(x, edge_index, batch, bn_w, bn_b, W3, att_src, att_dst, gat_b, conv_w, conv_b):
    bsz = batch.shape[0] // NPG
    bsz_traced = jnp.max(batch) + 1
    # BatchNorm1d in training mode: batch statistics, biased variance, eps=1e-5
    mean = x.mean(axis=0)
    var = x.var(axis=0)
    xh = (x - mean) / jnp.sqrt(var + 1e-5) * bn_w + bn_b
    h = _gat_conv(xh, edge_index[0], edge_index[1], W3, att_src, att_dst, gat_b)
    h = jax.nn.elu(h)
    h = h.reshape(bsz, NPG, -1)          # (B, 186, 24)
    h = jnp.transpose(h, (0, 2, 1))      # (B, 24, 186)
    y = jax.lax.conv_general_dilated(h, conv_w, window_strides=(1,), padding='VALID',
                                     dimension_numbers=('NCH', 'OIH', 'NCH'))
    y = y + conv_b[None, :, None]        # (B, 8, 125)
    y = y + (bsz_traced - bsz).astype(y.dtype)
    return jax.nn.leaky_relu(y, 0.01)

if __name__ == "__main__":
    import jax
    _d = setup_inputs()
    print(jax.jit(kernel)(*tuple(_d.values())))

</pallas_src>

<mosaic_0001>
#map = affine_map<(d0, d1) -> (0, 0)>
#map1 = affine_map<(d0, d1) -> (0, 0, 0)>
module attributes {stable_mosaic.version = 14 : i64} {
  func.func @k(%arg0: i32, %arg1: i32, %arg2: memref<2976x128xi32, #tpu.memory_space<hbm>>, %arg3: memref<2x23808x40xf32, #tpu.memory_space<hbm>>, %arg4: memref<2x23808x8xf32, #tpu.memory_space<hbm>>, %arg5: memref<2x32xf32, #tpu.memory_space<hbm>>, %arg6: memref<2x23808x56xf32, #tpu.memory_space<hbm>>, %arg7: memref<23808x56xf32, #tpu.memory_space<vmem_shared>>, %arg8: memref<16xi32, #tpu.memory_space<vmem>>, %arg9: memref<16x128xi32, #tpu.memory_space<vmem>>, %arg10: memref<4x128xi32, #tpu.memory_space<vmem>>, %arg11: memref<4x128xi32, #tpu.memory_space<vmem>>, %arg12: memref<2x128x40xf32, #tpu.memory_space<vmem>>, %arg13: memref<2x128x8xf32, #tpu.memory_space<vmem>>, %arg14: memref<2x128x56xf32, #tpu.memory_space<vmem>>, %arg15: memref<128xf32, #tpu.memory_space<vmem>>, %arg16: memref<128xf32, #tpu.memory_space<vmem>>, %arg17: memref<32xf32, #tpu.memory_space<vmem>>, %arg18: memref<!tpu.dma_semaphore, #tpu.memory_space<semaphore_mem>>, %arg19: memref<!tpu.dma_semaphore, #tpu.memory_space<semaphore_mem>>, %arg20: memref<!tpu.dma_semaphore, #tpu.memory_space<semaphore_mem>>, %arg21: memref<!tpu.dma_semaphore, #tpu.memory_space<semaphore_mem>>, %arg22: memref<!tpu.dma_semaphore, #tpu.memory_space<semaphore_mem>>) attributes {dimension_semantics = [#tpu.dimension_semantics<core_parallel>, #tpu.dimension_semantics<subcore_parallel>], iteration_bounds = array<i64: 2, 16>, scalar_prefetch = 0 : i64, scratch_operands = 16 : i64, tpu.core_type = #tpu.core_type<sc_vector_subcore>, window_params = [{transform_indices = #map}, {transform_indices = #map1}, {transform_indices = #map1}, {transform_indices = #map}, {transform_indices = #map1}]} {
    %broadcast_in_dim3A = arith.constant 1 : i32
    %broadcast_in_dim3A_0 = vector.broadcast %broadcast_in_dim3A : i32 to vector<16xi32>
    %iota3A = tpu.iota {dimensions = array<i32: 0>} : vector<16xi32>
    %broadcast_in_dim3A_1 = arith.constant 0.000000e+00 : f32
    %broadcast_in_dim3A_2 = vector.broadcast %broadcast_in_dim3A_1 : f32 to vector<16xf32>
    %scan3A = arith.constant 0 : i32
    %scan3A_3 = arith.constant 0 : i32
    %scan3A_4 = arith.constant 128 : i32
    %scan3A_5 = arith.addi %scan3A_3, %scan3A_4 : i32
    %scan3A_6 = arith.constant 1 : i32
    scf.for %scan3A_110 = %scan3A_3 to %scan3A_5 step %scan3A_6  : i32 {
      %swap3A = arith.constant 0 : i32
      %swap3A_111 = arith.index_cast %swap3A : i32 to index
      %swap3A_112 = arith.index_cast %scan3A_110 : i32 to index
      %swap3A_113 = arith.constant 0 : index
      %swap3A_114 = tpu.vector_load %arg14[%swap3A_111, %swap3A_112, %swap3A_113] {strides = array<i32>} : memref<2x128x56xf32, #tpu.memory_space<vmem>>, vector<16xf32>,
      tpu.vector_store %arg14[%swap3A_111, %swap3A_112, %swap3A_113], %broadcast_in_dim3A_2 {strides = array<i32>} : memref<2x128x56xf32, #tpu.memory_space<vmem>>, vector<16xf32>,
      %swap3A_115 = arith.constant 0 : i32
      %swap3A_116 = arith.index_cast %swap3A_115 : i32 to index
      %swap3A_117 = arith.index_cast %scan3A_110 : i32 to index
      %swap3A_118 = arith.constant 16 : index
      %swap3A_119 = tpu.vector_load %arg14[%swap3A_116, %swap3A_117, %swap3A_118] {strides = array<i32>} : memref<2x128x56xf32, #tpu.memory_space<vmem>>, vector<16xf32>,
      tpu.vector_store %arg14[%swap3A_116, %swap3A_117, %swap3A_118], %broadcast_in_dim3A_2 {strides = array<i32>} : memref<2x128x56xf32, #tpu.memory_space<vmem>>, vector<16xf32>,
      %swap3A_120 = arith.constant 0 : i32
      %swap3A_121 = arith.index_cast %swap3A_120 : i32 to index
      %swap3A_122 = arith.index_cast %scan3A_110 : i32 to index
      %swap3A_123 = arith.constant 32 : index
      %swap3A_124 = tpu.vector_load %arg14[%swap3A_121, %swap3A_122, %swap3A_123] {strides = array<i32>} : memref<2x128x56xf32, #tpu.memory_space<vmem>>, vector<16xf32>,
      tpu.vector_store %arg14[%swap3A_121, %swap3A_122, %swap3A_123], %broadcast_in_dim3A_2 {strides = array<i32>} : memref<2x128x56xf32, #tpu.memory_space<vmem>>, vector<16xf32>,
      %swap3A_125 = arith.constant 1 : i32
      %swap3A_126 = arith.index_cast %swap3A_125 : i32 to index
      %swap3A_127 = arith.index_cast %scan3A_110 : i32 to index
      %swap3A_128 = arith.constant 0 : index
      %swap3A_129 = tpu.vector_load %arg14[%swap3A_126, %swap3A_127, %swap3A_128] {strides = array<i32>} : memref<2x128x56xf32, #tpu.memory_space<vmem>>, vector<16xf32>,
      tpu.vector_store %arg14[%swap3A_126, %swap3A_127, %swap3A_128], %broadcast_in_dim3A_2 {strides = array<i32>} : memref<2x128x56xf32, #tpu.memory_space<vmem>>, vector<16xf32>,
      %swap3A_130 = arith.constant 1 : i32
      %swap3A_131 = arith.index_cast %swap3A_130 : i32 to index
      %swap3A_132 = arith.index_cast %scan3A_110 : i32 to index
      %swap3A_133 = arith.constant 16 : index
      %swap3A_134 = tpu.vector_load %arg14[%swap3A_131, %swap3A_132, %swap3A_133] {strides = array<i32>} : memref<2x128x56xf32, #tpu.memory_space<vmem>>, vector<16xf32>,
      tpu.vector_store %arg14[%swap3A_131, %swap3A_132, %swap3A_133], %broadcast_in_dim3A_2 {strides = array<i32>} : memref<2x128x56xf32, #tpu.memory_space<vmem>>, vector<16xf32>,
      %swap3A_135 = arith.constant 1 : i32
      %swap3A_136 = arith.index_cast %swap3A_135 : i32 to index
      %swap3A_137 = arith.index_cast %scan3A_110 : i32 to index
      %swap3A_138 = arith.constant 32 : index
      %swap3A_139 = tpu.vector_load %arg14[%swap3A_136, %swap3A_137, %swap3A_138] {strides = array<i32>} : memref<2x128x56xf32, #tpu.memory_space<vmem>>, vector<16xf32>,
      tpu.vector_store %arg14[%swap3A_136, %swap3A_137, %swap3A_138], %broadcast_in_dim3A_2 {strides = array<i32>} : memref<2x128x56xf32, #tpu.memory_space<vmem>>, vector<16xf32>,
    }
    %scan3A_7 = arith.constant 128 : i32
    %scan3A_8 = arith.constant 0 : i32
    %scan3A_9 = arith.constant 0 : i32
    %scan3A_10 = arith.constant 8 : i32
    %scan3A_11 = arith.addi %scan3A_9, %scan3A_10 : i32
    %scan3A_12 = arith.constant 1 : i32
    scf.for %scan3A_110 = %scan3A_9 to %scan3A_11 step %scan3A_12  : i32 {
      %mul3A_111 = arith.constant 16 : i32
      %mul3A_112 = arith.muli %scan3A_110, %mul3A_111 : i32
      %add3A_113 = vector.broadcast %mul3A_112 : i32 to vector<16xi32>
      %add3A_114 = arith.addi %add3A_113, %iota3A : vector<16xi32>
      %broadcast_in_dim3A_115 = arith.constant 48 : i32
      %broadcast_in_dim3A_116 = vector.broadcast %broadcast_in_dim3A_115 : i32 to vector<16xi32>
      %scatter3A = arith.constant 0 : i32
      %scatter3A_117 = arith.constant 0 : i32
      %scatter3A_118 = arith.constant 0 : i32
      %scatter3A_119 = tpu.memref_slice %arg14[%scatter3A, %scatter3A_117, %scatter3A_118] : memref<2x128x56xf32, #tpu.memory_space<vmem>> -> memref<1x128x56xf32, #tpu.memory_space<vmem>>
      %scatter3A_120 = tpu.memref_squeeze %scatter3A_119 : memref<1x128x56xf32, #tpu.memory_space<vmem>> -> memref<128x56xf32, #tpu.memory_space<vmem>>
      tpu.vector_store_idx %scatter3A_120[%add3A_114, %broadcast_in_dim3A_116], %broadcast_in_dim3A_2 : memref<128x56xf32, #tpu.memory_space<vmem>>[vector<16xi32>, vector<16xi32>], vector<16xf32>,
      %broadcast_in_dim3A_121 = arith.constant 49 : i32
      %broadcast_in_dim3A_122 = vector.broadcast %broadcast_in_dim3A_121 : i32 to vector<16xi32>
      %scatter3A_123 = arith.constant 0 : i32
      %scatter3A_124 = arith.constant 0 : i32
      %scatter3A_125 = arith.constant 0 : i32
      %scatter3A_126 = tpu.memref_slice %arg14[%scatter3A_123, %scatter3A_124, %scatter3A_125] : memref<2x128x56xf32, #tpu.memory_space<vmem>> -> memref<1x128x56xf32, #tpu.memory_space<vmem>>
      %scatter3A_127 = tpu.memref_squeeze %scatter3A_126 : memref<1x128x56xf32, #tpu.memory_space<vmem>> -> memref<128x56xf32, #tpu.memory_space<vmem>>
      tpu.vector_store_idx %scatter3A_127[%add3A_114, %broadcast_in_dim3A_122], %broadcast_in_dim3A_2 : memref<128x56xf32, #tpu.memory_space<vmem>>[vector<16xi32>, vector<16xi32>], vector<16xf32>,
      %broadcast_in_dim3A_128 = arith.constant 50 : i32
      %broadcast_in_dim3A_129 = vector.broadcast %broadcast_in_dim3A_128 : i32 to vector<16xi32>
      %scatter3A_130 = arith.constant 0 : i32
      %scatter3A_131 = arith.constant 0 : i32
      %scatter3A_132 = arith.constant 0 : i32
      %scatter3A_133 = tpu.memref_slice %arg14[%scatter3A_130, %scatter3A_131, %scatter3A_132] : memref<2x128x56xf32, #tpu.memory_space<vmem>> -> memref<1x128x56xf32, #tpu.memory_space<vmem>>
      %scatter3A_134 = tpu.memref_squeeze %scatter3A_133 : memref<1x128x56xf32, #tpu.memory_space<vmem>> -> memref<128x56xf32, #tpu.memory_space<vmem>>
      tpu.vector_store_idx %scatter3A_134[%add3A_114, %broadcast_in_dim3A_129], %broadcast_in_dim3A_2 : memref<128x56xf32, #tpu.memory_space<vmem>>[vector<16xi32>, vector<16xi32>], vector<16xf32>,
      %broadcast_in_dim3A_135 = arith.constant 51 : i32
      %broadcast_in_dim3A_136 = vector.broadcast %broadcast_in_dim3A_135 : i32 to vector<16xi32>
      %scatter3A_137 = arith.constant 0 : i32
      %scatter3A_138 = arith.constant 0 : i32
      %scatter3A_139 = arith.constant 0 : i32
      %scatter3A_140 = tpu.memref_slice %arg14[%scatter3A_137, %scatter3A_138, %scatter3A_139] : memref<2x128x56xf32, #tpu.memory_space<vmem>> -> memref<1x128x56xf32, #tpu.memory_space<vmem>>
      %scatter3A_141 = tpu.memref_squeeze %scatter3A_140 : memref<1x128x56xf32, #tpu.memory_space<vmem>> -> memref<128x56xf32, #tpu.memory_space<vmem>>
      tpu.vector_store_idx %scatter3A_141[%add3A_114, %broadcast_in_dim3A_136], %broadcast_in_dim3A_2 : memref<128x56xf32, #tpu.memory_space<vmem>>[vector<16xi32>, vector<16xi32>], vector<16xf32>,
      %broadcast_in_dim3A_142 = arith.constant 52 : i32
      %broadcast_in_dim3A_143 = vector.broadcast %broadcast_in_dim3A_142 : i32 to vector<16xi32>
      %scatter3A_144 = arith.constant 0 : i32
      %scatter3A_145 = arith.constant 0 : i32
      %scatter3A_146 = arith.constant 0 : i32
      %scatter3A_147 = tpu.memref_slice %arg14[%scatter3A_144, %scatter3A_145, %scatter3A_146] : memref<2x128x56xf32, #tpu.memory_space<vmem>> -> memref<1x128x56xf32, #tpu.memory_space<vmem>>
      %scatter3A_148 = tpu.memref_squeeze %scatter3A_147 : memref<1x128x56xf32, #tpu.memory_space<vmem>> -> memref<128x56xf32, #tpu.memory_space<vmem>>
      tpu.vector_store_idx %scatter3A_148[%add3A_114, %broadcast_in_dim3A_143], %broadcast_in_dim3A_2 : memref<128x56xf32, #tpu.memory_space<vmem>>[vector<16xi32>, vector<16xi32>], vector<16xf32>,
      %broadcast_in_dim3A_149 = arith.constant 53 : i32
      %broadcast_in_dim3A_150 = vector.broadcast %broadcast_in_dim3A_149 : i32 to vector<16xi32>
      %scatter3A_151 = arith.constant 0 : i32
      %scatter3A_152 = arith.constant 0 : i32
      %scatter3A_153 = arith.constant 0 : i32
      %scatter3A_154 = tpu.memref_slice %arg14[%scatter3A_151, %scatter3A_152, %scatter3A_153] : memref<2x128x56xf32, #tpu.memory_space<vmem>> -> memref<1x128x56xf32, #tpu.memory_space<vmem>>
      %scatter3A_155 = tpu.memref_squeeze %scatter3A_154 : memref<1x128x56xf32, #tpu.memory_space<vmem>> -> memref<128x56xf32, #tpu.memory_space<vmem>>
      tpu.vector_store_idx %scatter3A_155[%add3A_114, %broadcast_in_dim3A_150], %broadcast_in_dim3A_2 : memref<128x56xf32, #tpu.memory_space<vmem>>[vector<16xi32>, vector<16xi32>], vector<16xf32>,
      %broadcast_in_dim3A_156 = arith.constant 54 : i32
      %broadcast_in_dim3A_157 = vector.broadcast %broadcast_in_dim3A_156 : i32 to vector<16xi32>
      %scatter3A_158 = arith.constant 0 : i32
      %scatter3A_159 = arith.constant 0 : i32
      %scatter3A_160 = arith.constant 0 : i32
      %scatter3A_161 = tpu.memref_slice %arg14[%scatter3A_158, %scatter3A_159, %scatter3A_160] : memref<2x128x56xf32, #tpu.memory_space<vmem>> -> memref<1x128x56xf32, #tpu.memory_space<vmem>>
      %scatter3A_162 = tpu.memref_squeeze %scatter3A_161 : memref<1x128x56xf32, #tpu.memory_space<vmem>> -> memref<128x56xf32, #tpu.memory_space<vmem>>
      tpu.vector_store_idx %scatter3A_162[%add3A_114, %broadcast_in_dim3A_157], %broadcast_in_dim3A_2 : memref<128x56xf32, #tpu.memory_space<vmem>>[vector<16xi32>, vector<16xi32>], vector<16xf32>,
      %broadcast_in_dim3A_163 = arith.constant 55 : i32
      %broadcast_in_dim3A_164 = vector.broadcast %broadcast_in_dim3A_163 : i32 to vector<16xi32>
      %scatter3A_165 = arith.constant 0 : i32
      %scatter3A_166 = arith.constant 0 : i32
      %scatter3A_167 = arith.constant 0 : i32
      %scatter3A_168 = tpu.memref_slice %arg14[%scatter3A_165, %scatter3A_166, %scatter3A_167] : memref<2x128x56xf32, #tpu.memory_space<vmem>> -> memref<1x128x56xf32, #tpu.memory_space<vmem>>
      %scatter3A_169 = tpu.memref_squeeze %scatter3A_168 : memref<1x128x56xf32, #tpu.memory_space<vmem>> -> memref<128x56xf32, #tpu.memory_space<vmem>>
      tpu.vector_store_idx %scatter3A_169[%add3A_114, %broadcast_in_dim3A_164], %broadcast_in_dim3A_2 : memref<128x56xf32, #tpu.memory_space<vmem>>[vector<16xi32>, vector<16xi32>], vector<16xf32>,
      %broadcast_in_dim3A_170 = arith.constant 48 : i32
      %broadcast_in_dim3A_171 = vector.broadcast %broadcast_in_dim3A_170 : i32 to vector<16xi32>
      %scatter3A_172 = arith.constant 1 : i32
      %scatter3A_173 = arith.constant 0 : i32
      %scatter3A_174 = arith.constant 0 : i32
      %scatter3A_175 = tpu.memref_slice %arg14[%scatter3A_172, %scatter3A_173, %scatter3A_174] : memref<2x128x56xf32, #tpu.memory_space<vmem>> -> memref<1x128x56xf32, #tpu.memory_space<vmem>>
      %scatter3A_176 = tpu.memref_squeeze %scatter3A_175 : memref<1x128x56xf32, #tpu.memory_space<vmem>> -> memref<128x56xf32, #tpu.memory_space<vmem>>
      tpu.vector_store_idx %scatter3A_176[%add3A_114, %broadcast_in_dim3A_171], %broadcast_in_dim3A_2 : memref<128x56xf32, #tpu.memory_space<vmem>>[vector<16xi32>, vector<16xi32>], vector<16xf32>,
      %broadcast_in_dim3A_177 = arith.constant 49 : i32
      %broadcast_in_dim3A_178 = vector.broadcast %broadcast_in_dim3A_177 : i32 to vector<16xi32>
      %scatter3A_179 = arith.constant 1 : i32
      %scatter3A_180 = arith.constant 0 : i32
      %scatter3A_181 = arith.constant 0 : i32
      %scatter3A_182 = tpu.memref_slice %arg14[%scatter3A_179, %scatter3A_180, %scatter3A_181] : memref<2x128x56xf32, #tpu.memory_space<vmem>> -> memref<1x128x56xf32, #tpu.memory_space<vmem>>
      %scatter3A_183 = tpu.memref_squeeze %scatter3A_182 : memref<1x128x56xf32, #tpu.memory_space<vmem>> -> memref<128x56xf32, #tpu.memory_space<vmem>>
      tpu.vector_store_idx %scatter3A_183[%add3A_114, %broadcast_in_dim3A_178], %broadcast_in_dim3A_2 : memref<128x56xf32, #tpu.memory_space<vmem>>[vector<16xi32>, vector<16xi32>], vector<16xf32>,
      %broadcast_in_dim3A_184 = arith.constant 50 : i32
      %broadcast_in_dim3A_185 = vector.broadcast %broadcast_in_dim3A_184 : i32 to vector<16xi32>
      %scatter3A_186 = arith.constant 1 : i32
      %scatter3A_187 = arith.constant 0 : i32
      %scatter3A_188 = arith.constant 0 : i32
      %scatter3A_189 = tpu.memref_slice %arg14[%scatter3A_186, %scatter3A_187, %scatter3A_188] : memref<2x128x56xf32, #tpu.memory_space<vmem>> -> memref<1x128x56xf32, #tpu.memory_space<vmem>>
      %scatter3A_190 = tpu.memref_squeeze %scatter3A_189 : memref<1x128x56xf32, #tpu.memory_space<vmem>> -> memref<128x56xf32, #tpu.memory_space<vmem>>
      tpu.vector_store_idx %scatter3A_190[%add3A_114, %broadcast_in_dim3A_185], %broadcast_in_dim3A_2 : memref<128x56xf32, #tpu.memory_space<vmem>>[vector<16xi32>, vector<16xi32>], vector<16xf32>,
      %broadcast_in_dim3A_191 = arith.constant 51 : i32
      %broadcast_in_dim3A_192 = vector.broadcast %broadcast_in_dim3A_191 : i32 to vector<16xi32>
      %scatter3A_193 = arith.constant 1 : i32
      %scatter3A_194 = arith.constant 0 : i32
      %scatter3A_195 = arith.constant 0 : i32
      %scatter3A_196 = tpu.memref_slice %arg14[%scatter3A_193, %scatter3A_194, %scatter3A_195] : memref<2x128x56xf32, #tpu.memory_space<vmem>> -> memref<1x128x56xf32, #tpu.memory_space<vmem>>
      %scatter3A_197 = tpu.memref_squeeze %scatter3A_196 : memref<1x128x56xf32, #tpu.memory_space<vmem>> -> memref<128x56xf32, #tpu.memory_space<vmem>>
      tpu.vector_store_idx %scatter3A_197[%add3A_114, %broadcast_in_dim3A_192], %broadcast_in_dim3A_2 : memref<128x56xf32, #tpu.memory_space<vmem>>[vector<16xi32>, vector<16xi32>], vector<16xf32>,
      %broadcast_in_dim3A_198 = arith.constant 52 : i32
      %broadcast_in_dim3A_199 = vector.broadcast %broadcast_in_dim3A_198 : i32 to vector<16xi32>
      %scatter3A_200 = arith.constant 1 : i32
      %scatter3A_201 = arith.constant 0 : i32
      %scatter3A_202 = arith.constant 0 : i32
      %scatter3A_203 = tpu.memref_slice %arg14[%scatter3A_200, %scatter3A_201, %scatter3A_202] : memref<2x128x56xf32, #tpu.memory_space<vmem>> -> memref<1x128x56xf32, #tpu.memory_space<vmem>>
      %scatter3A_204 = tpu.memref_squeeze %scatter3A_203 : memref<1x128x56xf32, #tpu.memory_space<vmem>> -> memref<128x56xf32, #tpu.memory_space<vmem>>
      tpu.vector_store_idx %scatter3A_204[%add3A_114, %broadcast_in_dim3A_199], %broadcast_in_dim3A_2 : memref<128x56xf32, #tpu.memory_space<vmem>>[vector<16xi32>, vector<16xi32>], vector<16xf32>,
      %broadcast_in_dim3A_205 = arith.constant 53 : i32
      %broadcast_in_dim3A_206 = vector.broadcast %broadcast_in_dim3A_205 : i32 to vector<16xi32>
      %scatter3A_207 = arith.constant 1 : i32
      %scatter3A_208 = arith.constant 0 : i32
      %scatter3A_209 = arith.constant 0 : i32
      %scatter3A_210 = tpu.memref_slice %arg14[%scatter3A_207, %scatter3A_208, %scatter3A_209] : memref<2x128x56xf32, #tpu.memory_space<vmem>> -> memref<1x128x56xf32, #tpu.memory_space<vmem>>
      %scatter3A_211 = tpu.memref_squeeze %scatter3A_210 : memref<1x128x56xf32, #tpu.memory_space<vmem>> -> memref<128x56xf32, #tpu.memory_space<vmem>>
      tpu.vector_store_idx %scatter3A_211[%add3A_114, %broadcast_in_dim3A_206], %broadcast_in_dim3A_2 : memref<128x56xf32, #tpu.memory_space<vmem>>[vector<16xi32>, vector<16xi32>], vector<16xf32>,
      %broadcast_in_dim3A_212 = arith.constant 54 : i32
      %broadcast_in_dim3A_213 = vector.broadcast %broadcast_in_dim3A_212 : i32 to vector<16xi32>
      %scatter3A_214 = arith.constant 1 : i32
      %scatter3A_215 = arith.constant 0 : i32
      %scatter3A_216 = arith.constant 0 : i32
      %scatter3A_217 = tpu.memref_slice %arg14[%scatter3A_214, %scatter3A_215, %scatter3A_216] : memref<2x128x56xf32, #tpu.memory_space<vmem>> -> memref<1x128x56xf32, #tpu.memory_space<vmem>>
      %scatter3A_218 = tpu.memref_squeeze %scatter3A_217 : memref<1x128x56xf32, #tpu.memory_space<vmem>> -> memref<128x56xf32, #tpu.memory_space<vmem>>
      tpu.vector_store_idx %scatter3A_218[%add3A_114, %broadcast_in_dim3A_213], %broadcast_in_dim3A_2 : memref<128x56xf32, #tpu.memory_space<vmem>>[vector<16xi32>, vector<16xi32>], vector<16xf32>,
      %broadcast_in_dim3A_219 = arith.constant 55 : i32
      %broadcast_in_dim3A_220 = vector.broadcast %broadcast_in_dim3A_219 : i32 to vector<16xi32>
      %scatter3A_221 = arith.constant 1 : i32
      %scatter3A_222 = arith.constant 0 : i32
      %scatter3A_223 = arith.constant 0 : i32
      %scatter3A_224 = tpu.memref_slice %arg14[%scatter3A_221, %scatter3A_222, %scatter3A_223] : memref<2x128x56xf32, #tpu.memory_space<vmem>> -> memref<1x128x56xf32, #tpu.memory_space<vmem>>
      %scatter3A_225 = tpu.memref_squeeze %scatter3A_224 : memref<1x128x56xf32, #tpu.memory_space<vmem>> -> memref<128x56xf32, #tpu.memory_space<vmem>>
      tpu.vector_store_idx %scatter3A_225[%add3A_114, %broadcast_in_dim3A_220], %broadcast_in_dim3A_2 : memref<128x56xf32, #tpu.memory_space<vmem>>[vector<16xi32>, vector<16xi32>], vector<16xf32>,
    }
    %scan3A_13 = arith.constant 8 : i32
    %mul3A = arith.constant 1488 : i32
    %mul3A_14 = arith.muli %arg1, %mul3A : i32
    %add3A = arith.constant 0 : i32
    %add3A_15 = arith.addi %mul3A_14, %add3A : i32
    %run_scoped3A = arith.constant 0 : i32
    "tpu.region"() ({
      %run_scoped3A_110 = tpu.sem_alloc : memref<!tpu.dma_semaphore, #tpu.memory_space<semaphore_mem>>
      %dma_start3A = arith.constant 0 : i32
      %dma_start3A_111 = arith.constant 0 : i32
      %dma_start3A_112 = tpu.memref_slice %arg14[%run_scoped3A, %dma_start3A, %dma_start3A_111] : memref<2x128x56xf32, #tpu.memory_space<vmem>> -> memref<1x128x56xf32, #tpu.memory_space<vmem>>
      %dma_start3A_113 = tpu.memref_squeeze %dma_start3A_112 : memref<1x128x56xf32, #tpu.memory_space<vmem>> -> memref<128x56xf32, #tpu.memory_space<vmem>>
      %dma_start3A_114 = arith.constant 0 : i32
      %dma_start3A_115 = arith.constant 0 : i32
      %dma_start3A_116 = tpu.memref_slice %dma_start3A_113[%dma_start3A_114, %dma_start3A_115] : memref<128x56xf32, #tpu.memory_space<vmem>> -> memref<124x56xf32, #tpu.memory_space<vmem>>
      %dma_start3A_117 = arith.constant 0 : i32
      %dma_start3A_118 = tpu.memref_slice %arg7[%add3A_15, %dma_start3A_117] : memref<23808x56xf32, #tpu.memory_space<vmem_shared>> -> memref<124x56xf32, #tpu.memory_space<vmem_shared>>
      %dma_start3A_119 = arith.constant 0 : i32
      %dma_start3A_120 = tpu.memref_slice %arg7[%add3A_15, %dma_start3A_119] : memref<23808x56xf32, #tpu.memory_space<vmem_shared>> -> memref<124x56xf32, #tpu.memory_space<vmem_shared>>
      %dma_start3A_121 = arith.constant 0 : i32
      %dma_start3A_122 = arith.constant 0 : i32
      %dma_start3A_123 = tpu.memref_slice %arg14[%run_scoped3A, %dma_start3A_121, %dma_start3A_122] : memref<2x128x56xf32, #tpu.memory_space<vmem>> -> memref<1x128x56xf32, #tpu.memory_space<vmem>>
      %dma_start3A_124 = tpu.memref_squeeze %dma_start3A_123 : memref<1x128x56xf32, #tpu.memory_space<vmem>> -> memref<128x56xf32, #tpu.memory_space<vmem>>
      %dma_start3A_125 = arith.constant 0 : i32
      %dma_start3A_126 = arith.constant 0 : i32
      %dma_start3A_127 = tpu.memref_slice %dma_start3A_124[%dma_start3A_125, %dma_start3A_126] : memref<128x56xf32, #tpu.memory_space<vmem>> -> memref<124x56xf32, #tpu.memory_space<vmem>>
      tpu.enqueue_dma source(%dma_start3A_127 : memref<124x56xf32, #tpu.memory_space<vmem>>) target(%dma_start3A_120 : memref<124x56xf32, #tpu.memory_space<vmem_shared>>) target_semaphore(%run_scoped3A_110 : memref<!tpu.dma_semaphore, #tpu.memory_space<semaphore_mem>>)
      %dma_wait3A_128 = arith.constant 0 : i32
      %dma_wait3A_129 = arith.constant 0 : i32
      %dma_wait3A_130 = tpu.memref_slice %arg14[%run_scoped3A, %dma_wait3A_128, %dma_wait3A_129] : memref<2x128x56xf32, #tpu.memory_space<vmem>> -> memref<1x128x56xf32, #tpu.memory_space<vmem>>
      %dma_wait3A_131 = tpu.memref_squeeze %dma_wait3A_130 : memref<1x128x56xf32, #tpu.memory_space<vmem>> -> memref<128x56xf32, #tpu.memory_space<vmem>>
      %dma_wait3A_132 = arith.constant 0 : i32
      %dma_wait3A_133 = arith.constant 0 : i32
      %dma_wait3A_134 = tpu.memref_slice %dma_wait3A_131[%dma_wait3A_132, %dma_wait3A_133] : memref<128x56xf32, #tpu.memory_space<vmem>> -> memref<124x56xf32, #tpu.memory_space<vmem>>
      %dma_wait3A_135 = arith.constant 0 : i32
      %dma_wait3A_136 = tpu.memref_slice %arg7[%add3A_15, %dma_wait3A_135] : memref<23808x56xf32, #tpu.memory_space<vmem_shared>> -> memref<124x56xf32, #tpu.memory_space<vmem_shared>>
      %dma_wait3A_137 = arith.constant 0 : i32
      %dma_wait3A_138 = tpu.memref_slice %arg7[%add3A_15, %dma_wait3A_137] : memref<23808x56xf32, #tpu.memory_space<vmem_shared>> -> memref<124x56xf32, #tpu.memory_space<vmem_shared>>
      %dma_wait3A_139 = arith.constant 0 : i32
      %dma_wait3A_140 = arith.constant 0 : i32
      %dma_wait3A_141 = tpu.memref_slice %arg14[%run_scoped3A, %dma_wait3A_139, %dma_wait3A_140] : memref<2x128x56xf32, #tpu.memory_space<vmem>> -> memref<1x128x56xf32, #tpu.memory_space<vmem>>
      %dma_wait3A_142 = tpu.memref_squeeze %dma_wait3A_141 : memref<1x128x56xf32, #tpu.memory_space<vmem>> -> memref<128x56xf32, #tpu.memory_space<vmem>>
      %dma_wait3A_143 = arith.constant 0 : i32
      %dma_wait3A_144 = arith.constant 0 : i32
      %dma_wait3A_145 = tpu.memref_slice %dma_wait3A_142[%dma_wait3A_143, %dma_wait3A_144] : memref<128x56xf32, #tpu.memory_space<vmem>> -> memref<124x56xf32, #tpu.memory_space<vmem>>
      tpu.wait_dma2 semaphore(%run_scoped3A_110 : memref<!tpu.dma_semaphore, #tpu.memory_space<semaphore_mem>>) src(%dma_wait3A_145 : memref<124x56xf32, #tpu.memory_space<vmem>>) dst(%dma_wait3A_138 : memref<124x56xf32, #tpu.memory_space<vmem_shared>>)
      tpu.yield
    }) : () -> ()
    %mul3A_16 = arith.constant 1488 : i32
    %mul3A_17 = arith.muli %arg1, %mul3A_16 : i32
    %add3A_18 = arith.constant 124 : i32
    %add3A_19 = arith.addi %mul3A_17, %add3A_18 : i32
    %run_scoped3A_20 = arith.constant 0 : i32
    "tpu.region"() ({
      %run_scoped3A_110 = tpu.sem_alloc : memref<!tpu.dma_semaphore, #tpu.memory_space<semaphore_mem>>
      %dma_start3A = arith.constant 0 : i32
      %dma_start3A_111 = arith.constant 0 : i32
      %dma_start3A_112 = tpu.memref_slice %arg14[%run_scoped3A_20, %dma_start3A, %dma_start3A_111] : memref<2x128x56xf32, #tpu.memory_space<vmem>> -> memref<1x128x56xf32, #tpu.memory_space<vmem>>
      %dma_start3A_113 = tpu.memref_squeeze %dma_start3A_112 : memref<1x128x56xf32, #tpu.memory_space<vmem>> -> memref<128x56xf32, #tpu.memory_space<vmem>>
      %dma_start3A_114 = arith.constant 0 : i32
      %dma_start3A_115 = arith.constant 0 : i32
      %dma_start3A_116 = tpu.memref_slice %dma_start3A_113[%dma_start3A_114, %dma_start3A_115] : memref<128x56xf32, #tpu.memory_space<vmem>> -> memref<124x56xf32, #tpu.memory_space<vmem>>
      %dma_start3A_117 = arith.constant 0 : i32
      %dma_start3A_118 = tpu.memref_slice %arg7[%add3A_19, %dma_start3A_117] : memref<23808x56xf32, #tpu.memory_space<vmem_shared>> -> memref<124x56xf32, #tpu.memory_space<vmem_shared>>
      %dma_start3A_119 = arith.constant 0 : i32
      %dma_start3A_120 = tpu.memref_slice %arg7[%add3A_19, %dma_start3A_119] : memref<23808x56xf32, #tpu.memory_space<vmem_shared>> -> memref<124x56xf32, #tpu.memory_space<vmem_shared>>
      %dma_start3A_121 = arith.constant 0 : i32
      %dma_start3A_122 = arith.constant 0 : i32
      %dma_start3A_123 = tpu.memref_slice %arg14[%run_scoped3A_20, %dma_start3A_121, %dma_start3A_122] : memref<2x128x56xf32, #tpu.memory_space<vmem>> -> memref<1x128x56xf32, #tpu.memory_space<vmem>>
      %dma_start3A_124 = tpu.memref_squeeze %dma_start3A_123 : memref<1x128x56xf32, #tpu.memory_space<vmem>> -> memref<128x56xf32, #tpu.memory_space<vmem>>
      %dma_start3A_125 = arith.constant 0 : i32
      %dma_start3A_126 = arith.constant 0 : i32
      %dma_start3A_127 = tpu.memref_slice %dma_start3A_124[%dma_start3A_125, %dma_start3A_126] : memref<128x56xf32, #tpu.memory_space<vmem>> -> memref<124x56xf32, #tpu.memory_space<vmem>>
      tpu.enqueue_dma source(%dma_start3A_127 : memref<124x56xf32, #tpu.memory_space<vmem>>) target(%dma_start3A_120 : memref<124x56xf32, #tpu.memory_space<vmem_shared>>) target_semaphore(%run_scoped3A_110 : memref<!tpu.dma_semaphore, #tpu.memory_space<semaphore_mem>>)
      %dma_wait3A_128 = arith.constant 0 : i32
      %dma_wait3A_129 = arith.constant 0 : i32
      %dma_wait3A_130 = tpu.memref_slice %arg14[%run_scoped3A_20, %dma_wait3A_128, %dma_wait3A_129] : memref<2x128x56xf32, #tpu.memory_space<vmem>> -> memref<1x128x56xf32, #tpu.memory_space<vmem>>
      %dma_wait3A_131 = tpu.memref_squeeze %dma_wait3A_130 : memref<1x128x56xf32, #tpu.memory_space<vmem>> -> memref<128x56xf32, #tpu.memory_space<vmem>>
      %dma_wait3A_132 = arith.constant 0 : i32
      %dma_wait3A_133 = arith.constant 0 : i32
      %dma_wait3A_134 = tpu.memref_slice %dma_wait3A_131[%dma_wait3A_132, %dma_wait3A_133] : memref<128x56xf32, #tpu.memory_space<vmem>> -> memref<124x56xf32, #tpu.memory_space<vmem>>
      %dma_wait3A_135 = arith.constant 0 : i32
      %dma_wait3A_136 = tpu.memref_slice %arg7[%add3A_19, %dma_wait3A_135] : memref<23808x56xf32, #tpu.memory_space<vmem_shared>> -> memref<124x56xf32, #tpu.memory_space<vmem_shared>>
      %dma_wait3A_137 = arith.constant 0 : i32
      %dma_wait3A_138 = tpu.memref_slice %arg7[%add3A_19, %dma_wait3A_137] : memref<23808x56xf32, #tpu.memory_space<vmem_shared>> -> memref<124x56xf32, #tpu.memory_space<vmem_shared>>
      %dma_wait3A_139 = arith.constant 0 : i32
      %dma_wait3A_140 = arith.constant 0 : i32
      %dma_wait3A_141 = tpu.memref_slice %arg14[%run_scoped3A_20, %dma_wait3A_139, %dma_wait3A_140] : memref<2x128x56xf32, #tpu.memory_space<vmem>> -> memref<1x128x56xf32, #tpu.memory_space<vmem>>
      %dma_wait3A_142 = tpu.memref_squeeze %dma_wait3A_141 : memref<1x128x56xf32, #tpu.memory_space<vmem>> -> memref<128x56xf32, #tpu.memory_space<vmem>>
      %dma_wait3A_143 = arith.constant 0 : i32
      %dma_wait3A_144 = arith.constant 0 : i32
      %dma_wait3A_145 = tpu.memref_slice %dma_wait3A_142[%dma_wait3A_143, %dma_wait3A_144] : memref<128x56xf32, #tpu.memory_space<vmem>> -> memref<124x56xf32, #tpu.memory_space<vmem>>
      tpu.wait_dma2 semaphore(%run_scoped3A_110 : memref<!tpu.dma_semaphore, #tpu.memory_space<semaphore_mem>>) src(%dma_wait3A_145 : memref<124x56xf32, #tpu.memory_space<vmem>>) dst(%dma_wait3A_138 : memref<124x56xf32, #tpu.memory_space<vmem_shared>>)
      tpu.yield
    }) : () -> ()
    %mul3A_21 = arith.constant 1488 : i32
    %mul3A_22 = arith.muli %arg1, %mul3A_21 : i32
    %add3A_23 = arith.constant 248 : i32
    %add3A_24 = arith.addi %mul3A_22, %add3A_23 : i32
    %run_scoped3A_25 = arith.constant 0 : i32
    "tpu.region"() ({
      %run_scoped3A_110 = tpu.sem_alloc : memref<!tpu.dma_semaphore, #tpu.memory_space<semaphore_mem>>
      %dma_start3A = arith.constant 0 : i32
      %dma_start3A_111 = arith.constant 0 : i32
      %dma_start3A_112 = tpu.memref_slice %arg14[%run_scoped3A_25, %dma_start3A, %dma_start3A_111] : memref<2x128x56xf32, #tpu.memory_space<vmem>> -> memref<1x128x56xf32, #tpu.memory_space<vmem>>
      %dma_start3A_113 = tpu.memref_squeeze %dma_start3A_112 : memref<1x128x56xf32, #tpu.memory_space<vmem>> -> memref<128x56xf32, #tpu.memory_space<vmem>>
      %dma_start3A_114 = arith.constant 0 : i32
      %dma_start3A_115 = arith.constant 0 : i32
      %dma_start3A_116 = tpu.memref_slice %dma_start3A_113[%dma_start3A_114, %dma_start3A_115] : memref<128x56xf32, #tpu.memory_space<vmem>> -> memref<124x56xf32, #tpu.memory_space<vmem>>
      %dma_start3A_117 = arith.constant 0 : i32
      %dma_start3A_118 = tpu.memref_slice %arg7[%add3A_24, %dma_start3A_117] : memref<23808x56xf32, #tpu.memory_space<vmem_shared>> -> memref<124x56xf32, #tpu.memory_space<vmem_shared>>
      %dma_start3A_119 = arith.constant 0 : i32
      %dma_start3A_120 = tpu.memref_slice %arg7[%add3A_24, %dma_start3A_119] : memref<23808x56xf32, #tpu.memory_space<vmem_shared>> -> memref<124x56xf32, #tpu.memory_space<vmem_shared>>
      %dma_start3A_121 = arith.constant 0 : i32
      %dma_start3A_122 = arith.constant 0 : i32
      %dma_start3A_123 = tpu.memref_slice %arg14[%run_scoped3A_25, %dma_start3A_121, %dma_start3A_122] : memref<2x128x56xf32, #tpu.memory_space<vmem>> -> memref<1x128x56xf32, #tpu.memory_space<vmem>>
      %dma_start3A_124 = tpu.memref_squeeze %dma_start3A_123 : memref<1x128x56xf32, #tpu.memory_space<vmem>> -> memref<128x56xf32, #tpu.memory_space<vmem>>
      %dma_start3A_125 = arith.constant 0 : i32
      %dma_start3A_126 = arith.constant 0 : i32
      %dma_start3A_127 = tpu.memref_slice %dma_start3A_124[%dma_start3A_125, %dma_start3A_126] : memref<128x56xf32, #tpu.memory_space<vmem>> -> memref<124x56xf32, #tpu.memory_space<vmem>>
      tpu.enqueue_dma source(%dma_start3A_127 : memref<124x56xf32, #tpu.memory_space<vmem>>) target(%dma_start3A_120 : memref<124x56xf32, #tpu.memory_space<vmem_shared>>) target_semaphore(%run_scoped3A_110 : memref<!tpu.dma_semaphore, #tpu.memory_space<semaphore_mem>>)
      %dma_wait3A_128 = arith.constant 0 : i32
      %dma_wait3A_129 = arith.constant 0 : i32
      %dma_wait3A_130 = tpu.memref_slice %arg14[%run_scoped3A_25, %dma_wait3A_128, %dma_wait3A_129] : memref<2x128x56xf32, #tpu.memory_space<vmem>> -> memref<1x128x56xf32, #tpu.memory_space<vmem>>
      %dma_wait3A_131 = tpu.memref_squeeze %dma_wait3A_130 : memref<1x128x56xf32, #tpu.memory_space<vmem>> -> memref<128x56xf32, #tpu.memory_space<vmem>>
      %dma_wait3A_132 = arith.constant 0 : i32
      %dma_wait3A_133 = arith.constant 0 : i32
      %dma_wait3A_134 = tpu.memref_slice %dma_wait3A_131[%dma_wait3A_132, %dma_wait3A_133] : memref<128x56xf32, #tpu.memory_space<vmem>> -> memref<124x56xf32, #tpu.memory_space<vmem>>
      %dma_wait3A_135 = arith.constant 0 : i32
      %dma_wait3A_136 = tpu.memref_slice %arg7[%add3A_24, %dma_wait3A_135] : memref<23808x56xf32, #tpu.memory_space<vmem_shared>> -> memref<124x56xf32, #tpu.memory_space<vmem_shared>>
      %dma_wait3A_137 = arith.constant 0 : i32
      %dma_wait3A_138 = tpu.memref_slice %arg7[%add3A_24, %dma_wait3A_137] : memref<23808x56xf32, #tpu.memory_space<vmem_shared>> -> memref<124x56xf32, #tpu.memory_space<vmem_shared>>
      %dma_wait3A_139 = arith.constant 0 : i32
      %dma_wait3A_140 = arith.constant 0 : i32
      %dma_wait3A_141 = tpu.memref_slice %arg14[%run_scoped3A_25, %dma_wait3A_139, %dma_wait3A_140] : memref<2x128x56xf32, #tpu.memory_space<vmem>> -> memref<1x128x56xf32, #tpu.memory_space<vmem>>
      %dma_wait3A_142 = tpu.memref_squeeze %dma_wait3A_141 : memref<1x128x56xf32, #tpu.memory_space<vmem>> -> memref<128x56xf32, #tpu.memory_space<vmem>>
      %dma_wait3A_143 = arith.constant 0 : i32
      %dma_wait3A_144 = arith.constant 0 : i32
      %dma_wait3A_145 = tpu.memref_slice %dma_wait3A_142[%dma_wait3A_143, %dma_wait3A_144] : memref<128x56xf32, #tpu.memory_space<vmem>> -> memref<124x56xf32, #tpu.memory_space<vmem>>
      tpu.wait_dma2 semaphore(%run_scoped3A_110 : memref<!tpu.dma_semaphore, #tpu.memory_space<semaphore_mem>>) src(%dma_wait3A_145 : memref<124x56xf32, #tpu.memory_space<vmem>>) dst(%dma_wait3A_138 : memref<124x56xf32, #tpu.memory_space<vmem_shared>>)
      tpu.yield
    }) : () -> ()
    %mul3A_26 = arith.constant 1488 : i32
    %mul3A_27 = arith.muli %arg1, %mul3A_26 : i32
    %add3A_28 = arith.constant 372 : i32
    %add3A_29 = arith.addi %mul3A_27, %add3A_28 : i32
    %run_scoped3A_30 = arith.constant 0 : i32
    "tpu.region"() ({
      %run_scoped3A_110 = tpu.sem_alloc : memref<!tpu.dma_semaphore, #tpu.memory_space<semaphore_mem>>
      %dma_start3A = arith.constant 0 : i32
      %dma_start3A_111 = arith.constant 0 : i32
      %dma_start3A_112 = tpu.memref_slice %arg14[%run_scoped3A_30, %dma_start3A, %dma_start3A_111] : memref<2x128x56xf32, #tpu.memory_space<vmem>> -> memref<1x128x56xf32, #tpu.memory_space<vmem>>
      %dma_start3A_113 = tpu.memref_squeeze %dma_start3A_112 : memref<1x128x56xf32, #tpu.memory_space<vmem>> -> memref<128x56xf32, #tpu.memory_space<vmem>>
      %dma_start3A_114 = arith.constant 0 : i32
      %dma_start3A_115 = arith.constant 0 : i32
      %dma_start3A_116 = tpu.memref_slice %dma_start3A_113[%dma_start3A_114, %dma_start3A_115] : memref<128x56xf32, #tpu.memory_space<vmem>> -> memref<124x56xf32, #tpu.memory_space<vmem>>
      %dma_start3A_117 = arith.constant 0 : i32
      %dma_start3A_118 = tpu.memref_slice %arg7[%add3A_29, %dma_start3A_117] : memref<23808x56xf32, #tpu.memory_space<vmem_shared>> -> memref<124x56xf32, #tpu.memory_space<vmem_shared>>
      %dma_start3A_119 = arith.constant 0 : i32
      %dma_start3A_120 = tpu.memref_slice %arg7[%add3A_29, %dma_start3A_119] : memref<23808x56xf32, #tpu.memory_space<vmem_shared>> -> memref<124x56xf32, #tpu.memory_space<vmem_shared>>
      %dma_start3A_121 = arith.constant 0 : i32
      %dma_start3A_122 = arith.constant 0 : i32
      %dma_start3A_123 = tpu.memref_slice %arg14[%run_scoped3A_30, %dma_start3A_121, %dma_start3A_122] : memref<2x128x56xf32, #tpu.memory_space<vmem>> -> memref<1x128x56xf32, #tpu.memory_space<vmem>>
      %dma_start3A_124 = tpu.memref_squeeze %dma_start3A_123 : memref<1x128x56xf32, #tpu.memory_space<vmem>> -> memref<128x56xf32, #tpu.memory_space<vmem>>
      %dma_start3A_125 = arith.constant 0 : i32
      %dma_start3A_126 = arith.constant 0 : i32
      %dma_start3A_127 = tpu.memref_slice %dma_start3A_124[%dma_start3A_125, %dma_start3A_126] : memref<128x56xf32, #tpu.memory_space<vmem>> -> memref<124x56xf32, #tpu.memory_space<vmem>>
      tpu.enqueue_dma source(%dma_start3A_127 : memref<124x56xf32, #tpu.memory_space<vmem>>) target(%dma_start3A_120 : memref<124x56xf32, #tpu.memory_space<vmem_shared>>) target_semaphore(%run_scoped3A_110 : memref<!tpu.dma_semaphore, #tpu.memory_space<semaphore_mem>>)
      %dma_wait3A_128 = arith.constant 0 : i32
      %dma_wait3A_129 = arith.constant 0 : i32
      %dma_wait3A_130 = tpu.memref_slice %arg14[%run_scoped3A_30, %dma_wait3A_128, %dma_wait3A_129] : memref<2x128x56xf32, #tpu.memory_space<vmem>> -> memref<1x128x56xf32, #tpu.memory_space<vmem>>
      %dma_wait3A_131 = tpu.memref_squeeze %dma_wait3A_130 : memref<1x128x56xf32, #tpu.memory_space<vmem>> -> memref<128x56xf32, #tpu.memory_space<vmem>>
      %dma_wait3A_132 = arith.constant 0 : i32
      %dma_wait3A_133 = arith.constant 0 : i32
      %dma_wait3A_134 = tpu.memref_slice %dma_wait3A_131[%dma_wait3A_132, %dma_wait3A_133] : memref<128x56xf32, #tpu.memory_space<vmem>> -> memref<124x56xf32, #tpu.memory_space<vmem>>
      %dma_wait3A_135 = arith.constant 0 : i32
      %dma_wait3A_136 = tpu.memref_slice %arg7[%add3A_29, %dma_wait3A_135] : memref<23808x56xf32, #tpu.memory_space<vmem_shared>> -> memref<124x56xf32, #tpu.memory_space<vmem_shared>>
      %dma_wait3A_137 = arith.constant 0 : i32
      %dma_wait3A_138 = tpu.memref_slice %arg7[%add3A_29, %dma_wait3A_137] : memref<23808x56xf32, #tpu.memory_space<vmem_shared>> -> memref<124x56xf32, #tpu.memory_space<vmem_shared>>
      %dma_wait3A_139 = arith.constant 0 : i32
      %dma_wait3A_140 = arith.constant 0 : i32
      %dma_wait3A_141 = tpu.memref_slice %arg14[%run_scoped3A_30, %dma_wait3A_139, %dma_wait3A_140] : memref<2x128x56xf32, #tpu.memory_space<vmem>> -> memref<1x128x56xf32, #tpu.memory_space<vmem>>
      %dma_wait3A_142 = tpu.memref_squeeze %dma_wait3A_141 : memref<1x128x56xf32, #tpu.memory_space<vmem>> -> memref<128x56xf32, #tpu.memory_space<vmem>>
      %dma_wait3A_143 = arith.constant 0 : i32
      %dma_wait3A_144 = arith.constant 0 : i32
      %dma_wait3A_145 = tpu.memref_slice %dma_wait3A_142[%dma_wait3A_143, %dma_wait3A_144] : memref<128x56xf32, #tpu.memory_space<vmem>> -> memref<124x56xf32, #tpu.memory_space<vmem>>
      tpu.wait_dma2 semaphore(%run_scoped3A_110 : memref<!tpu.dma_semaphore, #tpu.memory_space<semaphore_mem>>) src(%dma_wait3A_145 : memref<124x56xf32, #tpu.memory_space<vmem>>) dst(%dma_wait3A_138 : memref<124x56xf32, #tpu.memory_space<vmem_shared>>)
      tpu.yield
    }) : () -> ()
    %mul3A_31 = arith.constant 1488 : i32
    %mul3A_32 = arith.muli %arg1, %mul3A_31 : i32
    %add3A_33 = arith.constant 496 : i32
    %add3A_34 = arith.addi %mul3A_32, %add3A_33 : i32
    %run_scoped3A_35 = arith.constant 0 : i32
    "tpu.region"() ({
      %run_scoped3A_110 = tpu.sem_alloc : memref<!tpu.dma_semaphore, #tpu.memory_space<semaphore_mem>>
      %dma_start3A = arith.constant 0 : i32
      %dma_start3A_111 = arith.constant 0 : i32
      %dma_start3A_112 = tpu.memref_slice %arg14[%run_scoped3A_35, %dma_start3A, %dma_start3A_111] : memref<2x128x56xf32, #tpu.memory_space<vmem>> -> memref<1x128x56xf32, #tpu.memory_space<vmem>>
      %dma_start3A_113 = tpu.memref_squeeze %dma_start3A_112 : memref<1x128x56xf32, #tpu.memory_space<vmem>> -> memref<128x56xf32, #tpu.memory_space<vmem>>
      %dma_start3A_114 = arith.constant 0 : i32
      %dma_start3A_115 = arith.constant 0 : i32
      %dma_start3A_116 = tpu.memref_slice %dma_start3A_113[%dma_start3A_114, %dma_start3A_115] : memref<128x56xf32, #tpu.memory_space<vmem>> -> memref<124x56xf32, #tpu.memory_space<vmem>>
      %dma_start3A_117 = arith.constant 0 : i32
      %dma_start3A_118 = tpu.memref_slice %arg7[%add3A_34, %dma_start3A_117] : memref<23808x56xf32, #tpu.memory_space<vmem_shared>> -> memref<124x56xf32, #tpu.memory_space<vmem_shared>>
      %dma_start3A_119 = arith.constant 0 : i32
      %dma_start3A_120 = tpu.memref_slice %arg7[%add3A_34, %dma_start3A_119] : memref<23808x56xf32, #tpu.memory_space<vmem_shared>> -> memref<124x56xf32, #tpu.memory_space<vmem_shared>>
      %dma_start3A_121 = arith.constant 0 : i32
      %dma_start3A_122 = arith.constant 0 : i32
      %dma_start3A_123 = tpu.memref_slice %arg14[%run_scoped3A_35, %dma_start3A_121, %dma_start3A_122] : memref<2x128x56xf32, #tpu.memory_space<vmem>> -> memref<1x128x56xf32, #tpu.memory_space<vmem>>
      %dma_start3A_124 = tpu.memref_squeeze %dma_start3A_123 : memref<1x128x56xf32, #tpu.memory_space<vmem>> -> memref<128x56xf32, #tpu.memory_space<vmem>>
      %dma_start3A_125 = arith.constant 0 : i32
      %dma_start3A_126 = arith.constant 0 : i32
      %dma_start3A_127 = tpu.memref_slice %dma_start3A_124[%dma_start3A_125, %dma_start3A_126] : memref<128x56xf32, #tpu.memory_space<vmem>> -> memref<124x56xf32, #tpu.memory_space<vmem>>
      tpu.enqueue_dma source(%dma_start3A_127 : memref<124x56xf32, #tpu.memory_space<vmem>>) target(%dma_start3A_120 : memref<124x56xf32, #tpu.memory_space<vmem_shared>>) target_semaphore(%run_scoped3A_110 : memref<!tpu.dma_semaphore, #tpu.memory_space<semaphore_mem>>)
      %dma_wait3A_128 = arith.constant 0 : i32
      %dma_wait3A_129 = arith.constant 0 : i32
      %dma_wait3A_130 = tpu.memref_slice %arg14[%run_scoped3A_35, %dma_wait3A_128, %dma_wait3A_129] : memref<2x128x56xf32, #tpu.memory_space<vmem>> -> memref<1x128x56xf32, #tpu.memory_space<vmem>>
      %dma_wait3A_131 = tpu.memref_squeeze %dma_wait3A_130 : memref<1x128x56xf32, #tpu.memory_space<vmem>> -> memref<128x56xf32, #tpu.memory_space<vmem>>
      %dma_wait3A_132 = arith.constant 0 : i32
      %dma_wait3A_133 = arith.constant 0 : i32
      %dma_wait3A_134 = tpu.memref_slice %dma_wait3A_131[%dma_wait3A_132, %dma_wait3A_133] : memref<128x56xf32, #tpu.memory_space<vmem>> -> memref<124x56xf32, #tpu.memory_space<vmem>>
      %dma_wait3A_135 = arith.constant 0 : i32
      %dma_wait3A_136 = tpu.memref_slice %arg7[%add3A_34, %dma_wait3A_135] : memref<23808x56xf32, #tpu.memory_space<vmem_shared>> -> memref<124x56xf32, #tpu.memory_space<vmem_shared>>
      %dma_wait3A_137 = arith.constant 0 : i32
      %dma_wait3A_138 = tpu.memref_slice %arg7[%add3A_34, %dma_wait3A_137] : memref<23808x56xf32, #tpu.memory_space<vmem_shared>> -> memref<124x56xf32, #tpu.memory_space<vmem_shared>>
      %dma_wait3A_139 = arith.constant 0 : i32
      %dma_wait3A_140 = arith.constant 0 : i32
      %dma_wait3A_141 = tpu.memref_slice %arg14[%run_scoped3A_35, %dma_wait3A_139, %dma_wait3A_140] : memref<2x128x56xf32, #tpu.memory_space<vmem>> -> memref<1x128x56xf32, #tpu.memory_space<vmem>>
      %dma_wait3A_142 = tpu.memref_squeeze %dma_wait3A_141 : memref<1x128x56xf32, #tpu.memory_space<vmem>> -> memref<128x56xf32, #tpu.memory_space<vmem>>
      %dma_wait3A_143 = arith.constant 0 : i32
      %dma_wait3A_144 = arith.constant 0 : i32
      %dma_wait3A_145 = tpu.memref_slice %dma_wait3A_142[%dma_wait3A_143, %dma_wait3A_144] : memref<128x56xf32, #tpu.memory_space<vmem>> -> memref<124x56xf32, #tpu.memory_space<vmem>>
      tpu.wait_dma2 semaphore(%run_scoped3A_110 : memref<!tpu.dma_semaphore, #tpu.memory_space<semaphore_mem>>) src(%dma_wait3A_145 : memref<124x56xf32, #tpu.memory_space<vmem>>) dst(%dma_wait3A_138 : memref<124x56xf32, #tpu.memory_space<vmem_shared>>)
      tpu.yield
    }) : () -> ()
    %mul3A_36 = arith.constant 1488 : i32
    %mul3A_37 = arith.muli %arg1, %mul3A_36 : i32
    %add3A_38 = arith.constant 620 : i32
    %add3A_39 = arith.addi %mul3A_37, %add3A_38 : i32
    %run_scoped3A_40 = arith.constant 0 : i32
    "tpu.region"() ({
      %run_scoped3A_110 = tpu.sem_alloc : memref<!tpu.dma_semaphore, #tpu.memory_space<semaphore_mem>>
      %dma_start3A = arith.constant 0 : i32
      %dma_start3A_111 = arith.constant 0 : i32
      %dma_start3A_112 = tpu.memref_slice %arg14[%run_scoped3A_40, %dma_start3A, %dma_start3A_111] : memref<2x128x56xf32, #tpu.memory_space<vmem>> -> memref<1x128x56xf32, #tpu.memory_space<vmem>>
      %dma_start3A_113 = tpu.memref_squeeze %dma_start3A_112 : memref<1x128x56xf32, #tpu.memory_space<vmem>> -> memref<128x56xf32, #tpu.memory_space<vmem>>
      %dma_start3A_114 = arith.constant 0 : i32
      %dma_start3A_115 = arith.constant 0 : i32
      %dma_start3A_116 = tpu.memref_slice %dma_start3A_113[%dma_start3A_114, %dma_start3A_115] : memref<128x56xf32, #tpu.memory_space<vmem>> -> memref<124x56xf32, #tpu.memory_space<vmem>>
      %dma_start3A_117 = arith.constant 0 : i32
      %dma_start3A_118 = tpu.memref_slice %arg7[%add3A_39, %dma_start3A_117] : memref<23808x56xf32, #tpu.memory_space<vmem_shared>> -> memref<124x56xf32, #tpu.memory_space<vmem_shared>>
      %dma_start3A_119 = arith.constant 0 : i32
      %dma_start3A_120 = tpu.memref_slice %arg7[%add3A_39, %dma_start3A_119] : memref<23808x56xf32, #tpu.memory_space<vmem_shared>> -> memref<124x56xf32, #tpu.memory_space<vmem_shared>>
      %dma_start3A_121 = arith.constant 0 : i32
      %dma_start3A_122 = arith.constant 0 : i32
      %dma_start3A_123 = tpu.memref_slice %arg14[%run_scoped3A_40, %dma_start3A_121, %dma_start3A_122] : memref<2x128x56xf32, #tpu.memory_space<vmem>> -> memref<1x128x56xf32, #tpu.memory_space<vmem>>
      %dma_start3A_124 = tpu.memref_squeeze %dma_start3A_123 : memref<1x128x56xf32, #tpu.memory_space<vmem>> -> memref<128x56xf32, #tpu.memory_space<vmem>>
      %dma_start3A_125 = arith.constant 0 : i32
      %dma_start3A_126 = arith.constant 0 : i32
      %dma_start3A_127 = tpu.memref_slice %dma_start3A_124[%dma_start3A_125, %dma_start3A_126] : memref<128x56xf32, #tpu.memory_space<vmem>> -> memref<124x56xf32, #tpu.memory_space<vmem>>
      tpu.enqueue_dma source(%dma_start3A_127 : memref<124x56xf32, #tpu.memory_space<vmem>>) target(%dma_start3A_120 : memref<124x56xf32, #tpu.memory_space<vmem_shared>>) target_semaphore(%run_scoped3A_110 : memref<!tpu.dma_semaphore, #tpu.memory_space<semaphore_mem>>)
      %dma_wait3A_128 = arith.constant 0 : i32
      %dma_wait3A_129 = arith.constant 0 : i32
      %dma_wait3A_130 = tpu.memref_slice %arg14[%run_scoped3A_40, %dma_wait3A_128, %dma_wait3A_129] : memref<2x128x56xf32, #tpu.memory_space<vmem>> -> memref<1x128x56xf32, #tpu.memory_space<vmem>>
      %dma_wait3A_131 = tpu.memref_squeeze %dma_wait3A_130 : memref<1x128x56xf32, #tpu.memory_space<vmem>> -> memref<128x56xf32, #tpu.memory_space<vmem>>
      %dma_wait3A_132 = arith.constant 0 : i32
      %dma_wait3A_133 = arith.constant 0 : i32
      %dma_wait3A_134 = tpu.memref_slice %dma_wait3A_131[%dma_wait3A_132, %dma_wait3A_133] : memref<128x56xf32, #tpu.memory_space<vmem>> -> memref<124x56xf32, #tpu.memory_space<vmem>>
      %dma_wait3A_135 = arith.constant 0 : i32
      %dma_wait3A_136 = tpu.memref_slice %arg7[%add3A_39, %dma_wait3A_135] : memref<23808x56xf32, #tpu.memory_space<vmem_shared>> -> memref<124x56xf32, #tpu.memory_space<vmem_shared>>
      %dma_wait3A_137 = arith.constant 0 : i32
      %dma_wait3A_138 = tpu.memref_slice %arg7[%add3A_39, %dma_wait3A_137] : memref<23808x56xf32, #tpu.memory_space<vmem_shared>> -> memref<124x56xf32, #tpu.memory_space<vmem_shared>>
      %dma_wait3A_139 = arith.constant 0 : i32
      %dma_wait3A_140 = arith.constant 0 : i32
      %dma_wait3A_141 = tpu.memref_slice %arg14[%run_scoped3A_40, %dma_wait3A_139, %dma_wait3A_140] : memref<2x128x56xf32, #tpu.memory_space<vmem>> -> memref<1x128x56xf32, #tpu.memory_space<vmem>>
      %dma_wait3A_142 = tpu.memref_squeeze %dma_wait3A_141 : memref<1x128x56xf32, #tpu.memory_space<vmem>> -> memref<128x56xf32, #tpu.memory_space<vmem>>
      %dma_wait3A_143 = arith.constant 0 : i32
      %dma_wait3A_144 = arith.constant 0 : i32
      %dma_wait3A_145 = tpu.memref_slice %dma_wait3A_142[%dma_wait3A_143, %dma_wait3A_144] : memref<128x56xf32, #tpu.memory_space<vmem>> -> memref<124x56xf32, #tpu.memory_space<vmem>>
      tpu.wait_dma2 semaphore(%run_scoped3A_110 : memref<!tpu.dma_semaphore, #tpu.memory_space<semaphore_mem>>) src(%dma_wait3A_145 : memref<124x56xf32, #tpu.memory_space<vmem>>) dst(%dma_wait3A_138 : memref<124x56xf32, #tpu.memory_space<vmem_shared>>)
      tpu.yield
    }) : () -> ()
    %mul3A_41 = arith.constant 1488 : i32
    %mul3A_42 = arith.muli %arg1, %mul3A_41 : i32
    %add3A_43 = arith.constant 744 : i32
    %add3A_44 = arith.addi %mul3A_42, %add3A_43 : i32
    %run_scoped3A_45 = arith.constant 0 : i32
    "tpu.region"() ({
      %run_scoped3A_110 = tpu.sem_alloc : memref<!tpu.dma_semaphore, #tpu.memory_space<semaphore_mem>>
      %dma_start3A = arith.constant 0 : i32
      %dma_start3A_111 = arith.constant 0 : i32
      %dma_start3A_112 = tpu.memref_slice %arg14[%run_scoped3A_45, %dma_start3A, %dma_start3A_111] : memref<2x128x56xf32, #tpu.memory_space<vmem>> -> memref<1x128x56xf32, #tpu.memory_space<vmem>>
      %dma_start3A_113 = tpu.memref_squeeze %dma_start3A_112 : memref<1x128x56xf32, #tpu.memory_space<vmem>> -> memref<128x56xf32, #tpu.memory_space<vmem>>
      %dma_start3A_114 = arith.constant 0 : i32
      %dma_start3A_115 = arith.constant 0 : i32
      %dma_start3A_116 = tpu.memref_slice %dma_start3A_113[%dma_start3A_114, %dma_start3A_115] : memref<128x56xf32, #tpu.memory_space<vmem>> -> memref<124x56xf32, #tpu.memory_space<vmem>>
      %dma_start3A_117 = arith.constant 0 : i32
      %dma_start3A_118 = tpu.memref_slice %arg7[%add3A_44, %dma_start3A_117] : memref<23808x56xf32, #tpu.memory_space<vmem_shared>> -> memref<124x56xf32, #tpu.memory_space<vmem_shared>>
      %dma_start3A_119 = arith.constant 0 : i32
      %dma_start3A_120 = tpu.memref_slice %arg7[%add3A_44, %dma_start3A_119] : memref<23808x56xf32, #tpu.memory_space<vmem_shared>> -> memref<124x56xf32, #tpu.memory_space<vmem_shared>>
      %dma_start3A_121 = arith.constant 0 : i32
      %dma_start3A_122 = arith.constant 0 : i32
      %dma_start3A_123 = tpu.memref_slice %arg14[%run_scoped3A_45, %dma_start3A_121, %dma_start3A_122] : memref<2x128x56xf32, #tpu.memory_space<vmem>> -> memref<1x128x56xf32, #tpu.memory_space<vmem>>
      %dma_start3A_124 = tpu.memref_squeeze %dma_start3A_123 : memref<1x128x56xf32, #tpu.memory_space<vmem>> -> memref<128x56xf32, #tpu.memory_space<vmem>>
      %dma_start3A_125 = arith.constant 0 : i32
      %dma_start3A_126 = arith.constant 0 : i32
      %dma_start3A_127 = tpu.memref_slice %dma_start3A_124[%dma_start3A_125, %dma_start3A_126] : memref<128x56xf32, #tpu.memory_space<vmem>> -> memref<124x56xf32, #tpu.memory_space<vmem>>
      tpu.enqueue_dma source(%dma_start3A_127 : memref<124x56xf32, #tpu.memory_space<vmem>>) target(%dma_start3A_120 : memref<124x56xf32, #tpu.memory_space<vmem_shared>>) target_semaphore(%run_scoped3A_110 : memref<!tpu.dma_semaphore, #tpu.memory_space<semaphore_mem>>)
      %dma_wait3A_128 = arith.constant 0 : i32
      %dma_wait3A_129 = arith.constant 0 : i32
      %dma_wait3A_130 = tpu.memref_slice %arg14[%run_scoped3A_45, %dma_wait3A_128, %dma_wait3A_129] : memref<2x128x56xf32, #tpu.memory_space<vmem>> -> memref<1x128x56xf32, #tpu.memory_space<vmem>>
      %dma_wait3A_131 = tpu.memref_squeeze %dma_wait3A_130 : memref<1x128x56xf32, #tpu.memory_space<vmem>> -> memref<128x56xf32, #tpu.memory_space<vmem>>
      %dma_wait3A_132 = arith.constant 0 : i32
      %dma_wait3A_133 = arith.constant 0 : i32
      %dma_wait3A_134 = tpu.memref_slice %dma_wait3A_131[%dma_wait3A_132, %dma_wait3A_133] : memref<128x56xf32, #tpu.memory_space<vmem>> -> memref<124x56xf32, #tpu.memory_space<vmem>>
      %dma_wait3A_135 = arith.constant 0 : i32
      %dma_wait3A_136 = tpu.memref_slice %arg7[%add3A_44, %dma_wait3A_135] : memref<23808x56xf32, #tpu.memory_space<vmem_shared>> -> memref<124x56xf32, #tpu.memory_space<vmem_shared>>
      %dma_wait3A_137 = arith.constant 0 : i32
      %dma_wait3A_138 = tpu.memref_slice %arg7[%add3A_44, %dma_wait3A_137] : memref<23808x56xf32, #tpu.memory_space<vmem_shared>> -> memref<124x56xf32, #tpu.memory_space<vmem_shared>>
      %dma_wait3A_139 = arith.constant 0 : i32
      %dma_wait3A_140 = arith.constant 0 : i32
      %dma_wait3A_141 = tpu.memref_slice %arg14[%run_scoped3A_45, %dma_wait3A_139, %dma_wait3A_140] : memref<2x128x56xf32, #tpu.memory_space<vmem>> -> memref<1x128x56xf32, #tpu.memory_space<vmem>>
      %dma_wait3A_142 = tpu.memref_squeeze %dma_wait3A_141 : memref<1x128x56xf32, #tpu.memory_space<vmem>> -> memref<128x56xf32, #tpu.memory_space<vmem>>
      %dma_wait3A_143 = arith.constant 0 : i32
      %dma_wait3A_144 = arith.constant 0 : i32
      %dma_wait3A_145 = tpu.memref_slice %dma_wait3A_142[%dma_wait3A_143, %dma_wait3A_144] : memref<128x56xf32, #tpu.memory_space<vmem>> -> memref<124x56xf32, #tpu.memory_space<vmem>>
      tpu.wait_dma2 semaphore(%run_scoped3A_110 : memref<!tpu.dma_semaphore, #tpu.memory_space<semaphore_mem>>) src(%dma_wait3A_145 : memref<124x56xf32, #tpu.memory_space<vmem>>) dst(%dma_wait3A_138 : memref<124x56xf32, #tpu.memory_space<vmem_shared>>)
      tpu.yield
    }) : () -> ()
    %mul3A_46 = arith.constant 1488 : i32
    %mul3A_47 = arith.muli %arg1, %mul3A_46 : i32
    %add3A_48 = arith.constant 868 : i32
    %add3A_49 = arith.addi %mul3A_47, %add3A_48 : i32
    %run_scoped3A_50 = arith.constant 0 : i32
    "tpu.region"() ({
      %run_scoped3A_110 = tpu.sem_alloc : memref<!tpu.dma_semaphore, #tpu.memory_space<semaphore_mem>>
      %dma_start3A = arith.constant 0 : i32
      %dma_start3A_111 = arith.constant 0 : i32
      %dma_start3A_112 = tpu.memref_slice %arg14[%run_scoped3A_50, %dma_start3A, %dma_start3A_111] : memref<2x128x56xf32, #tpu.memory_space<vmem>> -> memref<1x128x56xf32, #tpu.memory_space<vmem>>
      %dma_start3A_113 = tpu.memref_squeeze %dma_start3A_112 : memref<1x128x56xf32, #tpu.memory_space<vmem>> -> memref<128x56xf32, #tpu.memory_space<vmem>>
      %dma_start3A_114 = arith.constant 0 : i32
      %dma_start3A_115 = arith.constant 0 : i32
      %dma_start3A_116 = tpu.memref_slice %dma_start3A_113[%dma_start3A_114, %dma_start3A_115] : memref<128x56xf32, #tpu.memory_space<vmem>> -> memref<124x56xf32, #tpu.memory_space<vmem>>
      %dma_start3A_117 = arith.constant 0 : i32
      %dma_start3A_118 = tpu.memref_slice %arg7[%add3A_49, %dma_start3A_117] : memref<23808x56xf32, #tpu.memory_space<vmem_shared>> -> memref<124x56xf32, #tpu.memory_space<vmem_shared>>
      %dma_start3A_119 = arith.constant 0 : i32
      %dma_start3A_120 = tpu.memref_slice %arg7[%add3A_49, %dma_start3A_119] : memref<23808x56xf32, #tpu.memory_space<vmem_shared>> -> memref<124x56xf32, #tpu.memory_space<vmem_shared>>
      %dma_start3A_121 = arith.constant 0 : i32
      %dma_start3A_122 = arith.constant 0 : i32
      %dma_start3A_123 = tpu.memref_slice %arg14[%run_scoped3A_50, %dma_start3A_121, %dma_start3A_122] : memref<2x128x56xf32, #tpu.memory_space<vmem>> -> memref<1x128x56xf32, #tpu.memory_space<vmem>>
      %dma_start3A_124 = tpu.memref_squeeze %dma_start3A_123 : memref<1x128x56xf32, #tpu.memory_space<vmem>> -> memref<128x56xf32, #tpu.memory_space<vmem>>
      %dma_start3A_125 = arith.constant 0 : i32
      %dma_start3A_126 = arith.constant 0 : i32
      %dma_start3A_127 = tpu.memref_slice %dma_start3A_124[%dma_start3A_125, %dma_start3A_126] : memref<128x56xf32, #tpu.memory_space<vmem>> -> memref<124x56xf32, #tpu.memory_space<vmem>>
      tpu.enqueue_dma source(%dma_start3A_127 : memref<124x56xf32, #tpu.memory_space<vmem>>) target(%dma_start3A_120 : memref<124x56xf32, #tpu.memory_space<vmem_shared>>) target_semaphore(%run_scoped3A_110 : memref<!tpu.dma_semaphore, #tpu.memory_space<semaphore_mem>>)
      %dma_wait3A_128 = arith.constant 0 : i32
      %dma_wait3A_129 = arith.constant 0 : i32
      %dma_wait3A_130 = tpu.memref_slice %arg14[%run_scoped3A_50, %dma_wait3A_128, %dma_wait3A_129] : memref<2x128x56xf32, #tpu.memory_space<vmem>> -> memref<1x128x56xf32, #tpu.memory_space<vmem>>
      %dma_wait3A_131 = tpu.memref_squeeze %dma_wait3A_130 : memref<1x128x56xf32, #tpu.memory_space<vmem>> -> memref<128x56xf32, #tpu.memory_space<vmem>>
      %dma_wait3A_132 = arith.constant 0 : i32
      %dma_wait3A_133 = arith.constant 0 : i32
      %dma_wait3A_134 = tpu.memref_slice %dma_wait3A_131[%dma_wait3A_132, %dma_wait3A_133] : memref<128x56xf32, #tpu.memory_space<vmem>> -> memref<124x56xf32, #tpu.memory_space<vmem>>
      %dma_wait3A_135 = arith.constant 0 : i32
      %dma_wait3A_136 = tpu.memref_slice %arg7[%add3A_49, %dma_wait3A_135] : memref<23808x56xf32, #tpu.memory_space<vmem_shared>> -> memref<124x56xf32, #tpu.memory_space<vmem_shared>>
      %dma_wait3A_137 = arith.constant 0 : i32
      %dma_wait3A_138 = tpu.memref_slice %arg7[%add3A_49, %dma_wait3A_137] : memref<23808x56xf32, #tpu.memory_space<vmem_shared>> -> memref<124x56xf32, #tpu.memory_space<vmem_shared>>
      %dma_wait3A_139 = arith.constant 0 : i32
      %dma_wait3A_140 = arith.constant 0 : i32
      %dma_wait3A_141 = tpu.memref_slice %arg14[%run_scoped3A_50, %dma_wait3A_139, %dma_wait3A_140] : memref<2x128x56xf32, #tpu.memory_space<vmem>> -> memref<1x128x56xf32, #tpu.memory_space<vmem>>
      %dma_wait3A_142 = tpu.memref_squeeze %dma_wait3A_141 : memref<1x128x56xf32, #tpu.memory_space<vmem>> -> memref<128x56xf32, #tpu.memory_space<vmem>>
      %dma_wait3A_143 = arith.constant 0 : i32
      %dma_wait3A_144 = arith.constant 0 : i32
      %dma_wait3A_145 = tpu.memref_slice %dma_wait3A_142[%dma_wait3A_143, %dma_wait3A_144] : memref<128x56xf32, #tpu.memory_space<vmem>> -> memref<124x56xf32, #tpu.memory_space<vmem>>
      tpu.wait_dma2 semaphore(%run_scoped3A_110 : memref<!tpu.dma_semaphore, #tpu.memory_space<semaphore_mem>>) src(%dma_wait3A_145 : memref<124x56xf32, #tpu.memory_space<vmem>>) dst(%dma_wait3A_138 : memref<124x56xf32, #tpu.memory_space<vmem_shared>>)
      tpu.yield
    }) : () -> ()
    %mul3A_51 = arith.constant 1488 : i32
    %mul3A_52 = arith.muli %arg1, %mul3A_51 : i32
    %add3A_53 = arith.constant 992 : i32
    %add3A_54 = arith.addi %mul3A_52, %add3A_53 : i32
    %run_scoped3A_55 = arith.constant 0 : i32
    "tpu.region"() ({
      %run_scoped3A_110 = tpu.sem_alloc : memref<!tpu.dma_semaphore, #tpu.memory_space<semaphore_mem>>
      %dma_start3A = arith.constant 0 : i32
      %dma_start3A_111 = arith.constant 0 : i32
      %dma_start3A_112 = tpu.memref_slice %arg14[%run_scoped3A_55, %dma_start3A, %dma_start3A_111] : memref<2x128x56xf32, #tpu.memory_space<vmem>> -> memref<1x128x56xf32, #tpu.memory_space<vmem>>
      %dma_start3A_113 = tpu.memref_squeeze %dma_start3A_112 : memref<1x128x56xf32, #tpu.memory_space<vmem>> -> memref<128x56xf32, #tpu.memory_space<vmem>>
      %dma_start3A_114 = arith.constant 0 : i32
      %dma_start3A_115 = arith.constant 0 : i32
      %dma_start3A_116 = tpu.memref_slice %dma_start3A_113[%dma_start3A_114, %dma_start3A_115] : memref<128x56xf32, #tpu.memory_space<vmem>> -> memref<124x56xf32, #tpu.memory_space<vmem>>
      %dma_start3A_117 = arith.constant 0 : i32
      %dma_start3A_118 = tpu.memref_slice %arg7[%add3A_54, %dma_start3A_117] : memref<23808x56xf32, #tpu.memory_space<vmem_shared>> -> memref<124x56xf32, #tpu.memory_space<vmem_shared>>
      %dma_start3A_119 = arith.constant 0 : i32
      %dma_start3A_120 = tpu.memref_slice %arg7[%add3A_54, %dma_start3A_119] : memref<23808x56xf32, #tpu.memory_space<vmem_shared>> -> memref<124x56xf32, #tpu.memory_space<vmem_shared>>
      %dma_start3A_121 = arith.constant 0 : i32
      %dma_start3A_122 = arith.constant 0 : i32
      %dma_start3A_123 = tpu.memref_slice %arg14[%run_scoped3A_55, %dma_start3A_121, %dma_start3A_122] : memref<2x128x56xf32, #tpu.memory_space<vmem>> -> memref<1x128x56xf32, #tpu.memory_space<vmem>>
      %dma_start3A_124 = tpu.memref_squeeze %dma_start3A_123 : memref<1x128x56xf32, #tpu.memory_space<vmem>> -> memref<128x56xf32, #tpu.memory_space<vmem>>
      %dma_start3A_125 = arith.constant 0 : i32
      %dma_start3A_126 = arith.constant 0 : i32
      %dma_start3A_127 = tpu.memref_slice %dma_start3A_124[%dma_start3A_125, %dma_start3A_126] : memref<128x56xf32, #tpu.memory_space<vmem>> -> memref<124x56xf32, #tpu.memory_space<vmem>>
      tpu.enqueue_dma source(%dma_start3A_127 : memref<124x56xf32, #tpu.memory_space<vmem>>) target(%dma_start3A_120 : memref<124x56xf32, #tpu.memory_space<vmem_shared>>) target_semaphore(%run_scoped3A_110 : memref<!tpu.dma_semaphore, #tpu.memory_space<semaphore_mem>>)
      %dma_wait3A_128 = arith.constant 0 : i32
      %dma_wait3A_129 = arith.constant 0 : i32
      %dma_wait3A_130 = tpu.memref_slice %arg14[%run_scoped3A_55, %dma_wait3A_128, %dma_wait3A_129] : memref<2x128x56xf32, #tpu.memory_space<vmem>> -> memref<1x128x56xf32, #tpu.memory_space<vmem>>
      %dma_wait3A_131 = tpu.memref_squeeze %dma_wait3A_130 : memref<1x128x56xf32, #tpu.memory_space<vmem>> -> memref<128x56xf32, #tpu.memory_space<vmem>>
      %dma_wait3A_132 = arith.constant 0 : i32
      %dma_wait3A_133 = arith.constant 0 : i32
      %dma_wait3A_134 = tpu.memref_slice %dma_wait3A_131[%dma_wait3A_132, %dma_wait3A_133] : memref<128x56xf32, #tpu.memory_space<vmem>> -> memref<124x56xf32, #tpu.memory_space<vmem>>
      %dma_wait3A_135 = arith.constant 0 : i32
      %dma_wait3A_136 = tpu.memref_slice %arg7[%add3A_54, %dma_wait3A_135] : memref<23808x56xf32, #tpu.memory_space<vmem_shared>> -> memref<124x56xf32, #tpu.memory_space<vmem_shared>>
      %dma_wait3A_137 = arith.constant 0 : i32
      %dma_wait3A_138 = tpu.memref_slice %arg7[%add3A_54, %dma_wait3A_137] : memref<23808x56xf32, #tpu.memory_space<vmem_shared>> -> memref<124x56xf32, #tpu.memory_space<vmem_shared>>
      %dma_wait3A_139 = arith.constant 0 : i32
      %dma_wait3A_140 = arith.constant 0 : i32
      %dma_wait3A_141 = tpu.memref_slice %arg14[%run_scoped3A_55, %dma_wait3A_139, %dma_wait3A_140] : memref<2x128x56xf32, #tpu.memory_space<vmem>> -> memref<1x128x56xf32, #tpu.memory_space<vmem>>
      %dma_wait3A_142 = tpu.memref_squeeze %dma_wait3A_141 : memref<1x128x56xf32, #tpu.memory_space<vmem>> -> memref<128x56xf32, #tpu.memory_space<vmem>>
      %dma_wait3A_143 = arith.constant 0 : i32
      %dma_wait3A_144 = arith.constant 0 : i32
      %dma_wait3A_145 = tpu.memref_slice %dma_wait3A_142[%dma_wait3A_143, %dma_wait3A_144] : memref<128x56xf32, #tpu.memory_space<vmem>> -> memref<124x56xf32, #tpu.memory_space<vmem>>
      tpu.wait_dma2 semaphore(%run_scoped3A_110 : memref<!tpu.dma_semaphore, #tpu.memory_space<semaphore_mem>>) src(%dma_wait3A_145 : memref<124x56xf32, #tpu.memory_space<vmem>>) dst(%dma_wait3A_138 : memref<124x56xf32, #tpu.memory_space<vmem_shared>>)
      tpu.yield
    }) : () -> ()
    %mul3A_56 = arith.constant 1488 : i32
    %mul3A_57 = arith.muli %arg1, %mul3A_56 : i32
    %add3A_58 = arith.constant 1116 : i32
    %add3A_59 = arith.addi %mul3A_57, %add3A_58 : i32
    %run_scoped3A_60 = arith.constant 0 : i32
    "tpu.region"() ({
      %run_scoped3A_110 = tpu.sem_alloc : memref<!tpu.dma_semaphore, #tpu.memory_space<semaphore_mem>>
      %dma_start3A = arith.constant 0 : i32
      %dma_start3A_111 = arith.constant 0 : i32
      %dma_start3A_112 = tpu.memref_slice %arg14[%run_scoped3A_60, %dma_start3A, %dma_start3A_111] : memref<2x128x56xf32, #tpu.memory_space<vmem>> -> memref<1x128x56xf32, #tpu.memory_space<vmem>>
      %dma_start3A_113 = tpu.memref_squeeze %dma_start3A_112 : memref<1x128x56xf32, #tpu.memory_space<vmem>> -> memref<128x56xf32, #tpu.memory_space<vmem>>
      %dma_start3A_114 = arith.constant 0 : i32
      %dma_start3A_115 = arith.constant 0 : i32
      %dma_start3A_116 = tpu.memref_slice %dma_start3A_113[%dma_start3A_114, %dma_start3A_115] : memref<128x56xf32, #tpu.memory_space<vmem>> -> memref<124x56xf32, #tpu.memory_space<vmem>>
      %dma_start3A_117 = arith.constant 0 : i32
      %dma_start3A_118 = tpu.memref_slice %arg7[%add3A_59, %dma_start3A_117] : memref<23808x56xf32, #tpu.memory_space<vmem_shared>> -> memref<124x56xf32, #tpu.memory_space<vmem_shared>>
      %dma_start3A_119 = arith.constant 0 : i32
      %dma_start3A_120 = tpu.memref_slice %arg7[%add3A_59, %dma_start3A_119] : memref<23808x56xf32, #tpu.memory_space<vmem_shared>> -> memref<124x56xf32, #tpu.memory_space<vmem_shared>>
      %dma_start3A_121 = arith.constant 0 : i32
      %dma_start3A_122 = arith.constant 0 : i32
      %dma_start3A_123 = tpu.memref_slice %arg14[%run_scoped3A_60, %dma_start3A_121, %dma_start3A_122] : memref<2x128x56xf32, #tpu.memory_space<vmem>> -> memref<1x128x56xf32, #tpu.memory_space<vmem>>
      %dma_start3A_124 = tpu.memref_squeeze %dma_start3A_123 : memref<1x128x56xf32, #tpu.memory_space<vmem>> -> memref<128x56xf32, #tpu.memory_space<vmem>>
      %dma_start3A_125 = arith.constant 0 : i32
      %dma_start3A_126 = arith.constant 0 : i32
      %dma_start3A_127 = tpu.memref_slice %dma_start3A_124[%dma_start3A_125, %dma_start3A_126] : memref<128x56xf32, #tpu.memory_space<vmem>> -> memref<124x56xf32, #tpu.memory_space<vmem>>
      tpu.enqueue_dma source(%dma_start3A_127 : memref<124x56xf32, #tpu.memory_space<vmem>>) target(%dma_start3A_120 : memref<124x56xf32, #tpu.memory_space<vmem_shared>>) target_semaphore(%run_scoped3A_110 : memref<!tpu.dma_semaphore, #tpu.memory_space<semaphore_mem>>)
      %dma_wait3A_128 = arith.constant 0 : i32
      %dma_wait3A_129 = arith.constant 0 : i32
      %dma_wait3A_130 = tpu.memref_slice %arg14[%run_scoped3A_60, %dma_wait3A_128, %dma_wait3A_129] : memref<2x128x56xf32, #tpu.memory_space<vmem>> -> memref<1x128x56xf32, #tpu.memory_space<vmem>>
      %dma_wait3A_131 = tpu.memref_squeeze %dma_wait3A_130 : memref<1x128x56xf32, #tpu.memory_space<vmem>> -> memref<128x56xf32, #tpu.memory_space<vmem>>
      %dma_wait3A_132 = arith.constant 0 : i32
      %dma_wait3A_133 = arith.constant 0 : i32
      %dma_wait3A_134 = tpu.memref_slice %dma_wait3A_131[%dma_wait3A_132, %dma_wait3A_133] : memref<128x56xf32, #tpu.memory_space<vmem>> -> memref<124x56xf32, #tpu.memory_space<vmem>>
      %dma_wait3A_135 = arith.constant 0 : i32
      %dma_wait3A_136 = tpu.memref_slice %arg7[%add3A_59, %dma_wait3A_135] : memref<23808x56xf32, #tpu.memory_space<vmem_shared>> -> memref<124x56xf32, #tpu.memory_space<vmem_shared>>
      %dma_wait3A_137 = arith.constant 0 : i32
      %dma_wait3A_138 = tpu.memref_slice %arg7[%add3A_59, %dma_wait3A_137] : memref<23808x56xf32, #tpu.memory_space<vmem_shared>> -> memref<124x56xf32, #tpu.memory_space<vmem_shared>>
      %dma_wait3A_139 = arith.constant 0 : i32
      %dma_wait3A_140 = arith.constant 0 : i32
      %dma_wait3A_141 = tpu.memref_slice %arg14[%run_scoped3A_60, %dma_wait3A_139, %dma_wait3A_140] : memref<2x128x56xf32, #tpu.memory_space<vmem>> -> memref<1x128x56xf32, #tpu.memory_space<vmem>>
      %dma_wait3A_142 = tpu.memref_squeeze %dma_wait3A_141 : memref<1x128x56xf32, #tpu.memory_space<vmem>> -> memref<128x56xf32, #tpu.memory_space<vmem>>
      %dma_wait3A_143 = arith.constant 0 : i32
      %dma_wait3A_144 = arith.constant 0 : i32
      %dma_wait3A_145 = tpu.memref_slice %dma_wait3A_142[%dma_wait3A_143, %dma_wait3A_144] : memref<128x56xf32, #tpu.memory_space<vmem>> -> memref<124x56xf32, #tpu.memory_space<vmem>>
      tpu.wait_dma2 semaphore(%run_scoped3A_110 : memref<!tpu.dma_semaphore, #tpu.memory_space<semaphore_mem>>) src(%dma_wait3A_145 : memref<124x56xf32, #tpu.memory_space<vmem>>) dst(%dma_wait3A_138 : memref<124x56xf32, #tpu.memory_space<vmem_shared>>)
      tpu.yield
    }) : () -> ()
    %mul3A_61 = arith.constant 1488 : i32
    %mul3A_62 = arith.muli %arg1, %mul3A_61 : i32
    %add3A_63 = arith.constant 1240 : i32
    %add3A_64 = arith.addi %mul3A_62, %add3A_63 : i32
    %run_scoped3A_65 = arith.constant 0 : i32
    "tpu.region"() ({
      %run_scoped3A_110 = tpu.sem_alloc : memref<!tpu.dma_semaphore, #tpu.memory_space<semaphore_mem>>
      %dma_start3A = arith.constant 0 : i32
      %dma_start3A_111 = arith.constant 0 : i32
      %dma_start3A_112 = tpu.memref_slice %arg14[%run_scoped3A_65, %dma_start3A, %dma_start3A_111] : memref<2x128x56xf32, #tpu.memory_space<vmem>> -> memref<1x128x56xf32, #tpu.memory_space<vmem>>
      %dma_start3A_113 = tpu.memref_squeeze %dma_start3A_112 : memref<1x128x56xf32, #tpu.memory_space<vmem>> -> memref<128x56xf32, #tpu.memory_space<vmem>>
      %dma_start3A_114 = arith.constant 0 : i32
      %dma_start3A_115 = arith.constant 0 : i32
      %dma_start3A_116 = tpu.memref_slice %dma_start3A_113[%dma_start3A_114, %dma_start3A_115] : memref<128x56xf32, #tpu.memory_space<vmem>> -> memref<124x56xf32, #tpu.memory_space<vmem>>
      %dma_start3A_117 = arith.constant 0 : i32
      %dma_start3A_118 = tpu.memref_slice %arg7[%add3A_64, %dma_start3A_117] : memref<23808x56xf32, #tpu.memory_space<vmem_shared>> -> memref<124x56xf32, #tpu.memory_space<vmem_shared>>
      %dma_start3A_119 = arith.constant 0 : i32
      %dma_start3A_120 = tpu.memref_slice %arg7[%add3A_64, %dma_start3A_119] : memref<23808x56xf32, #tpu.memory_space<vmem_shared>> -> memref<124x56xf32, #tpu.memory_space<vmem_shared>>
      %dma_start3A_121 = arith.constant 0 : i32
      %dma_start3A_122 = arith.constant 0 : i32
      %dma_start3A_123 = tpu.memref_slice %arg14[%run_scoped3A_65, %dma_start3A_121, %dma_start3A_122] : memref<2x128x56xf32, #tpu.memory_space<vmem>> -> memref<1x128x56xf32, #tpu.memory_space<vmem>>
      %dma_start3A_124 = tpu.memref_squeeze %dma_start3A_123 : memref<1x128x56xf32, #tpu.memory_space<vmem>> -> memref<128x56xf32, #tpu.memory_space<vmem>>
      %dma_start3A_125 = arith.constant 0 : i32
      %dma_start3A_126 = arith.constant 0 : i32
      %dma_start3A_127 = tpu.memref_slice %dma_start3A_124[%dma_start3A_125, %dma_start3A_126] : memref<128x56xf32, #tpu.memory_space<vmem>> -> memref<124x56xf32, #tpu.memory_space<vmem>>
      tpu.enqueue_dma source(%dma_start3A_127 : memref<124x56xf32, #tpu.memory_space<vmem>>) target(%dma_start3A_120 : memref<124x56xf32, #tpu.memory_space<vmem_shared>>) target_semaphore(%run_scoped3A_110 : memref<!tpu.dma_semaphore, #tpu.memory_space<semaphore_mem>>)
      %dma_wait3A_128 = arith.constant 0 : i32
      %dma_wait3A_129 = arith.constant 0 : i32
      %dma_wait3A_130 = tpu.memref_slice %arg14[%run_scoped3A_65, %dma_wait3A_128, %dma_wait3A_129] : memref<2x128x56xf32, #tpu.memory_space<vmem>> -> memref<1x128x56xf32, #tpu.memory_space<vmem>>
      %dma_wait3A_131 = tpu.memref_squeeze %dma_wait3A_130 : memref<1x128x56xf32, #tpu.memory_space<vmem>> -> memref<128x56xf32, #tpu.memory_space<vmem>>
      %dma_wait3A_132 = arith.constant 0 : i32
      %dma_wait3A_133 = arith.constant 0 : i32
      %dma_wait3A_134 = tpu.memref_slice %dma_wait3A_131[%dma_wait3A_132, %dma_wait3A_133] : memref<128x56xf32, #tpu.memory_space<vmem>> -> memref<124x56xf32, #tpu.memory_space<vmem>>
      %dma_wait3A_135 = arith.constant 0 : i32
      %dma_wait3A_136 = tpu.memref_slice %arg7[%add3A_64, %dma_wait3A_135] : memref<23808x56xf32, #tpu.memory_space<vmem_shared>> -> memref<124x56xf32, #tpu.memory_space<vmem_shared>>
      %dma_wait3A_137 = arith.constant 0 : i32
      %dma_wait3A_138 = tpu.memref_slice %arg7[%add3A_64, %dma_wait3A_137] : memref<23808x56xf32, #tpu.memory_space<vmem_shared>> -> memref<124x56xf32, #tpu.memory_space<vmem_shared>>
      %dma_wait3A_139 = arith.constant 0 : i32
      %dma_wait3A_140 = arith.constant 0 : i32
      %dma_wait3A_141 = tpu.memref_slice %arg14[%run_scoped3A_65, %dma_wait3A_139, %dma_wait3A_140] : memref<2x128x56xf32, #tpu.memory_space<vmem>> -> memref<1x128x56xf32, #tpu.memory_space<vmem>>
      %dma_wait3A_142 = tpu.memref_squeeze %dma_wait3A_141 : memref<1x128x56xf32, #tpu.memory_space<vmem>> -> memref<128x56xf32, #tpu.memory_space<vmem>>
      %dma_wait3A_143 = arith.constant 0 : i32
      %dma_wait3A_144 = arith.constant 0 : i32
      %dma_wait3A_145 = tpu.memref_slice %dma_wait3A_142[%dma_wait3A_143, %dma_wait3A_144] : memref<128x56xf32, #tpu.memory_space<vmem>> -> memref<124x56xf32, #tpu.memory_space<vmem>>
      tpu.wait_dma2 semaphore(%run_scoped3A_110 : memref<!tpu.dma_semaphore, #tpu.memory_space<semaphore_mem>>) src(%dma_wait3A_145 : memref<124x56xf32, #tpu.memory_space<vmem>>) dst(%dma_wait3A_138 : memref<124x56xf32, #tpu.memory_space<vmem_shared>>)
      tpu.yield
    }) : () -> ()
    %mul3A_66 = arith.constant 1488 : i32
    %mul3A_67 = arith.muli %arg1, %mul3A_66 : i32
    %add3A_68 = arith.constant 1364 : i32
    %add3A_69 = arith.addi %mul3A_67, %add3A_68 : i32
    %run_scoped3A_70 = arith.constant 0 : i32
    "tpu.region"() ({
      %run_scoped3A_110 = tpu.sem_alloc : memref<!tpu.dma_semaphore, #tpu.memory_space<semaphore_mem>>
      %dma_start3A = arith.constant 0 : i32
      %dma_start3A_111 = arith.constant 0 : i32
      %dma_start3A_112 = tpu.memref_slice %arg14[%run_scoped3A_70, %dma_start3A, %dma_start3A_111] : memref<2x128x56xf32, #tpu.memory_space<vmem>> -> memref<1x128x56xf32, #tpu.memory_space<vmem>>
      %dma_start3A_113 = tpu.memref_squeeze %dma_start3A_112 : memref<1x128x56xf32, #tpu.memory_space<vmem>> -> memref<128x56xf32, #tpu.memory_space<vmem>>
      %dma_start3A_114 = arith.constant 0 : i32
      %dma_start3A_115 = arith.constant 0 : i32
      %dma_start3A_116 = tpu.memref_slice %dma_start3A_113[%dma_start3A_114, %dma_start3A_115] : memref<128x56xf32, #tpu.memory_space<vmem>> -> memref<124x56xf32, #tpu.memory_space<vmem>>
      %dma_start3A_117 = arith.constant 0 : i32
      %dma_start3A_118 = tpu.memref_slice %arg7[%add3A_69, %dma_start3A_117] : memref<23808x56xf32, #tpu.memory_space<vmem_shared>> -> memref<124x56xf32, #tpu.memory_space<vmem_shared>>
      %dma_start3A_119 = arith.constant 0 : i32
      %dma_start3A_120 = tpu.memref_slice %arg7[%add3A_69, %dma_start3A_119] : memref<23808x56xf32, #tpu.memory_space<vmem_shared>> -> memref<124x56xf32, #tpu.memory_space<vmem_shared>>
      %dma_start3A_121 = arith.constant 0 : i32
      %dma_start3A_122 = arith.constant 0 : i32
      %dma_start3A_123 = tpu.memref_slice %arg14[%run_scoped3A_70, %dma_start3A_121, %dma_start3A_122] : memref<2x128x56xf32, #tpu.memory_space<vmem>> -> memref<1x128x56xf32, #tpu.memory_space<vmem>>
      %dma_start3A_124 = tpu.memref_squeeze %dma_start3A_123 : memref<1x128x56xf32, #tpu.memory_space<vmem>> -> memref<128x56xf32, #tpu.memory_space<vmem>>
      %dma_start3A_125 = arith.constant 0 : i32
      %dma_start3A_126 = arith.constant 0 : i32
      %dma_start3A_127 = tpu.memref_slice %dma_start3A_124[%dma_start3A_125, %dma_start3A_126] : memref<128x56xf32, #tpu.memory_space<vmem>> -> memref<124x56xf32, #tpu.memory_space<vmem>>
      tpu.enqueue_dma source(%dma_start3A_127 : memref<124x56xf32, #tpu.memory_space<vmem>>) target(%dma_start3A_120 : memref<124x56xf32, #tpu.memory_space<vmem_shared>>) target_semaphore(%run_scoped3A_110 : memref<!tpu.dma_semaphore, #tpu.memory_space<semaphore_mem>>)
      %dma_wait3A_128 = arith.constant 0 : i32
      %dma_wait3A_129 = arith.constant 0 : i32
      %dma_wait3A_130 = tpu.memref_slice %arg14[%run_scoped3A_70, %dma_wait3A_128, %dma_wait3A_129] : memref<2x128x56xf32, #tpu.memory_space<vmem>> -> memref<1x128x56xf32, #tpu.memory_space<vmem>>
      %dma_wait3A_131 = tpu.memref_squeeze %dma_wait3A_130 : memref<1x128x56xf32, #tpu.memory_space<vmem>> -> memref<128x56xf32, #tpu.memory_space<vmem>>
      %dma_wait3A_132 = arith.constant 0 : i32
      %dma_wait3A_133 = arith.constant 0 : i32
      %dma_wait3A_134 = tpu.memref_slice %dma_wait3A_131[%dma_wait3A_132, %dma_wait3A_133] : memref<128x56xf32, #tpu.memory_space<vmem>> -> memref<124x56xf32, #tpu.memory_space<vmem>>
      %dma_wait3A_135 = arith.constant 0 : i32
      %dma_wait3A_136 = tpu.memref_slice %arg7[%add3A_69, %dma_wait3A_135] : memref<23808x56xf32, #tpu.memory_space<vmem_shared>> -> memref<124x56xf32, #tpu.memory_space<vmem_shared>>
      %dma_wait3A_137 = arith.constant 0 : i32
      %dma_wait3A_138 = tpu.memref_slice %arg7[%add3A_69, %dma_wait3A_137] : memref<23808x56xf32, #tpu.memory_space<vmem_shared>> -> memref<124x56xf32, #tpu.memory_space<vmem_shared>>
      %dma_wait3A_139 = arith.constant 0 : i32
      %dma_wait3A_140 = arith.constant 0 : i32
      %dma_wait3A_141 = tpu.memref_slice %arg14[%run_scoped3A_70, %dma_wait3A_139, %dma_wait3A_140] : memref<2x128x56xf32, #tpu.memory_space<vmem>> -> memref<1x128x56xf32, #tpu.memory_space<vmem>>
      %dma_wait3A_142 = tpu.memref_squeeze %dma_wait3A_141 : memref<1x128x56xf32, #tpu.memory_space<vmem>> -> memref<128x56xf32, #tpu.memory_space<vmem>>
      %dma_wait3A_143 = arith.constant 0 : i32
      %dma_wait3A_144 = arith.constant 0 : i32
      %dma_wait3A_145 = tpu.memref_slice %dma_wait3A_142[%dma_wait3A_143, %dma_wait3A_144] : memref<128x56xf32, #tpu.memory_space<vmem>> -> memref<124x56xf32, #tpu.memory_space<vmem>>
      tpu.wait_dma2 semaphore(%run_scoped3A_110 : memref<!tpu.dma_semaphore, #tpu.memory_space<semaphore_mem>>) src(%dma_wait3A_145 : memref<124x56xf32, #tpu.memory_space<vmem>>) dst(%dma_wait3A_138 : memref<124x56xf32, #tpu.memory_space<vmem_shared>>)
      tpu.yield
    }) : () -> ()
    "tpu.region"() ({
      %run_scoped3A_110 = tpu.sem_alloc : memref<!tpu.dma_semaphore, #tpu.memory_space<semaphore_mem>>
      %dma_start3A = arith.constant 0 : i32
      %dma_start3A_111 = tpu.memref_slice %arg5[%arg0, %dma_start3A] : memref<2x32xf32, #tpu.memory_space<hbm>> -> memref<1x32xf32, #tpu.memory_space<hbm>>
      %dma_start3A_112 = tpu.memref_squeeze %dma_start3A_111 : memref<1x32xf32, #tpu.memory_space<hbm>> -> memref<32xf32, #tpu.memory_space<hbm>>
      %dma_start3A_113 = arith.constant 0 : i32
      %dma_start3A_114 = tpu.memref_slice %arg5[%arg0, %dma_start3A_113] : memref<2x32xf32, #tpu.memory_space<hbm>> -> memref<1x32xf32, #tpu.memory_space<hbm>>
      %dma_start3A_115 = tpu.memref_squeeze %dma_start3A_114 : memref<1x32xf32, #tpu.memory_space<hbm>> -> memref<32xf32, #tpu.memory_space<hbm>>
      tpu.enqueue_dma source(%dma_start3A_115 : memref<32xf32, #tpu.memory_space<hbm>>) target(%arg17 : memref<32xf32, #tpu.memory_space<vmem>>) target_semaphore(%run_scoped3A_110 : memref<!tpu.dma_semaphore, #tpu.memory_space<semaphore_mem>>)
      %dma_wait3A_116 = arith.constant 0 : i32
      %dma_wait3A_117 = tpu.memref_slice %arg5[%arg0, %dma_wait3A_116] : memref<2x32xf32, #tpu.memory_space<hbm>> -> memref<1x32xf32, #tpu.memory_space<hbm>>
      %dma_wait3A_118 = tpu.memref_squeeze %dma_wait3A_117 : memref<1x32xf32, #tpu.memory_space<hbm>> -> memref<32xf32, #tpu.memory_space<hbm>>
      %dma_wait3A_119 = arith.constant 0 : i32
      %dma_wait3A_120 = tpu.memref_slice %arg5[%arg0, %dma_wait3A_119] : memref<2x32xf32, #tpu.memory_space<hbm>> -> memref<1x32xf32, #tpu.memory_space<hbm>>
      %dma_wait3A_121 = tpu.memref_squeeze %dma_wait3A_120 : memref<1x32xf32, #tpu.memory_space<hbm>> -> memref<32xf32, #tpu.memory_space<hbm>>
      tpu.wait_dma2 semaphore(%run_scoped3A_110 : memref<!tpu.dma_semaphore, #tpu.memory_space<semaphore_mem>>) src(%dma_wait3A_121 : memref<32xf32, #tpu.memory_space<hbm>>) dst(%arg17 : memref<32xf32, #tpu.memory_space<vmem>>)
      tpu.yield
    }) : () -> ()
    %barrier3A = arith.constant 0 : index
    tpu.barrier barrier_id(%barrier3A)
    %get3A = arith.constant 0 : index
    %get3A_71 = tpu.vector_load %arg17[%get3A] {strides = array<i32>} : memref<32xf32, #tpu.memory_space<vmem>>, vector<16xf32>,
    %get3A_72 = arith.constant 16 : index
    %get3A_73 = tpu.vector_load %arg17[%get3A_72] {strides = array<i32>} : memref<32xf32, #tpu.memory_space<vmem>>, vector<16xf32>,
    %mul3A_74 = arith.constant 186 : i32
    %mul3A_75 = arith.muli %arg1, %mul3A_74 : i32
    %scan3A_76 = arith.constant 0 : i32
    %scan3A_77 = arith.constant 0 : i32
    %scan3A_78 = arith.constant 12 : i32
    %scan3A_79 = arith.addi %scan3A_77, %scan3A_78 : i32
    %scan3A_80 = arith.constant 1 : i32
    scf.for %scan3A_110 = %scan3A_77 to %scan3A_79 step %scan3A_80  : i32 {
      %mul3A_111 = arith.constant 16 : i32
      %mul3A_112 = arith.muli %scan3A_110, %mul3A_111 : i32
      %add3A_113 = arith.addi %mul3A_75, %mul3A_112 : i32
      %add3A_114 = vector.broadcast %add3A_113 : i32 to vector<16xi32>
      %add3A_115 = arith.addi %add3A_114, %iota3A : vector<16xi32>
      %min3A = arith.constant 2975 : i32
      %min3A_116 = vector.broadcast %min3A : i32 to vector<16xi32>
      %min3A_117 = arith.minsi %add3A_115, %min3A_116 : vector<16xi32>
      %swap3A = arith.constant 0 : index
      %swap3A_118 = tpu.vector_load %arg8[%swap3A] {strides = array<i32>} : memref<16xi32, #tpu.memory_space<vmem>>, vector<16xi32>,
      tpu.vector_store %arg8[%swap3A], %min3A_117 {strides = array<i32>} : memref<16xi32, #tpu.memory_space<vmem>>, vector<16xi32>,
      %dma_start3A = arith.constant 0 : i32
      %dma_start3A_119 = arith.constant 0 : i32
      %dma_start3A_120 = tpu.memref_slice %arg2[%dma_start3A, %dma_start3A_119] : memref<2976x128xi32, #tpu.memory_space<hbm>> -> memref<2976x128xi32, #tpu.memory_space<hbm>>
      tpu.enqueue_indirect_dma source(%dma_start3A_120 : memref<2976x128xi32, #tpu.memory_space<hbm>>) target(%arg9 : memref<16x128xi32, #tpu.memory_space<vmem>>) offsets(%arg8 : memref<16xi32, #tpu.memory_space<vmem>>) semaphore(%arg18 : memref<!tpu.dma_semaphore, #tpu.memory_space<semaphore_mem>>)
      %dma_wait3A_121 = arith.constant 0 : i32
      %dma_wait3A_122 = arith.constant 0 : i32
      %dma_wait3A_123 = tpu.memref_slice %arg2[%dma_wait3A_121, %dma_wait3A_122] : memref<2976x128xi32, #tpu.memory_space<hbm>> -> memref<2976x128xi32, #tpu.memory_space<hbm>>
      tpu.wait_indirect_dma semaphore(%arg18 : memref<!tpu.dma_semaphore, #tpu.memory_space<semaphore_mem>>) src(%dma_wait3A_123 : memref<2976x128xi32, #tpu.memory_space<hbm>>) dst(%arg9 : memref<16x128xi32, #tpu.memory_space<vmem>>)
      %mul3A_124 = arith.constant 16 : i32
      %mul3A_125 = arith.muli %scan3A_110, %mul3A_124 : i32
      %sub3A = arith.constant 186 : i32
      %sub3A_126 = arith.subi %sub3A, %mul3A_125 : i32
      %min3A_127 = arith.constant 16 : i32
      %min3A_128 = arith.minsi %min3A_127, %sub3A_126 : i32
      %scan3A_129 = arith.constant 0 : i32
      %scan3A_130 = arith.constant 0 : i32
      %scan3A_131 = arith.constant 2 : i32
      %scan3A_132 = arith.addi %scan3A_130, %scan3A_131 : i32
      %scan3A_133 = arith.constant 1 : i32
      scf.for %scan3A_178 = %scan3A_130 to %scan3A_132 step %scan3A_133  : i32 {
        %mul3A_179 = arith.constant 4 : i32
        %mul3A_180 = arith.muli %scan3A_178, %mul3A_179 : i32
        %add3A_181 = arith.constant 0 : i32
        %add3A_182 = arith.addi %mul3A_180, %add3A_181 : i32
        %mul3A_183 = arith.constant 16 : i32
        %mul3A_184 = arith.muli %add3A_182, %mul3A_183 : i32
        %get3A_185 = arith.constant 0 : i32
        %get3A_186 = arith.index_cast %get3A_185 : i32 to index
        %get3A_187 = arith.index_cast %mul3A_184 : i32 to index
        %get3A_188 = tpu.vector_load %arg9[%get3A_186, %get3A_187] {strides = array<i32>} : memref<16x128xi32, #tpu.memory_space<vmem>>, vector<16xi32>,
        %shift_right_logical3A = arith.constant 15 : i32
        %shift_right_logical3A_189 = vector.broadcast %shift_right_logical3A : i32 to vector<16xi32>
        %shift_right_logical3A_190 = arith.shrui %get3A_188, %shift_right_logical3A_189 : vector<16xi32>
        %mul3A_191 = arith.constant 16 : i32
        %mul3A_192 = arith.muli %add3A_182, %mul3A_191 : i32
        %swap3A_193 = arith.constant 0 : i32
        %swap3A_194 = arith.index_cast %swap3A_193 : i32 to index
        %swap3A_195 = arith.index_cast %mul3A_192 : i32 to index
        %swap3A_196 = tpu.vector_load %arg10[%swap3A_194, %swap3A_195] {strides = array<i32>} : memref<4x128xi32, #tpu.memory_space<vmem>>, vector<16xi32>,
        tpu.vector_store %arg10[%swap3A_194, %swap3A_195], %shift_right_logical3A_190 {strides = array<i32>} : memref<4x128xi32, #tpu.memory_space<vmem>>, vector<16xi32>,
        %and3A = arith.constant 32767 : i32
        %and3A_197 = vector.broadcast %and3A : i32 to vector<16xi32>
        %and3A_198 = arith.andi %get3A_188, %and3A_197 : vector<16xi32>
        %mul3A_199 = arith.constant 16 : i32
        %mul3A_200 = arith.muli %add3A_182, %mul3A_199 : i32
        %swap3A_201 = arith.constant 0 : i32
        %swap3A_202 = arith.index_cast %swap3A_201 : i32 to index
        %swap3A_203 = arith.index_cast %mul3A_200 : i32 to index
        %swap3A_204 = tpu.vector_load %arg11[%swap3A_202, %swap3A_203] {strides = array<i32>} : memref<4x128xi32, #tpu.memory_space<vmem>>, vector<16xi32>,
        tpu.vector_store %arg11[%swap3A_202, %swap3A_203], %and3A_198 {strides = array<i32>} : memref<4x128xi32, #tpu.memory_space<vmem>>, vector<16xi32>,
        %mul3A_205 = arith.constant 4 : i32
        %mul3A_206 = arith.muli %scan3A_178, %mul3A_205 : i32
        %add3A_207 = arith.constant 1 : i32
        %add3A_208 = arith.addi %mul3A_206, %add3A_207 : i32
        %mul3A_209 = arith.constant 16 : i32
        %mul3A_210 = arith.muli %add3A_208, %mul3A_209 : i32
        %get3A_211 = arith.constant 0 : i32
        %get3A_212 = arith.index_cast %get3A_211 : i32 to index
        %get3A_213 = arith.index_cast %mul3A_210 : i32 to index
        %get3A_214 = tpu.vector_load %arg9[%get3A_212, %get3A_213] {strides = array<i32>} : memref<16x128xi32, #tpu.memory_space<vmem>>, vector<16xi32>,
        %shift_right_logical3A_215 = arith.constant 15 : i32
        %shift_right_logical3A_216 = vector.broadcast %shift_right_logical3A_215 : i32 to vector<16xi32>
        %shift_right_logical3A_217 = arith.shrui %get3A_214, %shift_right_logical3A_216 : vector<16xi32>
        %mul3A_218 = arith.constant 16 : i32
        %mul3A_219 = arith.muli %add3A_208, %mul3A_218 : i32
        %swap3A_220 = arith.constant 0 : i32
        %swap3A_221 = arith.index_cast %swap3A_220 : i32 to index
        %swap3A_222 = arith.index_cast %mul3A_219 : i32 to index
        %swap3A_223 = tpu.vector_load %arg10[%swap3A_221, %swap3A_222] {strides = array<i32>} : memref<4x128xi32, #tpu.memory_space<vmem>>, vector<16xi32>,
        tpu.vector_store %arg10[%swap3A_221, %swap3A_222], %shift_right_logical3A_217 {strides = array<i32>} : memref<4x128xi32, #tpu.memory_space<vmem>>, vector<16xi32>,
        %and3A_224 = arith.constant 32767 : i32
        %and3A_225 = vector.broadcast %and3A_224 : i32 to vector<16xi32>
        %and3A_226 = arith.andi %get3A_214, %and3A_225 : vector<16xi32>
        %mul3A_227 = arith.constant 16 : i32
        %mul3A_228 = arith.muli %add3A_208, %mul3A_227 : i32
        %swap3A_229 = arith.constant 0 : i32
        %swap3A_230 = arith.index_cast %swap3A_229 : i32 to index
        %swap3A_231 = arith.index_cast %mul3A_228 : i32 to index
        %swap3A_232 = tpu.vector_load %arg11[%swap3A_230, %swap3A_231] {strides = array<i32>} : memref<4x128xi32, #tpu.memory_space<vmem>>, vector<16xi32>,
        tpu.vector_store %arg11[%swap3A_230, %swap3A_231], %and3A_226 {strides = array<i32>} : memref<4x128xi32, #tpu.memory_space<vmem>>, vector<16xi32>,
        %mul3A_233 = arith.constant 4 : i32
        %mul3A_234 = arith.muli %scan3A_178, %mul3A_233 : i32
        %add3A_235 = arith.constant 2 : i32
        %add3A_236 = arith.addi %mul3A_234, %add3A_235 : i32
        %mul3A_237 = arith.constant 16 : i32
        %mul3A_238 = arith.muli %add3A_236, %mul3A_237 : i32
        %get3A_239 = arith.constant 0 : i32
        %get3A_240 = arith.index_cast %get3A_239 : i32 to index
        %get3A_241 = arith.index_cast %mul3A_238 : i32 to index
        %get3A_242 = tpu.vector_load %arg9[%get3A_240, %get3A_241] {strides = array<i32>} : memref<16x128xi32, #tpu.memory_space<vmem>>, vector<16xi32>,
        %shift_right_logical3A_243 = arith.constant 15 : i32
        %shift_right_logical3A_244 = vector.broadcast %shift_right_logical3A_243 : i32 to vector<16xi32>
        %shift_right_logical3A_245 = arith.shrui %get3A_242, %shift_right_logical3A_244 : vector<16xi32>
        %mul3A_246 = arith.constant 16 : i32
        %mul3A_247 = arith.muli %add3A_236, %mul3A_246 : i32
        %swap3A_248 = arith.constant 0 : i32
        %swap3A_249 = arith.index_cast %swap3A_248 : i32 to index
        %swap3A_250 = arith.index_cast %mul3A_247 : i32 to index
        %swap3A_251 = tpu.vector_load %arg10[%swap3A_249, %swap3A_250] {strides = array<i32>} : memref<4x128xi32, #tpu.memory_space<vmem>>, vector<16xi32>,
        tpu.vector_store %arg10[%swap3A_249, %swap3A_250], %shift_right_logical3A_245 {strides = array<i32>} : memref<4x128xi32, #tpu.memory_space<vmem>>, vector<16xi32>,
        %and3A_252 = arith.constant 32767 : i32
        %and3A_253 = vector.broadcast %and3A_252 : i32 to vector<16xi32>
        %and3A_254 = arith.andi %get3A_242, %and3A_253 : vector<16xi32>
        %mul3A_255 = arith.constant 16 : i32
        %mul3A_256 = arith.muli %add3A_236, %mul3A_255 : i32
        %swap3A_257 = arith.constant 0 : i32
        %swap3A_258 = arith.index_cast %swap3A_257 : i32 to index
        %swap3A_259 = arith.index_cast %mul3A_256 : i32 to index
        %swap3A_260 = tpu.vector_load %arg11[%swap3A_258, %swap3A_259] {strides = array<i32>} : memref<4x128xi32, #tpu.memory_space<vmem>>, vector<16xi32>,
        tpu.vector_store %arg11[%swap3A_258, %swap3A_259], %and3A_254 {strides = array<i32>} : memref<4x128xi32, #tpu.memory_space<vmem>>, vector<16xi32>,
        %mul3A_261 = arith.constant 4 : i32
        %mul3A_262 = arith.muli %scan3A_178, %mul3A_261 : i32
        %add3A_263 = arith.constant 3 : i32
        %add3A_264 = arith.addi %mul3A_262, %add3A_263 : i32
        %mul3A_265 = arith.constant 16 : i32
        %mul3A_266 = arith.muli %add3A_264, %mul3A_265 : i32
        %get3A_267 = arith.constant 0 : i32
        %get3A_268 = arith.index_cast %get3A_267 : i32 to index
        %get3A_269 = arith.index_cast %mul3A_266 : i32 to index
        %get3A_270 = tpu.vector_load %arg9[%get3A_268, %get3A_269] {strides = array<i32>} : memref<16x128xi32, #tpu.memory_space<vmem>>, vector<16xi32>,
        %shift_right_logical3A_271 = arith.constant 15 : i32
        %shift_right_logical3A_272 = vector.broadcast %shift_right_logical3A_271 : i32 to vector<16xi32>
        %shift_right_logical3A_273 = arith.shrui %get3A_270, %shift_right_logical3A_272 : vector<16xi32>
        %mul3A_274 = arith.constant 16 : i32
        %mul3A_275 = arith.muli %add3A_264, %mul3A_274 : i32
        %swap3A_276 = arith.constant 0 : i32
        %swap3A_277 = arith.index_cast %swap3A_276 : i32 to index
        %swap3A_278 = arith.index_cast %mul3A_275 : i32 to index
        %swap3A_279 = tpu.vector_load %arg10[%swap3A_277, %swap3A_278] {strides = array<i32>} : memref<4x128xi32, #tpu.memory_space<vmem>>, vector<16xi32>,
        tpu.vector_store %arg10[%swap3A_277, %swap3A_278], %shift_right_logical3A_273 {strides = array<i32>} : memref<4x128xi32, #tpu.memory_space<vmem>>, vector<16xi32>,
        %and3A_280 = arith.constant 32767 : i32
        %and3A_281 = vector.broadcast %and3A_280 : i32 to vector<16xi32>
        %and3A_282 = arith.andi %get3A_270, %and3A_281 : vector<16xi32>
        %mul3A_283 = arith.constant 16 : i32
        %mul3A_284 = arith.muli %add3A_264, %mul3A_283 : i32
        %swap3A_285 = arith.constant 0 : i32
        %swap3A_286 = arith.index_cast %swap3A_285 : i32 to index
        %swap3A_287 = arith.index_cast %mul3A_284 : i32 to index
        %swap3A_288 = tpu.vector_load %arg11[%swap3A_286, %swap3A_287] {strides = array<i32>} : memref<4x128xi32, #tpu.memory_space<vmem>>, vector<16xi32>,
        tpu.vector_store %arg11[%swap3A_286, %swap3A_287], %and3A_282 {strides = array<i32>} : memref<4x128xi32, #tpu.memory_space<vmem>>, vector<16xi32>,
      }
      %scan3A_134 = arith.constant 2 : i32
      %dma_start3A_135 = arith.constant 0 : i32
      %dma_start3A_136 = arith.constant 0 : i32
      %dma_start3A_137 = arith.constant 0 : i32
      %dma_start3A_138 = arith.constant 0 : i32
      %dma_start3A_139 = tpu.memref_slice %arg12[%dma_start3A_136, %dma_start3A_137, %dma_start3A_138] : memref<2x128x40xf32, #tpu.memory_space<vmem>> -> memref<1x128x40xf32, #tpu.memory_space<vmem>>
      %dma_start3A_140 = tpu.memref_squeeze %dma_start3A_139 : memref<1x128x40xf32, #tpu.memory_space<vmem>> -> memref<128x40xf32, #tpu.memory_space<vmem>>
      %dma_start3A_141 = arith.constant 0 : i32
      %dma_start3A_142 = tpu.memref_slice %arg10[%dma_start3A_135, %dma_start3A_141] : memref<4x128xi32, #tpu.memory_space<vmem>> -> memref<1x128xi32, #tpu.memory_space<vmem>>
      %dma_start3A_143 = tpu.memref_squeeze %dma_start3A_142 : memref<1x128xi32, #tpu.memory_space<vmem>> -> memref<128xi32, #tpu.memory_space<vmem>>
      %dma_start3A_144 = arith.constant 0 : i32
      %dma_start3A_145 = arith.constant 0 : i32
      %dma_start3A_146 = tpu.memref_slice %arg3[%arg0, %dma_start3A_144, %dma_start3A_145] : memref<2x23808x40xf32, #tpu.memory_space<hbm>> -> memref<1x23808x40xf32, #tpu.memory_space<hbm>>
      %dma_start3A_147 = tpu.memref_squeeze %dma_start3A_146 : memref<1x23808x40xf32, #tpu.memory_space<hbm>> -> memref<23808x40xf32, #tpu.memory_space<hbm>>
      %dma_start3A_148 = arith.constant 0 : i32
      %dma_start3A_149 = arith.constant 0 : i32
      %dma_start3A_150 = tpu.memref_slice %dma_start3A_147[%dma_start3A_148, %dma_start3A_149] : memref<23808x40xf32, #tpu.memory_space<hbm>> -> memref<23808x40xf32, #tpu.memory_space<hbm>>
      tpu.enqueue_indirect_dma source(%dma_start3A_150 : memref<23808x40xf32, #tpu.memory_space<hbm>>) target(%dma_start3A_140 : memref<128x40xf32, #tpu.memory_space<vmem>>) offsets(%dma_start3A_143 : memref<128xi32, #tpu.memory_space<vmem>>) semaphore(%arg19 : memref<!tpu.dma_semaphore, #tpu.memory_space<semaphore_mem>>)
      %dma_start3A_151 = arith.constant 0 : i32
      %dma_start3A_152 = arith.constant 0 : i32
      %dma_start3A_153 = arith.constant 0 : i32
      %dma_start3A_154 = arith.constant 0 : i32
      %dma_start3A_155 = tpu.memref_slice %arg13[%dma_start3A_152, %dma_start3A_153, %dma_start3A_154] : memref<2x128x8xf32, #tpu.memory_space<vmem>> -> memref<1x128x8xf32, #tpu.memory_space<vmem>>
      %dma_start3A_156 = tpu.memref_squeeze %dma_start3A_155 : memref<1x128x8xf32, #tpu.memory_space<vmem>> -> memref<128x8xf32, #tpu.memory_space<vmem>>
      %dma_start3A_157 = arith.constant 0 : i32
      %dma_start3A_158 = tpu.memref_slice %arg11[%dma_start3A_151, %dma_start3A_157] : memref<4x128xi32, #tpu.memory_space<vmem>> -> memref<1x128xi32, #tpu.memory_space<vmem>>
      %dma_start3A_159 = tpu.memref_squeeze %dma_start3A_158 : memref<1x128xi32, #tpu.memory_space<vmem>> -> memref<128xi32, #tpu.memory_space<vmem>>
      %dma_start3A_160 = arith.constant 0 : i32
      %dma_start3A_161 = arith.constant 0 : i32
      %dma_start3A_162 = tpu.memref_slice %arg4[%arg0, %dma_start3A_160, %dma_start3A_161] : memref<2x23808x8xf32, #tpu.memory_space<hbm>> -> memref<1x23808x8xf32, #tpu.memory_space<hbm>>
      %dma_start3A_163 = tpu.memref_squeeze %dma_start3A_162 : memref<1x23808x8xf32, #tpu.memory_space<hbm>> -> memref<23808x8xf32, #tpu.memory_space<hbm>>
      %dma_start3A_164 = arith.constant 0 : i32
      %dma_start3A_165 = arith.constant 0 : i32
      %dma_start3A_166 = tpu.memref_slice %dma_start3A_163[%dma_start3A_164, %dma_start3A_165] : memref<23808x8xf32, #tpu.memory_space<hbm>> -> memref<23808x8xf32, #tpu.memory_space<hbm>>
      tpu.enqueue_indirect_dma source(%dma_start3A_166 : memref<23808x8xf32, #tpu.memory_space<hbm>>) target(%dma_start3A_156 : memref<128x8xf32, #tpu.memory_space<vmem>>) offsets(%dma_start3A_159 : memref<128xi32, #tpu.memory_space<vmem>>) semaphore(%arg19 : memref<!tpu.dma_semaphore, #tpu.memory_space<semaphore_mem>>)
      %lt3A = arith.constant 1 : i32
      %lt3A_167 = arith.cmpi slt, %lt3A, %min3A_128 : i32
      %convert_element_type3A = arith.extui %lt3A_167 : i1 to i32
      %cond3A = arith.constant 0 : i32
      %cond3A_168 = arith.cmpi ne, %convert_element_type3A, %cond3A : i32
      scf.if %cond3A_168 {
        %scan3A_178 = arith.constant 0 : i32
        %scan3A_179 = arith.constant 0 : i32
        %scan3A_180 = arith.constant 2 : i32
        %scan3A_181 = arith.addi %scan3A_179, %scan3A_180 : i32
        %scan3A_182 = arith.constant 1 : i32
        scf.for %scan3A_216 = %scan3A_179 to %scan3A_181 step %scan3A_182  : i32 {
          %mul3A_217 = arith.constant 4 : i32
          %mul3A_218 = arith.muli %scan3A_216, %mul3A_217 : i32
          %add3A_219 = arith.constant 0 : i32
          %add3A_220 = arith.addi %mul3A_218, %add3A_219 : i32
          %mul3A_221 = arith.constant 16 : i32
          %mul3A_222 = arith.muli %add3A_220, %mul3A_221 : i32
          %get3A_223 = arith.constant 1 : i32
          %get3A_224 = arith.index_cast %get3A_223 : i32 to index
          %get3A_225 = arith.index_cast %mul3A_222 : i32 to index
          %get3A_226 = tpu.vector_load %arg9[%get3A_224, %get3A_225] {strides = array<i32>} : memref<16x128xi32, #tpu.memory_space<vmem>>, vector<16xi32>,
          %shift_right_logical3A = arith.constant 15 : i32
          %shift_right_logical3A_227 = vector.broadcast %shift_right_logical3A : i32 to vector<16xi32>
          %shift_right_logical3A_228 = arith.shrui %get3A_226, %shift_right_logical3A_227 : vector<16xi32>
          %mul3A_229 = arith.constant 16 : i32
          %mul3A_230 = arith.muli %add3A_220, %mul3A_229 : i32
          %swap3A_231 = arith.constant 1 : i32
          %swap3A_232 = arith.index_cast %swap3A_231 : i32 to index
          %swap3A_233 = arith.index_cast %mul3A_230 : i32 to index
          %swap3A_234 = tpu.vector_load %arg10[%swap3A_232, %swap3A_233] {strides = array<i32>} : memref<4x128xi32, #tpu.memory_space<vmem>>, vector<16xi32>,
          tpu.vector_store %arg10[%swap3A_232, %swap3A_233], %shift_right_logical3A_228 {strides = array<i32>} : memref<4x128xi32, #tpu.memory_space<vmem>>, vector<16xi32>,
          %and3A = arith.constant 32767 : i32
          %and3A_235 = vector.broadcast %and3A : i32 to vector<16xi32>
          %and3A_236 = arith.andi %get3A_226, %and3A_235 : vector<16xi32>
          %mul3A_237 = arith.constant 16 : i32
          %mul3A_238 = arith.muli %add3A_220, %mul3A_237 : i32
          %swap3A_239 = arith.constant 1 : i32
          %swap3A_240 = arith.index_cast %swap3A_239 : i32 to index
          %swap3A_241 = arith.index_cast %mul3A_238 : i32 to index
          %swap3A_242 = tpu.vector_load %arg11[%swap3A_240, %swap3A_241] {strides = array<i32>} : memref<4x128xi32, #tpu.memory_space<vmem>>, vector<16xi32>,
          tpu.vector_store %arg11[%swap3A_240, %swap3A_241], %and3A_236 {strides = array<i32>} : memref<4x128xi32, #tpu.memory_space<vmem>>, vector<16xi32>,
          %mul3A_243 = arith.constant 4 : i32
          %mul3A_244 = arith.muli %scan3A_216, %mul3A_243 : i32
          %add3A_245 = arith.constant 1 : i32
          %add3A_246 = arith.addi %mul3A_244, %add3A_245 : i32
          %mul3A_247 = arith.constant 16 : i32
          %mul3A_248 = arith.muli %add3A_246, %mul3A_247 : i32
          %get3A_249 = arith.constant 1 : i32
          %get3A_250 = arith.index_cast %get3A_249 : i32 to index
          %get3A_251 = arith.index_cast %mul3A_248 : i32 to index
          %get3A_252 = tpu.vector_load %arg9[%get3A_250, %get3A_251] {strides = array<i32>} : memref<16x128xi32, #tpu.memory_space<vmem>>, vector<16xi32>,
          %shift_right_logical3A_253 = arith.constant 15 : i32
          %shift_right_logical3A_254 = vector.broadcast %shift_right_logical3A_253 : i32 to vector<16xi32>
          %shift_right_logical3A_255 = arith.shrui %get3A_252, %shift_right_logical3A_254 : vector<16xi32>
          %mul3A_256 = arith.constant 16 : i32
          %mul3A_257 = arith.muli %add3A_246, %mul3A_256 : i32
          %swap3A_258 = arith.constant 1 : i32
          %swap3A_259 = arith.index_cast %swap3A_258 : i32 to index
          %swap3A_260 = arith.index_cast %mul3A_257 : i32 to index
          %swap3A_261 = tpu.vector_load %arg10[%swap3A_259, %swap3A_260] {strides = array<i32>} : memref<4x128xi32, #tpu.memory_space<vmem>>, vector<16xi32>,
          tpu.vector_store %arg10[%swap3A_259, %swap3A_260], %shift_right_logical3A_255 {strides = array<i32>} : memref<4x128xi32, #tpu.memory_space<vmem>>, vector<16xi32>,
          %and3A_262 = arith.constant 32767 : i32
          %and3A_263 = vector.broadcast %and3A_262 : i32 to vector<16xi32>
          %and3A_264 = arith.andi %get3A_252, %and3A_263 : vector<16xi32>
          %mul3A_265 = arith.constant 16 : i32
          %mul3A_266 = arith.muli %add3A_246, %mul3A_265 : i32
          %swap3A_267 = arith.constant 1 : i32
          %swap3A_268 = arith.index_cast %swap3A_267 : i32 to index
          %swap3A_269 = arith.index_cast %mul3A_266 : i32 to index
          %swap3A_270 = tpu.vector_load %arg11[%swap3A_268, %swap3A_269] {strides = array<i32>} : memref<4x128xi32, #tpu.memory_space<vmem>>, vector<16xi32>,
          tpu.vector_store %arg11[%swap3A_268, %swap3A_269], %and3A_264 {strides = array<i32>} : memref<4x128xi32, #tpu.memory_space<vmem>>, vector<16xi32>,
          %mul3A_271 = arith.constant 4 : i32
          %mul3A_272 = arith.muli %scan3A_216, %mul3A_271 : i32
          %add3A_273 = arith.constant 2 : i32
          %add3A_274 = arith.addi %mul3A_272, %add3A_273 : i32
          %mul3A_275 = arith.constant 16 : i32
          %mul3A_276 = arith.muli %add3A_274, %mul3A_275 : i32
          %get3A_277 = arith.constant 1 : i32
          %get3A_278 = arith.index_cast %get3A_277 : i32 to index
          %get3A_279 = arith.index_cast %mul3A_276 : i32 to index
          %get3A_280 = tpu.vector_load %arg9[%get3A_278, %get3A_279] {strides = array<i32>} : memref<16x128xi32, #tpu.memory_space<vmem>>, vector<16xi32>,
          %shift_right_logical3A_281 = arith.constant 15 : i32
          %shift_right_logical3A_282 = vector.broadcast %shift_right_logical3A_281 : i32 to vector<16xi32>
          %shift_right_logical3A_283 = arith.shrui %get3A_280, %shift_right_logical3A_282 : vector<16xi32>
          %mul3A_284 = arith.constant 16 : i32
          %mul3A_285 = arith.muli %add3A_274, %mul3A_284 : i32
          %swap3A_286 = arith.constant 1 : i32
          %swap3A_287 = arith.index_cast %swap3A_286 : i32 to index
          %swap3A_288 = arith.index_cast %mul3A_285 : i32 to index
          %swap3A_289 = tpu.vector_load %arg10[%swap3A_287, %swap3A_288] {strides = array<i32>} : memref<4x128xi32, #tpu.memory_space<vmem>>, vector<16xi32>,
          tpu.vector_store %arg10[%swap3A_287, %swap3A_288], %shift_right_logical3A_283 {strides = array<i32>} : memref<4x128xi32, #tpu.memory_space<vmem>>, vector<16xi32>,
          %and3A_290 = arith.constant 32767 : i32
          %and3A_291 = vector.broadcast %and3A_290 : i32 to vector<16xi32>
          %and3A_292 = arith.andi %get3A_280, %and3A_291 : vector<16xi32>
          %mul3A_293 = arith.constant 16 : i32
          %mul3A_294 = arith.muli %add3A_274, %mul3A_293 : i32
          %swap3A_295 = arith.constant 1 : i32
          %swap3A_296 = arith.index_cast %swap3A_295 : i32 to index
          %swap3A_297 = arith.index_cast %mul3A_294 : i32 to index
          %swap3A_298 = tpu.vector_load %arg11[%swap3A_296, %swap3A_297] {strides = array<i32>} : memref<4x128xi32, #tpu.memory_space<vmem>>, vector<16xi32>,
          tpu.vector_store %arg11[%swap3A_296, %swap3A_297], %and3A_292 {strides = array<i32>} : memref<4x128xi32, #tpu.memory_space<vmem>>, vector<16xi32>,
          %mul3A_299 = arith.constant 4 : i32
          %mul3A_300 = arith.muli %scan3A_216, %mul3A_299 : i32
          %add3A_301 = arith.constant 3 : i32
          %add3A_302 = arith.addi %mul3A_300, %add3A_301 : i32
          %mul3A_303 = arith.constant 16 : i32
          %mul3A_304 = arith.muli %add3A_302, %mul3A_303 : i32
          %get3A_305 = arith.constant 1 : i32
          %get3A_306 = arith.index_cast %get3A_305 : i32 to index
          %get3A_307 = arith.index_cast %mul3A_304 : i32 to index
          %get3A_308 = tpu.vector_load %arg9[%get3A_306, %get3A_307] {strides = array<i32>} : memref<16x128xi32, #tpu.memory_space<vmem>>, vector<16xi32>,
          %shift_right_logical3A_309 = arith.constant 15 : i32
          %shift_right_logical3A_310 = vector.broadcast %shift_right_logical3A_309 : i32 to vector<16xi32>
          %shift_right_logical3A_311 = arith.shrui %get3A_308, %shift_right_logical3A_310 : vector<16xi32>
          %mul3A_312 = arith.constant 16 : i32
          %mul3A_313 = arith.muli %add3A_302, %mul3A_312 : i32
          %swap3A_314 = arith.constant 1 : i32
          %swap3A_315 = arith.index_cast %swap3A_314 : i32 to index
          %swap3A_316 = arith.index_cast %mul3A_313 : i32 to index
          %swap3A_317 = tpu.vector_load %arg10[%swap3A_315, %swap3A_316] {strides = array<i32>} : memref<4x128xi32, #tpu.memory_space<vmem>>, vector<16xi32>,
          tpu.vector_store %arg10[%swap3A_315, %swap3A_316], %shift_right_logical3A_311 {strides = array<i32>} : memref<4x128xi32, #tpu.memory_space<vmem>>, vector<16xi32>,
          %and3A_318 = arith.constant 32767 : i32
          %and3A_319 = vector.broadcast %and3A_318 : i32 to vector<16xi32>
          %and3A_320 = arith.andi %get3A_308, %and3A_319 : vector<16xi32>
          %mul3A_321 = arith.constant 16 : i32
          %mul3A_322 = arith.muli %add3A_302, %mul3A_321 : i32
          %swap3A_323 = arith.constant 1 : i32
          %swap3A_324 = arith.index_cast %swap3A_323 : i32 to index
          %swap3A_325 = arith.index_cast %mul3A_322 : i32 to index
          %swap3A_326 = tpu.vector_load %arg11[%swap3A_324, %swap3A_325] {strides = array<i32>} : memref<4x128xi32, #tpu.memory_space<vmem>>, vector<16xi32>,
          tpu.vector_store %arg11[%swap3A_324, %swap3A_325], %and3A_320 {strides = array<i32>} : memref<4x128xi32, #tpu.memory_space<vmem>>, vector<16xi32>,
        }
        %scan3A_183 = arith.constant 2 : i32
        %dma_start3A_184 = arith.constant 1 : i32
        %dma_start3A_185 = arith.constant 1 : i32
        %dma_start3A_186 = arith.constant 0 : i32
        %dma_start3A_187 = arith.constant 0 : i32
        %dma_start3A_188 = tpu.memref_slice %arg12[%dma_start3A_185, %dma_start3A_186, %dma_start3A_187] : memref<2x128x40xf32, #tpu.memory_space<vmem>> -> memref<1x128x40xf32, #tpu.memory_space<vmem>>
        %dma_start3A_189 = tpu.memref_squeeze %dma_start3A_188 : memref<1x128x40xf32, #tpu.memory_space<vmem>> -> memref<128x40xf32, #tpu.memory_space<vmem>>
        %dma_start3A_190 = arith.constant 0 : i32
        %dma_start3A_191 = tpu.memref_slice %arg10[%dma_start3A_184, %dma_start3A_190] : memref<4x128xi32, #tpu.memory_space<vmem>> -> memref<1x128xi32, #tpu.memory_space<vmem>>
        %dma_start3A_192 = tpu.memref_squeeze %dma_start3A_191 : memref<1x128xi32, #tpu.memory_space<vmem>> -> memref<128xi32, #tpu.memory_space<vmem>>
        %dma_start3A_193 = arith.constant 0 : i32
        %dma_start3A_194 = arith.constant 0 : i32
        %dma_start3A_195 = tpu.memref_slice %arg3[%arg0, %dma_start3A_193, %dma_start3A_194] : memref<2x23808x40xf32, #tpu.memory_space<hbm>> -> memref<1x23808x40xf32, #tpu.memory_space<hbm>>
        %dma_start3A_196 = tpu.memref_squeeze %dma_start3A_195 : memref<1x23808x40xf32, #tpu.memory_space<hbm>> -> memref<23808x40xf32, #tpu.memory_space<hbm>>
        %dma_start3A_197 = arith.constant 0 : i32
        %dma_start3A_198 = arith.constant 0 : i32
        %dma_start3A_199 = tpu.memref_slice %dma_start3A_196[%dma_start3A_197, %dma_start3A_198] : memref<23808x40xf32, #tpu.memory_space<hbm>> -> memref<23808x40xf32, #tpu.memory_space<hbm>>
        tpu.enqueue_indirect_dma source(%dma_start3A_199 : memref<23808x40xf32, #tpu.memory_space<hbm>>) target(%dma_start3A_189 : memref<128x40xf32, #tpu.memory_space<vmem>>) offsets(%dma_start3A_192 : memref<128xi32, #tpu.memory_space<vmem>>) semaphore(%arg20 : memref<!tpu.dma_semaphore, #tpu.memory_space<semaphore_mem>>)
        %dma_start3A_200 = arith.constant 1 : i32
        %dma_start3A_201 = arith.constant 1 : i32
        %dma_start3A_202 = arith.constant 0 : i32
        %dma_start3A_203 = arith.constant 0 : i32
        %dma_start3A_204 = tpu.memref_slice %arg13[%dma_start3A_201, %dma_start3A_202, %dma_start3A_203] : memref<2x128x8xf32, #tpu.memory_space<vmem>> -> memref<1x128x8xf32, #tpu.memory_space<vmem>>
        %dma_start3A_205 = tpu.memref_squeeze %dma_start3A_204 : memref<1x128x8xf32, #tpu.memory_space<vmem>> -> memref<128x8xf32, #tpu.memory_space<vmem>>
        %dma_start3A_206 = arith.constant 0 : i32
        %dma_start3A_207 = tpu.memref_slice %arg11[%dma_start3A_200, %dma_start3A_206] : memref<4x128xi32, #tpu.memory_space<vmem>> -> memref<1x128xi32, #tpu.memory_space<vmem>>
        %dma_start3A_208 = tpu.memref_squeeze %dma_start3A_207 : memref<1x128xi32, #tpu.memory_space<vmem>> -> memref<128xi32, #tpu.memory_space<vmem>>
        %dma_start3A_209 = arith.constant 0 : i32
        %dma_start3A_210 = arith.constant 0 : i32
        %dma_start3A_211 = tpu.memref_slice %arg4[%arg0, %dma_start3A_209, %dma_start3A_210] : memref<2x23808x8xf32, #tpu.memory_space<hbm>> -> memref<1x23808x8xf32, #tpu.memory_space<hbm>>
        %dma_start3A_212 = tpu.memref_squeeze %dma_start3A_211 : memref<1x23808x8xf32, #tpu.memory_space<hbm>> -> memref<23808x8xf32, #tpu.memory_space<hbm>>
        %dma_start3A_213 = arith.constant 0 : i32
        %dma_start3A_214 = arith.constant 0 : i32
        %dma_start3A_215 = tpu.memref_slice %dma_start3A_212[%dma_start3A_213, %dma_start3A_214] : memref<23808x8xf32, #tpu.memory_space<hbm>> -> memref<23808x8xf32, #tpu.memory_space<hbm>>
        tpu.enqueue_indirect_dma source(%dma_start3A_215 : memref<23808x8xf32, #tpu.memory_space<hbm>>) target(%dma_start3A_205 : memref<128x8xf32, #tpu.memory_space<vmem>>) offsets(%dma_start3A_208 : memref<128xi32, #tpu.memory_space<vmem>>) semaphore(%arg20 : memref<!tpu.dma_semaphore, #tpu.memory_space<semaphore_mem>>)
      } else {
      }
      %while3A = arith.constant 0 : i32
      %while3A_169 = arith.constant 0 : i32
      %while3A_170 = arith.subi %min3A_128, %while3A_169 : i32
      %while3A_171 = arith.addi %while3A_169, %while3A_170 : i32
      %while3A_172 = arith.constant 1 : i32
      %while3A_173 = arith.divsi %while3A_170, %while3A_172 : i32
      %while3A_174 = arith.muli %while3A_173, %while3A_172 : i32
      %while3A_175 = arith.addi %while3A_169, %while3A_174 : i32
      %while3A_176 = arith.constant 1 : i32
      scf.for %while3A_178 = %while3A_169 to %while3A_175 step %while3A_176  : i32 {
        %mul3A_179 = arith.constant 16 : i32
        %mul3A_180 = arith.muli %scan3A_110, %mul3A_179 : i32
        %add3A_181 = arith.addi %mul3A_180, %while3A_178 : i32
        %jit3A = arith.constant 4 : i32
        %eq3A = arith.constant 0 : i32
        %eq3A_182 = arith.cmpi eq, %jit3A, %eq3A : i32
        %jit3A_183 = arith.constant 1 : i32
        %select_n3A = arith.select %eq3A_182, %jit3A_183, %jit3A : i32
        %rem3A = arith.remsi %while3A_178, %select_n3A : i32
        %ne3A = arith.constant 0 : i32
        %ne3A_184 = arith.cmpi ne, %rem3A, %ne3A : i32
        %lt3A_185 = arith.constant 0 : i32
        %lt3A_186 = arith.cmpi slt, %rem3A, %lt3A_185 : i32
        %lt3A_187 = arith.constant 0 : i32
        %lt3A_188 = arith.cmpi slt, %select_n3A, %lt3A_187 : i32
        %ne3A_189 = arith.xori %lt3A_186, %lt3A_188 : i1
        %and3A = arith.andi %ne3A_189, %ne3A_184 : i1
        %add3A_190 = arith.addi %rem3A, %select_n3A : i32
        %select_n3A_191 = arith.select %and3A, %add3A_190, %rem3A : i32
        %add3A_192 = arith.constant 2 : i32
        %add3A_193 = arith.addi %while3A_178, %add3A_192 : i32
        %jit3A_194 = arith.constant 4 : i32
        %eq3A_195 = arith.constant 0 : i32
        %eq3A_196 = arith.cmpi eq, %jit3A_194, %eq3A_195 : i32
        %jit3A_197 = arith.constant 1 : i32
        %select_n3A_198 = arith.select %eq3A_196, %jit3A_197, %jit3A_194 : i32
        %rem3A_199 = arith.remsi %add3A_193, %select_n3A_198 : i32
        %ne3A_200 = arith.constant 0 : i32
        %ne3A_201 = arith.cmpi ne, %rem3A_199, %ne3A_200 : i32
        %lt3A_202 = arith.constant 0 : i32
        %lt3A_203 = arith.cmpi slt, %rem3A_199, %lt3A_202 : i32
        %lt3A_204 = arith.constant 0 : i32
        %lt3A_205 = arith.cmpi slt, %select_n3A_198, %lt3A_204 : i32
        %ne3A_206 = arith.xori %lt3A_203, %lt3A_205 : i1
        %and3A_207 = arith.andi %ne3A_206, %ne3A_201 : i1
        %add3A_208 = arith.addi %rem3A_199, %select_n3A_198 : i32
        %select_n3A_209 = arith.select %and3A_207, %add3A_208, %rem3A_199 : i32
        %jit3A_210 = arith.constant 2 : i32
        %eq3A_211 = arith.constant 0 : i32
        %eq3A_212 = arith.cmpi eq, %jit3A_210, %eq3A_211 : i32
        %jit3A_213 = arith.constant 1 : i32
        %select_n3A_214 = arith.select %eq3A_212, %jit3A_213, %jit3A_210 : i32
        %rem3A_215 = arith.remsi %while3A_178, %select_n3A_214 : i32
        %ne3A_216 = arith.constant 0 : i32
        %ne3A_217 = arith.cmpi ne, %rem3A_215, %ne3A_216 : i32
        %lt3A_218 = arith.constant 0 : i32
        %lt3A_219 = arith.cmpi slt, %rem3A_215, %lt3A_218 : i32
        %lt3A_220 = arith.constant 0 : i32
        %lt3A_221 = arith.cmpi slt, %select_n3A_214, %lt3A_220 : i32
        %ne3A_222 = arith.xori %lt3A_219, %lt3A_221 : i1
        %and3A_223 = arith.andi %ne3A_222, %ne3A_217 : i1
        %add3A_224 = arith.addi %rem3A_215, %select_n3A_214 : i32
        %select_n3A_225 = arith.select %and3A_223, %add3A_224, %rem3A_215 : i32
        %eq3A_226 = arith.constant 0 : i32
        %eq3A_227 = arith.cmpi eq, %select_n3A_225, %eq3A_226 : i32
        %convert_element_type3A_228 = arith.extui %eq3A_227 : i1 to i32
        %cond3A_229 = arith.constant 0 : i32
        %cond3A_230 = arith.cmpi ne, %convert_element_type3A_228, %cond3A_229 : i32
        scf.if %cond3A_230 {
          %dma_wait3A_252 = arith.constant 0 : i32
          %dma_wait3A_253 = arith.constant 0 : i32
          %dma_wait3A_254 = arith.constant 0 : i32
          %dma_wait3A_255 = tpu.memref_slice %arg12[%dma_wait3A_252, %dma_wait3A_253, %dma_wait3A_254] : memref<2x128x40xf32, #tpu.memory_space<vmem>> -> memref<1x128x40xf32, #tpu.memory_space<vmem>>
          %dma_wait3A_256 = tpu.memref_squeeze %dma_wait3A_255 : memref<1x128x40xf32, #tpu.memory_space<vmem>> -> memref<128x40xf32, #tpu.memory_space<vmem>>
          %dma_wait3A_257 = arith.constant 0 : i32
          %dma_wait3A_258 = tpu.memref_slice %arg10[%select_n3A_191, %dma_wait3A_257] : memref<4x128xi32, #tpu.memory_space<vmem>> -> memref<1x128xi32, #tpu.memory_space<vmem>>
          %dma_wait3A_259 = tpu.memref_squeeze %dma_wait3A_258 : memref<1x128xi32, #tpu.memory_space<vmem>> -> memref<128xi32, #tpu.memory_space<vmem>>
          %dma_wait3A_260 = arith.constant 0 : i32
          %dma_wait3A_261 = arith.constant 0 : i32
          %dma_wait3A_262 = tpu.memref_slice %arg3[%arg0, %dma_wait3A_260, %dma_wait3A_261] : memref<2x23808x40xf32, #tpu.memory_space<hbm>> -> memref<1x23808x40xf32, #tpu.memory_space<hbm>>
          %dma_wait3A_263 = tpu.memref_squeeze %dma_wait3A_262 : memref<1x23808x40xf32, #tpu.memory_space<hbm>> -> memref<23808x40xf32, #tpu.memory_space<hbm>>
          %dma_wait3A_264 = arith.constant 0 : i32
          %dma_wait3A_265 = arith.constant 0 : i32
          %dma_wait3A_266 = tpu.memref_slice %dma_wait3A_263[%dma_wait3A_264, %dma_wait3A_265] : memref<23808x40xf32, #tpu.memory_space<hbm>> -> memref<23808x40xf32, #tpu.memory_space<hbm>>
          tpu.wait_indirect_dma semaphore(%arg19 : memref<!tpu.dma_semaphore, #tpu.memory_space<semaphore_mem>>) src(%dma_wait3A_266 : memref<23808x40xf32, #tpu.memory_space<hbm>>) dst(%dma_wait3A_256 : memref<128x40xf32, #tpu.memory_space<vmem>>)
          %dma_wait3A_267 = arith.constant 0 : i32
          %dma_wait3A_268 = arith.constant 0 : i32
          %dma_wait3A_269 = arith.constant 0 : i32
          %dma_wait3A_270 = tpu.memref_slice %arg13[%dma_wait3A_267, %dma_wait3A_268, %dma_wait3A_269] : memref<2x128x8xf32, #tpu.memory_space<vmem>> -> memref<1x128x8xf32, #tpu.memory_space<vmem>>
          %dma_wait3A_271 = tpu.memref_squeeze %dma_wait3A_270 : memref<1x128x8xf32, #tpu.memory_space<vmem>> -> memref<128x8xf32, #tpu.memory_space<vmem>>
          %dma_wait3A_272 = arith.constant 0 : i32
          %dma_wait3A_273 = tpu.memref_slice %arg11[%select_n3A_191, %dma_wait3A_272] : memref<4x128xi32, #tpu.memory_space<vmem>> -> memref<1x128xi32, #tpu.memory_space<vmem>>
          %dma_wait3A_274 = tpu.memref_squeeze %dma_wait3A_273 : memref<1x128xi32, #tpu.memory_space<vmem>> -> memref<128xi32, #tpu.memory_space<vmem>>
          %dma_wait3A_275 = arith.constant 0 : i32
          %dma_wait3A_276 = arith.constant 0 : i32
          %dma_wait3A_277 = tpu.memref_slice %arg4[%arg0, %dma_wait3A_275, %dma_wait3A_276] : memref<2x23808x8xf32, #tpu.memory_space<hbm>> -> memref<1x23808x8xf32, #tpu.memory_space<hbm>>
          %dma_wait3A_278 = tpu.memref_squeeze %dma_wait3A_277 : memref<1x23808x8xf32, #tpu.memory_space<hbm>> -> memref<23808x8xf32, #tpu.memory_space<hbm>>
          %dma_wait3A_279 = arith.constant 0 : i32
          %dma_wait3A_280 = arith.constant 0 : i32
          %dma_wait3A_281 = tpu.memref_slice %dma_wait3A_278[%dma_wait3A_279, %dma_wait3A_280] : memref<23808x8xf32, #tpu.memory_space<hbm>> -> memref<23808x8xf32, #tpu.memory_space<hbm>>
          tpu.wait_indirect_dma semaphore(%arg19 : memref<!tpu.dma_semaphore, #tpu.memory_space<semaphore_mem>>) src(%dma_wait3A_281 : memref<23808x8xf32, #tpu.memory_space<hbm>>) dst(%dma_wait3A_271 : memref<128x8xf32, #tpu.memory_space<vmem>>)
          %scan3A_282 = arith.constant 0 : i32
          %scan3A_283 = arith.constant 0 : i32
          %scan3A_284 = arith.constant 4 : i32
          %scan3A_285 = arith.addi %scan3A_283, %scan3A_284 : i32
          %scan3A_286 = arith.constant 1 : i32
          scf.for %scan3A_315 = %scan3A_283 to %scan3A_285 step %scan3A_286  : i32 {
            %mul3A_316 = arith.constant 2 : i32
            %mul3A_317 = arith.muli %scan3A_315, %mul3A_316 : i32
            %add3A_318 = arith.constant 0 : i32
            %add3A_319 = arith.addi %mul3A_317, %add3A_318 : i32
            %mul3A_320 = arith.constant 16 : i32
            %mul3A_321 = arith.muli %add3A_319, %mul3A_320 : i32
            %add3A_322 = vector.broadcast %mul3A_321 : i32 to vector<16xi32>
            %add3A_323 = arith.addi %add3A_322, %iota3A : vector<16xi32>
            %broadcast_in_dim3A_324 = arith.constant 32 : i32
            %broadcast_in_dim3A_325 = vector.broadcast %broadcast_in_dim3A_324 : i32 to vector<16xi32>
            %gather3A = arith.constant 0 : i32
            %gather3A_326 = arith.constant 0 : i32
            %gather3A_327 = arith.constant 0 : i32
            %gather3A_328 = tpu.memref_slice %arg12[%gather3A, %gather3A_326, %gather3A_327] : memref<2x128x40xf32, #tpu.memory_space<vmem>> -> memref<1x128x40xf32, #tpu.memory_space<vmem>>
            %gather3A_329 = tpu.memref_squeeze %gather3A_328 : memref<1x128x40xf32, #tpu.memory_space<vmem>> -> memref<128x40xf32, #tpu.memory_space<vmem>>
            %gather3A_330 = tpu.vector_load_idx %gather3A_329[%add3A_323, %broadcast_in_dim3A_325] : memref<128x40xf32, #tpu.memory_space<vmem>>[vector<16xi32>, vector<16xi32>], vector<16xf32>,
            %broadcast_in_dim3A_331 = arith.constant 33 : i32
            %broadcast_in_dim3A_332 = vector.broadcast %broadcast_in_dim3A_331 : i32 to vector<16xi32>
            %gather3A_333 = arith.constant 0 : i32
            %gather3A_334 = arith.constant 0 : i32
            %gather3A_335 = arith.constant 0 : i32
            %gather3A_336 = tpu.memref_slice %arg12[%gather3A_333, %gather3A_334, %gather3A_335] : memref<2x128x40xf32, #tpu.memory_space<vmem>> -> memref<1x128x40xf32, #tpu.memory_space<vmem>>
            %gather3A_337 = tpu.memref_squeeze %gather3A_336 : memref<1x128x40xf32, #tpu.memory_space<vmem>> -> memref<128x40xf32, #tpu.memory_space<vmem>>
            %gather3A_338 = tpu.vector_load_idx %gather3A_337[%add3A_323, %broadcast_in_dim3A_332] : memref<128x40xf32, #tpu.memory_space<vmem>>[vector<16xi32>, vector<16xi32>], vector<16xf32>,
            %broadcast_in_dim3A_339 = arith.constant 0 : i32
            %broadcast_in_dim3A_340 = vector.broadcast %broadcast_in_dim3A_339 : i32 to vector<16xi32>
            %gather3A_341 = arith.constant 0 : i32
            %gather3A_342 = arith.constant 0 : i32
            %gather3A_343 = arith.constant 0 : i32
            %gather3A_344 = tpu.memref_slice %arg13[%gather3A_341, %gather3A_342, %gather3A_343] : memref<2x128x8xf32, #tpu.memory_space<vmem>> -> memref<1x128x8xf32, #tpu.memory_space<vmem>>
            %gather3A_345 = tpu.memref_squeeze %gather3A_344 : memref<1x128x8xf32, #tpu.memory_space<vmem>> -> memref<128x8xf32, #tpu.memory_space<vmem>>
            %gather3A_346 = tpu.vector_load_idx %gather3A_345[%add3A_323, %broadcast_in_dim3A_340] : memref<128x8xf32, #tpu.memory_space<vmem>>[vector<16xi32>, vector<16xi32>], vector<16xf32>,
            %gather3A_347 = arith.constant 0 : i32
            %gather3A_348 = arith.constant 0 : i32
            %gather3A_349 = arith.constant 0 : i32
            %gather3A_350 = tpu.memref_slice %arg13[%gather3A_347, %gather3A_348, %gather3A_349] : memref<2x128x8xf32, #tpu.memory_space<vmem>> -> memref<1x128x8xf32, #tpu.memory_space<vmem>>
            %gather3A_351 = tpu.memref_squeeze %gather3A_350 : memref<1x128x8xf32, #tpu.memory_space<vmem>> -> memref<128x8xf32, #tpu.memory_space<vmem>>
            %gather3A_352 = tpu.vector_load_idx %gather3A_351[%add3A_323, %broadcast_in_dim3A_0] : memref<128x8xf32, #tpu.memory_space<vmem>>[vector<16xi32>, vector<16xi32>], vector<16xf32>,
            %add3A_353 = arith.addf %gather3A_330, %gather3A_346 : vector<16xf32>
            %add3A_354 = arith.addf %gather3A_338, %gather3A_352 : vector<16xf32>
            %gt3A = arith.constant 0.000000e+00 : f32
            %gt3A_355 = vector.broadcast %gt3A : f32 to vector<16xf32>
            %gt3A_356 = arith.cmpf ogt, %add3A_353, %gt3A_355 : vector<16xf32>
            %mul3A_357 = arith.constant 2.000000e-01 : f32
            %mul3A_358 = vector.broadcast %mul3A_357 : f32 to vector<16xf32>
            %mul3A_359 = arith.mulf %mul3A_358, %add3A_353 : vector<16xf32>
            %select_n3A_360 = arith.select %gt3A_356, %add3A_353, %mul3A_359 : vector<16xi1>, vector<16xf32>
            %gt3A_361 = arith.constant 0.000000e+00 : f32
            %gt3A_362 = vector.broadcast %gt3A_361 : f32 to vector<16xf32>
            %gt3A_363 = arith.cmpf ogt, %add3A_354, %gt3A_362 : vector<16xf32>
            %mul3A_364 = arith.constant 2.000000e-01 : f32
            %mul3A_365 = vector.broadcast %mul3A_364 : f32 to vector<16xf32>
            %mul3A_366 = arith.mulf %mul3A_365, %add3A_354 : vector<16xf32>
            %select_n3A_367 = arith.select %gt3A_363, %add3A_354, %mul3A_366 : vector<16xi1>, vector<16xf32>
            %sub3A_368 = arith.subf %select_n3A_360, %get3A_71 : vector<16xf32>
            %exp3A = math.exp %sub3A_368 : vector<16xf32>
            %sub3A_369 = arith.subf %select_n3A_367, %get3A_73 : vector<16xf32>
            %exp3A_370 = math.exp %sub3A_369 : vector<16xf32>
            %mul3A_371 = arith.constant 16 : i32
            %mul3A_372 = arith.muli %add3A_319, %mul3A_371 : i32
            %swap3A_373 = arith.index_cast %mul3A_372 : i32 to index
            %swap3A_374 = tpu.vector_load %arg15[%swap3A_373] {strides = array<i32>} : memref<128xf32, #tpu.memory_space<vmem>>, vector<16xf32>,
            tpu.vector_store %arg15[%swap3A_373], %exp3A {strides = array<i32>} : memref<128xf32, #tpu.memory_space<vmem>>, vector<16xf32>,
            %mul3A_375 = arith.constant 16 : i32
            %mul3A_376 = arith.muli %add3A_319, %mul3A_375 : i32
            %swap3A_377 = arith.index_cast %mul3A_376 : i32 to index
            %swap3A_378 = tpu.vector_load %arg16[%swap3A_377] {strides = array<i32>} : memref<128xf32, #tpu.memory_space<vmem>>, vector<16xf32>,
            tpu.vector_store %arg16[%swap3A_377], %exp3A_370 {strides = array<i32>} : memref<128xf32, #tpu.memory_space<vmem>>, vector<16xf32>,
            %broadcast_in_dim3A_379 = arith.constant 48 : i32
            %broadcast_in_dim3A_380 = vector.broadcast %broadcast_in_dim3A_379 : i32 to vector<16xi32>
            %scatter3A = arith.constant 0 : i32
            %scatter3A_381 = arith.constant 0 : i32
            %scatter3A_382 = arith.constant 0 : i32
            %scatter3A_383 = tpu.memref_slice %arg14[%scatter3A, %scatter3A_381, %scatter3A_382] : memref<2x128x56xf32, #tpu.memory_space<vmem>> -> memref<1x128x56xf32, #tpu.memory_space<vmem>>
            %scatter3A_384 = tpu.memref_squeeze %scatter3A_383 : memref<1x128x56xf32, #tpu.memory_space<vmem>> -> memref<128x56xf32, #tpu.memory_space<vmem>>
            tpu.vector_store_idx %scatter3A_384[%add3A_323, %broadcast_in_dim3A_380], %exp3A : memref<128x56xf32, #tpu.memory_space<vmem>>[vector<16xi32>, vector<16xi32>], vector<16xf32>,
            %broadcast_in_dim3A_385 = arith.constant 49 : i32
            %broadcast_in_dim3A_386 = vector.broadcast %broadcast_in_dim3A_385 : i32 to vector<16xi32>
            %scatter3A_387 = arith.constant 0 : i32
            %scatter3A_388 = arith.constant 0 : i32
            %scatter3A_389 = arith.constant 0 : i32
            %scatter3A_390 = tpu.memref_slice %arg14[%scatter3A_387, %scatter3A_388, %scatter3A_389] : memref<2x128x56xf32, #tpu.memory_space<vmem>> -> memref<1x128x56xf32, #tpu.memory_space<vmem>>
            %scatter3A_391 = tpu.memref_squeeze %scatter3A_390 : memref<1x128x56xf32, #tpu.memory_space<vmem>> -> memref<128x56xf32, #tpu.memory_space<vmem>>
            tpu.vector_store_idx %scatter3A_391[%add3A_323, %broadcast_in_dim3A_386], %exp3A_370 : memref<128x56xf32, #tpu.memory_space<vmem>>[vector<16xi32>, vector<16xi32>], vector<16xf32>,
            %mul3A_392 = arith.constant 2 : i32
            %mul3A_393 = arith.muli %scan3A_315, %mul3A_392 : i32
            %add3A_394 = arith.constant 1 : i32
            %add3A_395 = arith.addi %mul3A_393, %add3A_394 : i32
            %mul3A_396 = arith.constant 16 : i32
            %mul3A_397 = arith.muli %add3A_395, %mul3A_396 : i32
            %add3A_398 = vector.broadcast %mul3A_397 : i32 to vector<16xi32>
            %add3A_399 = arith.addi %add3A_398, %iota3A : vector<16xi32>
            %broadcast_in_dim3A_400 = arith.constant 32 : i32
            %broadcast_in_dim3A_401 = vector.broadcast %broadcast_in_dim3A_400 : i32 to vector<16xi32>
            %gather3A_402 = arith.constant 0 : i32
            %gather3A_403 = arith.constant 0 : i32
            %gather3A_404 = arith.constant 0 : i32
            %gather3A_405 = tpu.memref_slice %arg12[%gather3A_402, %gather3A_403, %gather3A_404] : memref<2x128x40xf32, #tpu.memory_space<vmem>> -> memref<1x128x40xf32, #tpu.memory_space<vmem>>
            %gather3A_406 = tpu.memref_squeeze %gather3A_405 : memref<1x128x40xf32, #tpu.memory_space<vmem>> -> memref<128x40xf32, #tpu.memory_space<vmem>>
            %gather3A_407 = tpu.vector_load_idx %gather3A_406[%add3A_399, %broadcast_in_dim3A_401] : memref<128x40xf32, #tpu.memory_space<vmem>>[vector<16xi32>, vector<16xi32>], vector<16xf32>,
            %broadcast_in_dim3A_408 = arith.constant 33 : i32
            %broadcast_in_dim3A_409 = vector.broadcast %broadcast_in_dim3A_408 : i32 to vector<16xi32>
            %gather3A_410 = arith.constant 0 : i32
            %gather3A_411 = arith.constant 0 : i32
            %gather3A_412 = arith.constant 0 : i32
            %gather3A_413 = tpu.memref_slice %arg12[%gather3A_410, %gather3A_411, %gather3A_412] : memref<2x128x40xf32, #tpu.memory_space<vmem>> -> memref<1x128x40xf32, #tpu.memory_space<vmem>>
            %gather3A_414 = tpu.memref_squeeze %gather3A_413 : memref<1x128x40xf32, #tpu.memory_space<vmem>> -> memref<128x40xf32, #tpu.memory_space<vmem>>
            %gather3A_415 = tpu.vector_load_idx %gather3A_414[%add3A_399, %broadcast_in_dim3A_409] : memref<128x40xf32, #tpu.memory_space<vmem>>[vector<16xi32>, vector<16xi32>], vector<16xf32>,
            %broadcast_in_dim3A_416 = arith.constant 0 : i32
            %broadcast_in_dim3A_417 = vector.broadcast %broadcast_in_dim3A_416 : i32 to vector<16xi32>
            %gather3A_418 = arith.constant 0 : i32
            %gather3A_419 = arith.constant 0 : i32
            %gather3A_420 = arith.constant 0 : i32
            %gather3A_421 = tpu.memref_slice %arg13[%gather3A_418, %gather3A_419, %gather3A_420] : memref<2x128x8xf32, #tpu.memory_space<vmem>> -> memref<1x128x8xf32, #tpu.memory_space<vmem>>
            %gather3A_422 = tpu.memref_squeeze %gather3A_421 : memref<1x128x8xf32, #tpu.memory_space<vmem>> -> memref<128x8xf32, #tpu.memory_space<vmem>>
            %gather3A_423 = tpu.vector_load_idx %gather3A_422[%add3A_399, %broadcast_in_dim3A_417] : memref<128x8xf32, #tpu.memory_space<vmem>>[vector<16xi32>, vector<16xi32>], vector<16xf32>,
            %gather3A_424 = arith.constant 0 : i32
            %gather3A_425 = arith.constant 0 : i32
            %gather3A_426 = arith.constant 0 : i32
            %gather3A_427 = tpu.memref_slice %arg13[%gather3A_424, %gather3A_425, %gather3A_426] : memref<2x128x8xf32, #tpu.memory_space<vmem>> -> memref<1x128x8xf32, #tpu.memory_space<vmem>>
            %gather3A_428 = tpu.memref_squeeze %gather3A_427 : memref<1x128x8xf32, #tpu.memory_space<vmem>> -> memref<128x8xf32, #tpu.memory_space<vmem>>
            %gather3A_429 = tpu.vector_load_idx %gather3A_428[%add3A_399, %broadcast_in_dim3A_0] : memref<128x8xf32, #tpu.memory_space<vmem>>[vector<16xi32>, vector<16xi32>], vector<16xf32>,
            %add3A_430 = arith.addf %gather3A_407, %gather3A_423 : vector<16xf32>
            %add3A_431 = arith.addf %gather3A_415, %gather3A_429 : vector<16xf32>
            %gt3A_432 = arith.constant 0.000000e+00 : f32
            %gt3A_433 = vector.broadcast %gt3A_432 : f32 to vector<16xf32>
            %gt3A_434 = arith.cmpf ogt, %add3A_430, %gt3A_433 : vector<16xf32>
            %mul3A_435 = arith.constant 2.000000e-01 : f32
            %mul3A_436 = vector.broadcast %mul3A_435 : f32 to vector<16xf32>
            %mul3A_437 = arith.mulf %mul3A_436, %add3A_430 : vector<16xf32>
            %select_n3A_438 = arith.select %gt3A_434, %add3A_430, %mul3A_437 : vector<16xi1>, vector<16xf32>
            %gt3A_439 = arith.constant 0.000000e+00 : f32
            %gt3A_440 = vector.broadcast %gt3A_439 : f32 to vector<16xf32>
            %gt3A_441 = arith.cmpf ogt, %add3A_431, %gt3A_440 : vector<16xf32>
            %mul3A_442 = arith.constant 2.000000e-01 : f32
            %mul3A_443 = vector.broadcast %mul3A_442 : f32 to vector<16xf32>
            %mul3A_444 = arith.mulf %mul3A_443, %add3A_431 : vector<16xf32>
            %select_n3A_445 = arith.select %gt3A_441, %add3A_431, %mul3A_444 : vector<16xi1>, vector<16xf32>
            %sub3A_446 = arith.subf %select_n3A_438, %get3A_71 : vector<16xf32>
            %exp3A_447 = math.exp %sub3A_446 : vector<16xf32>
            %sub3A_448 = arith.subf %select_n3A_445, %get3A_73 : vector<16xf32>
            %exp3A_449 = math.exp %sub3A_448 : vector<16xf32>
            %mul3A_450 = arith.constant 16 : i32
            %mul3A_451 = arith.muli %add3A_395, %mul3A_450 : i32
            %swap3A_452 = arith.index_cast %mul3A_451 : i32 to index
            %swap3A_453 = tpu.vector_load %arg15[%swap3A_452] {strides = array<i32>} : memref<128xf32, #tpu.memory_space<vmem>>, vector<16xf32>,
            tpu.vector_store %arg15[%swap3A_452], %exp3A_447 {strides = array<i32>} : memref<128xf32, #tpu.memory_space<vmem>>, vector<16xf32>,
            %mul3A_454 = arith.constant 16 : i32
            %mul3A_455 = arith.muli %add3A_395, %mul3A_454 : i32
            %swap3A_456 = arith.index_cast %mul3A_455 : i32 to index
            %swap3A_457 = tpu.vector_load %arg16[%swap3A_456] {strides = array<i32>} : memref<128xf32, #tpu.memory_space<vmem>>, vector<16xf32>,
            tpu.vector_store %arg16[%swap3A_456], %exp3A_449 {strides = array<i32>} : memref<128xf32, #tpu.memory_space<vmem>>, vector<16xf32>,
            %broadcast_in_dim3A_458 = arith.constant 48 : i32
            %broadcast_in_dim3A_459 = vector.broadcast %broadcast_in_dim3A_458 : i32 to vector<16xi32>
            %scatter3A_460 = arith.constant 0 : i32
            %scatter3A_461 = arith.constant 0 : i32
            %scatter3A_462 = arith.constant 0 : i32
            %scatter3A_463 = tpu.memref_slice %arg14[%scatter3A_460, %scatter3A_461, %scatter3A_462] : memref<2x128x56xf32, #tpu.memory_space<vmem>> -> memref<1x128x56xf32, #tpu.memory_space<vmem>>
            %scatter3A_464 = tpu.memref_squeeze %scatter3A_463 : memref<1x128x56xf32, #tpu.memory_space<vmem>> -> memref<128x56xf32, #tpu.memory_space<vmem>>
            tpu.vector_store_idx %scatter3A_464[%add3A_399, %broadcast_in_dim3A_459], %exp3A_447 : memref<128x56xf32, #tpu.memory_space<vmem>>[vector<16xi32>, vector<16xi32>], vector<16xf32>,
            %broadcast_in_dim3A_465 = arith.constant 49 : i32
            %broadcast_in_dim3A_466 = vector.broadcast %broadcast_in_dim3A_465 : i32 to vector<16xi32>
            %scatter3A_467 = arith.constant 0 : i32
            %scatter3A_468 = arith.constant 0 : i32
            %scatter3A_469 = arith.constant 0 : i32
            %scatter3A_470 = tpu.memref_slice %arg14[%scatter3A_467, %scatter3A_468, %scatter3A_469] : memref<2x128x56xf32, #tpu.memory_space<vmem>> -> memref<1x128x56xf32, #tpu.memory_space<vmem>>
            %scatter3A_471 = tpu.memref_squeeze %scatter3A_470 : memref<1x128x56xf32, #tpu.memory_space<vmem>> -> memref<128x56xf32, #tpu.memory_space<vmem>>
            tpu.vector_store_idx %scatter3A_471[%add3A_399, %broadcast_in_dim3A_466], %exp3A_449 : memref<128x56xf32, #tpu.memory_space<vmem>>[vector<16xi32>, vector<16xi32>], vector<16xf32>,
          }
          %scan3A_287 = arith.constant 4 : i32
          %le3A = arith.constant 2 : i32
          %le3A_288 = arith.cmpi sle, %le3A, %add3A_181 : i32
          %convert_element_type3A_289 = arith.extui %le3A_288 : i1 to i32
          %cond3A_290 = arith.constant 0 : i32
          %cond3A_291 = arith.cmpi ne, %convert_element_type3A_289, %cond3A_290 : i32
          scf.if %cond3A_291 {
            %dma_wait3A_315 = arith.constant 0 : i32
            %dma_wait3A_316 = arith.constant 0 : i32
            %dma_wait3A_317 = arith.constant 0 : i32
            %dma_wait3A_318 = tpu.memref_slice %arg14[%dma_wait3A_315, %dma_wait3A_316, %dma_wait3A_317] : memref<2x128x56xf32, #tpu.memory_space<vmem>> -> memref<1x128x56xf32, #tpu.memory_space<vmem>>
            %dma_wait3A_319 = tpu.memref_squeeze %dma_wait3A_318 : memref<1x128x56xf32, #tpu.memory_space<vmem>> -> memref<128x56xf32, #tpu.memory_space<vmem>>
            %dma_wait3A_320 = arith.constant 0 : i32
            %dma_wait3A_321 = tpu.memref_slice %arg11[%select_n3A_209, %dma_wait3A_320] : memref<4x128xi32, #tpu.memory_space<vmem>> -> memref<1x128xi32, #tpu.memory_space<vmem>>
            %dma_wait3A_322 = tpu.memref_squeeze %dma_wait3A_321 : memref<1x128xi32, #tpu.memory_space<vmem>> -> memref<128xi32, #tpu.memory_space<vmem>>
            %dma_wait3A_323 = arith.constant 0 : i32
            %dma_wait3A_324 = arith.constant 0 : i32
            %dma_wait3A_325 = tpu.memref_slice %arg7[%dma_wait3A_323, %dma_wait3A_324] : memref<23808x56xf32, #tpu.memory_space<vmem_shared>> -> memref<23808x56xf32, #tpu.memory_space<vmem_shared>>
            tpu.wait_indirect_dma semaphore(%arg21 : memref<!tpu.dma_semaphore, #tpu.memory_space<semaphore_mem>>) src(%dma_wait3A_319 : memref<128x56xf32, #tpu.memory_space<vmem>>) dst(%dma_wait3A_325 : memref<23808x56xf32, #tpu.memory_space<vmem_shared>>)
          } else {
          }
          %scan3A_292 = arith.constant 0 : i32
          %scan3A_293 = arith.constant 0 : i32
          %scan3A_294 = arith.constant 32 : i32
          %scan3A_295 = arith.addi %scan3A_293, %scan3A_294 : i32
          %scan3A_296 = arith.constant 1 : i32
          scf.for %scan3A_315 = %scan3A_293 to %scan3A_295 step %scan3A_296  : i32 {
            %mul3A_316 = arith.constant 4 : i32
            %mul3A_317 = arith.muli %scan3A_315, %mul3A_316 : i32
            %add3A_318 = arith.constant 0 : i32
            %add3A_319 = arith.addi %mul3A_317, %add3A_318 : i32
            %broadcast_in_dim3A_320 = vector.broadcast %add3A_319 : i32 to vector<16xi32>
            %gather3A = tpu.vector_load_idx %arg15[%broadcast_in_dim3A_320] : memref<128xf32, #tpu.memory_space<vmem>>[vector<16xi32>], vector<16xf32>,
            %gather3A_321 = tpu.vector_load_idx %arg16[%broadcast_in_dim3A_320] : memref<128xf32, #tpu.memory_space<vmem>>[vector<16xi32>], vector<16xf32>,
            %lt3A_322 = arith.constant 8 : i32
            %lt3A_323 = vector.broadcast %lt3A_322 : i32 to vector<16xi32>
            %lt3A_324 = arith.cmpi slt, %iota3A, %lt3A_323 : vector<16xi32>
            %select_n3A_325 = arith.select %lt3A_324, %gather3A, %gather3A_321 : vector<16xi1>, vector<16xf32>
            %get3A_326 = arith.constant 0 : i32
            %get3A_327 = arith.index_cast %get3A_326 : i32 to index
            %get3A_328 = arith.index_cast %add3A_319 : i32 to index
            %get3A_329 = arith.constant 0 : index
            %get3A_330 = tpu.vector_load %arg12[%get3A_327, %get3A_328, %get3A_329] {strides = array<i32>} : memref<2x128x40xf32, #tpu.memory_space<vmem>>, vector<16xf32>,
            %bitcast3A = vector.bitcast %get3A_330 : vector<16xf32> to vector<16xi32>
            %shift_left3A = arith.constant 16 : i32
            %shift_left3A_331 = vector.broadcast %shift_left3A : i32 to vector<16xi32>
            %shift_left3A_332 = arith.shli %bitcast3A, %shift_left3A_331 : vector<16xi32>
            %bitcast3A_333 = vector.bitcast %shift_left3A_332 : vector<16xi32> to vector<16xf32>
            %and3A_334 = arith.constant -65536 : i32
            %and3A_335 = vector.broadcast %and3A_334 : i32 to vector<16xi32>
            %and3A_336 = arith.andi %bitcast3A, %and3A_335 : vector<16xi32>
            %bitcast3A_337 = vector.bitcast %and3A_336 : vector<16xi32> to vector<16xf32>
            %mul3A_338 = arith.mulf %bitcast3A_333, %gather3A : vector<16xf32>
            %swap3A_339 = arith.constant 0 : i32
            %swap3A_340 = arith.index_cast %swap3A_339 : i32 to index
            %swap3A_341 = arith.index_cast %add3A_319 : i32 to index
            %swap3A_342 = arith.constant 0 : index
            %swap3A_343 = tpu.vector_load %arg14[%swap3A_340, %swap3A_341, %swap3A_342] {strides = array<i32>} : memref<2x128x56xf32, #tpu.memory_space<vmem>>, vector<16xf32>,
            tpu.vector_store %arg14[%swap3A_340, %swap3A_341, %swap3A_342], %mul3A_338 {strides = array<i32>} : memref<2x128x56xf32, #tpu.memory_space<vmem>>, vector<16xf32>,
            %mul3A_344 = arith.mulf %bitcast3A_337, %select_n3A_325 : vector<16xf32>
            %swap3A_345 = arith.constant 0 : i32
            %swap3A_346 = arith.index_cast %swap3A_345 : i32 to index
            %swap3A_347 = arith.index_cast %add3A_319 : i32 to index
            %swap3A_348 = arith.constant 16 : index
            %swap3A_349 = tpu.vector_load %arg14[%swap3A_346, %swap3A_347, %swap3A_348] {strides = array<i32>} : memref<2x128x56xf32, #tpu.memory_space<vmem>>, vector<16xf32>,
            tpu.vector_store %arg14[%swap3A_346, %swap3A_347, %swap3A_348], %mul3A_344 {strides = array<i32>} : memref<2x128x56xf32, #tpu.memory_space<vmem>>, vector<16xf32>,
            %get3A_350 = arith.constant 0 : i32
            %get3A_351 = arith.index_cast %get3A_350 : i32 to index
            %get3A_352 = arith.index_cast %add3A_319 : i32 to index
            %get3A_353 = arith.constant 16 : index
            %get3A_354 = tpu.vector_load %arg12[%get3A_351, %get3A_352, %get3A_353] {strides = array<i32>} : memref<2x128x40xf32, #tpu.memory_space<vmem>>, vector<16xf32>,
            %mul3A_355 = arith.mulf %get3A_354, %gather3A_321 : vector<16xf32>
            %swap3A_356 = arith.constant 0 : i32
            %swap3A_357 = arith.index_cast %swap3A_356 : i32 to index
            %swap3A_358 = arith.index_cast %add3A_319 : i32 to index
            %swap3A_359 = arith.constant 32 : index
            %swap3A_360 = tpu.vector_load %arg14[%swap3A_357, %swap3A_358, %swap3A_359] {strides = array<i32>} : memref<2x128x56xf32, #tpu.memory_space<vmem>>, vector<16xf32>,
            tpu.vector_store %arg14[%swap3A_357, %swap3A_358, %swap3A_359], %mul3A_355 {strides = array<i32>} : memref<2x128x56xf32, #tpu.memory_space<vmem>>, vector<16xf32>,
            %mul3A_361 = arith.constant 4 : i32
            %mul3A_362 = arith.muli %scan3A_315, %mul3A_361 : i32
            %add3A_363 = arith.constant 1 : i32
            %add3A_364 = arith.addi %mul3A_362, %add3A_363 : i32
            %broadcast_in_dim3A_365 = vector.broadcast %add3A_364 : i32 to vector<16xi32>
            %gather3A_366 = tpu.vector_load_idx %arg15[%broadcast_in_dim3A_365] : memref<128xf32, #tpu.memory_space<vmem>>[vector<16xi32>], vector<16xf32>,
            %gather3A_367 = tpu.vector_load_idx %arg16[%broadcast_in_dim3A_365] : memref<128xf32, #tpu.memory_space<vmem>>[vector<16xi32>], vector<16xf32>,
            %lt3A_368 = arith.constant 8 : i32
            %lt3A_369 = vector.broadcast %lt3A_368 : i32 to vector<16xi32>
            %lt3A_370 = arith.cmpi slt, %iota3A, %lt3A_369 : vector<16xi32>
            %select_n3A_371 = arith.select %lt3A_370, %gather3A_366, %gather3A_367 : vector<16xi1>, vector<16xf32>
            %get3A_372 = arith.constant 0 : i32
            %get3A_373 = arith.index_cast %get3A_372 : i32 to index
            %get3A_374 = arith.index_cast %add3A_364 : i32 to index
            %get3A_375 = arith.constant 0 : index
            %get3A_376 = tpu.vector_load %arg12[%get3A_373, %get3A_374, %get3A_375] {strides = array<i32>} : memref<2x128x40xf32, #tpu.memory_space<vmem>>, vector<16xf32>,
            %bitcast3A_377 = vector.bitcast %get3A_376 : vector<16xf32> to vector<16xi32>
            %shift_left3A_378 = arith.constant 16 : i32
            %shift_left3A_379 = vector.broadcast %shift_left3A_378 : i32 to vector<16xi32>
            %shift_left3A_380 = arith.shli %bitcast3A_377, %shift_left3A_379 : vector<16xi32>
            %bitcast3A_381 = vector.bitcast %shift_left3A_380 : vector<16xi32> to vector<16xf32>
            %and3A_382 = arith.constant -65536 : i32
            %and3A_383 = vector.broadcast %and3A_382 : i32 to vector<16xi32>
            %and3A_384 = arith.andi %bitcast3A_377, %and3A_383 : vector<16xi32>
            %bitcast3A_385 = vector.bitcast %and3A_384 : vector<16xi32> to vector<16xf32>
            %mul3A_386 = arith.mulf %bitcast3A_381, %gather3A_366 : vector<16xf32>
            %swap3A_387 = arith.constant 0 : i32
            %swap3A_388 = arith.index_cast %swap3A_387 : i32 to index
            %swap3A_389 = arith.index_cast %add3A_364 : i32 to index
            %swap3A_390 = arith.constant 0 : index
            %swap3A_391 = tpu.vector_load %arg14[%swap3A_388, %swap3A_389, %swap3A_390] {strides = array<i32>} : memref<2x128x56xf32, #tpu.memory_space<vmem>>, vector<16xf32>,
            tpu.vector_store %arg14[%swap3A_388, %swap3A_389, %swap3A_390], %mul3A_386 {strides = array<i32>} : memref<2x128x56xf32, #tpu.memory_space<vmem>>, vector<16xf32>,
            %mul3A_392 = arith.mulf %bitcast3A_385, %select_n3A_371 : vector<16xf32>
            %swap3A_393 = arith.constant 0 : i32
            %swap3A_394 = arith.index_cast %swap3A_393 : i32 to index
            %swap3A_395 = arith.index_cast %add3A_364 : i32 to index
            %swap3A_396 = arith.constant 16 : index
            %swap3A_397 = tpu.vector_load %arg14[%swap3A_394, %swap3A_395, %swap3A_396] {strides = array<i32>} : memref<2x128x56xf32, #tpu.memory_space<vmem>>, vector<16xf32>,
            tpu.vector_store %arg14[%swap3A_394, %swap3A_395, %swap3A_396], %mul3A_392 {strides = array<i32>} : memref<2x128x56xf32, #tpu.memory_space<vmem>>, vector<16xf32>,
            %get3A_398 = arith.constant 0 : i32
            %get3A_399 = arith.index_cast %get3A_398 : i32 to index
            %get3A_400 = arith.index_cast %add3A_364 : i32 to index
            %get3A_401 = arith.constant 16 : index
            %get3A_402 = tpu.vector_load %arg12[%get3A_399, %get3A_400, %get3A_401] {strides = array<i32>} : memref<2x128x40xf32, #tpu.memory_space<vmem>>, vector<16xf32>,
            %mul3A_403 = arith.mulf %get3A_402, %gather3A_367 : vector<16xf32>
            %swap3A_404 = arith.constant 0 : i32
            %swap3A_405 = arith.index_cast %swap3A_404 : i32 to index
            %swap3A_406 = arith.index_cast %add3A_364 : i32 to index
            %swap3A_407 = arith.constant 32 : index
            %swap3A_408 = tpu.vector_load %arg14[%swap3A_405, %swap3A_406, %swap3A_407] {strides = array<i32>} : memref<2x128x56xf32, #tpu.memory_space<vmem>>, vector<16xf32>,
            tpu.vector_store %arg14[%swap3A_405, %swap3A_406, %swap3A_407], %mul3A_403 {strides = array<i32>} : memref<2x128x56xf32, #tpu.memory_space<vmem>>, vector<16xf32>,
            %mul3A_409 = arith.constant 4 : i32
            %mul3A_410 = arith.muli %scan3A_315, %mul3A_409 : i32
            %add3A_411 = arith.constant 2 : i32
            %add3A_412 = arith.addi %mul3A_410, %add3A_411 : i32
            %broadcast_in_dim3A_413 = vector.broadcast %add3A_412 : i32 to vector<16xi32>
            %gather3A_414 = tpu.vector_load_idx %arg15[%broadcast_in_dim3A_413] : memref<128xf32, #tpu.memory_space<vmem>>[vector<16xi32>], vector<16xf32>,
            %gather3A_415 = tpu.vector_load_idx %arg16[%broadcast_in_dim3A_413] : memref<128xf32, #tpu.memory_space<vmem>>[vector<16xi32>], vector<16xf32>,
            %lt3A_416 = arith.constant 8 : i32
            %lt3A_417 = vector.broadcast %lt3A_416 : i32 to vector<16xi32>
            %lt3A_418 = arith.cmpi slt, %iota3A, %lt3A_417 : vector<16xi32>
            %select_n3A_419 = arith.select %lt3A_418, %gather3A_414, %gather3A_415 : vector<16xi1>, vector<16xf32>
            %get3A_420 = arith.constant 0 : i32
            %get3A_421 = arith.index_cast %get3A_420 : i32 to index
            %get3A_422 = arith.index_cast %add3A_412 : i32 to index
            %get3A_423 = arith.constant 0 : index
            %get3A_424 = tpu.vector_load %arg12[%get3A_421, %get3A_422, %get3A_423] {strides = array<i32>} : memref<2x128x40xf32, #tpu.memory_space<vmem>>, vector<16xf32>,
            %bitcast3A_425 = vector.bitcast %get3A_424 : vector<16xf32> to vector<16xi32>
            %shift_left3A_426 = arith.constant 16 : i32
            %shift_left3A_427 = vector.broadcast %shift_left3A_426 : i32 to vector<16xi32>
            %shift_left3A_428 = arith.shli %bitcast3A_425, %shift_left3A_427 : vector<16xi32>
            %bitcast3A_429 = vector.bitcast %shift_left3A_428 : vector<16xi32> to vector<16xf32>
            %and3A_430 = arith.constant -65536 : i32
            %and3A_431 = vector.broadcast %and3A_430 : i32 to vector<16xi32>
            %and3A_432 = arith.andi %bitcast3A_425, %and3A_431 : vector<16xi32>
            %bitcast3A_433 = vector.bitcast %and3A_432 : vector<16xi32> to vector<16xf32>
            %mul3A_434 = arith.mulf %bitcast3A_429, %gather3A_414 : vector<16xf32>
            %swap3A_435 = arith.constant 0 : i32
            %swap3A_436 = arith.index_cast %swap3A_435 : i32 to index
            %swap3A_437 = arith.index_cast %add3A_412 : i32 to index
            %swap3A_438 = arith.constant 0 : index
            %swap3A_439 = tpu.vector_load %arg14[%swap3A_436, %swap3A_437, %swap3A_438] {strides = array<i32>} : memref<2x128x56xf32, #tpu.memory_space<vmem>>, vector<16xf32>,
            tpu.vector_store %arg14[%swap3A_436, %swap3A_437, %swap3A_438], %mul3A_434 {strides = array<i32>} : memref<2x128x56xf32, #tpu.memory_space<vmem>>, vector<16xf32>,
            %mul3A_440 = arith.mulf %bitcast3A_433, %select_n3A_419 : vector<16xf32>
            %swap3A_441 = arith.constant 0 : i32
            %swap3A_442 = arith.index_cast %swap3A_441 : i32 to index
            %swap3A_443 = arith.index_cast %add3A_412 : i32 to index
            %swap3A_444 = arith.constant 16 : index
            %swap3A_445 = tpu.vector_load %arg14[%swap3A_442, %swap3A_443, %swap3A_444] {strides = array<i32>} : memref<2x128x56xf32, #tpu.memory_space<vmem>>, vector<16xf32>,
            tpu.vector_store %arg14[%swap3A_442, %swap3A_443, %swap3A_444], %mul3A_440 {strides = array<i32>} : memref<2x128x56xf32, #tpu.memory_space<vmem>>, vector<16xf32>,
            %get3A_446 = arith.constant 0 : i32
            %get3A_447 = arith.index_cast %get3A_446 : i32 to index
            %get3A_448 = arith.index_cast %add3A_412 : i32 to index
            %get3A_449 = arith.constant 16 : index
            %get3A_450 = tpu.vector_load %arg12[%get3A_447, %get3A_448, %get3A_449] {strides = array<i32>} : memref<2x128x40xf32, #tpu.memory_space<vmem>>, vector<16xf32>,
            %mul3A_451 = arith.mulf %get3A_450, %gather3A_415 : vector<16xf32>
            %swap3A_452 = arith.constant 0 : i32
            %swap3A_453 = arith.index_cast %swap3A_452 : i32 to index
            %swap3A_454 = arith.index_cast %add3A_412 : i32 to index
            %swap3A_455 = arith.constant 32 : index
            %swap3A_456 = tpu.vector_load %arg14[%swap3A_453, %swap3A_454, %swap3A_455] {strides = array<i32>} : memref<2x128x56xf32, #tpu.memory_space<vmem>>, vector<16xf32>,
            tpu.vector_store %arg14[%swap3A_453, %swap3A_454, %swap3A_455], %mul3A_451 {strides = array<i32>} : memref<2x128x56xf32, #tpu.memory_space<vmem>>, vector<16xf32>,
            %mul3A_457 = arith.constant 4 : i32
            %mul3A_458 = arith.muli %scan3A_315, %mul3A_457 : i32
            %add3A_459 = arith.constant 3 : i32
            %add3A_460 = arith.addi %mul3A_458, %add3A_459 : i32
            %broadcast_in_dim3A_461 = vector.broadcast %add3A_460 : i32 to vector<16xi32>
            %gather3A_462 = tpu.vector_load_idx %arg15[%broadcast_in_dim3A_461] : memref<128xf32, #tpu.memory_space<vmem>>[vector<16xi32>], vector<16xf32>,
            %gather3A_463 = tpu.vector_load_idx %arg16[%broadcast_in_dim3A_461] : memref<128xf32, #tpu.memory_space<vmem>>[vector<16xi32>], vector<16xf32>,
            %lt3A_464 = arith.constant 8 : i32
            %lt3A_465 = vector.broadcast %lt3A_464 : i32 to vector<16xi32>
            %lt3A_466 = arith.cmpi slt, %iota3A, %lt3A_465 : vector<16xi32>
            %select_n3A_467 = arith.select %lt3A_466, %gather3A_462, %gather3A_463 : vector<16xi1>, vector<16xf32>
            %get3A_468 = arith.constant 0 : i32
            %get3A_469 = arith.index_cast %get3A_468 : i32 to index
            %get3A_470 = arith.index_cast %add3A_460 : i32 to index
            %get3A_471 = arith.constant 0 : index
            %get3A_472 = tpu.vector_load %arg12[%get3A_469, %get3A_470, %get3A_471] {strides = array<i32>} : memref<2x128x40xf32, #tpu.memory_space<vmem>>, vector<16xf32>,
            %bitcast3A_473 = vector.bitcast %get3A_472 : vector<16xf32> to vector<16xi32>
            %shift_left3A_474 = arith.constant 16 : i32
            %shift_left3A_475 = vector.broadcast %shift_left3A_474 : i32 to vector<16xi32>
            %shift_left3A_476 = arith.shli %bitcast3A_473, %shift_left3A_475 : vector<16xi32>
            %bitcast3A_477 = vector.bitcast %shift_left3A_476 : vector<16xi32> to vector<16xf32>
            %and3A_478 = arith.constant -65536 : i32
            %and3A_479 = vector.broadcast %and3A_478 : i32 to vector<16xi32>
            %and3A_480 = arith.andi %bitcast3A_473, %and3A_479 : vector<16xi32>
            %bitcast3A_481 = vector.bitcast %and3A_480 : vector<16xi32> to vector<16xf32>
            %mul3A_482 = arith.mulf %bitcast3A_477, %gather3A_462 : vector<16xf32>
            %swap3A_483 = arith.constant 0 : i32
            %swap3A_484 = arith.index_cast %swap3A_483 : i32 to index
            %swap3A_485 = arith.index_cast %add3A_460 : i32 to index
            %swap3A_486 = arith.constant 0 : index
            %swap3A_487 = tpu.vector_load %arg14[%swap3A_484, %swap3A_485, %swap3A_486] {strides = array<i32>} : memref<2x128x56xf32, #tpu.memory_space<vmem>>, vector<16xf32>,
            tpu.vector_store %arg14[%swap3A_484, %swap3A_485, %swap3A_486], %mul3A_482 {strides = array<i32>} : memref<2x128x56xf32, #tpu.memory_space<vmem>>, vector<16xf32>,
            %mul3A_488 = arith.mulf %bitcast3A_481, %select_n3A_467 : vector<16xf32>
            %swap3A_489 = arith.constant 0 : i32
            %swap3A_490 = arith.index_cast %swap3A_489 : i32 to index
            %swap3A_491 = arith.index_cast %add3A_460 : i32 to index
            %swap3A_492 = arith.constant 16 : index
            %swap3A_493 = tpu.vector_load %arg14[%swap3A_490, %swap3A_491, %swap3A_492] {strides = array<i32>} : memref<2x128x56xf32, #tpu.memory_space<vmem>>, vector<16xf32>,
            tpu.vector_store %arg14[%swap3A_490, %swap3A_491, %swap3A_492], %mul3A_488 {strides = array<i32>} : memref<2x128x56xf32, #tpu.memory_space<vmem>>, vector<16xf32>,
            %get3A_494 = arith.constant 0 : i32
            %get3A_495 = arith.index_cast %get3A_494 : i32 to index
            %get3A_496 = arith.index_cast %add3A_460 : i32 to index
            %get3A_497 = arith.constant 16 : index
            %get3A_498 = tpu.vector_load %arg12[%get3A_495, %get3A_496, %get3A_497] {strides = array<i32>} : memref<2x128x40xf32, #tpu.memory_space<vmem>>, vector<16xf32>,
            %mul3A_499 = arith.mulf %get3A_498, %gather3A_463 : vector<16xf32>
            %swap3A_500 = arith.constant 0 : i32
            %swap3A_501 = arith.index_cast %swap3A_500 : i32 to index
            %swap3A_502 = arith.index_cast %add3A_460 : i32 to index
            %swap3A_503 = arith.constant 32 : index
            %swap3A_504 = tpu.vector_load %arg14[%swap3A_501, %swap3A_502, %swap3A_503] {strides = array<i32>} : memref<2x128x56xf32, #tpu.memory_space<vmem>>, vector<16xf32>,
            tpu.vector_store %arg14[%swap3A_501, %swap3A_502, %swap3A_503], %mul3A_499 {strides = array<i32>} : memref<2x128x56xf32, #tpu.memory_space<vmem>>, vector<16xf32>,
          }
          %scan3A_297 = arith.constant 32 : i32
          %dma_start3A_298 = arith.constant 0 : i32
          %dma_start3A_299 = arith.constant 0 : i32
          %dma_start3A_300 = arith.constant 0 : i32
          %dma_start3A_301 = tpu.memref_slice %arg14[%dma_start3A_298, %dma_start3A_299, %dma_start3A_300] : memref<2x128x56xf32, #tpu.memory_space<vmem>> -> memref<1x128x56xf32, #tpu.memory_space<vmem>>
          %dma_start3A_302 = tpu.memref_squeeze %dma_start3A_301 : memref<1x128x56xf32, #tpu.memory_space<vmem>> -> memref<128x56xf32, #tpu.memory_space<vmem>>
          %dma_start3A_303 = arith.constant 0 : i32
          %dma_start3A_304 = tpu.memref_slice %arg11[%select_n3A_191, %dma_start3A_303] : memref<4x128xi32, #tpu.memory_space<vmem>> -> memref<1x128xi32, #tpu.memory_space<vmem>>
          %dma_start3A_305 = tpu.memref_squeeze %dma_start3A_304 : memref<1x128xi32, #tpu.memory_space<vmem>> -> memref<128xi32, #tpu.memory_space<vmem>>
          %dma_start3A_306 = arith.constant 0 : i32
          %dma_start3A_307 = arith.constant 0 : i32
          %dma_start3A_308 = tpu.memref_slice %arg7[%dma_start3A_306, %dma_start3A_307] : memref<23808x56xf32, #tpu.memory_space<vmem_shared>> -> memref<23808x56xf32, #tpu.memory_space<vmem_shared>>
          tpu.enqueue_indirect_dma source(%dma_start3A_302 : memref<128x56xf32, #tpu.memory_space<vmem>>) target(%dma_start3A_308 : memref<23808x56xf32, #tpu.memory_space<vmem_shared>>) offsets(%dma_start3A_305 : memref<128xi32, #tpu.memory_space<vmem>>) semaphore(%arg21 : memref<!tpu.dma_semaphore, #tpu.memory_space<semaphore_mem>>) {add = true}
          %add3A_309 = arith.constant 2 : i32
          %add3A_310 = arith.addi %while3A_178, %add3A_309 : i32
          %lt3A_311 = arith.cmpi slt, %add3A_310, %min3A_128 : i32
          %convert_element_type3A_312 = arith.extui %lt3A_311 : i1 to i32
          %cond3A_313 = arith.constant 0 : i32
          %cond3A_314 = arith.cmpi ne, %convert_element_type3A_312, %cond3A_313 : i32
          scf.if %cond3A_314 {
            %add3A_315 = arith.constant 2 : i32
            %add3A_316 = arith.addi %while3A_178, %add3A_315 : i32
            %scan3A_317 = arith.constant 0 : i32
            %scan3A_318 = arith.constant 0 : i32
            %scan3A_319 = arith.constant 2 : i32
            %scan3A_320 = arith.addi %scan3A_318, %scan3A_319 : i32
            %scan3A_321 = arith.constant 1 : i32
            scf.for %scan3A_353 = %scan3A_318 to %scan3A_320 step %scan3A_321  : i32 {
              %mul3A_354 = arith.constant 4 : i32
              %mul3A_355 = arith.muli %scan3A_353, %mul3A_354 : i32
              %add3A_356 = arith.constant 0 : i32
              %add3A_357 = arith.addi %mul3A_355, %add3A_356 : i32
              %mul3A_358 = arith.constant 16 : i32
              %mul3A_359 = arith.muli %add3A_357, %mul3A_358 : i32
              %get3A_360 = arith.index_cast %add3A_316 : i32 to index
              %get3A_361 = arith.index_cast %mul3A_359 : i32 to index
              %get3A_362 = tpu.vector_load %arg9[%get3A_360, %get3A_361] {strides = array<i32>} : memref<16x128xi32, #tpu.memory_space<vmem>>, vector<16xi32>,
              %shift_right_logical3A = arith.constant 15 : i32
              %shift_right_logical3A_363 = vector.broadcast %shift_right_logical3A : i32 to vector<16xi32>
              %shift_right_logical3A_364 = arith.shrui %get3A_362, %shift_right_logical3A_363 : vector<16xi32>
              %mul3A_365 = arith.constant 16 : i32
              %mul3A_366 = arith.muli %add3A_357, %mul3A_365 : i32
              %swap3A_367 = arith.index_cast %select_n3A_209 : i32 to index
              %swap3A_368 = arith.index_cast %mul3A_366 : i32 to index
              %swap3A_369 = tpu.vector_load %arg10[%swap3A_367, %swap3A_368] {strides = array<i32>} : memref<4x128xi32, #tpu.memory_space<vmem>>, vector<16xi32>,
              tpu.vector_store %arg10[%swap3A_367, %swap3A_368], %shift_right_logical3A_364 {strides = array<i32>} : memref<4x128xi32, #tpu.memory_space<vmem>>, vector<16xi32>,
              %and3A_370 = arith.constant 32767 : i32
              %and3A_371 = vector.broadcast %and3A_370 : i32 to vector<16xi32>
              %and3A_372 = arith.andi %get3A_362, %and3A_371 : vector<16xi32>
              %mul3A_373 = arith.constant 16 : i32
              %mul3A_374 = arith.muli %add3A_357, %mul3A_373 : i32
              %swap3A_375 = arith.index_cast %select_n3A_209 : i32 to index
              %swap3A_376 = arith.index_cast %mul3A_374 : i32 to index
              %swap3A_377 = tpu.vector_load %arg11[%swap3A_375, %swap3A_376] {strides = array<i32>} : memref<4x128xi32, #tpu.memory_space<vmem>>, vector<16xi32>,
              tpu.vector_store %arg11[%swap3A_375, %swap3A_376], %and3A_372 {strides = array<i32>} : memref<4x128xi32, #tpu.memory_space<vmem>>, vector<16xi32>,
              %mul3A_378 = arith.constant 4 : i32
              %mul3A_379 = arith.muli %scan3A_353, %mul3A_378 : i32
              %add3A_380 = arith.constant 1 : i32
              %add3A_381 = arith.addi %mul3A_379, %add3A_380 : i32
              %mul3A_382 = arith.constant 16 : i32
              %mul3A_383 = arith.muli %add3A_381, %mul3A_382 : i32
              %get3A_384 = arith.index_cast %add3A_316 : i32 to index
              %get3A_385 = arith.index_cast %mul3A_383 : i32 to index
              %get3A_386 = tpu.vector_load %arg9[%get3A_384, %get3A_385] {strides = array<i32>} : memref<16x128xi32, #tpu.memory_space<vmem>>, vector<16xi32>,
              %shift_right_logical3A_387 = arith.constant 15 : i32
              %shift_right_logical3A_388 = vector.broadcast %shift_right_logical3A_387 : i32 to vector<16xi32>
              %shift_right_logical3A_389 = arith.shrui %get3A_386, %shift_right_logical3A_388 : vector<16xi32>
              %mul3A_390 = arith.constant 16 : i32
              %mul3A_391 = arith.muli %add3A_381, %mul3A_390 : i32
              %swap3A_392 = arith.index_cast %select_n3A_209 : i32 to index
              %swap3A_393 = arith.index_cast %mul3A_391 : i32 to index
              %swap3A_394 = tpu.vector_load %arg10[%swap3A_392, %swap3A_393] {strides = array<i32>} : memref<4x128xi32, #tpu.memory_space<vmem>>, vector<16xi32>,
              tpu.vector_store %arg10[%swap3A_392, %swap3A_393], %shift_right_logical3A_389 {strides = array<i32>} : memref<4x128xi32, #tpu.memory_space<vmem>>, vector<16xi32>,
              %and3A_395 = arith.constant 32767 : i32
              %and3A_396 = vector.broadcast %and3A_395 : i32 to vector<16xi32>
              %and3A_397 = arith.andi %get3A_386, %and3A_396 : vector<16xi32>
              %mul3A_398 = arith.constant 16 : i32
              %mul3A_399 = arith.muli %add3A_381, %mul3A_398 : i32
              %swap3A_400 = arith.index_cast %select_n3A_209 : i32 to index
              %swap3A_401 = arith.index_cast %mul3A_399 : i32 to index
              %swap3A_402 = tpu.vector_load %arg11[%swap3A_400, %swap3A_401] {strides = array<i32>} : memref<4x128xi32, #tpu.memory_space<vmem>>, vector<16xi32>,
              tpu.vector_store %arg11[%swap3A_400, %swap3A_401], %and3A_397 {strides = array<i32>} : memref<4x128xi32, #tpu.memory_space<vmem>>, vector<16xi32>,
              %mul3A_403 = arith.constant 4 : i32
              %mul3A_404 = arith.muli %scan3A_353, %mul3A_403 : i32
              %add3A_405 = arith.constant 2 : i32
              %add3A_406 = arith.addi %mul3A_404, %add3A_405 : i32
              %mul3A_407 = arith.constant 16 : i32
              %mul3A_408 = arith.muli %add3A_406, %mul3A_407 : i32
              %get3A_409 = arith.index_cast %add3A_316 : i32 to index
              %get3A_410 = arith.index_cast %mul3A_408 : i32 to index
              %get3A_411 = tpu.vector_load %arg9[%get3A_409, %get3A_410] {strides = array<i32>} : memref<16x128xi32, #tpu.memory_space<vmem>>, vector<16xi32>,
              %shift_right_logical3A_412 = arith.constant 15 : i32
              %shift_right_logical3A_413 = vector.broadcast %shift_right_logical3A_412 : i32 to vector<16xi32>
              %shift_right_logical3A_414 = arith.shrui %get3A_411, %shift_right_logical3A_413 : vector<16xi32>
              %mul3A_415 = arith.constant 16 : i32
              %mul3A_416 = arith.muli %add3A_406, %mul3A_415 : i32
              %swap3A_417 = arith.index_cast %select_n3A_209 : i32 to index
              %swap3A_418 = arith.index_cast %mul3A_416 : i32 to index
              %swap3A_419 = tpu.vector_load %arg10[%swap3A_417, %swap3A_418] {strides = array<i32>} : memref<4x128xi32, #tpu.memory_space<vmem>>, vector<16xi32>,
              tpu.vector_store %arg10[%swap3A_417, %swap3A_418], %shift_right_logical3A_414 {strides = array<i32>} : memref<4x128xi32, #tpu.memory_space<vmem>>, vector<16xi32>,
              %and3A_420 = arith.constant 32767 : i32
              %and3A_421 = vector.broadcast %and3A_420 : i32 to vector<16xi32>
              %and3A_422 = arith.andi %get3A_411, %and3A_421 : vector<16xi32>
              %mul3A_423 = arith.constant 16 : i32
              %mul3A_424 = arith.muli %add3A_406, %mul3A_423 : i32
              %swap3A_425 = arith.index_cast %select_n3A_209 : i32 to index
              %swap3A_426 = arith.index_cast %mul3A_424 : i32 to index
              %swap3A_427 = tpu.vector_load %arg11[%swap3A_425, %swap3A_426] {strides = array<i32>} : memref<4x128xi32, #tpu.memory_space<vmem>>, vector<16xi32>,
              tpu.vector_store %arg11[%swap3A_425, %swap3A_426], %and3A_422 {strides = array<i32>} : memref<4x128xi32, #tpu.memory_space<vmem>>, vector<16xi32>,
              %mul3A_428 = arith.constant 4 : i32
              %mul3A_429 = arith.muli %scan3A_353, %mul3A_428 : i32
              %add3A_430 = arith.constant 3 : i32
              %add3A_431 = arith.addi %mul3A_429, %add3A_430 : i32
              %mul3A_432 = arith.constant 16 : i32
              %mul3A_433 = arith.muli %add3A_431, %mul3A_432 : i32
              %get3A_434 = arith.index_cast %add3A_316 : i32 to index
              %get3A_435 = arith.index_cast %mul3A_433 : i32 to index
              %get3A_436 = tpu.vector_load %arg9[%get3A_434, %get3A_435] {strides = array<i32>} : memref<16x128xi32, #tpu.memory_space<vmem>>, vector<16xi32>,
              %shift_right_logical3A_437 = arith.constant 15 : i32
              %shift_right_logical3A_438 = vector.broadcast %shift_right_logical3A_437 : i32 to vector<16xi32>
              %shift_right_logical3A_439 = arith.shrui %get3A_436, %shift_right_logical3A_438 : vector<16xi32>
              %mul3A_440 = arith.constant 16 : i32
              %mul3A_441 = arith.muli %add3A_431, %mul3A_440 : i32
              %swap3A_442 = arith.index_cast %select_n3A_209 : i32 to index
              %swap3A_443 = arith.index_cast %mul3A_441 : i32 to index
              %swap3A_444 = tpu.vector_load %arg10[%swap3A_442, %swap3A_443] {strides = array<i32>} : memref<4x128xi32, #tpu.memory_space<vmem>>, vector<16xi32>,
              tpu.vector_store %arg10[%swap3A_442, %swap3A_443], %shift_right_logical3A_439 {strides = array<i32>} : memref<4x128xi32, #tpu.memory_space<vmem>>, vector<16xi32>,
              %and3A_445 = arith.constant 32767 : i32
              %and3A_446 = vector.broadcast %and3A_445 : i32 to vector<16xi32>
              %and3A_447 = arith.andi %get3A_436, %and3A_446 : vector<16xi32>
              %mul3A_448 = arith.constant 16 : i32
              %mul3A_449 = arith.muli %add3A_431, %mul3A_448 : i32
              %swap3A_450 = arith.index_cast %select_n3A_209 : i32 to index
              %swap3A_451 = arith.index_cast %mul3A_449 : i32 to index
              %swap3A_452 = tpu.vector_load %arg11[%swap3A_450, %swap3A_451] {strides = array<i32>} : memref<4x128xi32, #tpu.memory_space<vmem>>, vector<16xi32>,
              tpu.vector_store %arg11[%swap3A_450, %swap3A_451], %and3A_447 {strides = array<i32>} : memref<4x128xi32, #tpu.memory_space<vmem>>, vector<16xi32>,
            }
            %scan3A_322 = arith.constant 2 : i32
            %dma_start3A_323 = arith.constant 0 : i32
            %dma_start3A_324 = arith.constant 0 : i32
            %dma_start3A_325 = arith.constant 0 : i32
            %dma_start3A_326 = tpu.memref_slice %arg12[%dma_start3A_323, %dma_start3A_324, %dma_start3A_325] : memref<2x128x40xf32, #tpu.memory_space<vmem>> -> memref<1x128x40xf32, #tpu.memory_space<vmem>>
            %dma_start3A_327 = tpu.memref_squeeze %dma_start3A_326 : memref<1x128x40xf32, #tpu.memory_space<vmem>> -> memref<128x40xf32, #tpu.memory_space<vmem>>
            %dma_start3A_328 = arith.constant 0 : i32
            %dma_start3A_329 = tpu.memref_slice %arg10[%select_n3A_209, %dma_start3A_328] : memref<4x128xi32, #tpu.memory_space<vmem>> -> memref<1x128xi32, #tpu.memory_space<vmem>>
            %dma_start3A_330 = tpu.memref_squeeze %dma_start3A_329 : memref<1x128xi32, #tpu.memory_space<vmem>> -> memref<128xi32, #tpu.memory_space<vmem>>
            %dma_start3A_331 = arith.constant 0 : i32
            %dma_start3A_332 = arith.constant 0 : i32
            %dma_start3A_333 = tpu.memref_slice %arg3[%arg0, %dma_start3A_331, %dma_start3A_332] : memref<2x23808x40xf32, #tpu.memory_space<hbm>> -> memref<1x23808x40xf32, #tpu.memory_space<hbm>>
            %dma_start3A_334 = tpu.memref_squeeze %dma_start3A_333 : memref<1x23808x40xf32, #tpu.memory_space<hbm>> -> memref<23808x40xf32, #tpu.memory_space<hbm>>
            %dma_start3A_335 = arith.constant 0 : i32
            %dma_start3A_336 = arith.constant 0 : i32
            %dma_start3A_337 = tpu.memref_slice %dma_start3A_334[%dma_start3A_335, %dma_start3A_336] : memref<23808x40xf32, #tpu.memory_space<hbm>> -> memref<23808x40xf32, #tpu.memory_space<hbm>>
            tpu.enqueue_indirect_dma source(%dma_start3A_337 : memref<23808x40xf32, #tpu.memory_space<hbm>>) target(%dma_start3A_327 : memref<128x40xf32, #tpu.memory_space<vmem>>) offsets(%dma_start3A_330 : memref<128xi32, #tpu.memory_space<vmem>>) semaphore(%arg19 : memref<!tpu.dma_semaphore, #tpu.memory_space<semaphore_mem>>)
            %dma_start3A_338 = arith.constant 0 : i32
            %dma_start3A_339 = arith.constant 0 : i32
            %dma_start3A_340 = arith.constant 0 : i32
            %dma_start3A_341 = tpu.memref_slice %arg13[%dma_start3A_338, %dma_start3A_339, %dma_start3A_340] : memref<2x128x8xf32, #tpu.memory_space<vmem>> -> memref<1x128x8xf32, #tpu.memory_space<vmem>>
            %dma_start3A_342 = tpu.memref_squeeze %dma_start3A_341 : memref<1x128x8xf32, #tpu.memory_space<vmem>> -> memref<128x8xf32, #tpu.memory_space<vmem>>
            %dma_start3A_343 = arith.constant 0 : i32
            %dma_start3A_344 = tpu.memref_slice %arg11[%select_n3A_209, %dma_start3A_343] : memref<4x128xi32, #tpu.memory_space<vmem>> -> memref<1x128xi32, #tpu.memory_space<vmem>>
            %dma_start3A_345 = tpu.memref_squeeze %dma_start3A_344 : memref<1x128xi32, #tpu.memory_space<vmem>> -> memref<128xi32, #tpu.memory_space<vmem>>
            %dma_start3A_346 = arith.constant 0 : i32
            %dma_start3A_347 = arith.constant 0 : i32
            %dma_start3A_348 = tpu.memref_slice %arg4[%arg0, %dma_start3A_346, %dma_start3A_347] : memref<2x23808x8xf32, #tpu.memory_space<hbm>> -> memref<1x23808x8xf32, #tpu.memory_space<hbm>>
            %dma_start3A_349 = tpu.memref_squeeze %dma_start3A_348 : memref<1x23808x8xf32, #tpu.memory_space<hbm>> -> memref<23808x8xf32, #tpu.memory_space<hbm>>
            %dma_start3A_350 = arith.constant 0 : i32
            %dma_start3A_351 = arith.constant 0 : i32
            %dma_start3A_352 = tpu.memref_slice %dma_start3A_349[%dma_start3A_350, %dma_start3A_351] : memref<23808x8xf32, #tpu.memory_space<hbm>> -> memref<23808x8xf32, #tpu.memory_space<hbm>>
            tpu.enqueue_indirect_dma source(%dma_start3A_352 : memref<23808x8xf32, #tpu.memory_space<hbm>>) target(%dma_start3A_342 : memref<128x8xf32, #tpu.memory_space<vmem>>) offsets(%dma_start3A_345 : memref<128xi32, #tpu.memory_space<vmem>>) semaphore(%arg19 : memref<!tpu.dma_semaphore, #tpu.memory_space<semaphore_mem>>)
          } else {
          }
        } else {
        }
        %jit3A_231 = arith.constant 2 : i32
        %eq3A_232 = arith.constant 0 : i32
        %eq3A_233 = arith.cmpi eq, %jit3A_231, %eq3A_232 : i32
        %jit3A_234 = arith.constant 1 : i32
        %select_n3A_235 = arith.select %eq3A_233, %jit3A_234, %jit3A_231 : i32
        %rem3A_236 = arith.remsi %while3A_178, %select_n3A_235 : i32
        %ne3A_237 = arith.constant 0 : i32
        %ne3A_238 = arith.cmpi ne, %rem3A_236, %ne3A_237 : i32
        %lt3A_239 = arith.constant 0 : i32
        %lt3A_240 = arith.cmpi slt, %rem3A_236, %lt3A_239 : i32
        %lt3A_241 = arith.constant 0 : i32
        %lt3A_242 = arith.cmpi slt, %select_n3A_235, %lt3A_241 : i32
        %ne3A_243 = arith.xori %lt3A_240, %lt3A_242 : i1
        %and3A_244 = arith.andi %ne3A_243, %ne3A_238 : i1
        %add3A_245 = arith.addi %rem3A_236, %select_n3A_235 : i32
        %select_n3A_246 = arith.select %and3A_244, %add3A_245, %rem3A_236 : i32
        %eq3A_247 = arith.constant 1 : i32
        %eq3A_248 = arith.cmpi eq, %select_n3A_246, %eq3A_247 : i32
        %convert_element_type3A_249 = arith.extui %eq3A_248 : i1 to i32
        %cond3A_250 = arith.constant 0 : i32
        %cond3A_251 = arith.cmpi ne, %convert_element_type3A_249, %cond3A_250 : i32
        scf.if %cond3A_251 {
          %dma_wait3A_252 = arith.constant 1 : i32
          %dma_wait3A_253 = arith.constant 0 : i32
          %dma_wait3A_254 = arith.constant 0 : i32
          %dma_wait3A_255 = tpu.memref_slice %arg12[%dma_wait3A_252, %dma_wait3A_253, %dma_wait3A_254] : memref<2x128x40xf32, #tpu.memory_space<vmem>> -> memref<1x128x40xf32, #tpu.memory_space<vmem>>
          %dma_wait3A_256 = tpu.memref_squeeze %dma_wait3A_255 : memref<1x128x40xf32, #tpu.memory_space<vmem>> -> memref<128x40xf32, #tpu.memory_space<vmem>>
          %dma_wait3A_257 = arith.constant 0 : i32
          %dma_wait3A_258 = tpu.memref_slice %arg10[%select_n3A_191, %dma_wait3A_257] : memref<4x128xi32, #tpu.memory_space<vmem>> -> memref<1x128xi32, #tpu.memory_space<vmem>>
          %dma_wait3A_259 = tpu.memref_squeeze %dma_wait3A_258 : memref<1x128xi32, #tpu.memory_space<vmem>> -> memref<128xi32, #tpu.memory_space<vmem>>
          %dma_wait3A_260 = arith.constant 0 : i32
          %dma_wait3A_261 = arith.constant 0 : i32
          %dma_wait3A_262 = tpu.memref_slice %arg3[%arg0, %dma_wait3A_260, %dma_wait3A_261] : memref<2x23808x40xf32, #tpu.memory_space<hbm>> -> memref<1x23808x40xf32, #tpu.memory_space<hbm>>
          %dma_wait3A_263 = tpu.memref_squeeze %dma_wait3A_262 : memref<1x23808x40xf32, #tpu.memory_space<hbm>> -> memref<23808x40xf32, #tpu.memory_space<hbm>>
          %dma_wait3A_264 = arith.constant 0 : i32
          %dma_wait3A_265 = arith.constant 0 : i32
          %dma_wait3A_266 = tpu.memref_slice %dma_wait3A_263[%dma_wait3A_264, %dma_wait3A_265] : memref<23808x40xf32, #tpu.memory_space<hbm>> -> memref<23808x40xf32, #tpu.memory_space<hbm>>
          tpu.wait_indirect_dma semaphore(%arg20 : memref<!tpu.dma_semaphore, #tpu.memory_space<semaphore_mem>>) src(%dma_wait3A_266 : memref<23808x40xf32, #tpu.memory_space<hbm>>) dst(%dma_wait3A_256 : memref<128x40xf32, #tpu.memory_space<vmem>>)
          %dma_wait3A_267 = arith.constant 1 : i32
          %dma_wait3A_268 = arith.constant 0 : i32
          %dma_wait3A_269 = arith.constant 0 : i32
          %dma_wait3A_270 = tpu.memref_slice %arg13[%dma_wait3A_267, %dma_wait3A_268, %dma_wait3A_269] : memref<2x128x8xf32, #tpu.memory_space<vmem>> -> memref<1x128x8xf32, #tpu.memory_space<vmem>>
          %dma_wait3A_271 = tpu.memref_squeeze %dma_wait3A_270 : memref<1x128x8xf32, #tpu.memory_space<vmem>> -> memref<128x8xf32, #tpu.memory_space<vmem>>
          %dma_wait3A_272 = arith.constant 0 : i32
          %dma_wait3A_273 = tpu.memref_slice %arg11[%select_n3A_191, %dma_wait3A_272] : memref<4x128xi32, #tpu.memory_space<vmem>> -> memref<1x128xi32, #tpu.memory_space<vmem>>
          %dma_wait3A_274 = tpu.memref_squeeze %dma_wait3A_273 : memref<1x128xi32, #tpu.memory_space<vmem>> -> memref<128xi32, #tpu.memory_space<vmem>>
          %dma_wait3A_275 = arith.constant 0 : i32
          %dma_wait3A_276 = arith.constant 0 : i32
          %dma_wait3A_277 = tpu.memref_slice %arg4[%arg0, %dma_wait3A_275, %dma_wait3A_276] : memref<2x23808x8xf32, #tpu.memory_space<hbm>> -> memref<1x23808x8xf32, #tpu.memory_space<hbm>>
          %dma_wait3A_278 = tpu.memref_squeeze %dma_wait3A_277 : memref<1x23808x8xf32, #tpu.memory_space<hbm>> -> memref<23808x8xf32, #tpu.memory_space<hbm>>
          %dma_wait3A_279 = arith.constant 0 : i32
          %dma_wait3A_280 = arith.constant 0 : i32
          %dma_wait3A_281 = tpu.memref_slice %dma_wait3A_278[%dma_wait3A_279, %dma_wait3A_280] : memref<23808x8xf32, #tpu.memory_space<hbm>> -> memref<23808x8xf32, #tpu.memory_space<hbm>>
          tpu.wait_indirect_dma semaphore(%arg20 : memref<!tpu.dma_semaphore, #tpu.memory_space<semaphore_mem>>) src(%dma_wait3A_281 : memref<23808x8xf32, #tpu.memory_space<hbm>>) dst(%dma_wait3A_271 : memref<128x8xf32, #tpu.memory_space<vmem>>)
          %scan3A_282 = arith.constant 0 : i32
          %scan3A_283 = arith.constant 0 : i32
          %scan3A_284 = arith.constant 4 : i32
          %scan3A_285 = arith.addi %scan3A_283, %scan3A_284 : i32
          %scan3A_286 = arith.constant 1 : i32
          scf.for %scan3A_315 = %scan3A_283 to %scan3A_285 step %scan3A_286  : i32 {
            %mul3A_316 = arith.constant 2 : i32
            %mul3A_317 = arith.muli %scan3A_315, %mul3A_316 : i32
            %add3A_318 = arith.constant 0 : i32
            %add3A_319 = arith.addi %mul3A_317, %add3A_318 : i32
            %mul3A_320 = arith.constant 16 : i32
            %mul3A_321 = arith.muli %add3A_319, %mul3A_320 : i32
            %add3A_322 = vector.broadcast %mul3A_321 : i32 to vector<16xi32>
            %add3A_323 = arith.addi %add3A_322, %iota3A : vector<16xi32>
            %broadcast_in_dim3A_324 = arith.constant 32 : i32
            %broadcast_in_dim3A_325 = vector.broadcast %broadcast_in_dim3A_324 : i32 to vector<16xi32>
            %gather3A = arith.constant 1 : i32
            %gather3A_326 = arith.constant 0 : i32
            %gather3A_327 = arith.constant 0 : i32
            %gather3A_328 = tpu.memref_slice %arg12[%gather3A, %gather3A_326, %gather3A_327] : memref<2x128x40xf32, #tpu.memory_space<vmem>> -> memref<1x128x40xf32, #tpu.memory_space<vmem>>
            %gather3A_329 = tpu.memref_squeeze %gather3A_328 : memref<1x128x40xf32, #tpu.memory_space<vmem>> -> memref<128x40xf32, #tpu.memory_space<vmem>>
            %gather3A_330 = tpu.vector_load_idx %gather3A_329[%add3A_323, %broadcast_in_dim3A_325] : memref<128x40xf32, #tpu.memory_space<vmem>>[vector<16xi32>, vector<16xi32>], vector<16xf32>,
            %broadcast_in_dim3A_331 = arith.constant 33 : i32
            %broadcast_in_dim3A_332 = vector.broadcast %broadcast_in_dim3A_331 : i32 to vector<16xi32>
            %gather3A_333 = arith.constant 1 : i32
            %gather3A_334 = arith.constant 0 : i32
            %gather3A_335 = arith.constant 0 : i32
            %gather3A_336 = tpu.memref_slice %arg12[%gather3A_333, %gather3A_334, %gather3A_335] : memref<2x128x40xf32, #tpu.memory_space<vmem>> -> memref<1x128x40xf32, #tpu.memory_space<vmem>>
            %gather3A_337 = tpu.memref_squeeze %gather3A_336 : memref<1x128x40xf32, #tpu.memory_space<vmem>> -> memref<128x40xf32, #tpu.memory_space<vmem>>
            %gather3A_338 = tpu.vector_load_idx %gather3A_337[%add3A_323, %broadcast_in_dim3A_332] : memref<128x40xf32, #tpu.memory_space<vmem>>[vector<16xi32>, vector<16xi32>], vector<16xf32>,
            %broadcast_in_dim3A_339 = arith.constant 0 : i32
            %broadcast_in_dim3A_340 = vector.broadcast %broadcast_in_dim3A_339 : i32 to vector<16xi32>
            %gather3A_341 = arith.constant 1 : i32
            %gather3A_342 = arith.constant 0 : i32
            %gather3A_343 = arith.constant 0 : i32
            %gather3A_344 = tpu.memref_slice %arg13[%gather3A_341, %gather3A_342, %gather3A_343] : memref<2x128x8xf32, #tpu.memory_space<vmem>> -> memref<1x128x8xf32, #tpu.memory_space<vmem>>
            %gather3A_345 = tpu.memref_squeeze %gather3A_344 : memref<1x128x8xf32, #tpu.memory_space<vmem>> -> memref<128x8xf32, #tpu.memory_space<vmem>>
            %gather3A_346 = tpu.vector_load_idx %gather3A_345[%add3A_323, %broadcast_in_dim3A_340] : memref<128x8xf32, #tpu.memory_space<vmem>>[vector<16xi32>, vector<16xi32>], vector<16xf32>,
            %gather3A_347 = arith.constant 1 : i32
            %gather3A_348 = arith.constant 0 : i32
            %gather3A_349 = arith.constant 0 : i32
            %gather3A_350 = tpu.memref_slice %arg13[%gather3A_347, %gather3A_348, %gather3A_349] : memref<2x128x8xf32, #tpu.memory_space<vmem>> -> memref<1x128x8xf32, #tpu.memory_space<vmem>>
            %gather3A_351 = tpu.memref_squeeze %gather3A_350 : memref<1x128x8xf32, #tpu.memory_space<vmem>> -> memref<128x8xf32, #tpu.memory_space<vmem>>
            %gather3A_352 = tpu.vector_load_idx %gather3A_351[%add3A_323, %broadcast_in_dim3A_0] : memref<128x8xf32, #tpu.memory_space<vmem>>[vector<16xi32>, vector<16xi32>], vector<16xf32>,
            %add3A_353 = arith.addf %gather3A_330, %gather3A_346 : vector<16xf32>
            %add3A_354 = arith.addf %gather3A_338, %gather3A_352 : vector<16xf32>
            %gt3A = arith.constant 0.000000e+00 : f32
            %gt3A_355 = vector.broadcast %gt3A : f32 to vector<16xf32>
            %gt3A_356 = arith.cmpf ogt, %add3A_353, %gt3A_355 : vector<16xf32>
            %mul3A_357 = arith.constant 2.000000e-01 : f32
            %mul3A_358 = vector.broadcast %mul3A_357 : f32 to vector<16xf32>
            %mul3A_359 = arith.mulf %mul3A_358, %add3A_353 : vector<16xf32>
            %select_n3A_360 = arith.select %gt3A_356, %add3A_353, %mul3A_359 : vector<16xi1>, vector<16xf32>
            %gt3A_361 = arith.constant 0.000000e+00 : f32
            %gt3A_362 = vector.broadcast %gt3A_361 : f32 to vector<16xf32>
            %gt3A_363 = arith.cmpf ogt, %add3A_354, %gt3A_362 : vector<16xf32>
            %mul3A_364 = arith.constant 2.000000e-01 : f32
            %mul3A_365 = vector.broadcast %mul3A_364 : f32 to vector<16xf32>
            %mul3A_366 = arith.mulf %mul3A_365, %add3A_354 : vector<16xf32>
            %select_n3A_367 = arith.select %gt3A_363, %add3A_354, %mul3A_366 : vector<16xi1>, vector<16xf32>
            %sub3A_368 = arith.subf %select_n3A_360, %get3A_71 : vector<16xf32>
            %exp3A = math.exp %sub3A_368 : vector<16xf32>
            %sub3A_369 = arith.subf %select_n3A_367, %get3A_73 : vector<16xf32>
            %exp3A_370 = math.exp %sub3A_369 : vector<16xf32>
            %mul3A_371 = arith.constant 16 : i32
            %mul3A_372 = arith.muli %add3A_319, %mul3A_371 : i32
            %swap3A_373 = arith.index_cast %mul3A_372 : i32 to index
            %swap3A_374 = tpu.vector_load %arg15[%swap3A_373] {strides = array<i32>} : memref<128xf32, #tpu.memory_space<vmem>>, vector<16xf32>,
            tpu.vector_store %arg15[%swap3A_373], %exp3A {strides = array<i32>} : memref<128xf32, #tpu.memory_space<vmem>>, vector<16xf32>,
            %mul3A_375 = arith.constant 16 : i32
            %mul3A_376 = arith.muli %add3A_319, %mul3A_375 : i32
            %swap3A_377 = arith.index_cast %mul3A_376 : i32 to index
            %swap3A_378 = tpu.vector_load %arg16[%swap3A_377] {strides = array<i32>} : memref<128xf32, #tpu.memory_space<vmem>>, vector<16xf32>,
            tpu.vector_store %arg16[%swap3A_377], %exp3A_370 {strides = array<i32>} : memref<128xf32, #tpu.memory_space<vmem>>, vector<16xf32>,
            %broadcast_in_dim3A_379 = arith.constant 48 : i32
            %broadcast_in_dim3A_380 = vector.broadcast %broadcast_in_dim3A_379 : i32 to vector<16xi32>
            %scatter3A = arith.constant 1 : i32
            %scatter3A_381 = arith.constant 0 : i32
            %scatter3A_382 = arith.constant 0 : i32
            %scatter3A_383 = tpu.memref_slice %arg14[%scatter3A, %scatter3A_381, %scatter3A_382] : memref<2x128x56xf32, #tpu.memory_space<vmem>> -> memref<1x128x56xf32, #tpu.memory_space<vmem>>
            %scatter3A_384 = tpu.memref_squeeze %scatter3A_383 : memref<1x128x56xf32, #tpu.memory_space<vmem>> -> memref<128x56xf32, #tpu.memory_space<vmem>>
            tpu.vector_store_idx %scatter3A_384[%add3A_323, %broadcast_in_dim3A_380], %exp3A : memref<128x56xf32, #tpu.memory_space<vmem>>[vector<16xi32>, vector<16xi32>], vector<16xf32>,
            %broadcast_in_dim3A_385 = arith.constant 49 : i32
            %broadcast_in_dim3A_386 = vector.broadcast %broadcast_in_dim3A_385 : i32 to vector<16xi32>
            %scatter3A_387 = arith.constant 1 : i32
            %scatter3A_388 = arith.constant 0 : i32
            %scatter3A_389 = arith.constant 0 : i32
            %scatter3A_390 = tpu.memref_slice %arg14[%scatter3A_387, %scatter3A_388, %scatter3A_389] : memref<2x128x56xf32, #tpu.memory_space<vmem>> -> memref<1x128x56xf32, #tpu.memory_space<vmem>>
            %scatter3A_391 = tpu.memref_squeeze %scatter3A_390 : memref<1x128x56xf32, #tpu.memory_space<vmem>> -> memref<128x56xf32, #tpu.memory_space<vmem>>
            tpu.vector_store_idx %scatter3A_391[%add3A_323, %broadcast_in_dim3A_386], %exp3A_370 : memref<128x56xf32, #tpu.memory_space<vmem>>[vector<16xi32>, vector<16xi32>], vector<16xf32>,
            %mul3A_392 = arith.constant 2 : i32
            %mul3A_393 = arith.muli %scan3A_315, %mul3A_392 : i32
            %add3A_394 = arith.constant 1 : i32
            %add3A_395 = arith.addi %mul3A_393, %add3A_394 : i32
            %mul3A_396 = arith.constant 16 : i32
            %mul3A_397 = arith.muli %add3A_395, %mul3A_396 : i32
            %add3A_398 = vector.broadcast %mul3A_397 : i32 to vector<16xi32>
            %add3A_399 = arith.addi %add3A_398, %iota3A : vector<16xi32>
            %broadcast_in_dim3A_400 = arith.constant 32 : i32
            %broadcast_in_dim3A_401 = vector.broadcast %broadcast_in_dim3A_400 : i32 to vector<16xi32>
            %gather3A_402 = arith.constant 1 : i32
            %gather3A_403 = arith.constant 0 : i32
            %gather3A_404 = arith.constant 0 : i32
            %gather3A_405 = tpu.memref_slice %arg12[%gather3A_402, %gather3A_403, %gather3A_404] : memref<2x128x40xf32, #tpu.memory_space<vmem>> -> memref<1x128x40xf32, #tpu.memory_space<vmem>>
            %gather3A_406 = tpu.memref_squeeze %gather3A_405 : memref<1x128x40xf32, #tpu.memory_space<vmem>> -> memref<128x40xf32, #tpu.memory_space<vmem>>
            %gather3A_407 = tpu.vector_load_idx %gather3A_406[%add3A_399, %broadcast_in_dim3A_401] : memref<128x40xf32, #tpu.memory_space<vmem>>[vector<16xi32>, vector<16xi32>], vector<16xf32>,
            %broadcast_in_dim3A_408 = arith.constant 33 : i32
            %broadcast_in_dim3A_409 = vector.broadcast %broadcast_in_dim3A_408 : i32 to vector<16xi32>
            %gather3A_410 = arith.constant 1 : i32
            %gather3A_411 = arith.constant 0 : i32
            %gather3A_412 = arith.constant 0 : i32
            %gather3A_413 = tpu.memref_slice %arg12[%gather3A_410, %gather3A_411, %gather3A_412] : memref<2x128x40xf32, #tpu.memory_space<vmem>> -> memref<1x128x40xf32, #tpu.memory_space<vmem>>
            %gather3A_414 = tpu.memref_squeeze %gather3A_413 : memref<1x128x40xf32, #tpu.memory_space<vmem>> -> memref<128x40xf32, #tpu.memory_space<vmem>>
            %gather3A_415 = tpu.vector_load_idx %gather3A_414[%add3A_399, %broadcast_in_dim3A_409] : memref<128x40xf32, #tpu.memory_space<vmem>>[vector<16xi32>, vector<16xi32>], vector<16xf32>,
            %broadcast_in_dim3A_416 = arith.constant 0 : i32
            %broadcast_in_dim3A_417 = vector.broadcast %broadcast_in_dim3A_416 : i32 to vector<16xi32>
            %gather3A_418 = arith.constant 1 : i32
            %gather3A_419 = arith.constant 0 : i32
            %gather3A_420 = arith.constant 0 : i32
            %gather3A_421 = tpu.memref_slice %arg13[%gather3A_418, %gather3A_419, %gather3A_420] : memref<2x128x8xf32, #tpu.memory_space<vmem>> -> memref<1x128x8xf32, #tpu.memory_space<vmem>>
            %gather3A_422 = tpu.memref_squeeze %gather3A_421 : memref<1x128x8xf32, #tpu.memory_space<vmem>> -> memref<128x8xf32, #tpu.memory_space<vmem>>
            %gather3A_423 = tpu.vector_load_idx %gather3A_422[%add3A_399, %broadcast_in_dim3A_417] : memref<128x8xf32, #tpu.memory_space<vmem>>[vector<16xi32>, vector<16xi32>], vector<16xf32>,
            %gather3A_424 = arith.constant 1 : i32
            %gather3A_425 = arith.constant 0 : i32
            %gather3A_426 = arith.constant 0 : i32
            %gather3A_427 = tpu.memref_slice %arg13[%gather3A_424, %gather3A_425, %gather3A_426] : memref<2x128x8xf32, #tpu.memory_space<vmem>> -> memref<1x128x8xf32, #tpu.memory_space<vmem>>
            %gather3A_428 = tpu.memref_squeeze %gather3A_427 : memref<1x128x8xf32, #tpu.memory_space<vmem>> -> memref<128x8xf32, #tpu.memory_space<vmem>>
            %gather3A_429 = tpu.vector_load_idx %gather3A_428[%add3A_399, %broadcast_in_dim3A_0] : memref<128x8xf32, #tpu.memory_space<vmem>>[vector<16xi32>, vector<16xi32>], vector<16xf32>,
            %add3A_430 = arith.addf %gather3A_407, %gather3A_423 : vector<16xf32>
            %add3A_431 = arith.addf %gather3A_415, %gather3A_429 : vector<16xf32>
            %gt3A_432 = arith.constant 0.000000e+00 : f32
            %gt3A_433 = vector.broadcast %gt3A_432 : f32 to vector<16xf32>
            %gt3A_434 = arith.cmpf ogt, %add3A_430, %gt3A_433 : vector<16xf32>
            %mul3A_435 = arith.constant 2.000000e-01 : f32
            %mul3A_436 = vector.broadcast %mul3A_435 : f32 to vector<16xf32>
            %mul3A_437 = arith.mulf %mul3A_436, %add3A_430 : vector<16xf32>
            %select_n3A_438 = arith.select %gt3A_434, %add3A_430, %mul3A_437 : vector<16xi1>, vector<16xf32>
            %gt3A_439 = arith.constant 0.000000e+00 : f32
            %gt3A_440 = vector.broadcast %gt3A_439 : f32 to vector<16xf32>
            %gt3A_441 = arith.cmpf ogt, %add3A_431, %gt3A_440 : vector<16xf32>
            %mul3A_442 = arith.constant 2.000000e-01 : f32
            %mul3A_443 = vector.broadcast %mul3A_442 : f32 to vector<16xf32>
            %mul3A_444 = arith.mulf %mul3A_443, %add3A_431 : vector<16xf32>
            %select_n3A_445 = arith.select %gt3A_441, %add3A_431, %mul3A_444 : vector<16xi1>, vector<16xf32>
            %sub3A_446 = arith.subf %select_n3A_438, %get3A_71 : vector<16xf32>
            %exp3A_447 = math.exp %sub3A_446 : vector<16xf32>
            %sub3A_448 = arith.subf %select_n3A_445, %get3A_73 : vector<16xf32>
            %exp3A_449 = math.exp %sub3A_448 : vector<16xf32>
            %mul3A_450 = arith.constant 16 : i32
            %mul3A_451 = arith.muli %add3A_395, %mul3A_450 : i32
            %swap3A_452 = arith.index_cast %mul3A_451 : i32 to index
            %swap3A_453 = tpu.vector_load %arg15[%swap3A_452] {strides = array<i32>} : memref<128xf32, #tpu.memory_space<vmem>>, vector<16xf32>,
            tpu.vector_store %arg15[%swap3A_452], %exp3A_447 {strides = array<i32>} : memref<128xf32, #tpu.memory_space<vmem>>, vector<16xf32>,
            %mul3A_454 = arith.constant 16 : i32
            %mul3A_455 = arith.muli %add3A_395, %mul3A_454 : i32
            %swap3A_456 = arith.index_cast %mul3A_455 : i32 to index
            %swap3A_457 = tpu.vector_load %arg16[%swap3A_456] {strides = array<i32>} : memref<128xf32, #tpu.memory_space<vmem>>, vector<16xf32>,
            tpu.vector_store %arg16[%swap3A_456], %exp3A_449 {strides = array<i32>} : memref<128xf32, #tpu.memory_space<vmem>>, vector<16xf32>,
            %broadcast_in_dim3A_458 = arith.constant 48 : i32
            %broadcast_in_dim3A_459 = vector.broadcast %broadcast_in_dim3A_458 : i32 to vector<16xi32>
            %scatter3A_460 = arith.constant 1 : i32
            %scatter3A_461 = arith.constant 0 : i32
            %scatter3A_462 = arith.constant 0 : i32
            %scatter3A_463 = tpu.memref_slice %arg14[%scatter3A_460, %scatter3A_461, %scatter3A_462] : memref<2x128x56xf32, #tpu.memory_space<vmem>> -> memref<1x128x56xf32, #tpu.memory_space<vmem>>
            %scatter3A_464 = tpu.memref_squeeze %scatter3A_463 : memref<1x128x56xf32, #tpu.memory_space<vmem>> -> memref<128x56xf32, #tpu.memory_space<vmem>>
            tpu.vector_store_idx %scatter3A_464[%add3A_399, %broadcast_in_dim3A_459], %exp3A_447 : memref<128x56xf32, #tpu.memory_space<vmem>>[vector<16xi32>, vector<16xi32>], vector<16xf32>,
            %broadcast_in_dim3A_465 = arith.constant 49 : i32
            %broadcast_in_dim3A_466 = vector.broadcast %broadcast_in_dim3A_465 : i32 to vector<16xi32>
            %scatter3A_467 = arith.constant 1 : i32
            %scatter3A_468 = arith.constant 0 : i32
            %scatter3A_469 = arith.constant 0 : i32
            %scatter3A_470 = tpu.memref_slice %arg14[%scatter3A_467, %scatter3A_468, %scatter3A_469] : memref<2x128x56xf32, #tpu.memory_space<vmem>> -> memref<1x128x56xf32, #tpu.memory_space<vmem>>
            %scatter3A_471 = tpu.memref_squeeze %scatter3A_470 : memref<1x128x56xf32, #tpu.memory_space<vmem>> -> memref<128x56xf32, #tpu.memory_space<vmem>>
            tpu.vector_store_idx %scatter3A_471[%add3A_399, %broadcast_in_dim3A_466], %exp3A_449 : memref<128x56xf32, #tpu.memory_space<vmem>>[vector<16xi32>, vector<16xi32>], vector<16xf32>,
          }
          %scan3A_287 = arith.constant 4 : i32
          %le3A = arith.constant 2 : i32
          %le3A_288 = arith.cmpi sle, %le3A, %add3A_181 : i32
          %convert_element_type3A_289 = arith.extui %le3A_288 : i1 to i32
          %cond3A_290 = arith.constant 0 : i32
          %cond3A_291 = arith.cmpi ne, %convert_element_type3A_289, %cond3A_290 : i32
          scf.if %cond3A_291 {
            %dma_wait3A_315 = arith.constant 1 : i32
            %dma_wait3A_316 = arith.constant 0 : i32
            %dma_wait3A_317 = arith.constant 0 : i32
            %dma_wait3A_318 = tpu.memref_slice %arg14[%dma_wait3A_315, %dma_wait3A_316, %dma_wait3A_317] : memref<2x128x56xf32, #tpu.memory_space<vmem>> -> memref<1x128x56xf32, #tpu.memory_space<vmem>>
            %dma_wait3A_319 = tpu.memref_squeeze %dma_wait3A_318 : memref<1x128x56xf32, #tpu.memory_space<vmem>> -> memref<128x56xf32, #tpu.memory_space<vmem>>
            %dma_wait3A_320 = arith.constant 0 : i32
            %dma_wait3A_321 = tpu.memref_slice %arg11[%select_n3A_209, %dma_wait3A_320] : memref<4x128xi32, #tpu.memory_space<vmem>> -> memref<1x128xi32, #tpu.memory_space<vmem>>
            %dma_wait3A_322 = tpu.memref_squeeze %dma_wait3A_321 : memref<1x128xi32, #tpu.memory_space<vmem>> -> memref<128xi32, #tpu.memory_space<vmem>>
            %dma_wait3A_323 = arith.constant 0 : i32
            %dma_wait3A_324 = arith.constant 0 : i32
            %dma_wait3A_325 = tpu.memref_slice %arg7[%dma_wait3A_323, %dma_wait3A_324] : memref<23808x56xf32, #tpu.memory_space<vmem_shared>> -> memref<23808x56xf32, #tpu.memory_space<vmem_shared>>
            tpu.wait_indirect_dma semaphore(%arg22 : memref<!tpu.dma_semaphore, #tpu.memory_space<semaphore_mem>>) src(%dma_wait3A_319 : memref<128x56xf32, #tpu.memory_space<vmem>>) dst(%dma_wait3A_325 : memref<23808x56xf32, #tpu.memory_space<vmem_shared>>)
          } else {
          }
          %scan3A_292 = arith.constant 0 : i32
          %scan3A_293 = arith.constant 0 : i32
          %scan3A_294 = arith.constant 32 : i32
          %scan3A_295 = arith.addi %scan3A_293, %scan3A_294 : i32
          %scan3A_296 = arith.constant 1 : i32
          scf.for %scan3A_315 = %scan3A_293 to %scan3A_295 step %scan3A_296  : i32 {
            %mul3A_316 = arith.constant 4 : i32
            %mul3A_317 = arith.muli %scan3A_315, %mul3A_316 : i32
            %add3A_318 = arith.constant 0 : i32
            %add3A_319 = arith.addi %mul3A_317, %add3A_318 : i32
            %broadcast_in_dim3A_320 = vector.broadcast %add3A_319 : i32 to vector<16xi32>
            %gather3A = tpu.vector_load_idx %arg15[%broadcast_in_dim3A_320] : memref<128xf32, #tpu.memory_space<vmem>>[vector<16xi32>], vector<16xf32>,
            %gather3A_321 = tpu.vector_load_idx %arg16[%broadcast_in_dim3A_320] : memref<128xf32, #tpu.memory_space<vmem>>[vector<16xi32>], vector<16xf32>,
            %lt3A_322 = arith.constant 8 : i32
            %lt3A_323 = vector.broadcast %lt3A_322 : i32 to vector<16xi32>
            %lt3A_324 = arith.cmpi slt, %iota3A, %lt3A_323 : vector<16xi32>
            %select_n3A_325 = arith.select %lt3A_324, %gather3A, %gather3A_321 : vector<16xi1>, vector<16xf32>
            %get3A_326 = arith.constant 1 : i32
            %get3A_327 = arith.index_cast %get3A_326 : i32 to index
            %get3A_328 = arith.index_cast %add3A_319 : i32 to index
            %get3A_329 = arith.constant 0 : index
            %get3A_330 = tpu.vector_load %arg12[%get3A_327, %get3A_328, %get3A_329] {strides = array<i32>} : memref<2x128x40xf32, #tpu.memory_space<vmem>>, vector<16xf32>,
            %bitcast3A = vector.bitcast %get3A_330 : vector<16xf32> to vector<16xi32>
            %shift_left3A = arith.constant 16 : i32
            %shift_left3A_331 = vector.broadcast %shift_left3A : i32 to vector<16xi32>
            %shift_left3A_332 = arith.shli %bitcast3A, %shift_left3A_331 : vector<16xi32>
            %bitcast3A_333 = vector.bitcast %shift_left3A_332 : vector<16xi32> to vector<16xf32>
            %and3A_334 = arith.constant -65536 : i32
            %and3A_335 = vector.broadcast %and3A_334 : i32 to vector<16xi32>
            %and3A_336 = arith.andi %bitcast3A, %and3A_335 : vector<16xi32>
            %bitcast3A_337 = vector.bitcast %and3A_336 : vector<16xi32> to vector<16xf32>
            %mul3A_338 = arith.mulf %bitcast3A_333, %gather3A : vector<16xf32>
            %swap3A_339 = arith.constant 1 : i32
            %swap3A_340 = arith.index_cast %swap3A_339 : i32 to index
            %swap3A_341 = arith.index_cast %add3A_319 : i32 to index
            %swap3A_342 = arith.constant 0 : index
            %swap3A_343 = tpu.vector_load %arg14[%swap3A_340, %swap3A_341, %swap3A_342] {strides = array<i32>} : memref<2x128x56xf32, #tpu.memory_space<vmem>>, vector<16xf32>,
            tpu.vector_store %arg14[%swap3A_340, %swap3A_341, %swap3A_342], %mul3A_338 {strides = array<i32>} : memref<2x128x56xf32, #tpu.memory_space<vmem>>, vector<16xf32>,
            %mul3A_344 = arith.mulf %bitcast3A_337, %select_n3A_325 : vector<16xf32>
            %swap3A_345 = arith.constant 1 : i32
            %swap3A_346 = arith.index_cast %swap3A_345 : i32 to index
            %swap3A_347 = arith.index_cast %add3A_319 : i32 to index
            %swap3A_348 = arith.constant 16 : index
            %swap3A_349 = tpu.vector_load %arg14[%swap3A_346, %swap3A_347, %swap3A_348] {strides = array<i32>} : memref<2x128x56xf32, #tpu.memory_space<vmem>>, vector<16xf32>,
            tpu.vector_store %arg14[%swap3A_346, %swap3A_347, %swap3A_348], %mul3A_344 {strides = array<i32>} : memref<2x128x56xf32, #tpu.memory_space<vmem>>, vector<16xf32>,
            %get3A_350 = arith.constant 1 : i32
            %get3A_351 = arith.index_cast %get3A_350 : i32 to index
            %get3A_352 = arith.index_cast %add3A_319 : i32 to index
            %get3A_353 = arith.constant 16 : index
            %get3A_354 = tpu.vector_load %arg12[%get3A_351, %get3A_352, %get3A_353] {strides = array<i32>} : memref<2x128x40xf32, #tpu.memory_space<vmem>>, vector<16xf32>,
            %mul3A_355 = arith.mulf %get3A_354, %gather3A_321 : vector<16xf32>
            %swap3A_356 = arith.constant 1 : i32
            %swap3A_357 = arith.index_cast %swap3A_356 : i32 to index
            %swap3A_358 = arith.index_cast %add3A_319 : i32 to index
            %swap3A_359 = arith.constant 32 : index
            %swap3A_360 = tpu.vector_load %arg14[%swap3A_357, %swap3A_358, %swap3A_359] {strides = array<i32>} : memref<2x128x56xf32, #tpu.memory_space<vmem>>, vector<16xf32>,
            tpu.vector_store %arg14[%swap3A_357, %swap3A_358, %swap3A_359], %mul3A_355 {strides = array<i32>} : memref<2x128x56xf32, #tpu.memory_space<vmem>>, vector<16xf32>,
            %mul3A_361 = arith.constant 4 : i32
            %mul3A_362 = arith.muli %scan3A_315, %mul3A_361 : i32
            %add3A_363 = arith.constant 1 : i32
            %add3A_364 = arith.addi %mul3A_362, %add3A_363 : i32
            %broadcast_in_dim3A_365 = vector.broadcast %add3A_364 : i32 to vector<16xi32>
            %gather3A_366 = tpu.vector_load_idx %arg15[%broadcast_in_dim3A_365] : memref<128xf32, #tpu.memory_space<vmem>>[vector<16xi32>], vector<16xf32>,
            %gather3A_367 = tpu.vector_load_idx %arg16[%broadcast_in_dim3A_365] : memref<128xf32, #tpu.memory_space<vmem>>[vector<16xi32>], vector<16xf32>,
            %lt3A_368 = arith.constant 8 : i32
            %lt3A_369 = vector.broadcast %lt3A_368 : i32 to vector<16xi32>
            %lt3A_370 = arith.cmpi slt, %iota3A, %lt3A_369 : vector<16xi32>
            %select_n3A_371 = arith.select %lt3A_370, %gather3A_366, %gather3A_367 : vector<16xi1>, vector<16xf32>
            %get3A_372 = arith.constant 1 : i32
            %get3A_373 = arith.index_cast %get3A_372 : i32 to index
            %get3A_374 = arith.index_cast %add3A_364 : i32 to index
            %get3A_375 = arith.constant 0 : index
            %get3A_376 = tpu.vector_load %arg12[%get3A_373, %get3A_374, %get3A_375] {strides = array<i32>} : memref<2x128x40xf32, #tpu.memory_space<vmem>>, vector<16xf32>,
            %bitcast3A_377 = vector.bitcast %get3A_376 : vector<16xf32> to vector<16xi32>
            %shift_left3A_378 = arith.constant 16 : i32
            %shift_left3A_379 = vector.broadcast %shift_left3A_378 : i32 to vector<16xi32>
            %shift_left3A_380 = arith.shli %bitcast3A_377, %shift_left3A_379 : vector<16xi32>
            %bitcast3A_381 = vector.bitcast %shift_left3A_380 : vector<16xi32> to vector<16xf32>
            %and3A_382 = arith.constant -65536 : i32
            %and3A_383 = vector.broadcast %and3A_382 : i32 to vector<16xi32>
            %and3A_384 = arith.andi %bitcast3A_377, %and3A_383 : vector<16xi32>
            %bitcast3A_385 = vector.bitcast %and3A_384 : vector<16xi32> to vector<16xf32>
            %mul3A_386 = arith.mulf %bitcast3A_381, %gather3A_366 : vector<16xf32>
            %swap3A_387 = arith.constant 1 : i32
            %swap3A_388 = arith.index_cast %swap3A_387 : i32 to index
            %swap3A_389 = arith.index_cast %add3A_364 : i32 to index
            %swap3A_390 = arith.constant 0 : index
            %swap3A_391 = tpu.vector_load %arg14[%swap3A_388, %swap3A_389, %swap3A_390] {strides = array<i32>} : memref<2x128x56xf32, #tpu.memory_space<vmem>>, vector<16xf32>,
            tpu.vector_store %arg14[%swap3A_388, %swap3A_389, %swap3A_390], %mul3A_386 {strides = array<i32>} : memref<2x128x56xf32, #tpu.memory_space<vmem>>, vector<16xf32>,
            %mul3A_392 = arith.mulf %bitcast3A_385, %select_n3A_371 : vector<16xf32>
            %swap3A_393 = arith.constant 1 : i32
            %swap3A_394 = arith.index_cast %swap3A_393 : i32 to index
            %swap3A_395 = arith.index_cast %add3A_364 : i32 to index
            %swap3A_396 = arith.constant 16 : index
            %swap3A_397 = tpu.vector_load %arg14[%swap3A_394, %swap3A_395, %swap3A_396] {strides = array<i32>} : memref<2x128x56xf32, #tpu.memory_space<vmem>>, vector<16xf32>,
            tpu.vector_store %arg14[%swap3A_394, %swap3A_395, %swap3A_396], %mul3A_392 {strides = array<i32>} : memref<2x128x56xf32, #tpu.memory_space<vmem>>, vector<16xf32>,
            %get3A_398 = arith.constant 1 : i32
            %get3A_399 = arith.index_cast %get3A_398 : i32 to index
            %get3A_400 = arith.index_cast %add3A_364 : i32 to index
            %get3A_401 = arith.constant 16 : index
            %get3A_402 = tpu.vector_load %arg12[%get3A_399, %get3A_400, %get3A_401] {strides = array<i32>} : memref<2x128x40xf32, #tpu.memory_space<vmem>>, vector<16xf32>,
            %mul3A_403 = arith.mulf %get3A_402, %gather3A_367 : vector<16xf32>
            %swap3A_404 = arith.constant 1 : i32
            %swap3A_405 = arith.index_cast %swap3A_404 : i32 to index
            %swap3A_406 = arith.index_cast %add3A_364 : i32 to index
            %swap3A_407 = arith.constant 32 : index
            %swap3A_408 = tpu.vector_load %arg14[%swap3A_405, %swap3A_406, %swap3A_407] {strides = array<i32>} : memref<2x128x56xf32, #tpu.memory_space<vmem>>, vector<16xf32>,
            tpu.vector_store %arg14[%swap3A_405, %swap3A_406, %swap3A_407], %mul3A_403 {strides = array<i32>} : memref<2x128x56xf32, #tpu.memory_space<vmem>>, vector<16xf32>,
            %mul3A_409 = arith.constant 4 : i32
            %mul3A_410 = arith.muli %scan3A_315, %mul3A_409 : i32
            %add3A_411 = arith.constant 2 : i32
            %add3A_412 = arith.addi %mul3A_410, %add3A_411 : i32
            %broadcast_in_dim3A_413 = vector.broadcast %add3A_412 : i32 to vector<16xi32>
            %gather3A_414 = tpu.vector_load_idx %arg15[%broadcast_in_dim3A_413] : memref<128xf32, #tpu.memory_space<vmem>>[vector<16xi32>], vector<16xf32>,
            %gather3A_415 = tpu.vector_load_idx %arg16[%broadcast_in_dim3A_413] : memref<128xf32, #tpu.memory_space<vmem>>[vector<16xi32>], vector<16xf32>,
            %lt3A_416 = arith.constant 8 : i32
            %lt3A_417 = vector.broadcast %lt3A_416 : i32 to vector<16xi32>
            %lt3A_418 = arith.cmpi slt, %iota3A, %lt3A_417 : vector<16xi32>
            %select_n3A_419 = arith.select %lt3A_418, %gather3A_414, %gather3A_415 : vector<16xi1>, vector<16xf32>
            %get3A_420 = arith.constant 1 : i32
            %get3A_421 = arith.index_cast %get3A_420 : i32 to index
            %get3A_422 = arith.index_cast %add3A_412 : i32 to index
            %get3A_423 = arith.constant 0 : index
            %get3A_424 = tpu.vector_load %arg12[%get3A_421, %get3A_422, %get3A_423] {strides = array<i32>} : memref<2x128x40xf32, #tpu.memory_space<vmem>>, vector<16xf32>,
            %bitcast3A_425 = vector.bitcast %get3A_424 : vector<16xf32> to vector<16xi32>
            %shift_left3A_426 = arith.constant 16 : i32
            %shift_left3A_427 = vector.broadcast %shift_left3A_426 : i32 to vector<16xi32>
            %shift_left3A_428 = arith.shli %bitcast3A_425, %shift_left3A_427 : vector<16xi32>
            %bitcast3A_429 = vector.bitcast %shift_left3A_428 : vector<16xi32> to vector<16xf32>
            %and3A_430 = arith.constant -65536 : i32
            %and3A_431 = vector.broadcast %and3A_430 : i32 to vector<16xi32>
            %and3A_432 = arith.andi %bitcast3A_425, %and3A_431 : vector<16xi32>
            %bitcast3A_433 = vector.bitcast %and3A_432 : vector<16xi32> to vector<16xf32>
            %mul3A_434 = arith.mulf %bitcast3A_429, %gather3A_414 : vector<16xf32>
            %swap3A_435 = arith.constant 1 : i32
            %swap3A_436 = arith.index_cast %swap3A_435 : i32 to index
            %swap3A_437 = arith.index_cast %add3A_412 : i32 to index
            %swap3A_438 = arith.constant 0 : index
            %swap3A_439 = tpu.vector_load %arg14[%swap3A_436, %swap3A_437, %swap3A_438] {strides = array<i32>} : memref<2x128x56xf32, #tpu.memory_space<vmem>>, vector<16xf32>,
            tpu.vector_store %arg14[%swap3A_436, %swap3A_437, %swap3A_438], %mul3A_434 {strides = array<i32>} : memref<2x128x56xf32, #tpu.memory_space<vmem>>, vector<16xf32>,
            %mul3A_440 = arith.mulf %bitcast3A_433, %select_n3A_419 : vector<16xf32>
            %swap3A_441 = arith.constant 1 : i32
            %swap3A_442 = arith.index_cast %swap3A_441 : i32 to index
            %swap3A_443 = arith.index_cast %add3A_412 : i32 to index
            %swap3A_444 = arith.constant 16 : index
            %swap3A_445 = tpu.vector_load %arg14[%swap3A_442, %swap3A_443, %swap3A_444] {strides = array<i32>} : memref<2x128x56xf32, #tpu.memory_space<vmem>>, vector<16xf32>,
            tpu.vector_store %arg14[%swap3A_442, %swap3A_443, %swap3A_444], %mul3A_440 {strides = array<i32>} : memref<2x128x56xf32, #tpu.memory_space<vmem>>, vector<16xf32>,
            %get3A_446 = arith.constant 1 : i32
            %get3A_447 = arith.index_cast %get3A_446 : i32 to index
            %get3A_448 = arith.index_cast %add3A_412 : i32 to index
            %get3A_449 = arith.constant 16 : index
            %get3A_450 = tpu.vector_load %arg12[%get3A_447, %get3A_448, %get3A_449] {strides = array<i32>} : memref<2x128x40xf32, #tpu.memory_space<vmem>>, vector<16xf32>,
            %mul3A_451 = arith.mulf %get3A_450, %gather3A_415 : vector<16xf32>
            %swap3A_452 = arith.constant 1 : i32
            %swap3A_453 = arith.index_cast %swap3A_452 : i32 to index
            %swap3A_454 = arith.index_cast %add3A_412 : i32 to index
            %swap3A_455 = arith.constant 32 : index
            %swap3A_456 = tpu.vector_load %arg14[%swap3A_453, %swap3A_454, %swap3A_455] {strides = array<i32>} : memref<2x128x56xf32, #tpu.memory_space<vmem>>, vector<16xf32>,
            tpu.vector_store %arg14[%swap3A_453, %swap3A_454, %swap3A_455], %mul3A_451 {strides = array<i32>} : memref<2x128x56xf32, #tpu.memory_space<vmem>>, vector<16xf32>,
            %mul3A_457 = arith.constant 4 : i32
            %mul3A_458 = arith.muli %scan3A_315, %mul3A_457 : i32
            %add3A_459 = arith.constant 3 : i32
            %add3A_460 = arith.addi %mul3A_458, %add3A_459 : i32
            %broadcast_in_dim3A_461 = vector.broadcast %add3A_460 : i32 to vector<16xi32>
            %gather3A_462 = tpu.vector_load_idx %arg15[%broadcast_in_dim3A_461] : memref<128xf32, #tpu.memory_space<vmem>>[vector<16xi32>], vector<16xf32>,
            %gather3A_463 = tpu.vector_load_idx %arg16[%broadcast_in_dim3A_461] : memref<128xf32, #tpu.memory_space<vmem>>[vector<16xi32>], vector<16xf32>,
            %lt3A_464 = arith.constant 8 : i32
            %lt3A_465 = vector.broadcast %lt3A_464 : i32 to vector<16xi32>
            %lt3A_466 = arith.cmpi slt, %iota3A, %lt3A_465 : vector<16xi32>
            %select_n3A_467 = arith.select %lt3A_466, %gather3A_462, %gather3A_463 : vector<16xi1>, vector<16xf32>
            %get3A_468 = arith.constant 1 : i32
            %get3A_469 = arith.index_cast %get3A_468 : i32 to index
            %get3A_470 = arith.index_cast %add3A_460 : i32 to index
            %get3A_471 = arith.constant 0 : index
            %get3A_472 = tpu.vector_load %arg12[%get3A_469, %get3A_470, %get3A_471] {strides = array<i32>} : memref<2x128x40xf32, #tpu.memory_space<vmem>>, vector<16xf32>,
            %bitcast3A_473 = vector.bitcast %get3A_472 : vector<16xf32> to vector<16xi32>
            %shift_left3A_474 = arith.constant 16 : i32
            %shift_left3A_475 = vector.broadcast %shift_left3A_474 : i32 to vector<16xi32>
            %shift_left3A_476 = arith.shli %bitcast3A_473, %shift_left3A_475 : vector<16xi32>
            %bitcast3A_477 = vector.bitcast %shift_left3A_476 : vector<16xi32> to vector<16xf32>
            %and3A_478 = arith.constant -65536 : i32
            %and3A_479 = vector.broadcast %and3A_478 : i32 to vector<16xi32>
            %and3A_480 = arith.andi %bitcast3A_473, %and3A_479 : vector<16xi32>
            %bitcast3A_481 = vector.bitcast %and3A_480 : vector<16xi32> to vector<16xf32>
            %mul3A_482 = arith.mulf %bitcast3A_477, %gather3A_462 : vector<16xf32>
            %swap3A_483 = arith.constant 1 : i32
            %swap3A_484 = arith.index_cast %swap3A_483 : i32 to index
            %swap3A_485 = arith.index_cast %add3A_460 : i32 to index
            %swap3A_486 = arith.constant 0 : index
            %swap3A_487 = tpu.vector_load %arg14[%swap3A_484, %swap3A_485, %swap3A_486] {strides = array<i32>} : memref<2x128x56xf32, #tpu.memory_space<vmem>>, vector<16xf32>,
            tpu.vector_store %arg14[%swap3A_484, %swap3A_485, %swap3A_486], %mul3A_482 {strides = array<i32>} : memref<2x128x56xf32, #tpu.memory_space<vmem>>, vector<16xf32>,
            %mul3A_488 = arith.mulf %bitcast3A_481, %select_n3A_467 : vector<16xf32>
            %swap3A_489 = arith.constant 1 : i32
            %swap3A_490 = arith.index_cast %swap3A_489 : i32 to index
            %swap3A_491 = arith.index_cast %add3A_460 : i32 to index
            %swap3A_492 = arith.constant 16 : index
            %swap3A_493 = tpu.vector_load %arg14[%swap3A_490, %swap3A_491, %swap3A_492] {strides = array<i32>} : memref<2x128x56xf32, #tpu.memory_space<vmem>>, vector<16xf32>,
            tpu.vector_store %arg14[%swap3A_490, %swap3A_491, %swap3A_492], %mul3A_488 {strides = array<i32>} : memref<2x128x56xf32, #tpu.memory_space<vmem>>, vector<16xf32>,
            %get3A_494 = arith.constant 1 : i32
            %get3A_495 = arith.index_cast %get3A_494 : i32 to index
            %get3A_496 = arith.index_cast %add3A_460 : i32 to index
            %get3A_497 = arith.constant 16 : index
            %get3A_498 = tpu.vector_load %arg12[%get3A_495, %get3A_496, %get3A_497] {strides = array<i32>} : memref<2x128x40xf32, #tpu.memory_space<vmem>>, vector<16xf32>,
            %mul3A_499 = arith.mulf %get3A_498, %gather3A_463 : vector<16xf32>
            %swap3A_500 = arith.constant 1 : i32
            %swap3A_501 = arith.index_cast %swap3A_500 : i32 to index
            %swap3A_502 = arith.index_cast %add3A_460 : i32 to index
            %swap3A_503 = arith.constant 32 : index
            %swap3A_504 = tpu.vector_load %arg14[%swap3A_501, %swap3A_502, %swap3A_503] {strides = array<i32>} : memref<2x128x56xf32, #tpu.memory_space<vmem>>, vector<16xf32>,
            tpu.vector_store %arg14[%swap3A_501, %swap3A_502, %swap3A_503], %mul3A_499 {strides = array<i32>} : memref<2x128x56xf32, #tpu.memory_space<vmem>>, vector<16xf32>,
          }
          %scan3A_297 = arith.constant 32 : i32
          %dma_start3A_298 = arith.constant 1 : i32
          %dma_start3A_299 = arith.constant 0 : i32
          %dma_start3A_300 = arith.constant 0 : i32
          %dma_start3A_301 = tpu.memref_slice %arg14[%dma_start3A_298, %dma_start3A_299, %dma_start3A_300] : memref<2x128x56xf32, #tpu.memory_space<vmem>> -> memref<1x128x56xf32, #tpu.memory_space<vmem>>
          %dma_start3A_302 = tpu.memref_squeeze %dma_start3A_301 : memref<1x128x56xf32, #tpu.memory_space<vmem>> -> memref<128x56xf32, #tpu.memory_space<vmem>>
          %dma_start3A_303 = arith.constant 0 : i32
          %dma_start3A_304 = tpu.memref_slice %arg11[%select_n3A_191, %dma_start3A_303] : memref<4x128xi32, #tpu.memory_space<vmem>> -> memref<1x128xi32, #tpu.memory_space<vmem>>
          %dma_start3A_305 = tpu.memref_squeeze %dma_start3A_304 : memref<1x128xi32, #tpu.memory_space<vmem>> -> memref<128xi32, #tpu.memory_space<vmem>>
          %dma_start3A_306 = arith.constant 0 : i32
          %dma_start3A_307 = arith.constant 0 : i32
          %dma_start3A_308 = tpu.memref_slice %arg7[%dma_start3A_306, %dma_start3A_307] : memref<23808x56xf32, #tpu.memory_space<vmem_shared>> -> memref<23808x56xf32, #tpu.memory_space<vmem_shared>>
          tpu.enqueue_indirect_dma source(%dma_start3A_302 : memref<128x56xf32, #tpu.memory_space<vmem>>) target(%dma_start3A_308 : memref<23808x56xf32, #tpu.memory_space<vmem_shared>>) offsets(%dma_start3A_305 : memref<128xi32, #tpu.memory_space<vmem>>) semaphore(%arg22 : memref<!tpu.dma_semaphore, #tpu.memory_space<semaphore_mem>>) {add = true}
          %add3A_309 = arith.constant 2 : i32
          %add3A_310 = arith.addi %while3A_178, %add3A_309 : i32
          %lt3A_311 = arith.cmpi slt, %add3A_310, %min3A_128 : i32
          %convert_element_type3A_312 = arith.extui %lt3A_311 : i1 to i32
          %cond3A_313 = arith.constant 0 : i32
          %cond3A_314 = arith.cmpi ne, %convert_element_type3A_312, %cond3A_313 : i32
          scf.if %cond3A_314 {
            %add3A_315 = arith.constant 2 : i32
            %add3A_316 = arith.addi %while3A_178, %add3A_315 : i32
            %scan3A_317 = arith.constant 0 : i32
            %scan3A_318 = arith.constant 0 : i32
            %scan3A_319 = arith.constant 2 : i32
            %scan3A_320 = arith.addi %scan3A_318, %scan3A_319 : i32
            %scan3A_321 = arith.constant 1 : i32
            scf.for %scan3A_353 = %scan3A_318 to %scan3A_320 step %scan3A_321  : i32 {
              %mul3A_354 = arith.constant 4 : i32
              %mul3A_355 = arith.muli %scan3A_353, %mul3A_354 : i32
              %add3A_356 = arith.constant 0 : i32
              %add3A_357 = arith.addi %mul3A_355, %add3A_356 : i32
              %mul3A_358 = arith.constant 16 : i32
              %mul3A_359 = arith.muli %add3A_357, %mul3A_358 : i32
              %get3A_360 = arith.index_cast %add3A_316 : i32 to index
              %get3A_361 = arith.index_cast %mul3A_359 : i32 to index
              %get3A_362 = tpu.vector_load %arg9[%get3A_360, %get3A_361] {strides = array<i32>} : memref<16x128xi32, #tpu.memory_space<vmem>>, vector<16xi32>,
              %shift_right_logical3A = arith.constant 15 : i32
              %shift_right_logical3A_363 = vector.broadcast %shift_right_logical3A : i32 to vector<16xi32>
              %shift_right_logical3A_364 = arith.shrui %get3A_362, %shift_right_logical3A_363 : vector<16xi32>
              %mul3A_365 = arith.constant 16 : i32
              %mul3A_366 = arith.muli %add3A_357, %mul3A_365 : i32
              %swap3A_367 = arith.index_cast %select_n3A_209 : i32 to index
              %swap3A_368 = arith.index_cast %mul3A_366 : i32 to index
              %swap3A_369 = tpu.vector_load %arg10[%swap3A_367, %swap3A_368] {strides = array<i32>} : memref<4x128xi32, #tpu.memory_space<vmem>>, vector<16xi32>,
              tpu.vector_store %arg10[%swap3A_367, %swap3A_368], %shift_right_logical3A_364 {strides = array<i32>} : memref<4x128xi32, #tpu.memory_space<vmem>>, vector<16xi32>,
              %and3A_370 = arith.constant 32767 : i32
              %and3A_371 = vector.broadcast %and3A_370 : i32 to vector<16xi32>
              %and3A_372 = arith.andi %get3A_362, %and3A_371 : vector<16xi32>
              %mul3A_373 = arith.constant 16 : i32
              %mul3A_374 = arith.muli %add3A_357, %mul3A_373 : i32
              %swap3A_375 = arith.index_cast %select_n3A_209 : i32 to index
              %swap3A_376 = arith.index_cast %mul3A_374 : i32 to index
              %swap3A_377 = tpu.vector_load %arg11[%swap3A_375, %swap3A_376] {strides = array<i32>} : memref<4x128xi32, #tpu.memory_space<vmem>>, vector<16xi32>,
              tpu.vector_store %arg11[%swap3A_375, %swap3A_376], %and3A_372 {strides = array<i32>} : memref<4x128xi32, #tpu.memory_space<vmem>>, vector<16xi32>,
              %mul3A_378 = arith.constant 4 : i32
              %mul3A_379 = arith.muli %scan3A_353, %mul3A_378 : i32
              %add3A_380 = arith.constant 1 : i32
              %add3A_381 = arith.addi %mul3A_379, %add3A_380 : i32
              %mul3A_382 = arith.constant 16 : i32
              %mul3A_383 = arith.muli %add3A_381, %mul3A_382 : i32
              %get3A_384 = arith.index_cast %add3A_316 : i32 to index
              %get3A_385 = arith.index_cast %mul3A_383 : i32 to index
              %get3A_386 = tpu.vector_load %arg9[%get3A_384, %get3A_385] {strides = array<i32>} : memref<16x128xi32, #tpu.memory_space<vmem>>, vector<16xi32>,
              %shift_right_logical3A_387 = arith.constant 15 : i32
              %shift_right_logical3A_388 = vector.broadcast %shift_right_logical3A_387 : i32 to vector<16xi32>
              %shift_right_logical3A_389 = arith.shrui %get3A_386, %shift_right_logical3A_388 : vector<16xi32>
              %mul3A_390 = arith.constant 16 : i32
              %mul3A_391 = arith.muli %add3A_381, %mul3A_390 : i32
              %swap3A_392 = arith.index_cast %select_n3A_209 : i32 to index
              %swap3A_393 = arith.index_cast %mul3A_391 : i32 to index
              %swap3A_394 = tpu.vector_load %arg10[%swap3A_392, %swap3A_393] {strides = array<i32>} : memref<4x128xi32, #tpu.memory_space<vmem>>, vector<16xi32>,
              tpu.vector_store %arg10[%swap3A_392, %swap3A_393], %shift_right_logical3A_389 {strides = array<i32>} : memref<4x128xi32, #tpu.memory_space<vmem>>, vector<16xi32>,
              %and3A_395 = arith.constant 32767 : i32
              %and3A_396 = vector.broadcast %and3A_395 : i32 to vector<16xi32>
              %and3A_397 = arith.andi %get3A_386, %and3A_396 : vector<16xi32>
              %mul3A_398 = arith.constant 16 : i32
              %mul3A_399 = arith.muli %add3A_381, %mul3A_398 : i32
              %swap3A_400 = arith.index_cast %select_n3A_209 : i32 to index
              %swap3A_401 = arith.index_cast %mul3A_399 : i32 to index
              %swap3A_402 = tpu.vector_load %arg11[%swap3A_400, %swap3A_401] {strides = array<i32>} : memref<4x128xi32, #tpu.memory_space<vmem>>, vector<16xi32>,
              tpu.vector_store %arg11[%swap3A_400, %swap3A_401], %and3A_397 {strides = array<i32>} : memref<4x128xi32, #tpu.memory_space<vmem>>, vector<16xi32>,
              %mul3A_403 = arith.constant 4 : i32
              %mul3A_404 = arith.muli %scan3A_353, %mul3A_403 : i32
              %add3A_405 = arith.constant 2 : i32
              %add3A_406 = arith.addi %mul3A_404, %add3A_405 : i32
              %mul3A_407 = arith.constant 16 : i32
              %mul3A_408 = arith.muli %add3A_406, %mul3A_407 : i32
              %get3A_409 = arith.index_cast %add3A_316 : i32 to index
              %get3A_410 = arith.index_cast %mul3A_408 : i32 to index
              %get3A_411 = tpu.vector_load %arg9[%get3A_409, %get3A_410] {strides = array<i32>} : memref<16x128xi32, #tpu.memory_space<vmem>>, vector<16xi32>,
              %shift_right_logical3A_412 = arith.constant 15 : i32
              %shift_right_logical3A_413 = vector.broadcast %shift_right_logical3A_412 : i32 to vector<16xi32>
              %shift_right_logical3A_414 = arith.shrui %get3A_411, %shift_right_logical3A_413 : vector<16xi32>
              %mul3A_415 = arith.constant 16 : i32
              %mul3A_416 = arith.muli %add3A_406, %mul3A_415 : i32
              %swap3A_417 = arith.index_cast %select_n3A_209 : i32 to index
              %swap3A_418 = arith.index_cast %mul3A_416 : i32 to index
              %swap3A_419 = tpu.vector_load %arg10[%swap3A_417, %swap3A_418] {strides = array<i32>} : memref<4x128xi32, #tpu.memory_space<vmem>>, vector<16xi32>,
              tpu.vector_store %arg10[%swap3A_417, %swap3A_418], %shift_right_logical3A_414 {strides = array<i32>} : memref<4x128xi32, #tpu.memory_space<vmem>>, vector<16xi32>,
              %and3A_420 = arith.constant 32767 : i32
              %and3A_421 = vector.broadcast %and3A_420 : i32 to vector<16xi32>
              %and3A_422 = arith.andi %get3A_411, %and3A_421 : vector<16xi32>
              %mul3A_423 = arith.constant 16 : i32
              %mul3A_424 = arith.muli %add3A_406, %mul3A_423 : i32
              %swap3A_425 = arith.index_cast %select_n3A_209 : i32 to index
              %swap3A_426 = arith.index_cast %mul3A_424 : i32 to index
              %swap3A_427 = tpu.vector_load %arg11[%swap3A_425, %swap3A_426] {strides = array<i32>} : memref<4x128xi32, #tpu.memory_space<vmem>>, vector<16xi32>,
              tpu.vector_store %arg11[%swap3A_425, %swap3A_426], %and3A_422 {strides = array<i32>} : memref<4x128xi32, #tpu.memory_space<vmem>>, vector<16xi32>,
              %mul3A_428 = arith.constant 4 : i32
              %mul3A_429 = arith.muli %scan3A_353, %mul3A_428 : i32
              %add3A_430 = arith.constant 3 : i32
              %add3A_431 = arith.addi %mul3A_429, %add3A_430 : i32
              %mul3A_432 = arith.constant 16 : i32
              %mul3A_433 = arith.muli %add3A_431, %mul3A_432 : i32
              %get3A_434 = arith.index_cast %add3A_316 : i32 to index
              %get3A_435 = arith.index_cast %mul3A_433 : i32 to index
              %get3A_436 = tpu.vector_load %arg9[%get3A_434, %get3A_435] {strides = array<i32>} : memref<16x128xi32, #tpu.memory_space<vmem>>, vector<16xi32>,
              %shift_right_logical3A_437 = arith.constant 15 : i32
              %shift_right_logical3A_438 = vector.broadcast %shift_right_logical3A_437 : i32 to vector<16xi32>
              %shift_right_logical3A_439 = arith.shrui %get3A_436, %shift_right_logical3A_438 : vector<16xi32>
              %mul3A_440 = arith.constant 16 : i32
              %mul3A_441 = arith.muli %add3A_431, %mul3A_440 : i32
              %swap3A_442 = arith.index_cast %select_n3A_209 : i32 to index
              %swap3A_443 = arith.index_cast %mul3A_441 : i32 to index
              %swap3A_444 = tpu.vector_load %arg10[%swap3A_442, %swap3A_443] {strides = array<i32>} : memref<4x128xi32, #tpu.memory_space<vmem>>, vector<16xi32>,
              tpu.vector_store %arg10[%swap3A_442, %swap3A_443], %shift_right_logical3A_439 {strides = array<i32>} : memref<4x128xi32, #tpu.memory_space<vmem>>, vector<16xi32>,
              %and3A_445 = arith.constant 32767 : i32
              %and3A_446 = vector.broadcast %and3A_445 : i32 to vector<16xi32>
              %and3A_447 = arith.andi %get3A_436, %and3A_446 : vector<16xi32>
              %mul3A_448 = arith.constant 16 : i32
              %mul3A_449 = arith.muli %add3A_431, %mul3A_448 : i32
              %swap3A_450 = arith.index_cast %select_n3A_209 : i32 to index
              %swap3A_451 = arith.index_cast %mul3A_449 : i32 to index
              %swap3A_452 = tpu.vector_load %arg11[%swap3A_450, %swap3A_451] {strides = array<i32>} : memref<4x128xi32, #tpu.memory_space<vmem>>, vector<16xi32>,
              tpu.vector_store %arg11[%swap3A_450, %swap3A_451], %and3A_447 {strides = array<i32>} : memref<4x128xi32, #tpu.memory_space<vmem>>, vector<16xi32>,
            }
            %scan3A_322 = arith.constant 2 : i32
            %dma_start3A_323 = arith.constant 1 : i32
            %dma_start3A_324 = arith.constant 0 : i32
            %dma_start3A_325 = arith.constant 0 : i32
            %dma_start3A_326 = tpu.memref_slice %arg12[%dma_start3A_323, %dma_start3A_324, %dma_start3A_325] : memref<2x128x40xf32, #tpu.memory_space<vmem>> -> memref<1x128x40xf32, #tpu.memory_space<vmem>>
            %dma_start3A_327 = tpu.memref_squeeze %dma_start3A_326 : memref<1x128x40xf32, #tpu.memory_space<vmem>> -> memref<128x40xf32, #tpu.memory_space<vmem>>
            %dma_start3A_328 = arith.constant 0 : i32
            %dma_start3A_329 = tpu.memref_slice %arg10[%select_n3A_209, %dma_start3A_328] : memref<4x128xi32, #tpu.memory_space<vmem>> -> memref<1x128xi32, #tpu.memory_space<vmem>>
            %dma_start3A_330 = tpu.memref_squeeze %dma_start3A_329 : memref<1x128xi32, #tpu.memory_space<vmem>> -> memref<128xi32, #tpu.memory_space<vmem>>
            %dma_start3A_331 = arith.constant 0 : i32
            %dma_start3A_332 = arith.constant 0 : i32
            %dma_start3A_333 = tpu.memref_slice %arg3[%arg0, %dma_start3A_331, %dma_start3A_332] : memref<2x23808x40xf32, #tpu.memory_space<hbm>> -> memref<1x23808x40xf32, #tpu.memory_space<hbm>>
            %dma_start3A_334 = tpu.memref_squeeze %dma_start3A_333 : memref<1x23808x40xf32, #tpu.memory_space<hbm>> -> memref<23808x40xf32, #tpu.memory_space<hbm>>
            %dma_start3A_335 = arith.constant 0 : i32
            %dma_start3A_336 = arith.constant 0 : i32
            %dma_start3A_337 = tpu.memref_slice %dma_start3A_334[%dma_start3A_335, %dma_start3A_336] : memref<23808x40xf32, #tpu.memory_space<hbm>> -> memref<23808x40xf32, #tpu.memory_space<hbm>>
            tpu.enqueue_indirect_dma source(%dma_start3A_337 : memref<23808x40xf32, #tpu.memory_space<hbm>>) target(%dma_start3A_327 : memref<128x40xf32, #tpu.memory_space<vmem>>) offsets(%dma_start3A_330 : memref<128xi32, #tpu.memory_space<vmem>>) semaphore(%arg20 : memref<!tpu.dma_semaphore, #tpu.memory_space<semaphore_mem>>)
            %dma_start3A_338 = arith.constant 1 : i32
            %dma_start3A_339 = arith.constant 0 : i32
            %dma_start3A_340 = arith.constant 0 : i32
            %dma_start3A_341 = tpu.memref_slice %arg13[%dma_start3A_338, %dma_start3A_339, %dma_start3A_340] : memref<2x128x8xf32, #tpu.memory_space<vmem>> -> memref<1x128x8xf32, #tpu.memory_space<vmem>>
            %dma_start3A_342 = tpu.memref_squeeze %dma_start3A_341 : memref<1x128x8xf32, #tpu.memory_space<vmem>> -> memref<128x8xf32, #tpu.memory_space<vmem>>
            %dma_start3A_343 = arith.constant 0 : i32
            %dma_start3A_344 = tpu.memref_slice %arg11[%select_n3A_209, %dma_start3A_343] : memref<4x128xi32, #tpu.memory_space<vmem>> -> memref<1x128xi32, #tpu.memory_space<vmem>>
            %dma_start3A_345 = tpu.memref_squeeze %dma_start3A_344 : memref<1x128xi32, #tpu.memory_space<vmem>> -> memref<128xi32, #tpu.memory_space<vmem>>
            %dma_start3A_346 = arith.constant 0 : i32
            %dma_start3A_347 = arith.constant 0 : i32
            %dma_start3A_348 = tpu.memref_slice %arg4[%arg0, %dma_start3A_346, %dma_start3A_347] : memref<2x23808x8xf32, #tpu.memory_space<hbm>> -> memref<1x23808x8xf32, #tpu.memory_space<hbm>>
            %dma_start3A_349 = tpu.memref_squeeze %dma_start3A_348 : memref<1x23808x8xf32, #tpu.memory_space<hbm>> -> memref<23808x8xf32, #tpu.memory_space<hbm>>
            %dma_start3A_350 = arith.constant 0 : i32
            %dma_start3A_351 = arith.constant 0 : i32
            %dma_start3A_352 = tpu.memref_slice %dma_start3A_349[%dma_start3A_350, %dma_start3A_351] : memref<23808x8xf32, #tpu.memory_space<hbm>> -> memref<23808x8xf32, #tpu.memory_space<hbm>>
            tpu.enqueue_indirect_dma source(%dma_start3A_352 : memref<23808x8xf32, #tpu.memory_space<hbm>>) target(%dma_start3A_342 : memref<128x8xf32, #tpu.memory_space<vmem>>) offsets(%dma_start3A_345 : memref<128xi32, #tpu.memory_space<vmem>>) semaphore(%arg20 : memref<!tpu.dma_semaphore, #tpu.memory_space<semaphore_mem>>)
          } else {
          }
        } else {
        }
      }
      %while3A_177 = arith.constant 1 : i32
      scf.for %while3A_178 = %while3A_175 to %while3A_171 step %while3A_177  : i32 {
        %mul3A_179 = arith.constant 16 : i32
        %mul3A_180 = arith.muli %scan3A_110, %mul3A_179 : i32
        %add3A_181 = arith.addi %mul3A_180, %while3A_178 : i32
        %jit3A = arith.constant 4 : i32
        %eq3A = arith.constant 0 : i32
        %eq3A_182 = arith.cmpi eq, %jit3A, %eq3A : i32
        %jit3A_183 = arith.constant 1 : i32
        %select_n3A = arith.select %eq3A_182, %jit3A_183, %jit3A : i32
        %rem3A = arith.remsi %while3A_178, %select_n3A : i32
        %ne3A = arith.constant 0 : i32
        %ne3A_184 = arith.cmpi ne, %rem3A, %ne3A : i32
        %lt3A_185 = arith.constant 0 : i32
        %lt3A_186 = arith.cmpi slt, %rem3A, %lt3A_185 : i32
        %lt3A_187 = arith.constant 0 : i32
        %lt3A_188 = arith.cmpi slt, %select_n3A, %lt3A_187 : i32
        %ne3A_189 = arith.xori %lt3A_186, %lt3A_188 : i1
        %and3A = arith.andi %ne3A_189, %ne3A_184 : i1
        %add3A_190 = arith.addi %rem3A, %select_n3A : i32
        %select_n3A_191 = arith.select %and3A, %add3A_190, %rem3A : i32
        %add3A_192 = arith.constant 2 : i32
        %add3A_193 = arith.addi %while3A_178, %add3A_192 : i32
        %jit3A_194 = arith.constant 4 : i32
        %eq3A_195 = arith.constant 0 : i32
        %eq3A_196 = arith.cmpi eq, %jit3A_194, %eq3A_195 : i32
        %jit3A_197 = arith.constant 1 : i32
        %select_n3A_198 = arith.select %eq3A_196, %jit3A_197, %jit3A_194 : i32
        %rem3A_199 = arith.remsi %add3A_193, %select_n3A_198 : i32
        %ne3A_200 = arith.constant 0 : i32
        %ne3A_201 = arith.cmpi ne, %rem3A_199, %ne3A_200 : i32
        %lt3A_202 = arith.constant 0 : i32
        %lt3A_203 = arith.cmpi slt, %rem3A_199, %lt3A_202 : i32
        %lt3A_204 = arith.constant 0 : i32
        %lt3A_205 = arith.cmpi slt, %select_n3A_198, %lt3A_204 : i32
        %ne3A_206 = arith.xori %lt3A_203, %lt3A_205 : i1
        %and3A_207 = arith.andi %ne3A_206, %ne3A_201 : i1
        %add3A_208 = arith.addi %rem3A_199, %select_n3A_198 : i32
        %select_n3A_209 = arith.select %and3A_207, %add3A_208, %rem3A_199 : i32
        %jit3A_210 = arith.constant 2 : i32
        %eq3A_211 = arith.constant 0 : i32
        %eq3A_212 = arith.cmpi eq, %jit3A_210, %eq3A_211 : i32
        %jit3A_213 = arith.constant 1 : i32
        %select_n3A_214 = arith.select %eq3A_212, %jit3A_213, %jit3A_210 : i32
        %rem3A_215 = arith.remsi %while3A_178, %select_n3A_214 : i32
        %ne3A_216 = arith.constant 0 : i32
        %ne3A_217 = arith.cmpi ne, %rem3A_215, %ne3A_216 : i32
        %lt3A_218 = arith.constant 0 : i32
        %lt3A_219 = arith.cmpi slt, %rem3A_215, %lt3A_218 : i32
        %lt3A_220 = arith.constant 0 : i32
        %lt3A_221 = arith.cmpi slt, %select_n3A_214, %lt3A_220 : i32
        %ne3A_222 = arith.xori %lt3A_219, %lt3A_221 : i1
        %and3A_223 = arith.andi %ne3A_222, %ne3A_217 : i1
        %add3A_224 = arith.addi %rem3A_215, %select_n3A_214 : i32
        %select_n3A_225 = arith.select %and3A_223, %add3A_224, %rem3A_215 : i32
        %eq3A_226 = arith.constant 0 : i32
        %eq3A_227 = arith.cmpi eq, %select_n3A_225, %eq3A_226 : i32
        %convert_element_type3A_228 = arith.extui %eq3A_227 : i1 to i32
        %cond3A_229 = arith.constant 0 : i32
        %cond3A_230 = arith.cmpi ne, %convert_element_type3A_228, %cond3A_229 : i32
        scf.if %cond3A_230 {
          %dma_wait3A_252 = arith.constant 0 : i32
          %dma_wait3A_253 = arith.constant 0 : i32
          %dma_wait3A_254 = arith.constant 0 : i32
          %dma_wait3A_255 = tpu.memref_slice %arg12[%dma_wait3A_252, %dma_wait3A_253, %dma_wait3A_254] : memref<2x128x40xf32, #tpu.memory_space<vmem>> -> memref<1x128x40xf32, #tpu.memory_space<vmem>>
          %dma_wait3A_256 = tpu.memref_squeeze %dma_wait3A_255 : memref<1x128x40xf32, #tpu.memory_space<vmem>> -> memref<128x40xf32, #tpu.memory_space<vmem>>
          %dma_wait3A_257 = arith.constant 0 : i32
          %dma_wait3A_258 = tpu.memref_slice %arg10[%select_n3A_191, %dma_wait3A_257] : memref<4x128xi32, #tpu.memory_space<vmem>> -> memref<1x128xi32, #tpu.memory_space<vmem>>
          %dma_wait3A_259 = tpu.memref_squeeze %dma_wait3A_258 : memref<1x128xi32, #tpu.memory_space<vmem>> -> memref<128xi32, #tpu.memory_space<vmem>>
          %dma_wait3A_260 = arith.constant 0 : i32
          %dma_wait3A_261 = arith.constant 0 : i32
          %dma_wait3A_262 = tpu.memref_slice %arg3[%arg0, %dma_wait3A_260, %dma_wait3A_261] : memref<2x23808x40xf32, #tpu.memory_space<hbm>> -> memref<1x23808x40xf32, #tpu.memory_space<hbm>>
          %dma_wait3A_263 = tpu.memref_squeeze %dma_wait3A_262 : memref<1x23808x40xf32, #tpu.memory_space<hbm>> -> memref<23808x40xf32, #tpu.memory_space<hbm>>
          %dma_wait3A_264 = arith.constant 0 : i32
          %dma_wait3A_265 = arith.constant 0 : i32
          %dma_wait3A_266 = tpu.memref_slice %dma_wait3A_263[%dma_wait3A_264, %dma_wait3A_265] : memref<23808x40xf32, #tpu.memory_space<hbm>> -> memref<23808x40xf32, #tpu.memory_space<hbm>>
          tpu.wait_indirect_dma semaphore(%arg19 : memref<!tpu.dma_semaphore, #tpu.memory_space<semaphore_mem>>) src(%dma_wait3A_266 : memref<23808x40xf32, #tpu.memory_space<hbm>>) dst(%dma_wait3A_256 : memref<128x40xf32, #tpu.memory_space<vmem>>)
          %dma_wait3A_267 = arith.constant 0 : i32
          %dma_wait3A_268 = arith.constant 0 : i32
          %dma_wait3A_269 = arith.constant 0 : i32
          %dma_wait3A_270 = tpu.memref_slice %arg13[%dma_wait3A_267, %dma_wait3A_268, %dma_wait3A_269] : memref<2x128x8xf32, #tpu.memory_space<vmem>> -> memref<1x128x8xf32, #tpu.memory_space<vmem>>
          %dma_wait3A_271 = tpu.memref_squeeze %dma_wait3A_270 : memref<1x128x8xf32, #tpu.memory_space<vmem>> -> memref<128x8xf32, #tpu.memory_space<vmem>>
          %dma_wait3A_272 = arith.constant 0 : i32
          %dma_wait3A_273 = tpu.memref_slice %arg11[%select_n3A_191, %dma_wait3A_272] : memref<4x128xi32, #tpu.memory_space<vmem>> -> memref<1x128xi32, #tpu.memory_space<vmem>>
          %dma_wait3A_274 = tpu.memref_squeeze %dma_wait3A_273 : memref<1x128xi32, #tpu.memory_space<vmem>> -> memref<128xi32, #tpu.memory_space<vmem>>
          %dma_wait3A_275 = arith.constant 0 : i32
          %dma_wait3A_276 = arith.constant 0 : i32
          %dma_wait3A_277 = tpu.memref_slice %arg4[%arg0, %dma_wait3A_275, %dma_wait3A_276] : memref<2x23808x8xf32, #tpu.memory_space<hbm>> -> memref<1x23808x8xf32, #tpu.memory_space<hbm>>
          %dma_wait3A_278 = tpu.memref_squeeze %dma_wait3A_277 : memref<1x23808x8xf32, #tpu.memory_space<hbm>> -> memref<23808x8xf32, #tpu.memory_space<hbm>>
          %dma_wait3A_279 = arith.constant 0 : i32
          %dma_wait3A_280 = arith.constant 0 : i32
          %dma_wait3A_281 = tpu.memref_slice %dma_wait3A_278[%dma_wait3A_279, %dma_wait3A_280] : memref<23808x8xf32, #tpu.memory_space<hbm>> -> memref<23808x8xf32, #tpu.memory_space<hbm>>
          tpu.wait_indirect_dma semaphore(%arg19 : memref<!tpu.dma_semaphore, #tpu.memory_space<semaphore_mem>>) src(%dma_wait3A_281 : memref<23808x8xf32, #tpu.memory_space<hbm>>) dst(%dma_wait3A_271 : memref<128x8xf32, #tpu.memory_space<vmem>>)
          %scan3A_282 = arith.constant 0 : i32
          %scan3A_283 = arith.constant 0 : i32
          %scan3A_284 = arith.constant 4 : i32
          %scan3A_285 = arith.addi %scan3A_283, %scan3A_284 : i32
          %scan3A_286 = arith.constant 1 : i32
          scf.for %scan3A_315 = %scan3A_283 to %scan3A_285 step %scan3A_286  : i32 {
            %mul3A_316 = arith.constant 2 : i32
            %mul3A_317 = arith.muli %scan3A_315, %mul3A_316 : i32
            %add3A_318 = arith.constant 0 : i32
            %add3A_319 = arith.addi %mul3A_317, %add3A_318 : i32
            %mul3A_320 = arith.constant 16 : i32
            %mul3A_321 = arith.muli %add3A_319, %mul3A_320 : i32
            %add3A_322 = vector.broadcast %mul3A_321 : i32 to vector<16xi32>
            %add3A_323 = arith.addi %add3A_322, %iota3A : vector<16xi32>
            %broadcast_in_dim3A_324 = arith.constant 32 : i32
            %broadcast_in_dim3A_325 = vector.broadcast %broadcast_in_dim3A_324 : i32 to vector<16xi32>
            %gather3A = arith.constant 0 : i32
            %gather3A_326 = arith.constant 0 : i32
            %gather3A_327 = arith.constant 0 : i32
            %gather3A_328 = tpu.memref_slice %arg12[%gather3A, %gather3A_326, %gather3A_327] : memref<2x128x40xf32, #tpu.memory_space<vmem>> -> memref<1x128x40xf32, #tpu.memory_space<vmem>>
            %gather3A_329 = tpu.memref_squeeze %gather3A_328 : memref<1x128x40xf32, #tpu.memory_space<vmem>> -> memref<128x40xf32, #tpu.memory_space<vmem>>
            %gather3A_330 = tpu.vector_load_idx %gather3A_329[%add3A_323, %broadcast_in_dim3A_325] : memref<128x40xf32, #tpu.memory_space<vmem>>[vector<16xi32>, vector<16xi32>], vector<16xf32>,
            %broadcast_in_dim3A_331 = arith.constant 33 : i32
            %broadcast_in_dim3A_332 = vector.broadcast %broadcast_in_dim3A_331 : i32 to vector<16xi32>
            %gather3A_333 = arith.constant 0 : i32
            %gather3A_334 = arith.constant 0 : i32
            %gather3A_335 = arith.constant 0 : i32
            %gather3A_336 = tpu.memref_slice %arg12[%gather3A_333, %gather3A_334, %gather3A_335] : memref<2x128x40xf32, #tpu.memory_space<vmem>> -> memref<1x128x40xf32, #tpu.memory_space<vmem>>
            %gather3A_337 = tpu.memref_squeeze %gather3A_336 : memref<1x128x40xf32, #tpu.memory_space<vmem>> -> memref<128x40xf32, #tpu.memory_space<vmem>>
            %gather3A_338 = tpu.vector_load_idx %gather3A_337[%add3A_323, %broadcast_in_dim3A_332] : memref<128x40xf32, #tpu.memory_space<vmem>>[vector<16xi32>, vector<16xi32>], vector<16xf32>,
            %broadcast_in_dim3A_339 = arith.constant 0 : i32
            %broadcast_in_dim3A_340 = vector.broadcast %broadcast_in_dim3A_339 : i32 to vector<16xi32>
            %gather3A_341 = arith.constant 0 : i32
            %gather3A_342 = arith.constant 0 : i32
            %gather3A_343 = arith.constant 0 : i32
            %gather3A_344 = tpu.memref_slice %arg13[%gather3A_341, %gather3A_342, %gather3A_343] : memref<2x128x8xf32, #tpu.memory_space<vmem>> -> memref<1x128x8xf32, #tpu.memory_space<vmem>>
            %gather3A_345 = tpu.memref_squeeze %gather3A_344 : memref<1x128x8xf32, #tpu.memory_space<vmem>> -> memref<128x8xf32, #tpu.memory_space<vmem>>
            %gather3A_346 = tpu.vector_load_idx %gather3A_345[%add3A_323, %broadcast_in_dim3A_340] : memref<128x8xf32, #tpu.memory_space<vmem>>[vector<16xi32>, vector<16xi32>], vector<16xf32>,
            %gather3A_347 = arith.constant 0 : i32
            %gather3A_348 = arith.constant 0 : i32
            %gather3A_349 = arith.constant 0 : i32
            %gather3A_350 = tpu.memref_slice %arg13[%gather3A_347, %gather3A_348, %gather3A_349] : memref<2x128x8xf32, #tpu.memory_space<vmem>> -> memref<1x128x8xf32, #tpu.memory_space<vmem>>
            %gather3A_351 = tpu.memref_squeeze %gather3A_350 : memref<1x128x8xf32, #tpu.memory_space<vmem>> -> memref<128x8xf32, #tpu.memory_space<vmem>>
            %gather3A_352 = tpu.vector_load_idx %gather3A_351[%add3A_323, %broadcast_in_dim3A_0] : memref<128x8xf32, #tpu.memory_space<vmem>>[vector<16xi32>, vector<16xi32>], vector<16xf32>,
            %add3A_353 = arith.addf %gather3A_330, %gather3A_346 : vector<16xf32>
            %add3A_354 = arith.addf %gather3A_338, %gather3A_352 : vector<16xf32>
            %gt3A = arith.constant 0.000000e+00 : f32
            %gt3A_355 = vector.broadcast %gt3A : f32 to vector<16xf32>
            %gt3A_356 = arith.cmpf ogt, %add3A_353, %gt3A_355 : vector<16xf32>
            %mul3A_357 = arith.constant 2.000000e-01 : f32
            %mul3A_358 = vector.broadcast %mul3A_357 : f32 to vector<16xf32>
            %mul3A_359 = arith.mulf %mul3A_358, %add3A_353 : vector<16xf32>
            %select_n3A_360 = arith.select %gt3A_356, %add3A_353, %mul3A_359 : vector<16xi1>, vector<16xf32>
            %gt3A_361 = arith.constant 0.000000e+00 : f32
            %gt3A_362 = vector.broadcast %gt3A_361 : f32 to vector<16xf32>
            %gt3A_363 = arith.cmpf ogt, %add3A_354, %gt3A_362 : vector<16xf32>
            %mul3A_364 = arith.constant 2.000000e-01 : f32
            %mul3A_365 = vector.broadcast %mul3A_364 : f32 to vector<16xf32>
            %mul3A_366 = arith.mulf %mul3A_365, %add3A_354 : vector<16xf32>
            %select_n3A_367 = arith.select %gt3A_363, %add3A_354, %mul3A_366 : vector<16xi1>, vector<16xf32>
            %sub3A_368 = arith.subf %select_n3A_360, %get3A_71 : vector<16xf32>
            %exp3A = math.exp %sub3A_368 : vector<16xf32>
            %sub3A_369 = arith.subf %select_n3A_367, %get3A_73 : vector<16xf32>
            %exp3A_370 = math.exp %sub3A_369 : vector<16xf32>
            %mul3A_371 = arith.constant 16 : i32
            %mul3A_372 = arith.muli %add3A_319, %mul3A_371 : i32
            %swap3A_373 = arith.index_cast %mul3A_372 : i32 to index
            %swap3A_374 = tpu.vector_load %arg15[%swap3A_373] {strides = array<i32>} : memref<128xf32, #tpu.memory_space<vmem>>, vector<16xf32>,
            tpu.vector_store %arg15[%swap3A_373], %exp3A {strides = array<i32>} : memref<128xf32, #tpu.memory_space<vmem>>, vector<16xf32>,
            %mul3A_375 = arith.constant 16 : i32
            %mul3A_376 = arith.muli %add3A_319, %mul3A_375 : i32
            %swap3A_377 = arith.index_cast %mul3A_376 : i32 to index
            %swap3A_378 = tpu.vector_load %arg16[%swap3A_377] {strides = array<i32>} : memref<128xf32, #tpu.memory_space<vmem>>, vector<16xf32>,
            tpu.vector_store %arg16[%swap3A_377], %exp3A_370 {strides = array<i32>} : memref<128xf32, #tpu.memory_space<vmem>>, vector<16xf32>,
            %broadcast_in_dim3A_379 = arith.constant 48 : i32
            %broadcast_in_dim3A_380 = vector.broadcast %broadcast_in_dim3A_379 : i32 to vector<16xi32>
            %scatter3A = arith.constant 0 : i32
            %scatter3A_381 = arith.constant 0 : i32
            %scatter3A_382 = arith.constant 0 : i32
            %scatter3A_383 = tpu.memref_slice %arg14[%scatter3A, %scatter3A_381, %scatter3A_382] : memref<2x128x56xf32, #tpu.memory_space<vmem>> -> memref<1x128x56xf32, #tpu.memory_space<vmem>>
            %scatter3A_384 = tpu.memref_squeeze %scatter3A_383 : memref<1x128x56xf32, #tpu.memory_space<vmem>> -> memref<128x56xf32, #tpu.memory_space<vmem>>
            tpu.vector_store_idx %scatter3A_384[%add3A_323, %broadcast_in_dim3A_380], %exp3A : memref<128x56xf32, #tpu.memory_space<vmem>>[vector<16xi32>, vector<16xi32>], vector<16xf32>,
            %broadcast_in_dim3A_385 = arith.constant 49 : i32
            %broadcast_in_dim3A_386 = vector.broadcast %broadcast_in_dim3A_385 : i32 to vector<16xi32>
            %scatter3A_387 = arith.constant 0 : i32
            %scatter3A_388 = arith.constant 0 : i32
            %scatter3A_389 = arith.constant 0 : i32
            %scatter3A_390 = tpu.memref_slice %arg14[%scatter3A_387, %scatter3A_388, %scatter3A_389] : memref<2x128x56xf32, #tpu.memory_space<vmem>> -> memref<1x128x56xf32, #tpu.memory_space<vmem>>
            %scatter3A_391 = tpu.memref_squeeze %scatter3A_390 : memref<1x128x56xf32, #tpu.memory_space<vmem>> -> memref<128x56xf32, #tpu.memory_space<vmem>>
            tpu.vector_store_idx %scatter3A_391[%add3A_323, %broadcast_in_dim3A_386], %exp3A_370 : memref<128x56xf32, #tpu.memory_space<vmem>>[vector<16xi32>, vector<16xi32>], vector<16xf32>,
            %mul3A_392 = arith.constant 2 : i32
            %mul3A_393 = arith.muli %scan3A_315, %mul3A_392 : i32
            %add3A_394 = arith.constant 1 : i32
            %add3A_395 = arith.addi %mul3A_393, %add3A_394 : i32
            %mul3A_396 = arith.constant 16 : i32
            %mul3A_397 = arith.muli %add3A_395, %mul3A_396 : i32
            %add3A_398 = vector.broadcast %mul3A_397 : i32 to vector<16xi32>
            %add3A_399 = arith.addi %add3A_398, %iota3A : vector<16xi32>
            %broadcast_in_dim3A_400 = arith.constant 32 : i32
            %broadcast_in_dim3A_401 = vector.broadcast %broadcast_in_dim3A_400 : i32 to vector<16xi32>
            %gather3A_402 = arith.constant 0 : i32
            %gather3A_403 = arith.constant 0 : i32
            %gather3A_404 = arith.constant 0 : i32
            %gather3A_405 = tpu.memref_slice %arg12[%gather3A_402, %gather3A_403, %gather3A_404] : memref<2x128x40xf32, #tpu.memory_space<vmem>> -> memref<1x128x40xf32, #tpu.memory_space<vmem>>
            %gather3A_406 = tpu.memref_squeeze %gather3A_405 : memref<1x128x40xf32, #tpu.memory_space<vmem>> -> memref<128x40xf32, #tpu.memory_space<vmem>>
            %gather3A_407 = tpu.vector_load_idx %gather3A_406[%add3A_399, %broadcast_in_dim3A_401] : memref<128x40xf32, #tpu.memory_space<vmem>>[vector<16xi32>, vector<16xi32>], vector<16xf32>,
            %broadcast_in_dim3A_408 = arith.constant 33 : i32
            %broadcast_in_dim3A_409 = vector.broadcast %broadcast_in_dim3A_408 : i32 to vector<16xi32>
            %gather3A_410 = arith.constant 0 : i32
            %gather3A_411 = arith.constant 0 : i32
            %gather3A_412 = arith.constant 0 : i32
            %gather3A_413 = tpu.memref_slice %arg12[%gather3A_410, %gather3A_411, %gather3A_412] : memref<2x128x40xf32, #tpu.memory_space<vmem>> -> memref<1x128x40xf32, #tpu.memory_space<vmem>>
            %gather3A_414 = tpu.memref_squeeze %gather3A_413 : memref<1x128x40xf32, #tpu.memory_space<vmem>> -> memref<128x40xf32, #tpu.memory_space<vmem>>
            %gather3A_415 = tpu.vector_load_idx %gather3A_414[%add3A_399, %broadcast_in_dim3A_409] : memref<128x40xf32, #tpu.memory_space<vmem>>[vector<16xi32>, vector<16xi32>], vector<16xf32>,
            %broadcast_in_dim3A_416 = arith.constant 0 : i32
            %broadcast_in_dim3A_417 = vector.broadcast %broadcast_in_dim3A_416 : i32 to vector<16xi32>
            %gather3A_418 = arith.constant 0 : i32
            %gather3A_419 = arith.constant 0 : i32
            %gather3A_420 = arith.constant 0 : i32
            %gather3A_421 = tpu.memref_slice %arg13[%gather3A_418, %gather3A_419, %gather3A_420] : memref<2x128x8xf32, #tpu.memory_space<vmem>> -> memref<1x128x8xf32, #tpu.memory_space<vmem>>
            %gather3A_422 = tpu.memref_squeeze %gather3A_421 : memref<1x128x8xf32, #tpu.memory_space<vmem>> -> memref<128x8xf32, #tpu.memory_space<vmem>>
            %gather3A_423 = tpu.vector_load_idx %gather3A_422[%add3A_399, %broadcast_in_dim3A_417] : memref<128x8xf32, #tpu.memory_space<vmem>>[vector<16xi32>, vector<16xi32>], vector<16xf32>,
            %gather3A_424 = arith.constant 0 : i32
            %gather3A_425 = arith.constant 0 : i32
            %gather3A_426 = arith.constant 0 : i32
            %gather3A_427 = tpu.memref_slice %arg13[%gather3A_424, %gather3A_425, %gather3A_426] : memref<2x128x8xf32, #tpu.memory_space<vmem>> -> memref<1x128x8xf32, #tpu.memory_space<vmem>>
            %gather3A_428 = tpu.memref_squeeze %gather3A_427 : memref<1x128x8xf32, #tpu.memory_space<vmem>> -> memref<128x8xf32, #tpu.memory_space<vmem>>
            %gather3A_429 = tpu.vector_load_idx %gather3A_428[%add3A_399, %broadcast_in_dim3A_0] : memref<128x8xf32, #tpu.memory_space<vmem>>[vector<16xi32>, vector<16xi32>], vector<16xf32>,
            %add3A_430 = arith.addf %gather3A_407, %gather3A_423 : vector<16xf32>
            %add3A_431 = arith.addf %gather3A_415, %gather3A_429 : vector<16xf32>
            %gt3A_432 = arith.constant 0.000000e+00 : f32
            %gt3A_433 = vector.broadcast %gt3A_432 : f32 to vector<16xf32>
            %gt3A_434 = arith.cmpf ogt, %add3A_430, %gt3A_433 : vector<16xf32>
            %mul3A_435 = arith.constant 2.000000e-01 : f32
            %mul3A_436 = vector.broadcast %mul3A_435 : f32 to vector<16xf32>
            %mul3A_437 = arith.mulf %mul3A_436, %add3A_430 : vector<16xf32>
            %select_n3A_438 = arith.select %gt3A_434, %add3A_430, %mul3A_437 : vector<16xi1>, vector<16xf32>
            %gt3A_439 = arith.constant 0.000000e+00 : f32
            %gt3A_440 = vector.broadcast %gt3A_439 : f32 to vector<16xf32>
            %gt3A_441 = arith.cmpf ogt, %add3A_431, %gt3A_440 : vector<16xf32>
            %mul3A_442 = arith.constant 2.000000e-01 : f32
            %mul3A_443 = vector.broadcast %mul3A_442 : f32 to vector<16xf32>
            %mul3A_444 = arith.mulf %mul3A_443, %add3A_431 : vector<16xf32>
            %select_n3A_445 = arith.select %gt3A_441, %add3A_431, %mul3A_444 : vector<16xi1>, vector<16xf32>
            %sub3A_446 = arith.subf %select_n3A_438, %get3A_71 : vector<16xf32>
            %exp3A_447 = math.exp %sub3A_446 : vector<16xf32>
            %sub3A_448 = arith.subf %select_n3A_445, %get3A_73 : vector<16xf32>
            %exp3A_449 = math.exp %sub3A_448 : vector<16xf32>
            %mul3A_450 = arith.constant 16 : i32
            %mul3A_451 = arith.muli %add3A_395, %mul3A_450 : i32
            %swap3A_452 = arith.index_cast %mul3A_451 : i32 to index
            %swap3A_453 = tpu.vector_load %arg15[%swap3A_452] {strides = array<i32>} : memref<128xf32, #tpu.memory_space<vmem>>, vector<16xf32>,
            tpu.vector_store %arg15[%swap3A_452], %exp3A_447 {strides = array<i32>} : memref<128xf32, #tpu.memory_space<vmem>>, vector<16xf32>,
            %mul3A_454 = arith.constant 16 : i32
            %mul3A_455 = arith.muli %add3A_395, %mul3A_454 : i32
            %swap3A_456 = arith.index_cast %mul3A_455 : i32 to index
            %swap3A_457 = tpu.vector_load %arg16[%swap3A_456] {strides = array<i32>} : memref<128xf32, #tpu.memory_space<vmem>>, vector<16xf32>,
            tpu.vector_store %arg16[%swap3A_456], %exp3A_449 {strides = array<i32>} : memref<128xf32, #tpu.memory_space<vmem>>, vector<16xf32>,
            %broadcast_in_dim3A_458 = arith.constant 48 : i32
            %broadcast_in_dim3A_459 = vector.broadcast %broadcast_in_dim3A_458 : i32 to vector<16xi32>
            %scatter3A_460 = arith.constant 0 : i32
            %scatter3A_461 = arith.constant 0 : i32
            %scatter3A_462 = arith.constant 0 : i32
            %scatter3A_463 = tpu.memref_slice %arg14[%scatter3A_460, %scatter3A_461, %scatter3A_462] : memref<2x128x56xf32, #tpu.memory_space<vmem>> -> memref<1x128x56xf32, #tpu.memory_space<vmem>>
            %scatter3A_464 = tpu.memref_squeeze %scatter3A_463 : memref<1x128x56xf32, #tpu.memory_space<vmem>> -> memref<128x56xf32, #tpu.memory_space<vmem>>
            tpu.vector_store_idx %scatter3A_464[%add3A_399, %broadcast_in_dim3A_459], %exp3A_447 : memref<128x56xf32, #tpu.memory_space<vmem>>[vector<16xi32>, vector<16xi32>], vector<16xf32>,
            %broadcast_in_dim3A_465 = arith.constant 49 : i32
            %broadcast_in_dim3A_466 = vector.broadcast %broadcast_in_dim3A_465 : i32 to vector<16xi32>
            %scatter3A_467 = arith.constant 0 : i32
            %scatter3A_468 = arith.constant 0 : i32
            %scatter3A_469 = arith.constant 0 : i32
            %scatter3A_470 = tpu.memref_slice %arg14[%scatter3A_467, %scatter3A_468, %scatter3A_469] : memref<2x128x56xf32, #tpu.memory_space<vmem>> -> memref<1x128x56xf32, #tpu.memory_space<vmem>>
            %scatter3A_471 = tpu.memref_squeeze %scatter3A_470 : memref<1x128x56xf32, #tpu.memory_space<vmem>> -> memref<128x56xf32, #tpu.memory_space<vmem>>
            tpu.vector_store_idx %scatter3A_471[%add3A_399, %broadcast_in_dim3A_466], %exp3A_449 : memref<128x56xf32, #tpu.memory_space<vmem>>[vector<16xi32>, vector<16xi32>], vector<16xf32>,
          }
          %scan3A_287 = arith.constant 4 : i32
          %le3A = arith.constant 2 : i32
          %le3A_288 = arith.cmpi sle, %le3A, %add3A_181 : i32
          %convert_element_type3A_289 = arith.extui %le3A_288 : i1 to i32
          %cond3A_290 = arith.constant 0 : i32
          %cond3A_291 = arith.cmpi ne, %convert_element_type3A_289, %cond3A_290 : i32
          scf.if %cond3A_291 {
            %dma_wait3A_315 = arith.constant 0 : i32
            %dma_wait3A_316 = arith.constant 0 : i32
            %dma_wait3A_317 = arith.constant 0 : i32
            %dma_wait3A_318 = tpu.memref_slice %arg14[%dma_wait3A_315, %dma_wait3A_316, %dma_wait3A_317] : memref<2x128x56xf32, #tpu.memory_space<vmem>> -> memref<1x128x56xf32, #tpu.memory_space<vmem>>
            %dma_wait3A_319 = tpu.memref_squeeze %dma_wait3A_318 : memref<1x128x56xf32, #tpu.memory_space<vmem>> -> memref<128x56xf32, #tpu.memory_space<vmem>>
            %dma_wait3A_320 = arith.constant 0 : i32
            %dma_wait3A_321 = tpu.memref_slice %arg11[%select_n3A_209, %dma_wait3A_320] : memref<4x128xi32, #tpu.memory_space<vmem>> -> memref<1x128xi32, #tpu.memory_space<vmem>>
            %dma_wait3A_322 = tpu.memref_squeeze %dma_wait3A_321 : memref<1x128xi32, #tpu.memory_space<vmem>> -> memref<128xi32, #tpu.memory_space<vmem>>
            %dma_wait3A_323 = arith.constant 0 : i32
            %dma_wait3A_324 = arith.constant 0 : i32
            %dma_wait3A_325 = tpu.memref_slice %arg7[%dma_wait3A_323, %dma_wait3A_324] : memref<23808x56xf32, #tpu.memory_space<vmem_shared>> -> memref<23808x56xf32, #tpu.memory_space<vmem_shared>>
            tpu.wait_indirect_dma semaphore(%arg21 : memref<!tpu.dma_semaphore, #tpu.memory_space<semaphore_mem>>) src(%dma_wait3A_319 : memref<128x56xf32, #tpu.memory_space<vmem>>) dst(%dma_wait3A_325 : memref<23808x56xf32, #tpu.memory_space<vmem_shared>>)
          } else {
          }
          %scan3A_292 = arith.constant 0 : i32
          %scan3A_293 = arith.constant 0 : i32
          %scan3A_294 = arith.constant 32 : i32
          %scan3A_295 = arith.addi %scan3A_293, %scan3A_294 : i32
          %scan3A_296 = arith.constant 1 : i32
          scf.for %scan3A_315 = %scan3A_293 to %scan3A_295 step %scan3A_296  : i32 {
            %mul3A_316 = arith.constant 4 : i32
            %mul3A_317 = arith.muli %scan3A_315, %mul3A_316 : i32
            %add3A_318 = arith.constant 0 : i32
            %add3A_319 = arith.addi %mul3A_317, %add3A_318 : i32
            %broadcast_in_dim3A_320 = vector.broadcast %add3A_319 : i32 to vector<16xi32>
            %gather3A = tpu.vector_load_idx %arg15[%broadcast_in_dim3A_320] : memref<128xf32, #tpu.memory_space<vmem>>[vector<16xi32>], vector<16xf32>,
            %gather3A_321 = tpu.vector_load_idx %arg16[%broadcast_in_dim3A_320] : memref<128xf32, #tpu.memory_space<vmem>>[vector<16xi32>], vector<16xf32>,
            %lt3A_322 = arith.constant 8 : i32
            %lt3A_323 = vector.broadcast %lt3A_322 : i32 to vector<16xi32>
            %lt3A_324 = arith.cmpi slt, %iota3A, %lt3A_323 : vector<16xi32>
            %select_n3A_325 = arith.select %lt3A_324, %gather3A, %gather3A_321 : vector<16xi1>, vector<16xf32>
            %get3A_326 = arith.constant 0 : i32
            %get3A_327 = arith.index_cast %get3A_326 : i32 to index
            %get3A_328 = arith.index_cast %add3A_319 : i32 to index
            %get3A_329 = arith.constant 0 : index
            %get3A_330 = tpu.vector_load %arg12[%get3A_327, %get3A_328, %get3A_329] {strides = array<i32>} : memref<2x128x40xf32, #tpu.memory_space<vmem>>, vector<16xf32>,
            %bitcast3A = vector.bitcast %get3A_330 : vector<16xf32> to vector<16xi32>
            %shift_left3A = arith.constant 16 : i32
            %shift_left3A_331 = vector.broadcast %shift_left3A : i32 to vector<16xi32>
            %shift_left3A_332 = arith.shli %bitcast3A, %shift_left3A_331 : vector<16xi32>
            %bitcast3A_333 = vector.bitcast %shift_left3A_332 : vector<16xi32> to vector<16xf32>
            %and3A_334 = arith.constant -65536 : i32
            %and3A_335 = vector.broadcast %and3A_334 : i32 to vector<16xi32>
            %and3A_336 = arith.andi %bitcast3A, %and3A_335 : vector<16xi32>
            %bitcast3A_337 = vector.bitcast %and3A_336 : vector<16xi32> to vector<16xf32>
            %mul3A_338 = arith.mulf %bitcast3A_333, %gather3A : vector<16xf32>
            %swap3A_339 = arith.constant 0 : i32
            %swap3A_340 = arith.index_cast %swap3A_339 : i32 to index
            %swap3A_341 = arith.index_cast %add3A_319 : i32 to index
            %swap3A_342 = arith.constant 0 : index
            %swap3A_343 = tpu.vector_load %arg14[%swap3A_340, %swap3A_341, %swap3A_342] {strides = array<i32>} : memref<2x128x56xf32, #tpu.memory_space<vmem>>, vector<16xf32>,
            tpu.vector_store %arg14[%swap3A_340, %swap3A_341, %swap3A_342], %mul3A_338 {strides = array<i32>} : memref<2x128x56xf32, #tpu.memory_space<vmem>>, vector<16xf32>,
            %mul3A_344 = arith.mulf %bitcast3A_337, %select_n3A_325 : vector<16xf32>
            %swap3A_345 = arith.constant 0 : i32
            %swap3A_346 = arith.index_cast %swap3A_345 : i32 to index
            %swap3A_347 = arith.index_cast %add3A_319 : i32 to index
            %swap3A_348 = arith.constant 16 : index
            %swap3A_349 = tpu.vector_load %arg14[%swap3A_346, %swap3A_347, %swap3A_348] {strides = array<i32>} : memref<2x128x56xf32, #tpu.memory_space<vmem>>, vector<16xf32>,
            tpu.vector_store %arg14[%swap3A_346, %swap3A_347, %swap3A_348], %mul3A_344 {strides = array<i32>} : memref<2x128x56xf32, #tpu.memory_space<vmem>>, vector<16xf32>,
            %get3A_350 = arith.constant 0 : i32
            %get3A_351 = arith.index_cast %get3A_350 : i32 to index
            %get3A_352 = arith.index_cast %add3A_319 : i32 to index
            %get3A_353 = arith.constant 16 : index
            %get3A_354 = tpu.vector_load %arg12[%get3A_351, %get3A_352, %get3A_353] {strides = array<i32>} : memref<2x128x40xf32, #tpu.memory_space<vmem>>, vector<16xf32>,
            %mul3A_355 = arith.mulf %get3A_354, %gather3A_321 : vector<16xf32>
            %swap3A_356 = arith.constant 0 : i32
            %swap3A_357 = arith.index_cast %swap3A_356 : i32 to index
            %swap3A_358 = arith.index_cast %add3A_319 : i32 to index
            %swap3A_359 = arith.constant 32 : index
            %swap3A_360 = tpu.vector_load %arg14[%swap3A_357, %swap3A_358, %swap3A_359] {strides = array<i32>} : memref<2x128x56xf32, #tpu.memory_space<vmem>>, vector<16xf32>,
            tpu.vector_store %arg14[%swap3A_357, %swap3A_358, %swap3A_359], %mul3A_355 {strides = array<i32>} : memref<2x128x56xf32, #tpu.memory_space<vmem>>, vector<16xf32>,
            %mul3A_361 = arith.constant 4 : i32
            %mul3A_362 = arith.muli %scan3A_315, %mul3A_361 : i32
            %add3A_363 = arith.constant 1 : i32
            %add3A_364 = arith.addi %mul3A_362, %add3A_363 : i32
            %broadcast_in_dim3A_365 = vector.broadcast %add3A_364 : i32 to vector<16xi32>
            %gather3A_366 = tpu.vector_load_idx %arg15[%broadcast_in_dim3A_365] : memref<128xf32, #tpu.memory_space<vmem>>[vector<16xi32>], vector<16xf32>,
            %gather3A_367 = tpu.vector_load_idx %arg16[%broadcast_in_dim3A_365] : memref<128xf32, #tpu.memory_space<vmem>>[vector<16xi32>], vector<16xf32>,
            %lt3A_368 = arith.constant 8 : i32
            %lt3A_369 = vector.broadcast %lt3A_368 : i32 to vector<16xi32>
            %lt3A_370 = arith.cmpi slt, %iota3A, %lt3A_369 : vector<16xi32>
            %select_n3A_371 = arith.select %lt3A_370, %gather3A_366, %gather3A_367 : vector<16xi1>, vector<16xf32>
            %get3A_372 = arith.constant 0 : i32
            %get3A_373 = arith.index_cast %get3A_372 : i32 to index
            %get3A_374 = arith.index_cast %add3A_364 : i32 to index
            %get3A_375 = arith.constant 0 : index
            %get3A_376 = tpu.vector_load %arg12[%get3A_373, %get3A_374, %get3A_375] {strides = array<i32>} : memref<2x128x40xf32, #tpu.memory_space<vmem>>, vector<16xf32>,
            %bitcast3A_377 = vector.bitcast %get3A_376 : vector<16xf32> to vector<16xi32>
            %shift_left3A_378 = arith.constant 16 : i32
            %shift_left3A_379 = vector.broadcast %shift_left3A_378 : i32 to vector<16xi32>
            %shift_left3A_380 = arith.shli %bitcast3A_377, %shift_left3A_379 : vector<16xi32>
            %bitcast3A_381 = vector.bitcast %shift_left3A_380 : vector<16xi32> to vector<16xf32>
            %and3A_382 = arith.constant -65536 : i32
            %and3A_383 = vector.broadcast %and3A_382 : i32 to vector<16xi32>
            %and3A_384 = arith.andi %bitcast3A_377, %and3A_383 : vector<16xi32>
            %bitcast3A_385 = vector.bitcast %and3A_384 : vector<16xi32> to vector<16xf32>
            %mul3A_386 = arith.mulf %bitcast3A_381, %gather3A_366 : vector<16xf32>
            %swap3A_387 = arith.constant 0 : i32
            %swap3A_388 = arith.index_cast %swap3A_387 : i32 to index
            %swap3A_389 = arith.index_cast %add3A_364 : i32 to index
            %swap3A_390 = arith.constant 0 : index
            %swap3A_391 = tpu.vector_load %arg14[%swap3A_388, %swap3A_389, %swap3A_390] {strides = array<i32>} : memref<2x128x56xf32, #tpu.memory_space<vmem>>, vector<16xf32>,
            tpu.vector_store %arg14[%swap3A_388, %swap3A_389, %swap3A_390], %mul3A_386 {strides = array<i32>} : memref<2x128x56xf32, #tpu.memory_space<vmem>>, vector<16xf32>,
            %mul3A_392 = arith.mulf %bitcast3A_385, %select_n3A_371 : vector<16xf32>
            %swap3A_393 = arith.constant 0 : i32
            %swap3A_394 = arith.index_cast %swap3A_393 : i32 to index
            %swap3A_395 = arith.index_cast %add3A_364 : i32 to index
            %swap3A_396 = arith.constant 16 : index
            %swap3A_397 = tpu.vector_load %arg14[%swap3A_394, %swap3A_395, %swap3A_396] {strides = array<i32>} : memref<2x128x56xf32, #tpu.memory_space<vmem>>, vector<16xf32>,
            tpu.vector_store %arg14[%swap3A_394, %swap3A_395, %swap3A_396], %mul3A_392 {strides = array<i32>} : memref<2x128x56xf32, #tpu.memory_space<vmem>>, vector<16xf32>,
            %get3A_398 = arith.constant 0 : i32
            %get3A_399 = arith.index_cast %get3A_398 : i32 to index
            %get3A_400 = arith.index_cast %add3A_364 : i32 to index
            %get3A_401 = arith.constant 16 : index
            %get3A_402 = tpu.vector_load %arg12[%get3A_399, %get3A_400, %get3A_401] {strides = array<i32>} : memref<2x128x40xf32, #tpu.memory_space<vmem>>, vector<16xf32>,
            %mul3A_403 = arith.mulf %get3A_402, %gather3A_367 : vector<16xf32>
            %swap3A_404 = arith.constant 0 : i32
            %swap3A_405 = arith.index_cast %swap3A_404 : i32 to index
            %swap3A_406 = arith.index_cast %add3A_364 : i32 to index
            %swap3A_407 = arith.constant 32 : index
            %swap3A_408 = tpu.vector_load %arg14[%swap3A_405, %swap3A_406, %swap3A_407] {strides = array<i32>} : memref<2x128x56xf32, #tpu.memory_space<vmem>>, vector<16xf32>,
            tpu.vector_store %arg14[%swap3A_405, %swap3A_406, %swap3A_407], %mul3A_403 {strides = array<i32>} : memref<2x128x56xf32, #tpu.memory_space<vmem>>, vector<16xf32>,
            %mul3A_409 = arith.constant 4 : i32
            %mul3A_410 = arith.muli %scan3A_315, %mul3A_409 : i32
            %add3A_411 = arith.constant 2 : i32
            %add3A_412 = arith.addi %mul3A_410, %add3A_411 : i32
            %broadcast_in_dim3A_413 = vector.broadcast %add3A_412 : i32 to vector<16xi32>
            %gather3A_414 = tpu.vector_load_idx %arg15[%broadcast_in_dim3A_413] : memref<128xf32, #tpu.memory_space<vmem>>[vector<16xi32>], vector<16xf32>,
            %gather3A_415 = tpu.vector_load_idx %arg16[%broadcast_in_dim3A_413] : memref<128xf32, #tpu.memory_space<vmem>>[vector<16xi32>], vector<16xf32>,
            %lt3A_416 = arith.constant 8 : i32
            %lt3A_417 = vector.broadcast %lt3A_416 : i32 to vector<16xi32>
            %lt3A_418 = arith.cmpi slt, %iota3A, %lt3A_417 : vector<16xi32>
            %select_n3A_419 = arith.select %lt3A_418, %gather3A_414, %gather3A_415 : vector<16xi1>, vector<16xf32>
            %get3A_420 = arith.constant 0 : i32
            %get3A_421 = arith.index_cast %get3A_420 : i32 to index
            %get3A_422 = arith.index_cast %add3A_412 : i32 to index
            %get3A_423 = arith.constant 0 : index
            %get3A_424 = tpu.vector_load %arg12[%get3A_421, %get3A_422, %get3A_423] {strides = array<i32>} : memref<2x128x40xf32, #tpu.memory_space<vmem>>, vector<16xf32>,
            %bitcast3A_425 = vector.bitcast %get3A_424 : vector<16xf32> to vector<16xi32>
            %shift_left3A_426 = arith.constant 16 : i32
            %shift_left3A_427 = vector.broadcast %shift_left3A_426 : i32 to vector<16xi32>
            %shift_left3A_428 = arith.shli %bitcast3A_425, %shift_left3A_427 : vector<16xi32>
            %bitcast3A_429 = vector.bitcast %shift_left3A_428 : vector<16xi32> to vector<16xf32>
            %and3A_430 = arith.constant -65536 : i32
            %and3A_431 = vector.broadcast %and3A_430 : i32 to vector<16xi32>
            %and3A_432 = arith.andi %bitcast3A_425, %and3A_431 : vector<16xi32>
            %bitcast3A_433 = vector.bitcast %and3A_432 : vector<16xi32> to vector<16xf32>
            %mul3A_434 = arith.mulf %bitcast3A_429, %gather3A_414 : vector<16xf32>
            %swap3A_435 = arith.constant 0 : i32
            %swap3A_436 = arith.index_cast %swap3A_435 : i32 to index
            %swap3A_437 = arith.index_cast %add3A_412 : i32 to index
            %swap3A_438 = arith.constant 0 : index
            %swap3A_439 = tpu.vector_load %arg14[%swap3A_436, %swap3A_437, %swap3A_438] {strides = array<i32>} : memref<2x128x56xf32, #tpu.memory_space<vmem>>, vector<16xf32>,
            tpu.vector_store %arg14[%swap3A_436, %swap3A_437, %swap3A_438], %mul3A_434 {strides = array<i32>} : memref<2x128x56xf32, #tpu.memory_space<vmem>>, vector<16xf32>,
            %mul3A_440 = arith.mulf %bitcast3A_433, %select_n3A_419 : vector<16xf32>
            %swap3A_441 = arith.constant 0 : i32
            %swap3A_442 = arith.index_cast %swap3A_441 : i32 to index
            %swap3A_443 = arith.index_cast %add3A_412 : i32 to index
            %swap3A_444 = arith.constant 16 : index
            %swap3A_445 = tpu.vector_load %arg14[%swap3A_442, %swap3A_443, %swap3A_444] {strides = array<i32>} : memref<2x128x56xf32, #tpu.memory_space<vmem>>, vector<16xf32>,
            tpu.vector_store %arg14[%swap3A_442, %swap3A_443, %swap3A_444], %mul3A_440 {strides = array<i32>} : memref<2x128x56xf32, #tpu.memory_space<vmem>>, vector<16xf32>,
            %get3A_446 = arith.constant 0 : i32
            %get3A_447 = arith.index_cast %get3A_446 : i32 to index
            %get3A_448 = arith.index_cast %add3A_412 : i32 to index
            %get3A_449 = arith.constant 16 : index
            %get3A_450 = tpu.vector_load %arg12[%get3A_447, %get3A_448, %get3A_449] {strides = array<i32>} : memref<2x128x40xf32, #tpu.memory_space<vmem>>, vector<16xf32>,
            %mul3A_451 = arith.mulf %get3A_450, %gather3A_415 : vector<16xf32>
            %swap3A_452 = arith.constant 0 : i32
            %swap3A_453 = arith.index_cast %swap3A_452 : i32 to index
            %swap3A_454 = arith.index_cast %add3A_412 : i32 to index
            %swap3A_455 = arith.constant 32 : index
            %swap3A_456 = tpu.vector_load %arg14[%swap3A_453, %swap3A_454, %swap3A_455] {strides = array<i32>} : memref<2x128x56xf32, #tpu.memory_space<vmem>>, vector<16xf32>,
            tpu.vector_store %arg14[%swap3A_453, %swap3A_454, %swap3A_455], %mul3A_451 {strides = array<i32>} : memref<2x128x56xf32, #tpu.memory_space<vmem>>, vector<16xf32>,
            %mul3A_457 = arith.constant 4 : i32
            %mul3A_458 = arith.muli %scan3A_315, %mul3A_457 : i32
            %add3A_459 = arith.constant 3 : i32
            %add3A_460 = arith.addi %mul3A_458, %add3A_459 : i32
            %broadcast_in_dim3A_461 = vector.broadcast %add3A_460 : i32 to vector<16xi32>
            %gather3A_462 = tpu.vector_load_idx %arg15[%broadcast_in_dim3A_461] : memref<128xf32, #tpu.memory_space<vmem>>[vector<16xi32>], vector<16xf32>,
            %gather3A_463 = tpu.vector_load_idx %arg16[%broadcast_in_dim3A_461] : memref<128xf32, #tpu.memory_space<vmem>>[vector<16xi32>], vector<16xf32>,
            %lt3A_464 = arith.constant 8 : i32
            %lt3A_465 = vector.broadcast %lt3A_464 : i32 to vector<16xi32>
            %lt3A_466 = arith.cmpi slt, %iota3A, %lt3A_465 : vector<16xi32>
            %select_n3A_467 = arith.select %lt3A_466, %gather3A_462, %gather3A_463 : vector<16xi1>, vector<16xf32>
            %get3A_468 = arith.constant 0 : i32
            %get3A_469 = arith.index_cast %get3A_468 : i32 to index
            %get3A_470 = arith.index_cast %add3A_460 : i32 to index
            %get3A_471 = arith.constant 0 : index
            %get3A_472 = tpu.vector_load %arg12[%get3A_469, %get3A_470, %get3A_471] {strides = array<i32>} : memref<2x128x40xf32, #tpu.memory_space<vmem>>, vector<16xf32>,
            %bitcast3A_473 = vector.bitcast %get3A_472 : vector<16xf32> to vector<16xi32>
            %shift_left3A_474 = arith.constant 16 : i32
            %shift_left3A_475 = vector.broadcast %shift_left3A_474 : i32 to vector<16xi32>
            %shift_left3A_476 = arith.shli %bitcast3A_473, %shift_left3A_475 : vector<16xi32>
            %bitcast3A_477 = vector.bitcast %shift_left3A_476 : vector<16xi32> to vector<16xf32>
            %and3A_478 = arith.constant -65536 : i32
            %and3A_479 = vector.broadcast %and3A_478 : i32 to vector<16xi32>
            %and3A_480 = arith.andi %bitcast3A_473, %and3A_479 : vector<16xi32>
            %bitcast3A_481 = vector.bitcast %and3A_480 : vector<16xi32> to vector<16xf32>
            %mul3A_482 = arith.mulf %bitcast3A_477, %gather3A_462 : vector<16xf32>
            %swap3A_483 = arith.constant 0 : i32
            %swap3A_484 = arith.index_cast %swap3A_483 : i32 to index
            %swap3A_485 = arith.index_cast %add3A_460 : i32 to index
            %swap3A_486 = arith.constant 0 : index
            %swap3A_487 = tpu.vector_load %arg14[%swap3A_484, %swap3A_485, %swap3A_486] {strides = array<i32>} : memref<2x128x56xf32, #tpu.memory_space<vmem>>, vector<16xf32>,
            tpu.vector_store %arg14[%swap3A_484, %swap3A_485, %swap3A_486], %mul3A_482 {strides = array<i32>} : memref<2x128x56xf32, #tpu.memory_space<vmem>>, vector<16xf32>,
            %mul3A_488 = arith.mulf %bitcast3A_481, %select_n3A_467 : vector<16xf32>
            %swap3A_489 = arith.constant 0 : i32
            %swap3A_490 = arith.index_cast %swap3A_489 : i32 to index
            %swap3A_491 = arith.index_cast %add3A_460 : i32 to index
            %swap3A_492 = arith.constant 16 : index
            %swap3A_493 = tpu.vector_load %arg14[%swap3A_490, %swap3A_491, %swap3A_492] {strides = array<i32>} : memref<2x128x56xf32, #tpu.memory_space<vmem>>, vector<16xf32>,
            tpu.vector_store %arg14[%swap3A_490, %swap3A_491, %swap3A_492], %mul3A_488 {strides = array<i32>} : memref<2x128x56xf32, #tpu.memory_space<vmem>>, vector<16xf32>,
            %get3A_494 = arith.constant 0 : i32
            %get3A_495 = arith.index_cast %get3A_494 : i32 to index
            %get3A_496 = arith.index_cast %add3A_460 : i32 to index
            %get3A_497 = arith.constant 16 : index
            %get3A_498 = tpu.vector_load %arg12[%get3A_495, %get3A_496, %get3A_497] {strides = array<i32>} : memref<2x128x40xf32, #tpu.memory_space<vmem>>, vector<16xf32>,
            %mul3A_499 = arith.mulf %get3A_498, %gather3A_463 : vector<16xf32>
            %swap3A_500 = arith.constant 0 : i32
            %swap3A_501 = arith.index_cast %swap3A_500 : i32 to index
            %swap3A_502 = arith.index_cast %add3A_460 : i32 to index
            %swap3A_503 = arith.constant 32 : index
            %swap3A_504 = tpu.vector_load %arg14[%swap3A_501, %swap3A_502, %swap3A_503] {strides = array<i32>} : memref<2x128x56xf32, #tpu.memory_space<vmem>>, vector<16xf32>,
            tpu.vector_store %arg14[%swap3A_501, %swap3A_502, %swap3A_503], %mul3A_499 {strides = array<i32>} : memref<2x128x56xf32, #tpu.memory_space<vmem>>, vector<16xf32>,
          }
          %scan3A_297 = arith.constant 32 : i32
          %dma_start3A_298 = arith.constant 0 : i32
          %dma_start3A_299 = arith.constant 0 : i32
          %dma_start3A_300 = arith.constant 0 : i32
          %dma_start3A_301 = tpu.memref_slice %arg14[%dma_start3A_298, %dma_start3A_299, %dma_start3A_300] : memref<2x128x56xf32, #tpu.memory_space<vmem>> -> memref<1x128x56xf32, #tpu.memory_space<vmem>>
          %dma_start3A_302 = tpu.memref_squeeze %dma_start3A_301 : memref<1x128x56xf32, #tpu.memory_space<vmem>> -> memref<128x56xf32, #tpu.memory_space<vmem>>
          %dma_start3A_303 = arith.constant 0 : i32
          %dma_start3A_304 = tpu.memref_slice %arg11[%select_n3A_191, %dma_start3A_303] : memref<4x128xi32, #tpu.memory_space<vmem>> -> memref<1x128xi32, #tpu.memory_space<vmem>>
          %dma_start3A_305 = tpu.memref_squeeze %dma_start3A_304 : memref<1x128xi32, #tpu.memory_space<vmem>> -> memref<128xi32, #tpu.memory_space<vmem>>
          %dma_start3A_306 = arith.constant 0 : i32
          %dma_start3A_307 = arith.constant 0 : i32
          %dma_start3A_308 = tpu.memref_slice %arg7[%dma_start3A_306, %dma_start3A_307] : memref<23808x56xf32, #tpu.memory_space<vmem_shared>> -> memref<23808x56xf32, #tpu.memory_space<vmem_shared>>
          tpu.enqueue_indirect_dma source(%dma_start3A_302 : memref<128x56xf32, #tpu.memory_space<vmem>>) target(%dma_start3A_308 : memref<23808x56xf32, #tpu.memory_space<vmem_shared>>) offsets(%dma_start3A_305 : memref<128xi32, #tpu.memory_space<vmem>>) semaphore(%arg21 : memref<!tpu.dma_semaphore, #tpu.memory_space<semaphore_mem>>) {add = true}
          %add3A_309 = arith.constant 2 : i32
          %add3A_310 = arith.addi %while3A_178, %add3A_309 : i32
          %lt3A_311 = arith.cmpi slt, %add3A_310, %min3A_128 : i32
          %convert_element_type3A_312 = arith.extui %lt3A_311 : i1 to i32
          %cond3A_313 = arith.constant 0 : i32
          %cond3A_314 = arith.cmpi ne, %convert_element_type3A_312, %cond3A_313 : i32
          scf.if %cond3A_314 {
            %add3A_315 = arith.constant 2 : i32
            %add3A_316 = arith.addi %while3A_178, %add3A_315 : i32
            %scan3A_317 = arith.constant 0 : i32
            %scan3A_318 = arith.constant 0 : i32
            %scan3A_319 = arith.constant 2 : i32
            %scan3A_320 = arith.addi %scan3A_318, %scan3A_319 : i32
            %scan3A_321 = arith.constant 1 : i32
            scf.for %scan3A_353 = %scan3A_318 to %scan3A_320 step %scan3A_321  : i32 {
              %mul3A_354 = arith.constant 4 : i32
              %mul3A_355 = arith.muli %scan3A_353, %mul3A_354 : i32
              %add3A_356 = arith.constant 0 : i32
              %add3A_357 = arith.addi %mul3A_355, %add3A_356 : i32
              %mul3A_358 = arith.constant 16 : i32
              %mul3A_359 = arith.muli %add3A_357, %mul3A_358 : i32
              %get3A_360 = arith.index_cast %add3A_316 : i32 to index
              %get3A_361 = arith.index_cast %mul3A_359 : i32 to index
              %get3A_362 = tpu.vector_load %arg9[%get3A_360, %get3A_361] {strides = array<i32>} : memref<16x128xi32, #tpu.memory_space<vmem>>, vector<16xi32>,
              %shift_right_logical3A = arith.constant 15 : i32
              %shift_right_logical3A_363 = vector.broadcast %shift_right_logical3A : i32 to vector<16xi32>
              %shift_right_logical3A_364 = arith.shrui %get3A_362, %shift_right_logical3A_363 : vector<16xi32>
              %mul3A_365 = arith.constant 16 : i32
              %mul3A_366 = arith.muli %add3A_357, %mul3A_365 : i32
              %swap3A_367 = arith.index_cast %select_n3A_209 : i32 to index
              %swap3A_368 = arith.index_cast %mul3A_366 : i32 to index
              %swap3A_369 = tpu.vector_load %arg10[%swap3A_367, %swap3A_368] {strides = array<i32>} : memref<4x128xi32, #tpu.memory_space<vmem>>, vector<16xi32>,
              tpu.vector_store %arg10[%swap3A_367, %swap3A_368], %shift_right_logical3A_364 {strides = array<i32>} : memref<4x128xi32, #tpu.memory_space<vmem>>, vector<16xi32>,
              %and3A_370 = arith.constant 32767 : i32
              %and3A_371 = vector.broadcast %and3A_370 : i32 to vector<16xi32>
              %and3A_372 = arith.andi %get3A_362, %and3A_371 : vector<16xi32>
              %mul3A_373 = arith.constant 16 : i32
              %mul3A_374 = arith.muli %add3A_357, %mul3A_373 : i32
              %swap3A_375 = arith.index_cast %select_n3A_209 : i32 to index
              %swap3A_376 = arith.index_cast %mul3A_374 : i32 to index
              %swap3A_377 = tpu.vector_load %arg11[%swap3A_375, %swap3A_376] {strides = array<i32>} : memref<4x128xi32, #tpu.memory_space<vmem>>, vector<16xi32>,
              tpu.vector_store %arg11[%swap3A_375, %swap3A_376], %and3A_372 {strides = array<i32>} : memref<4x128xi32, #tpu.memory_space<vmem>>, vector<16xi32>,
              %mul3A_378 = arith.constant 4 : i32
              %mul3A_379 = arith.muli %scan3A_353, %mul3A_378 : i32
              %add3A_380 = arith.constant 1 : i32
              %add3A_381 = arith.addi %mul3A_379, %add3A_380 : i32
              %mul3A_382 = arith.constant 16 : i32
              %mul3A_383 = arith.muli %add3A_381, %mul3A_382 : i32
              %get3A_384 = arith.index_cast %add3A_316 : i32 to index
              %get3A_385 = arith.index_cast %mul3A_383 : i32 to index
              %get3A_386 = tpu.vector_load %arg9[%get3A_384, %get3A_385] {strides = array<i32>} : memref<16x128xi32, #tpu.memory_space<vmem>>, vector<16xi32>,
              %shift_right_logical3A_387 = arith.constant 15 : i32
              %shift_right_logical3A_388 = vector.broadcast %shift_right_logical3A_387 : i32 to vector<16xi32>
              %shift_right_logical3A_389 = arith.shrui %get3A_386, %shift_right_logical3A_388 : vector<16xi32>
              %mul3A_390 = arith.constant 16 : i32
              %mul3A_391 = arith.muli %add3A_381, %mul3A_390 : i32
              %swap3A_392 = arith.index_cast %select_n3A_209 : i32 to index
              %swap3A_393 = arith.index_cast %mul3A_391 : i32 to index
              %swap3A_394 = tpu.vector_load %arg10[%swap3A_392, %swap3A_393] {strides = array<i32>} : memref<4x128xi32, #tpu.memory_space<vmem>>, vector<16xi32>,
              tpu.vector_store %arg10[%swap3A_392, %swap3A_393], %shift_right_logical3A_389 {strides = array<i32>} : memref<4x128xi32, #tpu.memory_space<vmem>>, vector<16xi32>,
              %and3A_395 = arith.constant 32767 : i32
              %and3A_396 = vector.broadcast %and3A_395 : i32 to vector<16xi32>
              %and3A_397 = arith.andi %get3A_386, %and3A_396 : vector<16xi32>
              %mul3A_398 = arith.constant 16 : i32
              %mul3A_399 = arith.muli %add3A_381, %mul3A_398 : i32
              %swap3A_400 = arith.index_cast %select_n3A_209 : i32 to index
              %swap3A_401 = arith.index_cast %mul3A_399 : i32 to index
              %swap3A_402 = tpu.vector_load %arg11[%swap3A_400, %swap3A_401] {strides = array<i32>} : memref<4x128xi32, #tpu.memory_space<vmem>>, vector<16xi32>,
              tpu.vector_store %arg11[%swap3A_400, %swap3A_401], %and3A_397 {strides = array<i32>} : memref<4x128xi32, #tpu.memory_space<vmem>>, vector<16xi32>,
              %mul3A_403 = arith.constant 4 : i32
              %mul3A_404 = arith.muli %scan3A_353, %mul3A_403 : i32
              %add3A_405 = arith.constant 2 : i32
              %add3A_406 = arith.addi %mul3A_404, %add3A_405 : i32
              %mul3A_407 = arith.constant 16 : i32
              %mul3A_408 = arith.muli %add3A_406, %mul3A_407 : i32
              %get3A_409 = arith.index_cast %add3A_316 : i32 to index
              %get3A_410 = arith.index_cast %mul3A_408 : i32 to index
              %get3A_411 = tpu.vector_load %arg9[%get3A_409, %get3A_410] {strides = array<i32>} : memref<16x128xi32, #tpu.memory_space<vmem>>, vector<16xi32>,
              %shift_right_logical3A_412 = arith.constant 15 : i32
              %shift_right_logical3A_413 = vector.broadcast %shift_right_logical3A_412 : i32 to vector<16xi32>
              %shift_right_logical3A_414 = arith.shrui %get3A_411, %shift_right_logical3A_413 : vector<16xi32>
              %mul3A_415 = arith.constant 16 : i32
              %mul3A_416 = arith.muli %add3A_406, %mul3A_415 : i32
              %swap3A_417 = arith.index_cast %select_n3A_209 : i32 to index
              %swap3A_418 = arith.index_cast %mul3A_416 : i32 to index
              %swap3A_419 = tpu.vector_load %arg10[%swap3A_417, %swap3A_418] {strides = array<i32>} : memref<4x128xi32, #tpu.memory_space<vmem>>, vector<16xi32>,
              tpu.vector_store %arg10[%swap3A_417, %swap3A_418], %shift_right_logical3A_414 {strides = array<i32>} : memref<4x128xi32, #tpu.memory_space<vmem>>, vector<16xi32>,
              %and3A_420 = arith.constant 32767 : i32
              %and3A_421 = vector.broadcast %and3A_420 : i32 to vector<16xi32>
              %and3A_422 = arith.andi %get3A_411, %and3A_421 : vector<16xi32>
              %mul3A_423 = arith.constant 16 : i32
              %mul3A_424 = arith.muli %add3A_406, %mul3A_423 : i32
              %swap3A_425 = arith.index_cast %select_n3A_209 : i32 to index
              %swap3A_426 = arith.index_cast %mul3A_424 : i32 to index
              %swap3A_427 = tpu.vector_load %arg11[%swap3A_425, %swap3A_426] {strides = array<i32>} : memref<4x128xi32, #tpu.memory_space<vmem>>, vector<16xi32>,
              tpu.vector_store %arg11[%swap3A_425, %swap3A_426], %and3A_422 {strides = array<i32>} : memref<4x128xi32, #tpu.memory_space<vmem>>, vector<16xi32>,
              %mul3A_428 = arith.constant 4 : i32
              %mul3A_429 = arith.muli %scan3A_353, %mul3A_428 : i32
              %add3A_430 = arith.constant 3 : i32
              %add3A_431 = arith.addi %mul3A_429, %add3A_430 : i32
              %mul3A_432 = arith.constant 16 : i32
              %mul3A_433 = arith.muli %add3A_431, %mul3A_432 : i32
              %get3A_434 = arith.index_cast %add3A_316 : i32 to index
              %get3A_435 = arith.index_cast %mul3A_433 : i32 to index
              %get3A_436 = tpu.vector_load %arg9[%get3A_434, %get3A_435] {strides = array<i32>} : memref<16x128xi32, #tpu.memory_space<vmem>>, vector<16xi32>,
              %shift_right_logical3A_437 = arith.constant 15 : i32
              %shift_right_logical3A_438 = vector.broadcast %shift_right_logical3A_437 : i32 to vector<16xi32>
              %shift_right_logical3A_439 = arith.shrui %get3A_436, %shift_right_logical3A_438 : vector<16xi32>
              %mul3A_440 = arith.constant 16 : i32
              %mul3A_441 = arith.muli %add3A_431, %mul3A_440 : i32
              %swap3A_442 = arith.index_cast %select_n3A_209 : i32 to index
              %swap3A_443 = arith.index_cast %mul3A_441 : i32 to index
              %swap3A_444 = tpu.vector_load %arg10[%swap3A_442, %swap3A_443] {strides = array<i32>} : memref<4x128xi32, #tpu.memory_space<vmem>>, vector<16xi32>,
              tpu.vector_store %arg10[%swap3A_442, %swap3A_443], %shift_right_logical3A_439 {strides = array<i32>} : memref<4x128xi32, #tpu.memory_space<vmem>>, vector<16xi32>,
              %and3A_445 = arith.constant 32767 : i32
              %and3A_446 = vector.broadcast %and3A_445 : i32 to vector<16xi32>
              %and3A_447 = arith.andi %get3A_436, %and3A_446 : vector<16xi32>
              %mul3A_448 = arith.constant 16 : i32
              %mul3A_449 = arith.muli %add3A_431, %mul3A_448 : i32
              %swap3A_450 = arith.index_cast %select_n3A_209 : i32 to index
              %swap3A_451 = arith.index_cast %mul3A_449 : i32 to index
              %swap3A_452 = tpu.vector_load %arg11[%swap3A_450, %swap3A_451] {strides = array<i32>} : memref<4x128xi32, #tpu.memory_space<vmem>>, vector<16xi32>,
              tpu.vector_store %arg11[%swap3A_450, %swap3A_451], %and3A_447 {strides = array<i32>} : memref<4x128xi32, #tpu.memory_space<vmem>>, vector<16xi32>,
            }
            %scan3A_322 = arith.constant 2 : i32
            %dma_start3A_323 = arith.constant 0 : i32
            %dma_start3A_324 = arith.constant 0 : i32
            %dma_start3A_325 = arith.constant 0 : i32
            %dma_start3A_326 = tpu.memref_slice %arg12[%dma_start3A_323, %dma_start3A_324, %dma_start3A_325] : memref<2x128x40xf32, #tpu.memory_space<vmem>> -> memref<1x128x40xf32, #tpu.memory_space<vmem>>
            %dma_start3A_327 = tpu.memref_squeeze %dma_start3A_326 : memref<1x128x40xf32, #tpu.memory_space<vmem>> -> memref<128x40xf32, #tpu.memory_space<vmem>>
            %dma_start3A_328 = arith.constant 0 : i32
            %dma_start3A_329 = tpu.memref_slice %arg10[%select_n3A_209, %dma_start3A_328] : memref<4x128xi32, #tpu.memory_space<vmem>> -> memref<1x128xi32, #tpu.memory_space<vmem>>
            %dma_start3A_330 = tpu.memref_squeeze %dma_start3A_329 : memref<1x128xi32, #tpu.memory_space<vmem>> -> memref<128xi32, #tpu.memory_space<vmem>>
            %dma_start3A_331 = arith.constant 0 : i32
            %dma_start3A_332 = arith.constant 0 : i32
            %dma_start3A_333 = tpu.memref_slice %arg3[%arg0, %dma_start3A_331, %dma_start3A_332] : memref<2x23808x40xf32, #tpu.memory_space<hbm>> -> memref<1x23808x40xf32, #tpu.memory_space<hbm>>
            %dma_start3A_334 = tpu.memref_squeeze %dma_start3A_333 : memref<1x23808x40xf32, #tpu.memory_space<hbm>> -> memref<23808x40xf32, #tpu.memory_space<hbm>>
            %dma_start3A_335 = arith.constant 0 : i32
            %dma_start3A_336 = arith.constant 0 : i32
            %dma_start3A_337 = tpu.memref_slice %dma_start3A_334[%dma_start3A_335, %dma_start3A_336] : memref<23808x40xf32, #tpu.memory_space<hbm>> -> memref<23808x40xf32, #tpu.memory_space<hbm>>
            tpu.enqueue_indirect_dma source(%dma_start3A_337 : memref<23808x40xf32, #tpu.memory_space<hbm>>) target(%dma_start3A_327 : memref<128x40xf32, #tpu.memory_space<vmem>>) offsets(%dma_start3A_330 : memref<128xi32, #tpu.memory_space<vmem>>) semaphore(%arg19 : memref<!tpu.dma_semaphore, #tpu.memory_space<semaphore_mem>>)
            %dma_start3A_338 = arith.constant 0 : i32
            %dma_start3A_339 = arith.constant 0 : i32
            %dma_start3A_340 = arith.constant 0 : i32
            %dma_start3A_341 = tpu.memref_slice %arg13[%dma_start3A_338, %dma_start3A_339, %dma_start3A_340] : memref<2x128x8xf32, #tpu.memory_space<vmem>> -> memref<1x128x8xf32, #tpu.memory_space<vmem>>
            %dma_start3A_342 = tpu.memref_squeeze %dma_start3A_341 : memref<1x128x8xf32, #tpu.memory_space<vmem>> -> memref<128x8xf32, #tpu.memory_space<vmem>>
            %dma_start3A_343 = arith.constant 0 : i32
            %dma_start3A_344 = tpu.memref_slice %arg11[%select_n3A_209, %dma_start3A_343] : memref<4x128xi32, #tpu.memory_space<vmem>> -> memref<1x128xi32, #tpu.memory_space<vmem>>
            %dma_start3A_345 = tpu.memref_squeeze %dma_start3A_344 : memref<1x128xi32, #tpu.memory_space<vmem>> -> memref<128xi32, #tpu.memory_space<vmem>>
            %dma_start3A_346 = arith.constant 0 : i32
            %dma_start3A_347 = arith.constant 0 : i32
            %dma_start3A_348 = tpu.memref_slice %arg4[%arg0, %dma_start3A_346, %dma_start3A_347] : memref<2x23808x8xf32, #tpu.memory_space<hbm>> -> memref<1x23808x8xf32, #tpu.memory_space<hbm>>
            %dma_start3A_349 = tpu.memref_squeeze %dma_start3A_348 : memref<1x23808x8xf32, #tpu.memory_space<hbm>> -> memref<23808x8xf32, #tpu.memory_space<hbm>>
            %dma_start3A_350 = arith.constant 0 : i32
            %dma_start3A_351 = arith.constant 0 : i32
            %dma_start3A_352 = tpu.memref_slice %dma_start3A_349[%dma_start3A_350, %dma_start3A_351] : memref<23808x8xf32, #tpu.memory_space<hbm>> -> memref<23808x8xf32, #tpu.memory_space<hbm>>
            tpu.enqueue_indirect_dma source(%dma_start3A_352 : memref<23808x8xf32, #tpu.memory_space<hbm>>) target(%dma_start3A_342 : memref<128x8xf32, #tpu.memory_space<vmem>>) offsets(%dma_start3A_345 : memref<128xi32, #tpu.memory_space<vmem>>) semaphore(%arg19 : memref<!tpu.dma_semaphore, #tpu.memory_space<semaphore_mem>>)
          } else {
          }
        } else {
        }
        %jit3A_231 = arith.constant 2 : i32
        %eq3A_232 = arith.constant 0 : i32
        %eq3A_233 = arith.cmpi eq, %jit3A_231, %eq3A_232 : i32
        %jit3A_234 = arith.constant 1 : i32
        %select_n3A_235 = arith.select %eq3A_233, %jit3A_234, %jit3A_231 : i32
        %rem3A_236 = arith.remsi %while3A_178, %select_n3A_235 : i32
        %ne3A_237 = arith.constant 0 : i32
        %ne3A_238 = arith.cmpi ne, %rem3A_236, %ne3A_237 : i32
        %lt3A_239 = arith.constant 0 : i32
        %lt3A_240 = arith.cmpi slt, %rem3A_236, %lt3A_239 : i32
        %lt3A_241 = arith.constant 0 : i32
        %lt3A_242 = arith.cmpi slt, %select_n3A_235, %lt3A_241 : i32
        %ne3A_243 = arith.xori %lt3A_240, %lt3A_242 : i1
        %and3A_244 = arith.andi %ne3A_243, %ne3A_238 : i1
        %add3A_245 = arith.addi %rem3A_236, %select_n3A_235 : i32
        %select_n3A_246 = arith.select %and3A_244, %add3A_245, %rem3A_236 : i32
        %eq3A_247 = arith.constant 1 : i32
        %eq3A_248 = arith.cmpi eq, %select_n3A_246, %eq3A_247 : i32
        %convert_element_type3A_249 = arith.extui %eq3A_248 : i1 to i32
        %cond3A_250 = arith.constant 0 : i32
        %cond3A_251 = arith.cmpi ne, %convert_element_type3A_249, %cond3A_250 : i32
        scf.if %cond3A_251 {
          %dma_wait3A_252 = arith.constant 1 : i32
          %dma_wait3A_253 = arith.constant 0 : i32
          %dma_wait3A_254 = arith.constant 0 : i32
          %dma_wait3A_255 = tpu.memref_slice %arg12[%dma_wait3A_252, %dma_wait3A_253, %dma_wait3A_254] : memref<2x128x40xf32, #tpu.memory_space<vmem>> -> memref<1x128x40xf32, #tpu.memory_space<vmem>>
          %dma_wait3A_256 = tpu.memref_squeeze %dma_wait3A_255 : memref<1x128x40xf32, #tpu.memory_space<vmem>> -> memref<128x40xf32, #tpu.memory_space<vmem>>
          %dma_wait3A_257 = arith.constant 0 : i32
          %dma_wait3A_258 = tpu.memref_slice %arg10[%select_n3A_191, %dma_wait3A_257] : memref<4x128xi32, #tpu.memory_space<vmem>> -> memref<1x128xi32, #tpu.memory_space<vmem>>
          %dma_wait3A_259 = tpu.memref_squeeze %dma_wait3A_258 : memref<1x128xi32, #tpu.memory_space<vmem>> -> memref<128xi32, #tpu.memory_space<vmem>>
          %dma_wait3A_260 = arith.constant 0 : i32
          %dma_wait3A_261 = arith.constant 0 : i32
          %dma_wait3A_262 = tpu.memref_slice %arg3[%arg0, %dma_wait3A_260, %dma_wait3A_261] : memref<2x23808x40xf32, #tpu.memory_space<hbm>> -> memref<1x23808x40xf32, #tpu.memory_space<hbm>>
          %dma_wait3A_263 = tpu.memref_squeeze %dma_wait3A_262 : memref<1x23808x40xf32, #tpu.memory_space<hbm>> -> memref<23808x40xf32, #tpu.memory_space<hbm>>
          %dma_wait3A_264 = arith.constant 0 : i32
          %dma_wait3A_265 = arith.constant 0 : i32
          %dma_wait3A_266 = tpu.memref_slice %dma_wait3A_263[%dma_wait3A_264, %dma_wait3A_265] : memref<23808x40xf32, #tpu.memory_space<hbm>> -> memref<23808x40xf32, #tpu.memory_space<hbm>>
          tpu.wait_indirect_dma semaphore(%arg20 : memref<!tpu.dma_semaphore, #tpu.memory_space<semaphore_mem>>) src(%dma_wait3A_266 : memref<23808x40xf32, #tpu.memory_space<hbm>>) dst(%dma_wait3A_256 : memref<128x40xf32, #tpu.memory_space<vmem>>)
          %dma_wait3A_267 = arith.constant 1 : i32
          %dma_wait3A_268 = arith.constant 0 : i32
          %dma_wait3A_269 = arith.constant 0 : i32
          %dma_wait3A_270 = tpu.memref_slice %arg13[%dma_wait3A_267, %dma_wait3A_268, %dma_wait3A_269] : memref<2x128x8xf32, #tpu.memory_space<vmem>> -> memref<1x128x8xf32, #tpu.memory_space<vmem>>
          %dma_wait3A_271 = tpu.memref_squeeze %dma_wait3A_270 : memref<1x128x8xf32, #tpu.memory_space<vmem>> -> memref<128x8xf32, #tpu.memory_space<vmem>>
          %dma_wait3A_272 = arith.constant 0 : i32
          %dma_wait3A_273 = tpu.memref_slice %arg11[%select_n3A_191, %dma_wait3A_272] : memref<4x128xi32, #tpu.memory_space<vmem>> -> memref<1x128xi32, #tpu.memory_space<vmem>>
          %dma_wait3A_274 = tpu.memref_squeeze %dma_wait3A_273 : memref<1x128xi32, #tpu.memory_space<vmem>> -> memref<128xi32, #tpu.memory_space<vmem>>
          %dma_wait3A_275 = arith.constant 0 : i32
          %dma_wait3A_276 = arith.constant 0 : i32
          %dma_wait3A_277 = tpu.memref_slice %arg4[%arg0, %dma_wait3A_275, %dma_wait3A_276] : memref<2x23808x8xf32, #tpu.memory_space<hbm>> -> memref<1x23808x8xf32, #tpu.memory_space<hbm>>
          %dma_wait3A_278 = tpu.memref_squeeze %dma_wait3A_277 : memref<1x23808x8xf32, #tpu.memory_space<hbm>> -> memref<23808x8xf32, #tpu.memory_space<hbm>>
          %dma_wait3A_279 = arith.constant 0 : i32
          %dma_wait3A_280 = arith.constant 0 : i32
          %dma_wait3A_281 = tpu.memref_slice %dma_wait3A_278[%dma_wait3A_279, %dma_wait3A_280] : memref<23808x8xf32, #tpu.memory_space<hbm>> -> memref<23808x8xf32, #tpu.memory_space<hbm>>
          tpu.wait_indirect_dma semaphore(%arg20 : memref<!tpu.dma_semaphore, #tpu.memory_space<semaphore_mem>>) src(%dma_wait3A_281 : memref<23808x8xf32, #tpu.memory_space<hbm>>) dst(%dma_wait3A_271 : memref<128x8xf32, #tpu.memory_space<vmem>>)
          %scan3A_282 = arith.constant 0 : i32
          %scan3A_283 = arith.constant 0 : i32
          %scan3A_284 = arith.constant 4 : i32
          %scan3A_285 = arith.addi %scan3A_283, %scan3A_284 : i32
          %scan3A_286 = arith.constant 1 : i32
          scf.for %scan3A_315 = %scan3A_283 to %scan3A_285 step %scan3A_286  : i32 {
            %mul3A_316 = arith.constant 2 : i32
            %mul3A_317 = arith.muli %scan3A_315, %mul3A_316 : i32
            %add3A_318 = arith.constant 0 : i32
            %add3A_319 = arith.addi %mul3A_317, %add3A_318 : i32
            %mul3A_320 = arith.constant 16 : i32
            %mul3A_321 = arith.muli %add3A_319, %mul3A_320 : i32
            %add3A_322 = vector.broadcast %mul3A_321 : i32 to vector<16xi32>
            %add3A_323 = arith.addi %add3A_322, %iota3A : vector<16xi32>
            %broadcast_in_dim3A_324 = arith.constant 32 : i32
            %broadcast_in_dim3A_325 = vector.broadcast %broadcast_in_dim3A_324 : i32 to vector<16xi32>
            %gather3A = arith.constant 1 : i32
            %gather3A_326 = arith.constant 0 : i32
            %gather3A_327 = arith.constant 0 : i32
            %gather3A_328 = tpu.memref_slice %arg12[%gather3A, %gather3A_326, %gather3A_327] : memref<2x128x40xf32, #tpu.memory_space<vmem>> -> memref<1x128x40xf32, #tpu.memory_space<vmem>>
            %gather3A_329 = tpu.memref_squeeze %gather3A_328 : memref<1x128x40xf32, #tpu.memory_space<vmem>> -> memref<128x40xf32, #tpu.memory_space<vmem>>
            %gather3A_330 = tpu.vector_load_idx %gather3A_329[%add3A_323, %broadcast_in_dim3A_325] : memref<128x40xf32, #tpu.memory_space<vmem>>[vector<16xi32>, vector<16xi32>], vector<16xf32>,
            %broadcast_in_dim3A_331 = arith.constant 33 : i32
            %broadcast_in_dim3A_332 = vector.broadcast %broadcast_in_dim3A_331 : i32 to vector<16xi32>
            %gather3A_333 = arith.constant 1 : i32
            %gather3A_334 = arith.constant 0 : i32
            %gather3A_335 = arith.constant 0 : i32
            %gather3A_336 = tpu.memref_slice %arg12[%gather3A_333, %gather3A_334, %gather3A_335] : memref<2x128x40xf32, #tpu.memory_space<vmem>> -> memref<1x128x40xf32, #tpu.memory_space<vmem>>
            %gather3A_337 = tpu.memref_squeeze %gather3A_336 : memref<1x128x40xf32, #tpu.memory_space<vmem>> -> memref<128x40xf32, #tpu.memory_space<vmem>>
            %gather3A_338 = tpu.vector_load_idx %gather3A_337[%add3A_323, %broadcast_in_dim3A_332] : memref<128x40xf32, #tpu.memory_space<vmem>>[vector<16xi32>, vector<16xi32>], vector<16xf32>,
            %broadcast_in_dim3A_339 = arith.constant 0 : i32
            %broadcast_in_dim3A_340 = vector.broadcast %broadcast_in_dim3A_339 : i32 to vector<16xi32>
            %gather3A_341 = arith.constant 1 : i32
            %gather3A_342 = arith.constant 0 : i32
            %gather3A_343 = arith.constant 0 : i32
            %gather3A_344 = tpu.memref_slice %arg13[%gather3A_341, %gather3A_342, %gather3A_343] : memref<2x128x8xf32, #tpu.memory_space<vmem>> -> memref<1x128x8xf32, #tpu.memory_space<vmem>>
            %gather3A_345 = tpu.memref_squeeze %gather3A_344 : memref<1x128x8xf32, #tpu.memory_space<vmem>> -> memref<128x8xf32, #tpu.memory_space<vmem>>
            %gather3A_346 = tpu.vector_load_idx %gather3A_345[%add3A_323, %broadcast_in_dim3A_340] : memref<128x8xf32, #tpu.memory_space<vmem>>[vector<16xi32>, vector<16xi32>], vector<16xf32>,
            %gather3A_347 = arith.constant 1 : i32
            %gather3A_348 = arith.constant 0 : i32
            %gather3A_349 = arith.constant 0 : i32
            %gather3A_350 = tpu.memref_slice %arg13[%gather3A_347, %gather3A_348, %gather3A_349] : memref<2x128x8xf32, #tpu.memory_space<vmem>> -> memref<1x128x8xf32, #tpu.memory_space<vmem>>
            %gather3A_351 = tpu.memref_squeeze %gather3A_350 : memref<1x128x8xf32, #tpu.memory_space<vmem>> -> memref<128x8xf32, #tpu.memory_space<vmem>>
            %gather3A_352 = tpu.vector_load_idx %gather3A_351[%add3A_323, %broadcast_in_dim3A_0] : memref<128x8xf32, #tpu.memory_space<vmem>>[vector<16xi32>, vector<16xi32>], vector<16xf32>,
            %add3A_353 = arith.addf %gather3A_330, %gather3A_346 : vector<16xf32>
            %add3A_354 = arith.addf %gather3A_338, %gather3A_352 : vector<16xf32>
            %gt3A = arith.constant 0.000000e+00 : f32
            %gt3A_355 = vector.broadcast %gt3A : f32 to vector<16xf32>
            %gt3A_356 = arith.cmpf ogt, %add3A_353, %gt3A_355 : vector<16xf32>
            %mul3A_357 = arith.constant 2.000000e-01 : f32
            %mul3A_358 = vector.broadcast %mul3A_357 : f32 to vector<16xf32>
            %mul3A_359 = arith.mulf %mul3A_358, %add3A_353 : vector<16xf32>
            %select_n3A_360 = arith.select %gt3A_356, %add3A_353, %mul3A_359 : vector<16xi1>, vector<16xf32>
            %gt3A_361 = arith.constant 0.000000e+00 : f32
            %gt3A_362 = vector.broadcast %gt3A_361 : f32 to vector<16xf32>
            %gt3A_363 = arith.cmpf ogt, %add3A_354, %gt3A_362 : vector<16xf32>
            %mul3A_364 = arith.constant 2.000000e-01 : f32
            %mul3A_365 = vector.broadcast %mul3A_364 : f32 to vector<16xf32>
            %mul3A_366 = arith.mulf %mul3A_365, %add3A_354 : vector<16xf32>
            %select_n3A_367 = arith.select %gt3A_363, %add3A_354, %mul3A_366 : vector<16xi1>, vector<16xf32>
            %sub3A_368 = arith.subf %select_n3A_360, %get3A_71 : vector<16xf32>
            %exp3A = math.exp %sub3A_368 : vector<16xf32>
            %sub3A_369 = arith.subf %select_n3A_367, %get3A_73 : vector<16xf32>
            %exp3A_370 = math.exp %sub3A_369 : vector<16xf32>
            %mul3A_371 = arith.constant 16 : i32
            %mul3A_372 = arith.muli %add3A_319, %mul3A_371 : i32
            %swap3A_373 = arith.index_cast %mul3A_372 : i32 to index
            %swap3A_374 = tpu.vector_load %arg15[%swap3A_373] {strides = array<i32>} : memref<128xf32, #tpu.memory_space<vmem>>, vector<16xf32>,
            tpu.vector_store %arg15[%swap3A_373], %exp3A {strides = array<i32>} : memref<128xf32, #tpu.memory_space<vmem>>, vector<16xf32>,
            %mul3A_375 = arith.constant 16 : i32
            %mul3A_376 = arith.muli %add3A_319, %mul3A_375 : i32
            %swap3A_377 = arith.index_cast %mul3A_376 : i32 to index
            %swap3A_378 = tpu.vector_load %arg16[%swap3A_377] {strides = array<i32>} : memref<128xf32, #tpu.memory_space<vmem>>, vector<16xf32>,
            tpu.vector_store %arg16[%swap3A_377], %exp3A_370 {strides = array<i32>} : memref<128xf32, #tpu.memory_space<vmem>>, vector<16xf32>,
            %broadcast_in_dim3A_379 = arith.constant 48 : i32
            %broadcast_in_dim3A_380 = vector.broadcast %broadcast_in_dim3A_379 : i32 to vector<16xi32>
            %scatter3A = arith.constant 1 : i32
            %scatter3A_381 = arith.constant 0 : i32
            %scatter3A_382 = arith.constant 0 : i32
            %scatter3A_383 = tpu.memref_slice %arg14[%scatter3A, %scatter3A_381, %scatter3A_382] : memref<2x128x56xf32, #tpu.memory_space<vmem>> -> memref<1x128x56xf32, #tpu.memory_space<vmem>>
            %scatter3A_384 = tpu.memref_squeeze %scatter3A_383 : memref<1x128x56xf32, #tpu.memory_space<vmem>> -> memref<128x56xf32, #tpu.memory_space<vmem>>
            tpu.vector_store_idx %scatter3A_384[%add3A_323, %broadcast_in_dim3A_380], %exp3A : memref<128x56xf32, #tpu.memory_space<vmem>>[vector<16xi32>, vector<16xi32>], vector<16xf32>,
            %broadcast_in_dim3A_385 = arith.constant 49 : i32
            %broadcast_in_dim3A_386 = vector.broadcast %broadcast_in_dim3A_385 : i32 to vector<16xi32>
            %scatter3A_387 = arith.constant 1 : i32
            %scatter3A_388 = arith.constant 0 : i32
            %scatter3A_389 = arith.constant 0 : i32
            %scatter3A_390 = tpu.memref_slice %arg14[%scatter3A_387, %scatter3A_388, %scatter3A_389] : memref<2x128x56xf32, #tpu.memory_space<vmem>> -> memref<1x128x56xf32, #tpu.memory_space<vmem>>
            %scatter3A_391 = tpu.memref_squeeze %scatter3A_390 : memref<1x128x56xf32, #tpu.memory_space<vmem>> -> memref<128x56xf32, #tpu.memory_space<vmem>>
            tpu.vector_store_idx %scatter3A_391[%add3A_323, %broadcast_in_dim3A_386], %exp3A_370 : memref<128x56xf32, #tpu.memory_space<vmem>>[vector<16xi32>, vector<16xi32>], vector<16xf32>,
            %mul3A_392 = arith.constant 2 : i32
            %mul3A_393 = arith.muli %scan3A_315, %mul3A_392 : i32
            %add3A_394 = arith.constant 1 : i32
            %add3A_395 = arith.addi %mul3A_393, %add3A_394 : i32
            %mul3A_396 = arith.constant 16 : i32
            %mul3A_397 = arith.muli %add3A_395, %mul3A_396 : i32
            %add3A_398 = vector.broadcast %mul3A_397 : i32 to vector<16xi32>
            %add3A_399 = arith.addi %add3A_398, %iota3A : vector<16xi32>
            %broadcast_in_dim3A_400 = arith.constant 32 : i32
            %broadcast_in_dim3A_401 = vector.broadcast %broadcast_in_dim3A_400 : i32 to vector<16xi32>
            %gather3A_402 = arith.constant 1 : i32
            %gather3A_403 = arith.constant 0 : i32
            %gather3A_404 = arith.constant 0 : i32
            %gather3A_405 = tpu.memref_slice %arg12[%gather3A_402, %gather3A_403, %gather3A_404] : memref<2x128x40xf32, #tpu.memory_space<vmem>> -> memref<1x128x40xf32, #tpu.memory_space<vmem>>
            %gather3A_406 = tpu.memref_squeeze %gather3A_405 : memref<1x128x40xf32, #tpu.memory_space<vmem>> -> memref<128x40xf32, #tpu.memory_space<vmem>>
            %gather3A_407 = tpu.vector_load_idx %gather3A_406[%add3A_399, %broadcast_in_dim3A_401] : memref<128x40xf32, #tpu.memory_space<vmem>>[vector<16xi32>, vector<16xi32>], vector<16xf32>,
            %broadcast_in_dim3A_408 = arith.constant 33 : i32
            %broadcast_in_dim3A_409 = vector.broadcast %broadcast_in_dim3A_408 : i32 to vector<16xi32>
            %gather3A_410 = arith.constant 1 : i32
            %gather3A_411 = arith.constant 0 : i32
            %gather3A_412 = arith.constant 0 : i32
            %gather3A_413 = tpu.memref_slice %arg12[%gather3A_410, %gather3A_411, %gather3A_412] : memref<2x128x40xf32, #tpu.memory_space<vmem>> -> memref<1x128x40xf32, #tpu.memory_space<vmem>>
            %gather3A_414 = tpu.memref_squeeze %gather3A_413 : memref<1x128x40xf32, #tpu.memory_space<vmem>> -> memref<128x40xf32, #tpu.memory_space<vmem>>
            %gather3A_415 = tpu.vector_load_idx %gather3A_414[%add3A_399, %broadcast_in_dim3A_409] : memref<128x40xf32, #tpu.memory_space<vmem>>[vector<16xi32>, vector<16xi32>], vector<16xf32>,
            %broadcast_in_dim3A_416 = arith.constant 0 : i32
            %broadcast_in_dim3A_417 = vector.broadcast %broadcast_in_dim3A_416 : i32 to vector<16xi32>
            %gather3A_418 = arith.constant 1 : i32
            %gather3A_419 = arith.constant 0 : i32
            %gather3A_420 = arith.constant 0 : i32
            %gather3A_421 = tpu.memref_slice %arg13[%gather3A_418, %gather3A_419, %gather3A_420] : memref<2x128x8xf32, #tpu.memory_space<vmem>> -> memref<1x128x8xf32, #tpu.memory_space<vmem>>
            %gather3A_422 = tpu.memref_squeeze %gather3A_421 : memref<1x128x8xf32, #tpu.memory_space<vmem>> -> memref<128x8xf32, #tpu.memory_space<vmem>>
            %gather3A_423 = tpu.vector_load_idx %gather3A_422[%add3A_399, %broadcast_in_dim3A_417] : memref<128x8xf32, #tpu.memory_space<vmem>>[vector<16xi32>, vector<16xi32>], vector<16xf32>,
            %gather3A_424 = arith.constant 1 : i32
            %gather3A_425 = arith.constant 0 : i32
            %gather3A_426 = arith.constant 0 : i32
            %gather3A_427 = tpu.memref_slice %arg13[%gather3A_424, %gather3A_425, %gather3A_426] : memref<2x128x8xf32, #tpu.memory_space<vmem>> -> memref<1x128x8xf32, #tpu.memory_space<vmem>>
            %gather3A_428 = tpu.memref_squeeze %gather3A_427 : memref<1x128x8xf32, #tpu.memory_space<vmem>> -> memref<128x8xf32, #tpu.memory_space<vmem>>
            %gather3A_429 = tpu.vector_load_idx %gather3A_428[%add3A_399, %broadcast_in_dim3A_0] : memref<128x8xf32, #tpu.memory_space<vmem>>[vector<16xi32>, vector<16xi32>], vector<16xf32>,
            %add3A_430 = arith.addf %gather3A_407, %gather3A_423 : vector<16xf32>
            %add3A_431 = arith.addf %gather3A_415, %gather3A_429 : vector<16xf32>
            %gt3A_432 = arith.constant 0.000000e+00 : f32
            %gt3A_433 = vector.broadcast %gt3A_432 : f32 to vector<16xf32>
            %gt3A_434 = arith.cmpf ogt, %add3A_430, %gt3A_433 : vector<16xf32>
            %mul3A_435 = arith.constant 2.000000e-01 : f32
            %mul3A_436 = vector.broadcast %mul3A_435 : f32 to vector<16xf32>
            %mul3A_437 = arith.mulf %mul3A_436, %add3A_430 : vector<16xf32>
            %select_n3A_438 = arith.select %gt3A_434, %add3A_430, %mul3A_437 : vector<16xi1>, vector<16xf32>
            %gt3A_439 = arith.constant 0.000000e+00 : f32
            %gt3A_440 = vector.broadcast %gt3A_439 : f32 to vector<16xf32>
            %gt3A_441 = arith.cmpf ogt, %add3A_431, %gt3A_440 : vector<16xf32>
            %mul3A_442 = arith.constant 2.000000e-01 : f32
            %mul3A_443 = vector.broadcast %mul3A_442 : f32 to vector<16xf32>
            %mul3A_444 = arith.mulf %mul3A_443, %add3A_431 : vector<16xf32>
            %select_n3A_445 = arith.select %gt3A_441, %add3A_431, %mul3A_444 : vector<16xi1>, vector<16xf32>
            %sub3A_446 = arith.subf %select_n3A_438, %get3A_71 : vector<16xf32>
            %exp3A_447 = math.exp %sub3A_446 : vector<16xf32>
            %sub3A_448 = arith.subf %select_n3A_445, %get3A_73 : vector<16xf32>
            %exp3A_449 = math.exp %sub3A_448 : vector<16xf32>
            %mul3A_450 = arith.constant 16 : i32
            %mul3A_451 = arith.muli %add3A_395, %mul3A_450 : i32
            %swap3A_452 = arith.index_cast %mul3A_451 : i32 to index
            %swap3A_453 = tpu.vector_load %arg15[%swap3A_452] {strides = array<i32>} : memref<128xf32, #tpu.memory_space<vmem>>, vector<16xf32>,
            tpu.vector_store %arg15[%swap3A_452], %exp3A_447 {strides = array<i32>} : memref<128xf32, #tpu.memory_space<vmem>>, vector<16xf32>,
            %mul3A_454 = arith.constant 16 : i32
            %mul3A_455 = arith.muli %add3A_395, %mul3A_454 : i32
            %swap3A_456 = arith.index_cast %mul3A_455 : i32 to index
            %swap3A_457 = tpu.vector_load %arg16[%swap3A_456] {strides = array<i32>} : memref<128xf32, #tpu.memory_space<vmem>>, vector<16xf32>,
            tpu.vector_store %arg16[%swap3A_456], %exp3A_449 {strides = array<i32>} : memref<128xf32, #tpu.memory_space<vmem>>, vector<16xf32>,
            %broadcast_in_dim3A_458 = arith.constant 48 : i32
            %broadcast_in_dim3A_459 = vector.broadcast %broadcast_in_dim3A_458 : i32 to vector<16xi32>
            %scatter3A_460 = arith.constant 1 : i32
            %scatter3A_461 = arith.constant 0 : i32
            %scatter3A_462 = arith.constant 0 : i32
            %scatter3A_463 = tpu.memref_slice %arg14[%scatter3A_460, %scatter3A_461, %scatter3A_462] : memref<2x128x56xf32, #tpu.memory_space<vmem>> -> memref<1x128x56xf32, #tpu.memory_space<vmem>>
            %scatter3A_464 = tpu.memref_squeeze %scatter3A_463 : memref<1x128x56xf32, #tpu.memory_space<vmem>> -> memref<128x56xf32, #tpu.memory_space<vmem>>
            tpu.vector_store_idx %scatter3A_464[%add3A_399, %broadcast_in_dim3A_459], %exp3A_447 : memref<128x56xf32, #tpu.memory_space<vmem>>[vector<16xi32>, vector<16xi32>], vector<16xf32>,
            %broadcast_in_dim3A_465 = arith.constant 49 : i32
            %broadcast_in_dim3A_466 = vector.broadcast %broadcast_in_dim3A_465 : i32 to vector<16xi32>
            %scatter3A_467 = arith.constant 1 : i32
            %scatter3A_468 = arith.constant 0 : i32
            %scatter3A_469 = arith.constant 0 : i32
            %scatter3A_470 = tpu.memref_slice %arg14[%scatter3A_467, %scatter3A_468, %scatter3A_469] : memref<2x128x56xf32, #tpu.memory_space<vmem>> -> memref<1x128x56xf32, #tpu.memory_space<vmem>>
            %scatter3A_471 = tpu.memref_squeeze %scatter3A_470 : memref<1x128x56xf32, #tpu.memory_space<vmem>> -> memref<128x56xf32, #tpu.memory_space<vmem>>
            tpu.vector_store_idx %scatter3A_471[%add3A_399, %broadcast_in_dim3A_466], %exp3A_449 : memref<128x56xf32, #tpu.memory_space<vmem>>[vector<16xi32>, vector<16xi32>], vector<16xf32>,
          }
          %scan3A_287 = arith.constant 4 : i32
          %le3A = arith.constant 2 : i32
          %le3A_288 = arith.cmpi sle, %le3A, %add3A_181 : i32
          %convert_element_type3A_289 = arith.extui %le3A_288 : i1 to i32
          %cond3A_290 = arith.constant 0 : i32
          %cond3A_291 = arith.cmpi ne, %convert_element_type3A_289, %cond3A_290 : i32
          scf.if %cond3A_291 {
            %dma_wait3A_315 = arith.constant 1 : i32
            %dma_wait3A_316 = arith.constant 0 : i32
            %dma_wait3A_317 = arith.constant 0 : i32
            %dma_wait3A_318 = tpu.memref_slice %arg14[%dma_wait3A_315, %dma_wait3A_316, %dma_wait3A_317] : memref<2x128x56xf32, #tpu.memory_space<vmem>> -> memref<1x128x56xf32, #tpu.memory_space<vmem>>
            %dma_wait3A_319 = tpu.memref_squeeze %dma_wait3A_318 : memref<1x128x56xf32, #tpu.memory_space<vmem>> -> memref<128x56xf32, #tpu.memory_space<vmem>>
            %dma_wait3A_320 = arith.constant 0 : i32
            %dma_wait3A_321 = tpu.memref_slice %arg11[%select_n3A_209, %dma_wait3A_320] : memref<4x128xi32, #tpu.memory_space<vmem>> -> memref<1x128xi32, #tpu.memory_space<vmem>>
            %dma_wait3A_322 = tpu.memref_squeeze %dma_wait3A_321 : memref<1x128xi32, #tpu.memory_space<vmem>> -> memref<128xi32, #tpu.memory_space<vmem>>
            %dma_wait3A_323 = arith.constant 0 : i32
            %dma_wait3A_324 = arith.constant 0 : i32
            %dma_wait3A_325 = tpu.memref_slice %arg7[%dma_wait3A_323, %dma_wait3A_324] : memref<23808x56xf32, #tpu.memory_space<vmem_shared>> -> memref<23808x56xf32, #tpu.memory_space<vmem_shared>>
            tpu.wait_indirect_dma semaphore(%arg22 : memref<!tpu.dma_semaphore, #tpu.memory_space<semaphore_mem>>) src(%dma_wait3A_319 : memref<128x56xf32, #tpu.memory_space<vmem>>) dst(%dma_wait3A_325 : memref<23808x56xf32, #tpu.memory_space<vmem_shared>>)
          } else {
          }
          %scan3A_292 = arith.constant 0 : i32
          %scan3A_293 = arith.constant 0 : i32
          %scan3A_294 = arith.constant 32 : i32
          %scan3A_295 = arith.addi %scan3A_293, %scan3A_294 : i32
          %scan3A_296 = arith.constant 1 : i32
          scf.for %scan3A_315 = %scan3A_293 to %scan3A_295 step %scan3A_296  : i32 {
            %mul3A_316 = arith.constant 4 : i32
            %mul3A_317 = arith.muli %scan3A_315, %mul3A_316 : i32
            %add3A_318 = arith.constant 0 : i32
            %add3A_319 = arith.addi %mul3A_317, %add3A_318 : i32
            %broadcast_in_dim3A_320 = vector.broadcast %add3A_319 : i32 to vector<16xi32>
            %gather3A = tpu.vector_load_idx %arg15[%broadcast_in_dim3A_320] : memref<128xf32, #tpu.memory_space<vmem>>[vector<16xi32>], vector<16xf32>,
            %gather3A_321 = tpu.vector_load_idx %arg16[%broadcast_in_dim3A_320] : memref<128xf32, #tpu.memory_space<vmem>>[vector<16xi32>], vector<16xf32>,
            %lt3A_322 = arith.constant 8 : i32
            %lt3A_323 = vector.broadcast %lt3A_322 : i32 to vector<16xi32>
            %lt3A_324 = arith.cmpi slt, %iota3A, %lt3A_323 : vector<16xi32>
            %select_n3A_325 = arith.select %lt3A_324, %gather3A, %gather3A_321 : vector<16xi1>, vector<16xf32>
            %get3A_326 = arith.constant 1 : i32
            %get3A_327 = arith.index_cast %get3A_326 : i32 to index
            %get3A_328 = arith.index_cast %add3A_319 : i32 to index
            %get3A_329 = arith.constant 0 : index
            %get3A_330 = tpu.vector_load %arg12[%get3A_327, %get3A_328, %get3A_329] {strides = array<i32>} : memref<2x128x40xf32, #tpu.memory_space<vmem>>, vector<16xf32>,
            %bitcast3A = vector.bitcast %get3A_330 : vector<16xf32> to vector<16xi32>
            %shift_left3A = arith.constant 16 : i32
            %shift_left3A_331 = vector.broadcast %shift_left3A : i32 to vector<16xi32>
            %shift_left3A_332 = arith.shli %bitcast3A, %shift_left3A_331 : vector<16xi32>
            %bitcast3A_333 = vector.bitcast %shift_left3A_332 : vector<16xi32> to vector<16xf32>
            %and3A_334 = arith.constant -65536 : i32
            %and3A_335 = vector.broadcast %and3A_334 : i32 to vector<16xi32>
            %and3A_336 = arith.andi %bitcast3A, %and3A_335 : vector<16xi32>
            %bitcast3A_337 = vector.bitcast %and3A_336 : vector<16xi32> to vector<16xf32>
            %mul3A_338 = arith.mulf %bitcast3A_333, %gather3A : vector<16xf32>
            %swap3A_339 = arith.constant 1 : i32
            %swap3A_340 = arith.index_cast %swap3A_339 : i32 to index
            %swap3A_341 = arith.index_cast %add3A_319 : i32 to index
            %swap3A_342 = arith.constant 0 : index
            %swap3A_343 = tpu.vector_load %arg14[%swap3A_340, %swap3A_341, %swap3A_342] {strides = array<i32>} : memref<2x128x56xf32, #tpu.memory_space<vmem>>, vector<16xf32>,
            tpu.vector_store %arg14[%swap3A_340, %swap3A_341, %swap3A_342], %mul3A_338 {strides = array<i32>} : memref<2x128x56xf32, #tpu.memory_space<vmem>>, vector<16xf32>,
            %mul3A_344 = arith.mulf %bitcast3A_337, %select_n3A_325 : vector<16xf32>
            %swap3A_345 = arith.constant 1 : i32
            %swap3A_346 = arith.index_cast %swap3A_345 : i32 to index
            %swap3A_347 = arith.index_cast %add3A_319 : i32 to index
            %swap3A_348 = arith.constant 16 : index
            %swap3A_349 = tpu.vector_load %arg14[%swap3A_346, %swap3A_347, %swap3A_348] {strides = array<i32>} : memref<2x128x56xf32, #tpu.memory_space<vmem>>, vector<16xf32>,
            tpu.vector_store %arg14[%swap3A_346, %swap3A_347, %swap3A_348], %mul3A_344 {strides = array<i32>} : memref<2x128x56xf32, #tpu.memory_space<vmem>>, vector<16xf32>,
            %get3A_350 = arith.constant 1 : i32
            %get3A_351 = arith.index_cast %get3A_350 : i32 to index
            %get3A_352 = arith.index_cast %add3A_319 : i32 to index
            %get3A_353 = arith.constant 16 : index
            %get3A_354 = tpu.vector_load %arg12[%get3A_351, %get3A_352, %get3A_353] {strides = array<i32>} : memref<2x128x40xf32, #tpu.memory_space<vmem>>, vector<16xf32>,
            %mul3A_355 = arith.mulf %get3A_354, %gather3A_321 : vector<16xf32>
            %swap3A_356 = arith.constant 1 : i32
            %swap3A_357 = arith.index_cast %swap3A_356 : i32 to index
            %swap3A_358 = arith.index_cast %add3A_319 : i32 to index
            %swap3A_359 = arith.constant 32 : index
            %swap3A_360 = tpu.vector_load %arg14[%swap3A_357, %swap3A_358, %swap3A_359] {strides = array<i32>} : memref<2x128x56xf32, #tpu.memory_space<vmem>>, vector<16xf32>,
            tpu.vector_store %arg14[%swap3A_357, %swap3A_358, %swap3A_359], %mul3A_355 {strides = array<i32>} : memref<2x128x56xf32, #tpu.memory_space<vmem>>, vector<16xf32>,
            %mul3A_361 = arith.constant 4 : i32
            %mul3A_362 = arith.muli %scan3A_315, %mul3A_361 : i32
            %add3A_363 = arith.constant 1 : i32
            %add3A_364 = arith.addi %mul3A_362, %add3A_363 : i32
            %broadcast_in_dim3A_365 = vector.broadcast %add3A_364 : i32 to vector<16xi32>
            %gather3A_366 = tpu.vector_load_idx %arg15[%broadcast_in_dim3A_365] : memref<128xf32, #tpu.memory_space<vmem>>[vector<16xi32>], vector<16xf32>,
            %gather3A_367 = tpu.vector_load_idx %arg16[%broadcast_in_dim3A_365] : memref<128xf32, #tpu.memory_space<vmem>>[vector<16xi32>], vector<16xf32>,
            %lt3A_368 = arith.constant 8 : i32
            %lt3A_369 = vector.broadcast %lt3A_368 : i32 to vector<16xi32>
            %lt3A_370 = arith.cmpi slt, %iota3A, %lt3A_369 : vector<16xi32>
            %select_n3A_371 = arith.select %lt3A_370, %gather3A_366, %gather3A_367 : vector<16xi1>, vector<16xf32>
            %get3A_372 = arith.constant 1 : i32
            %get3A_373 = arith.index_cast %get3A_372 : i32 to index
            %get3A_374 = arith.index_cast %add3A_364 : i32 to index
            %get3A_375 = arith.constant 0 : index
            %get3A_376 = tpu.vector_load %arg12[%get3A_373, %get3A_374, %get3A_375] {strides = array<i32>} : memref<2x128x40xf32, #tpu.memory_space<vmem>>, vector<16xf32>,
            %bitcast3A_377 = vector.bitcast %get3A_376 : vector<16xf32> to vector<16xi32>
            %shift_left3A_378 = arith.constant 16 : i32
            %shift_left3A_379 = vector.broadcast %shift_left3A_378 : i32 to vector<16xi32>
            %shift_left3A_380 = arith.shli %bitcast3A_377, %shift_left3A_379 : vector<16xi32>
            %bitcast3A_381 = vector.bitcast %shift_left3A_380 : vector<16xi32> to vector<16xf32>
            %and3A_382 = arith.constant -65536 : i32
            %and3A_383 = vector.broadcast %and3A_382 : i32 to vector<16xi32>
            %and3A_384 = arith.andi %bitcast3A_377, %and3A_383 : vector<16xi32>
            %bitcast3A_385 = vector.bitcast %and3A_384 : vector<16xi32> to vector<16xf32>
            %mul3A_386 = arith.mulf %bitcast3A_381, %gather3A_366 : vector<16xf32>
            %swap3A_387 = arith.constant 1 : i32
            %swap3A_388 = arith.index_cast %swap3A_387 : i32 to index
            %swap3A_389 = arith.index_cast %add3A_364 : i32 to index
            %swap3A_390 = arith.constant 0 : index
            %swap3A_391 = tpu.vector_load %arg14[%swap3A_388, %swap3A_389, %swap3A_390] {strides = array<i32>} : memref<2x128x56xf32, #tpu.memory_space<vmem>>, vector<16xf32>,
            tpu.vector_store %arg14[%swap3A_388, %swap3A_389, %swap3A_390], %mul3A_386 {strides = array<i32>} : memref<2x128x56xf32, #tpu.memory_space<vmem>>, vector<16xf32>,
            %mul3A_392 = arith.mulf %bitcast3A_385, %select_n3A_371 : vector<16xf32>
            %swap3A_393 = arith.constant 1 : i32
            %swap3A_394 = arith.index_cast %swap3A_393 : i32 to index
            %swap3A_395 = arith.index_cast %add3A_364 : i32 to index
            %swap3A_396 = arith.constant 16 : index
            %swap3A_397 = tpu.vector_load %arg14[%swap3A_394, %swap3A_395, %swap3A_396] {strides = array<i32>} : memref<2x128x56xf32, #tpu.memory_space<vmem>>, vector<16xf32>,
            tpu.vector_store %arg14[%swap3A_394, %swap3A_395, %swap3A_396], %mul3A_392 {strides = array<i32>} : memref<2x128x56xf32, #tpu.memory_space<vmem>>, vector<16xf32>,
            %get3A_398 = arith.constant 1 : i32
            %get3A_399 = arith.index_cast %get3A_398 : i32 to index
            %get3A_400 = arith.index_cast %add3A_364 : i32 to index
            %get3A_401 = arith.constant 16 : index
            %get3A_402 = tpu.vector_load %arg12[%get3A_399, %get3A_400, %get3A_401] {strides = array<i32>} : memref<2x128x40xf32, #tpu.memory_space<vmem>>, vector<16xf32>,
            %mul3A_403 = arith.mulf %get3A_402, %gather3A_367 : vector<16xf32>
            %swap3A_404 = arith.constant 1 : i32
            %swap3A_405 = arith.index_cast %swap3A_404 : i32 to index
            %swap3A_406 = arith.index_cast %add3A_364 : i32 to index
            %swap3A_407 = arith.constant 32 : index
            %swap3A_408 = tpu.vector_load %arg14[%swap3A_405, %swap3A_406, %swap3A_407] {strides = array<i32>} : memref<2x128x56xf32, #tpu.memory_space<vmem>>, vector<16xf32>,
            tpu.vector_store %arg14[%swap3A_405, %swap3A_406, %swap3A_407], %mul3A_403 {strides = array<i32>} : memref<2x128x56xf32, #tpu.memory_space<vmem>>, vector<16xf32>,
            %mul3A_409 = arith.constant 4 : i32
            %mul3A_410 = arith.muli %scan3A_315, %mul3A_409 : i32
            %add3A_411 = arith.constant 2 : i32
            %add3A_412 = arith.addi %mul3A_410, %add3A_411 : i32
            %broadcast_in_dim3A_413 = vector.broadcast %add3A_412 : i32 to vector<16xi32>
            %gather3A_414 = tpu.vector_load_idx %arg15[%broadcast_in_dim3A_413] : memref<128xf32, #tpu.memory_space<vmem>>[vector<16xi32>], vector<16xf32>,
            %gather3A_415 = tpu.vector_load_idx %arg16[%broadcast_in_dim3A_413] : memref<128xf32, #tpu.memory_space<vmem>>[vector<16xi32>], vector<16xf32>,
            %lt3A_416 = arith.constant 8 : i32
            %lt3A_417 = vector.broadcast %lt3A_416 : i32 to vector<16xi32>
            %lt3A_418 = arith.cmpi slt, %iota3A, %lt3A_417 : vector<16xi32>
            %select_n3A_419 = arith.select %lt3A_418, %gather3A_414, %gather3A_415 : vector<16xi1>, vector<16xf32>
            %get3A_420 = arith.constant 1 : i32
            %get3A_421 = arith.index_cast %get3A_420 : i32 to index
            %get3A_422 = arith.index_cast %add3A_412 : i32 to index
            %get3A_423 = arith.constant 0 : index
            %get3A_424 = tpu.vector_load %arg12[%get3A_421, %get3A_422, %get3A_423] {strides = array<i32>} : memref<2x128x40xf32, #tpu.memory_space<vmem>>, vector<16xf32>,
            %bitcast3A_425 = vector.bitcast %get3A_424 : vector<16xf32> to vector<16xi32>
            %shift_left3A_426 = arith.constant 16 : i32
            %shift_left3A_427 = vector.broadcast %shift_left3A_426 : i32 to vector<16xi32>
            %shift_left3A_428 = arith.shli %bitcast3A_425, %shift_left3A_427 : vector<16xi32>
            %bitcast3A_429 = vector.bitcast %shift_left3A_428 : vector<16xi32> to vector<16xf32>
            %and3A_430 = arith.constant -65536 : i32
            %and3A_431 = vector.broadcast %and3A_430 : i32 to vector<16xi32>
            %and3A_432 = arith.andi %bitcast3A_425, %and3A_431 : vector<16xi32>
            %bitcast3A_433 = vector.bitcast %and3A_432 : vector<16xi32> to vector<16xf32>
            %mul3A_434 = arith.mulf %bitcast3A_429, %gather3A_414 : vector<16xf32>
            %swap3A_435 = arith.constant 1 : i32
            %swap3A_436 = arith.index_cast %swap3A_435 : i32 to index
            %swap3A_437 = arith.index_cast %add3A_412 : i32 to index
            %swap3A_438 = arith.constant 0 : index
            %swap3A_439 = tpu.vector_load %arg14[%swap3A_436, %swap3A_437, %swap3A_438] {strides = array<i32>} : memref<2x128x56xf32, #tpu.memory_space<vmem>>, vector<16xf32>,
            tpu.vector_store %arg14[%swap3A_436, %swap3A_437, %swap3A_438], %mul3A_434 {strides = array<i32>} : memref<2x128x56xf32, #tpu.memory_space<vmem>>, vector<16xf32>,
            %mul3A_440 = arith.mulf %bitcast3A_433, %select_n3A_419 : vector<16xf32>
            %swap3A_441 = arith.constant 1 : i32
            %swap3A_442 = arith.index_cast %swap3A_441 : i32 to index
            %swap3A_443 = arith.index_cast %add3A_412 : i32 to index
            %swap3A_444 = arith.constant 16 : index
            %swap3A_445 = tpu.vector_load %arg14[%swap3A_442, %swap3A_443, %swap3A_444] {strides = array<i32>} : memref<2x128x56xf32, #tpu.memory_space<vmem>>, vector<16xf32>,
            tpu.vector_store %arg14[%swap3A_442, %swap3A_443, %swap3A_444], %mul3A_440 {strides = array<i32>} : memref<2x128x56xf32, #tpu.memory_space<vmem>>, vector<16xf32>,
            %get3A_446 = arith.constant 1 : i32
            %get3A_447 = arith.index_cast %get3A_446 : i32 to index
            %get3A_448 = arith.index_cast %add3A_412 : i32 to index
            %get3A_449 = arith.constant 16 : index
            %get3A_450 = tpu.vector_load %arg12[%get3A_447, %get3A_448, %get3A_449] {strides = array<i32>} : memref<2x128x40xf32, #tpu.memory_space<vmem>>, vector<16xf32>,
            %mul3A_451 = arith.mulf %get3A_450, %gather3A_415 : vector<16xf32>
            %swap3A_452 = arith.constant 1 : i32
            %swap3A_453 = arith.index_cast %swap3A_452 : i32 to index
            %swap3A_454 = arith.index_cast %add3A_412 : i32 to index
            %swap3A_455 = arith.constant 32 : index
            %swap3A_456 = tpu.vector_load %arg14[%swap3A_453, %swap3A_454, %swap3A_455] {strides = array<i32>} : memref<2x128x56xf32, #tpu.memory_space<vmem>>, vector<16xf32>,
            tpu.vector_store %arg14[%swap3A_453, %swap3A_454, %swap3A_455], %mul3A_451 {strides = array<i32>} : memref<2x128x56xf32, #tpu.memory_space<vmem>>, vector<16xf32>,
            %mul3A_457 = arith.constant 4 : i32
            %mul3A_458 = arith.muli %scan3A_315, %mul3A_457 : i32
            %add3A_459 = arith.constant 3 : i32
            %add3A_460 = arith.addi %mul3A_458, %add3A_459 : i32
            %broadcast_in_dim3A_461 = vector.broadcast %add3A_460 : i32 to vector<16xi32>
            %gather3A_462 = tpu.vector_load_idx %arg15[%broadcast_in_dim3A_461] : memref<128xf32, #tpu.memory_space<vmem>>[vector<16xi32>], vector<16xf32>,
            %gather3A_463 = tpu.vector_load_idx %arg16[%broadcast_in_dim3A_461] : memref<128xf32, #tpu.memory_space<vmem>>[vector<16xi32>], vector<16xf32>,
            %lt3A_464 = arith.constant 8 : i32
            %lt3A_465 = vector.broadcast %lt3A_464 : i32 to vector<16xi32>
            %lt3A_466 = arith.cmpi slt, %iota3A, %lt3A_465 : vector<16xi32>
            %select_n3A_467 = arith.select %lt3A_466, %gather3A_462, %gather3A_463 : vector<16xi1>, vector<16xf32>
            %get3A_468 = arith.constant 1 : i32
            %get3A_469 = arith.index_cast %get3A_468 : i32 to index
            %get3A_470 = arith.index_cast %add3A_460 : i32 to index
            %get3A_471 = arith.constant 0 : index
            %get3A_472 = tpu.vector_load %arg12[%get3A_469, %get3A_470, %get3A_471] {strides = array<i32>} : memref<2x128x40xf32, #tpu.memory_space<vmem>>, vector<16xf32>,
            %bitcast3A_473 = vector.bitcast %get3A_472 : vector<16xf32> to vector<16xi32>
            %shift_left3A_474 = arith.constant 16 : i32
            %shift_left3A_475 = vector.broadcast %shift_left3A_474 : i32 to vector<16xi32>
            %shift_left3A_476 = arith.shli %bitcast3A_473, %shift_left3A_475 : vector<16xi32>
            %bitcast3A_477 = vector.bitcast %shift_left3A_476 : vector<16xi32> to vector<16xf32>
            %and3A_478 = arith.constant -65536 : i32
            %and3A_479 = vector.broadcast %and3A_478 : i32 to vector<16xi32>
            %and3A_480 = arith.andi %bitcast3A_473, %and3A_479 : vector<16xi32>
            %bitcast3A_481 = vector.bitcast %and3A_480 : vector<16xi32> to vector<16xf32>
            %mul3A_482 = arith.mulf %bitcast3A_477, %gather3A_462 : vector<16xf32>
            %swap3A_483 = arith.constant 1 : i32
            %swap3A_484 = arith.index_cast %swap3A_483 : i32 to index
            %swap3A_485 = arith.index_cast %add3A_460 : i32 to index
            %swap3A_486 = arith.constant 0 : index
            %swap3A_487 = tpu.vector_load %arg14[%swap3A_484, %swap3A_485, %swap3A_486] {strides = array<i32>} : memref<2x128x56xf32, #tpu.memory_space<vmem>>, vector<16xf32>,
            tpu.vector_store %arg14[%swap3A_484, %swap3A_485, %swap3A_486], %mul3A_482 {strides = array<i32>} : memref<2x128x56xf32, #tpu.memory_space<vmem>>, vector<16xf32>,
            %mul3A_488 = arith.mulf %bitcast3A_481, %select_n3A_467 : vector<16xf32>
            %swap3A_489 = arith.constant 1 : i32
            %swap3A_490 = arith.index_cast %swap3A_489 : i32 to index
            %swap3A_491 = arith.index_cast %add3A_460 : i32 to index
            %swap3A_492 = arith.constant 16 : index
            %swap3A_493 = tpu.vector_load %arg14[%swap3A_490, %swap3A_491, %swap3A_492] {strides = array<i32>} : memref<2x128x56xf32, #tpu.memory_space<vmem>>, vector<16xf32>,
            tpu.vector_store %arg14[%swap3A_490, %swap3A_491, %swap3A_492], %mul3A_488 {strides = array<i32>} : memref<2x128x56xf32, #tpu.memory_space<vmem>>, vector<16xf32>,
            %get3A_494 = arith.constant 1 : i32
            %get3A_495 = arith.index_cast %get3A_494 : i32 to index
            %get3A_496 = arith.index_cast %add3A_460 : i32 to index
            %get3A_497 = arith.constant 16 : index
            %get3A_498 = tpu.vector_load %arg12[%get3A_495, %get3A_496, %get3A_497] {strides = array<i32>} : memref<2x128x40xf32, #tpu.memory_space<vmem>>, vector<16xf32>,
            %mul3A_499 = arith.mulf %get3A_498, %gather3A_463 : vector<16xf32>
            %swap3A_500 = arith.constant 1 : i32
            %swap3A_501 = arith.index_cast %swap3A_500 : i32 to index
            %swap3A_502 = arith.index_cast %add3A_460 : i32 to index
            %swap3A_503 = arith.constant 32 : index
            %swap3A_504 = tpu.vector_load %arg14[%swap3A_501, %swap3A_502, %swap3A_503] {strides = array<i32>} : memref<2x128x56xf32, #tpu.memory_space<vmem>>, vector<16xf32>,
            tpu.vector_store %arg14[%swap3A_501, %swap3A_502, %swap3A_503], %mul3A_499 {strides = array<i32>} : memref<2x128x56xf32, #tpu.memory_space<vmem>>, vector<16xf32>,
          }
          %scan3A_297 = arith.constant 32 : i32
          %dma_start3A_298 = arith.constant 1 : i32
          %dma_start3A_299 = arith.constant 0 : i32
          %dma_start3A_300 = arith.constant 0 : i32
          %dma_start3A_301 = tpu.memref_slice %arg14[%dma_start3A_298, %dma_start3A_299, %dma_start3A_300] : memref<2x128x56xf32, #tpu.memory_space<vmem>> -> memref<1x128x56xf32, #tpu.memory_space<vmem>>
          %dma_start3A_302 = tpu.memref_squeeze %dma_start3A_301 : memref<1x128x56xf32, #tpu.memory_space<vmem>> -> memref<128x56xf32, #tpu.memory_space<vmem>>
          %dma_start3A_303 = arith.constant 0 : i32
          %dma_start3A_304 = tpu.memref_slice %arg11[%select_n3A_191, %dma_start3A_303] : memref<4x128xi32, #tpu.memory_space<vmem>> -> memref<1x128xi32, #tpu.memory_space<vmem>>
          %dma_start3A_305 = tpu.memref_squeeze %dma_start3A_304 : memref<1x128xi32, #tpu.memory_space<vmem>> -> memref<128xi32, #tpu.memory_space<vmem>>
          %dma_start3A_306 = arith.constant 0 : i32
          %dma_start3A_307 = arith.constant 0 : i32
          %dma_start3A_308 = tpu.memref_slice %arg7[%dma_start3A_306, %dma_start3A_307] : memref<23808x56xf32, #tpu.memory_space<vmem_shared>> -> memref<23808x56xf32, #tpu.memory_space<vmem_shared>>
          tpu.enqueue_indirect_dma source(%dma_start3A_302 : memref<128x56xf32, #tpu.memory_space<vmem>>) target(%dma_start3A_308 : memref<23808x56xf32, #tpu.memory_space<vmem_shared>>) offsets(%dma_start3A_305 : memref<128xi32, #tpu.memory_space<vmem>>) semaphore(%arg22 : memref<!tpu.dma_semaphore, #tpu.memory_space<semaphore_mem>>) {add = true}
          %add3A_309 = arith.constant 2 : i32
          %add3A_310 = arith.addi %while3A_178, %add3A_309 : i32
          %lt3A_311 = arith.cmpi slt, %add3A_310, %min3A_128 : i32
          %convert_element_type3A_312 = arith.extui %lt3A_311 : i1 to i32
          %cond3A_313 = arith.constant 0 : i32
          %cond3A_314 = arith.cmpi ne, %convert_element_type3A_312, %cond3A_313 : i32
          scf.if %cond3A_314 {
            %add3A_315 = arith.constant 2 : i32
            %add3A_316 = arith.addi %while3A_178, %add3A_315 : i32
            %scan3A_317 = arith.constant 0 : i32
            %scan3A_318 = arith.constant 0 : i32
            %scan3A_319 = arith.constant 2 : i32
            %scan3A_320 = arith.addi %scan3A_318, %scan3A_319 : i32
            %scan3A_321 = arith.constant 1 : i32
            scf.for %scan3A_353 = %scan3A_318 to %scan3A_320 step %scan3A_321  : i32 {
              %mul3A_354 = arith.constant 4 : i32
              %mul3A_355 = arith.muli %scan3A_353, %mul3A_354 : i32
              %add3A_356 = arith.constant 0 : i32
              %add3A_357 = arith.addi %mul3A_355, %add3A_356 : i32
              %mul3A_358 = arith.constant 16 : i32
              %mul3A_359 = arith.muli %add3A_357, %mul3A_358 : i32
              %get3A_360 = arith.index_cast %add3A_316 : i32 to index
              %get3A_361 = arith.index_cast %mul3A_359 : i32 to index
              %get3A_362 = tpu.vector_load %arg9[%get3A_360, %get3A_361] {strides = array<i32>} : memref<16x128xi32, #tpu.memory_space<vmem>>, vector<16xi32>,
              %shift_right_logical3A = arith.constant 15 : i32
              %shift_right_logical3A_363 = vector.broadcast %shift_right_logical3A : i32 to vector<16xi32>
              %shift_right_logical3A_364 = arith.shrui %get3A_362, %shift_right_logical3A_363 : vector<16xi32>
              %mul3A_365 = arith.constant 16 : i32
              %mul3A_366 = arith.muli %add3A_357, %mul3A_365 : i32
              %swap3A_367 = arith.index_cast %select_n3A_209 : i32 to index
              %swap3A_368 = arith.index_cast %mul3A_366 : i32 to index
              %swap3A_369 = tpu.vector_load %arg10[%swap3A_367, %swap3A_368] {strides = array<i32>} : memref<4x128xi32, #tpu.memory_space<vmem>>, vector<16xi32>,
              tpu.vector_store %arg10[%swap3A_367, %swap3A_368], %shift_right_logical3A_364 {strides = array<i32>} : memref<4x128xi32, #tpu.memory_space<vmem>>, vector<16xi32>,
              %and3A_370 = arith.constant 32767 : i32
              %and3A_371 = vector.broadcast %and3A_370 : i32 to vector<16xi32>
              %and3A_372 = arith.andi %get3A_362, %and3A_371 : vector<16xi32>
              %mul3A_373 = arith.constant 16 : i32
              %mul3A_374 = arith.muli %add3A_357, %mul3A_373 : i32
              %swap3A_375 = arith.index_cast %select_n3A_209 : i32 to index
              %swap3A_376 = arith.index_cast %mul3A_374 : i32 to index
              %swap3A_377 = tpu.vector_load %arg11[%swap3A_375, %swap3A_376] {strides = array<i32>} : memref<4x128xi32, #tpu.memory_space<vmem>>, vector<16xi32>,
              tpu.vector_store %arg11[%swap3A_375, %swap3A_376], %and3A_372 {strides = array<i32>} : memref<4x128xi32, #tpu.memory_space<vmem>>, vector<16xi32>,
              %mul3A_378 = arith.constant 4 : i32
              %mul3A_379 = arith.muli %scan3A_353, %mul3A_378 : i32
              %add3A_380 = arith.constant 1 : i32
              %add3A_381 = arith.addi %mul3A_379, %add3A_380 : i32
              %mul3A_382 = arith.constant 16 : i32
              %mul3A_383 = arith.muli %add3A_381, %mul3A_382 : i32
              %get3A_384 = arith.index_cast %add3A_316 : i32 to index
              %get3A_385 = arith.index_cast %mul3A_383 : i32 to index
              %get3A_386 = tpu.vector_load %arg9[%get3A_384, %get3A_385] {strides = array<i32>} : memref<16x128xi32, #tpu.memory_space<vmem>>, vector<16xi32>,
              %shift_right_logical3A_387 = arith.constant 15 : i32
              %shift_right_logical3A_388 = vector.broadcast %shift_right_logical3A_387 : i32 to vector<16xi32>
              %shift_right_logical3A_389 = arith.shrui %get3A_386, %shift_right_logical3A_388 : vector<16xi32>
              %mul3A_390 = arith.constant 16 : i32
              %mul3A_391 = arith.muli %add3A_381, %mul3A_390 : i32
              %swap3A_392 = arith.index_cast %select_n3A_209 : i32 to index
              %swap3A_393 = arith.index_cast %mul3A_391 : i32 to index
              %swap3A_394 = tpu.vector_load %arg10[%swap3A_392, %swap3A_393] {strides = array<i32>} : memref<4x128xi32, #tpu.memory_space<vmem>>, vector<16xi32>,
              tpu.vector_store %arg10[%swap3A_392, %swap3A_393], %shift_right_logical3A_389 {strides = array<i32>} : memref<4x128xi32, #tpu.memory_space<vmem>>, vector<16xi32>,
              %and3A_395 = arith.constant 32767 : i32
              %and3A_396 = vector.broadcast %and3A_395 : i32 to vector<16xi32>
              %and3A_397 = arith.andi %get3A_386, %and3A_396 : vector<16xi32>
              %mul3A_398 = arith.constant 16 : i32
              %mul3A_399 = arith.muli %add3A_381, %mul3A_398 : i32
              %swap3A_400 = arith.index_cast %select_n3A_209 : i32 to index
              %swap3A_401 = arith.index_cast %mul3A_399 : i32 to index
              %swap3A_402 = tpu.vector_load %arg11[%swap3A_400, %swap3A_401] {strides = array<i32>} : memref<4x128xi32, #tpu.memory_space<vmem>>, vector<16xi32>,
              tpu.vector_store %arg11[%swap3A_400, %swap3A_401], %and3A_397 {strides = array<i32>} : memref<4x128xi32, #tpu.memory_space<vmem>>, vector<16xi32>,
              %mul3A_403 = arith.constant 4 : i32
              %mul3A_404 = arith.muli %scan3A_353, %mul3A_403 : i32
              %add3A_405 = arith.constant 2 : i32
              %add3A_406 = arith.addi %mul3A_404, %add3A_405 : i32
              %mul3A_407 = arith.constant 16 : i32
              %mul3A_408 = arith.muli %add3A_406, %mul3A_407 : i32
              %get3A_409 = arith.index_cast %add3A_316 : i32 to index
              %get3A_410 = arith.index_cast %mul3A_408 : i32 to index
              %get3A_411 = tpu.vector_load %arg9[%get3A_409, %get3A_410] {strides = array<i32>} : memref<16x128xi32, #tpu.memory_space<vmem>>, vector<16xi32>,
              %shift_right_logical3A_412 = arith.constant 15 : i32
              %shift_right_logical3A_413 = vector.broadcast %shift_right_logical3A_412 : i32 to vector<16xi32>
              %shift_right_logical3A_414 = arith.shrui %get3A_411, %shift_right_logical3A_413 : vector<16xi32>
              %mul3A_415 = arith.constant 16 : i32
              %mul3A_416 = arith.muli %add3A_406, %mul3A_415 : i32
              %swap3A_417 = arith.index_cast %select_n3A_209 : i32 to index
              %swap3A_418 = arith.index_cast %mul3A_416 : i32 to index
              %swap3A_419 = tpu.vector_load %arg10[%swap3A_417, %swap3A_418] {strides = array<i32>} : memref<4x128xi32, #tpu.memory_space<vmem>>, vector<16xi32>,
              tpu.vector_store %arg10[%swap3A_417, %swap3A_418], %shift_right_logical3A_414 {strides = array<i32>} : memref<4x128xi32, #tpu.memory_space<vmem>>, vector<16xi32>,
              %and3A_420 = arith.constant 32767 : i32
              %and3A_421 = vector.broadcast %and3A_420 : i32 to vector<16xi32>
              %and3A_422 = arith.andi %get3A_411, %and3A_421 : vector<16xi32>
              %mul3A_423 = arith.constant 16 : i32
              %mul3A_424 = arith.muli %add3A_406, %mul3A_423 : i32
              %swap3A_425 = arith.index_cast %select_n3A_209 : i32 to index
              %swap3A_426 = arith.index_cast %mul3A_424 : i32 to index
              %swap3A_427 = tpu.vector_load %arg11[%swap3A_425, %swap3A_426] {strides = array<i32>} : memref<4x128xi32, #tpu.memory_space<vmem>>, vector<16xi32>,
              tpu.vector_store %arg11[%swap3A_425, %swap3A_426], %and3A_422 {strides = array<i32>} : memref<4x128xi32, #tpu.memory_space<vmem>>, vector<16xi32>,
              %mul3A_428 = arith.constant 4 : i32
              %mul3A_429 = arith.muli %scan3A_353, %mul3A_428 : i32
              %add3A_430 = arith.constant 3 : i32
              %add3A_431 = arith.addi %mul3A_429, %add3A_430 : i32
              %mul3A_432 = arith.constant 16 : i32
              %mul3A_433 = arith.muli %add3A_431, %mul3A_432 : i32
              %get3A_434 = arith.index_cast %add3A_316 : i32 to index
              %get3A_435 = arith.index_cast %mul3A_433 : i32 to index
              %get3A_436 = tpu.vector_load %arg9[%get3A_434, %get3A_435] {strides = array<i32>} : memref<16x128xi32, #tpu.memory_space<vmem>>, vector<16xi32>,
              %shift_right_logical3A_437 = arith.constant 15 : i32
              %shift_right_logical3A_438 = vector.broadcast %shift_right_logical3A_437 : i32 to vector<16xi32>
              %shift_right_logical3A_439 = arith.shrui %get3A_436, %shift_right_logical3A_438 : vector<16xi32>
              %mul3A_440 = arith.constant 16 : i32
              %mul3A_441 = arith.muli %add3A_431, %mul3A_440 : i32
              %swap3A_442 = arith.index_cast %select_n3A_209 : i32 to index
              %swap3A_443 = arith.index_cast %mul3A_441 : i32 to index
              %swap3A_444 = tpu.vector_load %arg10[%swap3A_442, %swap3A_443] {strides = array<i32>} : memref<4x128xi32, #tpu.memory_space<vmem>>, vector<16xi32>,
              tpu.vector_store %arg10[%swap3A_442, %swap3A_443], %shift_right_logical3A_439 {strides = array<i32>} : memref<4x128xi32, #tpu.memory_space<vmem>>, vector<16xi32>,
              %and3A_445 = arith.constant 32767 : i32
              %and3A_446 = vector.broadcast %and3A_445 : i32 to vector<16xi32>
              %and3A_447 = arith.andi %get3A_436, %and3A_446 : vector<16xi32>
              %mul3A_448 = arith.constant 16 : i32
              %mul3A_449 = arith.muli %add3A_431, %mul3A_448 : i32
              %swap3A_450 = arith.index_cast %select_n3A_209 : i32 to index
              %swap3A_451 = arith.index_cast %mul3A_449 : i32 to index
              %swap3A_452 = tpu.vector_load %arg11[%swap3A_450, %swap3A_451] {strides = array<i32>} : memref<4x128xi32, #tpu.memory_space<vmem>>, vector<16xi32>,
              tpu.vector_store %arg11[%swap3A_450, %swap3A_451], %and3A_447 {strides = array<i32>} : memref<4x128xi32, #tpu.memory_space<vmem>>, vector<16xi32>,
            }
            %scan3A_322 = arith.constant 2 : i32
            %dma_start3A_323 = arith.constant 1 : i32
            %dma_start3A_324 = arith.constant 0 : i32
            %dma_start3A_325 = arith.constant 0 : i32
            %dma_start3A_326 = tpu.memref_slice %arg12[%dma_start3A_323, %dma_start3A_324, %dma_start3A_325] : memref<2x128x40xf32, #tpu.memory_space<vmem>> -> memref<1x128x40xf32, #tpu.memory_space<vmem>>
            %dma_start3A_327 = tpu.memref_squeeze %dma_start3A_326 : memref<1x128x40xf32, #tpu.memory_space<vmem>> -> memref<128x40xf32, #tpu.memory_space<vmem>>
            %dma_start3A_328 = arith.constant 0 : i32
            %dma_start3A_329 = tpu.memref_slice %arg10[%select_n3A_209, %dma_start3A_328] : memref<4x128xi32, #tpu.memory_space<vmem>> -> memref<1x128xi32, #tpu.memory_space<vmem>>
            %dma_start3A_330 = tpu.memref_squeeze %dma_start3A_329 : memref<1x128xi32, #tpu.memory_space<vmem>> -> memref<128xi32, #tpu.memory_space<vmem>>
            %dma_start3A_331 = arith.constant 0 : i32
            %dma_start3A_332 = arith.constant 0 : i32
            %dma_start3A_333 = tpu.memref_slice %arg3[%arg0, %dma_start3A_331, %dma_start3A_332] : memref<2x23808x40xf32, #tpu.memory_space<hbm>> -> memref<1x23808x40xf32, #tpu.memory_space<hbm>>
            %dma_start3A_334 = tpu.memref_squeeze %dma_start3A_333 : memref<1x23808x40xf32, #tpu.memory_space<hbm>> -> memref<23808x40xf32, #tpu.memory_space<hbm>>
            %dma_start3A_335 = arith.constant 0 : i32
            %dma_start3A_336 = arith.constant 0 : i32
            %dma_start3A_337 = tpu.memref_slice %dma_start3A_334[%dma_start3A_335, %dma_start3A_336] : memref<23808x40xf32, #tpu.memory_space<hbm>> -> memref<23808x40xf32, #tpu.memory_space<hbm>>
            tpu.enqueue_indirect_dma source(%dma_start3A_337 : memref<23808x40xf32, #tpu.memory_space<hbm>>) target(%dma_start3A_327 : memref<128x40xf32, #tpu.memory_space<vmem>>) offsets(%dma_start3A_330 : memref<128xi32, #tpu.memory_space<vmem>>) semaphore(%arg20 : memref<!tpu.dma_semaphore, #tpu.memory_space<semaphore_mem>>)
            %dma_start3A_338 = arith.constant 1 : i32
            %dma_start3A_339 = arith.constant 0 : i32
            %dma_start3A_340 = arith.constant 0 : i32
            %dma_start3A_341 = tpu.memref_slice %arg13[%dma_start3A_338, %dma_start3A_339, %dma_start3A_340] : memref<2x128x8xf32, #tpu.memory_space<vmem>> -> memref<1x128x8xf32, #tpu.memory_space<vmem>>
            %dma_start3A_342 = tpu.memref_squeeze %dma_start3A_341 : memref<1x128x8xf32, #tpu.memory_space<vmem>> -> memref<128x8xf32, #tpu.memory_space<vmem>>
            %dma_start3A_343 = arith.constant 0 : i32
            %dma_start3A_344 = tpu.memref_slice %arg11[%select_n3A_209, %dma_start3A_343] : memref<4x128xi32, #tpu.memory_space<vmem>> -> memref<1x128xi32, #tpu.memory_space<vmem>>
            %dma_start3A_345 = tpu.memref_squeeze %dma_start3A_344 : memref<1x128xi32, #tpu.memory_space<vmem>> -> memref<128xi32, #tpu.memory_space<vmem>>
            %dma_start3A_346 = arith.constant 0 : i32
            %dma_start3A_347 = arith.constant 0 : i32
            %dma_start3A_348 = tpu.memref_slice %arg4[%arg0, %dma_start3A_346, %dma_start3A_347] : memref<2x23808x8xf32, #tpu.memory_space<hbm>> -> memref<1x23808x8xf32, #tpu.memory_space<hbm>>
            %dma_start3A_349 = tpu.memref_squeeze %dma_start3A_348 : memref<1x23808x8xf32, #tpu.memory_space<hbm>> -> memref<23808x8xf32, #tpu.memory_space<hbm>>
            %dma_start3A_350 = arith.constant 0 : i32
            %dma_start3A_351 = arith.constant 0 : i32
            %dma_start3A_352 = tpu.memref_slice %dma_start3A_349[%dma_start3A_350, %dma_start3A_351] : memref<23808x8xf32, #tpu.memory_space<hbm>> -> memref<23808x8xf32, #tpu.memory_space<hbm>>
            tpu.enqueue_indirect_dma source(%dma_start3A_352 : memref<23808x8xf32, #tpu.memory_space<hbm>>) target(%dma_start3A_342 : memref<128x8xf32, #tpu.memory_space<vmem>>) offsets(%dma_start3A_345 : memref<128xi32, #tpu.memory_space<vmem>>) semaphore(%arg20 : memref<!tpu.dma_semaphore, #tpu.memory_space<semaphore_mem>>)
          } else {
          }
        } else {
        }
      }
    }
    %scan3A_81 = arith.constant 12 : i32
    %dma_wait3A = arith.constant 0 : i32
    %dma_wait3A_82 = arith.constant 0 : i32
    %dma_wait3A_83 = arith.constant 0 : i32
    %dma_wait3A_84 = arith.constant 0 : i32
    %dma_wait3A_85 = tpu.memref_slice %arg14[%dma_wait3A, %dma_wait3A_83, %dma_wait3A_84] : memref<2x128x56xf32, #tpu.memory_space<vmem>> -> memref<1x128x56xf32, #tpu.memory_space<vmem>>
    %dma_wait3A_86 = tpu.memref_squeeze %dma_wait3A_85 : memref<1x128x56xf32, #tpu.memory_space<vmem>> -> memref<128x56xf32, #tpu.memory_space<vmem>>
    %dma_wait3A_87 = arith.constant 0 : i32
    %dma_wait3A_88 = tpu.memref_slice %arg11[%dma_wait3A_82, %dma_wait3A_87] : memref<4x128xi32, #tpu.memory_space<vmem>> -> memref<1x128xi32, #tpu.memory_space<vmem>>
    %dma_wait3A_89 = tpu.memref_squeeze %dma_wait3A_88 : memref<1x128xi32, #tpu.memory_space<vmem>> -> memref<128xi32, #tpu.memory_space<vmem>>
    %dma_wait3A_90 = arith.constant 0 : i32
    %dma_wait3A_91 = arith.constant 0 : i32
    %dma_wait3A_92 = tpu.memref_slice %arg7[%dma_wait3A_90, %dma_wait3A_91] : memref<23808x56xf32, #tpu.memory_space<vmem_shared>> -> memref<23808x56xf32, #tpu.memory_space<vmem_shared>>
    tpu.wait_indirect_dma semaphore(%arg21 : memref<!tpu.dma_semaphore, #tpu.memory_space<semaphore_mem>>) src(%dma_wait3A_86 : memref<128x56xf32, #tpu.memory_space<vmem>>) dst(%dma_wait3A_92 : memref<23808x56xf32, #tpu.memory_space<vmem_shared>>)
    %dma_wait3A_93 = arith.constant 1 : i32
    %dma_wait3A_94 = arith.constant 1 : i32
    %dma_wait3A_95 = arith.constant 0 : i32
    %dma_wait3A_96 = arith.constant 0 : i32
    %dma_wait3A_97 = tpu.memref_slice %arg14[%dma_wait3A_93, %dma_wait3A_95, %dma_wait3A_96] : memref<2x128x56xf32, #tpu.memory_space<vmem>> -> memref<1x128x56xf32, #tpu.memory_space<vmem>>
    %dma_wait3A_98 = tpu.memref_squeeze %dma_wait3A_97 : memref<1x128x56xf32, #tpu.memory_space<vmem>> -> memref<128x56xf32, #tpu.memory_space<vmem>>
    %dma_wait3A_99 = arith.constant 0 : i32
    %dma_wait3A_100 = tpu.memref_slice %arg11[%dma_wait3A_94, %dma_wait3A_99] : memref<4x128xi32, #tpu.memory_space<vmem>> -> memref<1x128xi32, #tpu.memory_space<vmem>>
    %dma_wait3A_101 = tpu.memref_squeeze %dma_wait3A_100 : memref<1x128xi32, #tpu.memory_space<vmem>> -> memref<128xi32, #tpu.memory_space<vmem>>
    %dma_wait3A_102 = arith.constant 0 : i32
    %dma_wait3A_103 = arith.constant 0 : i32
    %dma_wait3A_104 = tpu.memref_slice %arg7[%dma_wait3A_102, %dma_wait3A_103] : memref<23808x56xf32, #tpu.memory_space<vmem_shared>> -> memref<23808x56xf32, #tpu.memory_space<vmem_shared>>
    tpu.wait_indirect_dma semaphore(%arg22 : memref<!tpu.dma_semaphore, #tpu.memory_space<semaphore_mem>>) src(%dma_wait3A_98 : memref<128x56xf32, #tpu.memory_space<vmem>>) dst(%dma_wait3A_104 : memref<23808x56xf32, #tpu.memory_space<vmem_shared>>)
    %barrier3A_105 = arith.constant 0 : index
    tpu.barrier barrier_id(%barrier3A_105)
    %mul3A_106 = arith.constant 1488 : i32
    %mul3A_107 = arith.muli %arg1, %mul3A_106 : i32
    %mul3A_108 = arith.constant 1488 : i32
    %mul3A_109 = arith.muli %arg1, %mul3A_108 : i32
    "tpu.region"() ({
      %run_scoped3A_110 = tpu.sem_alloc : memref<!tpu.dma_semaphore, #tpu.memory_space<semaphore_mem>>
      %dma_start3A = arith.constant 0 : i32
      %dma_start3A_111 = arith.constant 0 : i32
      %dma_start3A_112 = tpu.memref_slice %arg6[%arg0, %dma_start3A, %dma_start3A_111] : memref<2x23808x56xf32, #tpu.memory_space<hbm>> -> memref<1x23808x56xf32, #tpu.memory_space<hbm>>
      %dma_start3A_113 = tpu.memref_squeeze %dma_start3A_112 : memref<1x23808x56xf32, #tpu.memory_space<hbm>> -> memref<23808x56xf32, #tpu.memory_space<hbm>>
      %dma_start3A_114 = arith.constant 0 : i32
      %dma_start3A_115 = tpu.memref_slice %dma_start3A_113[%mul3A_109, %dma_start3A_114] : memref<23808x56xf32, #tpu.memory_space<hbm>> -> memref<1488x56xf32, #tpu.memory_space<hbm>>
      %dma_start3A_116 = arith.constant 0 : i32
      %dma_start3A_117 = tpu.memref_slice %arg7[%mul3A_107, %dma_start3A_116] : memref<23808x56xf32, #tpu.memory_space<vmem_shared>> -> memref<1488x56xf32, #tpu.memory_space<vmem_shared>>
      tpu.enqueue_dma source(%dma_start3A_117 : memref<1488x56xf32, #tpu.memory_space<vmem_shared>>) target(%dma_start3A_115 : memref<1488x56xf32, #tpu.memory_space<hbm>>) target_semaphore(%run_scoped3A_110 : memref<!tpu.dma_semaphore, #tpu.memory_space<semaphore_mem>>)
      %dma_wait3A_118 = arith.constant 0 : i32
      %dma_wait3A_119 = arith.constant 0 : i32
      %dma_wait3A_120 = tpu.memref_slice %arg6[%arg0, %dma_wait3A_118, %dma_wait3A_119] : memref<2x23808x56xf32, #tpu.memory_space<hbm>> -> memref<1x23808x56xf32, #tpu.memory_space<hbm>>
      %dma_wait3A_121 = tpu.memref_squeeze %dma_wait3A_120 : memref<1x23808x56xf32, #tpu.memory_space<hbm>> -> memref<23808x56xf32, #tpu.memory_space<hbm>>
      %dma_wait3A_122 = arith.constant 0 : i32
      %dma_wait3A_123 = tpu.memref_slice %dma_wait3A_121[%mul3A_109, %dma_wait3A_122] : memref<23808x56xf32, #tpu.memory_space<hbm>> -> memref<1488x56xf32, #tpu.memory_space<hbm>>
      %dma_wait3A_124 = arith.constant 0 : i32
      %dma_wait3A_125 = tpu.memref_slice %arg7[%mul3A_107, %dma_wait3A_124] : memref<23808x56xf32, #tpu.memory_space<vmem_shared>> -> memref<1488x56xf32, #tpu.memory_space<vmem_shared>>
      tpu.wait_dma2 semaphore(%run_scoped3A_110 : memref<!tpu.dma_semaphore, #tpu.memory_space<semaphore_mem>>) src(%dma_wait3A_125 : memref<1488x56xf32, #tpu.memory_space<vmem_shared>>) dst(%dma_wait3A_123 : memref<1488x56xf32, #tpu.memory_space<hbm>>)
      tpu.yield
    }) : () -> ()
    return
  }
}

module attributes {stable_mosaic.version = 14 : i64} {
  func.func @_stats_body(%arg0: i32, %arg1: memref<2976x128xf32, #tpu.memory_space<vmem>>, %arg2: memref<2x128xf32, #tpu.memory_space<vmem>>) attributes {dimension_semantics = [#tpu.dimension_semantics<arbitrary>], iteration_bounds = array<i64: 8>, scalar_prefetch = 0 : i64, scratch_operands = 0 : i64, tpu.core_type = #tpu.core_type<tc>, window_params = [{transform_indices = @transform_0, window_bounds = array<i64: 2976, 128>}, {pipeline_mode = #tpu.pipeline_mode<synchronous>, transform_indices = @transform_1, window_bounds = array<i64: 2, 128>}]} {
    %get3A = arith.constant 0 : index
    %get3A_0 = arith.constant 0 : index
    %get3A_1 = vector.load %arg1[%get3A, %get3A_0] : memref<2976x128xf32, #tpu.memory_space<vmem>>, vector<2976x128xf32>
    %reduce_sum3A = arith.constant dense<0.000000e+00> : vector<128xf32>
    %reduce_sum3A_2 = vector.multi_reduction <add>, %get3A_1, %reduce_sum3A [0] : vector<2976x128xf32> to vector<128xf32>
    %broadcast_in_dim3A = vector.shape_cast %reduce_sum3A_2 : vector<128xf32> to vector<1x128xf32>
    %mul3A = arith.mulf %get3A_1, %get3A_1 : vector<2976x128xf32>
    %reduce_sum3A_3 = arith.constant dense<0.000000e+00> : vector<128xf32>
    %reduce_sum3A_4 = vector.multi_reduction <add>, %mul3A, %reduce_sum3A_3 [0] : vector<2976x128xf32> to vector<128xf32>
    %broadcast_in_dim3A_5 = vector.shape_cast %reduce_sum3A_4 : vector<128xf32> to vector<1x128xf32>
    %concatenate3A = tpu.concatenate %broadcast_in_dim3A, %broadcast_in_dim3A_5 in 0 : vector<1x128xf32>, vector<1x128xf32> -> vector<2x128xf32>
    %eq3A = arith.constant 0 : i32
    %eq3A_6 = arith.cmpi eq, %arg0, %eq3A : i32
    %convert_element_type3A = arith.extui %eq3A_6 : i1 to i32
    %cond3A = arith.constant 0 : i32
    %cond3A_7 = arith.cmpi ne, %convert_element_type3A, %cond3A : i32
    scf.if %cond3A_7 {
      %swap3A = arith.constant 0 : index
      %swap3A_12 = arith.constant 0 : index
      %swap3A_13 = vector.load %arg2[%swap3A, %swap3A_12] : memref<2x128xf32, #tpu.memory_space<vmem>>, vector<2x128xf32>
      tpu.vector_store %arg2[%swap3A, %swap3A_12], %concatenate3A {strides = array<i32>} : memref<2x128xf32, #tpu.memory_space<vmem>>, vector<2x128xf32>,
    } else {
    }
    %gt3A = arith.constant 0 : i32
    %gt3A_8 = arith.cmpi sgt, %arg0, %gt3A : i32
    %convert_element_type3A_9 = arith.extui %gt3A_8 : i1 to i32
    %cond3A_10 = arith.constant 0 : i32
    %cond3A_11 = arith.cmpi ne, %convert_element_type3A_9, %cond3A_10 : i32
    scf.if %cond3A_11 {
      %get3A_12 = arith.constant 0 : index
      %get3A_13 = arith.constant 0 : index
      %get3A_14 = vector.load %arg2[%get3A_12, %get3A_13] : memref<2x128xf32, #tpu.memory_space<vmem>>, vector<2x128xf32>
      %add3A = arith.addf %get3A_14, %concatenate3A : vector<2x128xf32>
      %swap3A = arith.constant 0 : index
      %swap3A_15 = arith.constant 0 : index
      %swap3A_16 = vector.load %arg2[%swap3A, %swap3A_15] : memref<2x128xf32, #tpu.memory_space<vmem>>, vector<2x128xf32>
      tpu.vector_store %arg2[%swap3A, %swap3A_15], %add3A {strides = array<i32>} : memref<2x128xf32, #tpu.memory_space<vmem>>, vector<2x128xf32>,
    } else {
    }
    return
  }
  func.func @transform_0(%arg0: i32) -> (i32, i32) {
    %c0_i32 = arith.constant 0 : i32
    %c0_i32_0 = arith.constant 0 : i32
    return %arg0, %c0_i32 : i32, i32
  }
  func.func @transform_1(%arg0: i32) -> (i32, i32) {
    %c0_i32 = arith.constant 0 : i32
    %c0_i32_0 = arith.constant 0 : i32
    %c0_i32_1 = arith.constant 0 : i32
    return %c0_i32, %c0_i32_0 : i32, i32
  }
}

module attributes {stable_mosaic.version = 14 : i64} {
  func.func @_prep_main_body(%arg0: i32, %arg1: memref<2976x128xf32, #tpu.memory_space<vmem>>, %arg2: memref<2x128xf32, #tpu.memory_space<vmem>>, %arg3: memref<1x128xf32, #tpu.memory_space<vmem>>, %arg4: memref<1x128xf32, #tpu.memory_space<vmem>>, %arg5: memref<128x96xf32, #tpu.memory_space<vmem>>, %arg6: memref<96x4xf32, #tpu.memory_space<vmem>>, %arg7: memref<96x4xf32, #tpu.memory_space<vmem>>, %arg8: memref<2x2976x40xf32, #tpu.memory_space<vmem>>, %arg9: memref<2x2976x8xf32, #tpu.memory_space<vmem>>, %arg10: memref<1x128xf32, #tpu.memory_space<vmem>>, %arg11: memref<2x32xf32, #tpu.memory_space<vmem>>) attributes {dimension_semantics = [#tpu.dimension_semantics<arbitrary>], iteration_bounds = array<i64: 8>, scalar_prefetch = 0 : i64, scratch_operands = 0 : i64, tpu.core_type = #tpu.core_type<tc>, window_params = [{transform_indices = @transform_0, window_bounds = array<i64: 2976, 128>}, {pipeline_mode = #tpu.pipeline_mode<synchronous>, transform_indices = @transform_1, window_bounds = array<i64: 2, 128>}, {pipeline_mode = #tpu.pipeline_mode<synchronous>, transform_indices = @transform_2, window_bounds = array<i64: 1, 128>}, {pipeline_mode = #tpu.pipeline_mode<synchronous>, transform_indices = @transform_3, window_bounds = array<i64: 1, 128>}, {pipeline_mode = #tpu.pipeline_mode<synchronous>, transform_indices = @transform_4, window_bounds = array<i64: 128, 96>}, {pipeline_mode = #tpu.pipeline_mode<synchronous>, transform_indices = @transform_5, window_bounds = array<i64: 96, 4>}, {pipeline_mode = #tpu.pipeline_mode<synchronous>, transform_indices = @transform_6, window_bounds = array<i64: 96, 4>}, {transform_indices = @transform_7, window_bounds = array<i64: 2, 2976, 40>}, {transform_indices = @transform_8, window_bounds = array<i64: 2, 2976, 8>}, {pipeline_mode = #tpu.pipeline_mode<synchronous>, transform_indices = @transform_9, window_bounds = array<i64: 1, 128>}, {pipeline_mode = #tpu.pipeline_mode<synchronous>, transform_indices = @transform_10, window_bounds = array<i64: 2, 32>}]} {
    %get3A = arith.constant 0 : index
    %get3A_0 = arith.constant 0 : index
    %get3A_1 = vector.load %arg2[%get3A, %get3A_0] : memref<2x128xf32, #tpu.memory_space<vmem>>, vector<2x128xf32>
    %slice3A = vector.extract_strided_slice %get3A_1 {offsets = [0, 0], sizes = [1, 128], strides = [1, 1]} : vector<2x128xf32> to vector<1x128xf32>
    %div3A = arith.constant 2.380800e+04 : f32
    %div3A_2 = vector.broadcast %div3A : f32 to vector<1x128xf32>
    %div3A_3 = arith.divf %slice3A, %div3A_2 : vector<1x128xf32>
    %slice3A_4 = vector.extract_strided_slice %get3A_1 {offsets = [1, 0], sizes = [1, 128], strides = [1, 1]} : vector<2x128xf32> to vector<1x128xf32>
    %div3A_5 = arith.constant 2.380800e+04 : f32
    %div3A_6 = vector.broadcast %div3A_5 : f32 to vector<1x128xf32>
    %div3A_7 = arith.divf %slice3A_4, %div3A_6 : vector<1x128xf32>
    %mul3A = arith.mulf %div3A_3, %div3A_3 : vector<1x128xf32>
    %sub3A = arith.subf %div3A_7, %mul3A : vector<1x128xf32>
    %add3A = arith.constant 9.99999974E-6 : f32
    %add3A_8 = vector.broadcast %add3A : f32 to vector<1x128xf32>
    %add3A_9 = arith.addf %sub3A, %add3A_8 : vector<1x128xf32>
    %rsqrt3A = math.rsqrt %add3A_9 : vector<1x128xf32>
    %get3A_10 = arith.constant 0 : index
    %get3A_11 = arith.constant 0 : index
    %get3A_12 = vector.load %arg1[%get3A_10, %get3A_11] : memref<2976x128xf32, #tpu.memory_space<vmem>>, vector<2976x128xf32>
    %sub3A_13 = vector.broadcast %div3A_3 : vector<1x128xf32> to vector<2976x128xf32>
    %sub3A_14 = arith.subf %get3A_12, %sub3A_13 : vector<2976x128xf32>
    %get3A_15 = arith.constant 0 : index
    %get3A_16 = arith.constant 0 : index
    %get3A_17 = vector.load %arg3[%get3A_15, %get3A_16] : memref<1x128xf32, #tpu.memory_space<vmem>>, vector<1x128xf32>
    %mul3A_18 = arith.mulf %rsqrt3A, %get3A_17 : vector<1x128xf32>
    %mul3A_19 = vector.broadcast %mul3A_18 : vector<1x128xf32> to vector<2976x128xf32>
    %mul3A_20 = arith.mulf %sub3A_14, %mul3A_19 : vector<2976x128xf32>
    %get3A_21 = arith.constant 0 : index
    %get3A_22 = arith.constant 0 : index
    %get3A_23 = vector.load %arg4[%get3A_21, %get3A_22] : memref<1x128xf32, #tpu.memory_space<vmem>>, vector<1x128xf32>
    %add3A_24 = vector.broadcast %get3A_23 : vector<1x128xf32> to vector<2976x128xf32>
    %add3A_25 = arith.addf %mul3A_20, %add3A_24 : vector<2976x128xf32>
    %get3A_26 = arith.constant 0 : index
    %get3A_27 = arith.constant 0 : index
    %get3A_28 = vector.load %arg5[%get3A_26, %get3A_27] : memref<128x96xf32, #tpu.memory_space<vmem>>, vector<128x96xf32>
    %dot_general3A = arith.constant dense<0.000000e+00> : vector<2976x96xf32>
    %dot_general3A_29 = tpu.matmul %add3A_25, %get3A_28, %dot_general3A {dimension_numbers = #tpu.dot_dimension_numbers<[1], [0], [0], [1], [0, 0, 1, 1], [], []>, transpose_lhs_hint = false} : vector<2976x128xf32>, vector<128x96xf32>, vector<2976x96xf32> -> vector<2976x96xf32>
    %get3A_30 = arith.constant 0 : index
    %get3A_31 = arith.constant 0 : index
    %get3A_32 = vector.load %arg6[%get3A_30, %get3A_31] : memref<96x4xf32, #tpu.memory_space<vmem>>, vector<96x4xf32>
    %dot_general3A_33 = arith.constant dense<0.000000e+00> : vector<2976x4xf32>
    %dot_general3A_34 = tpu.matmul %dot_general3A_29, %get3A_32, %dot_general3A_33 {dimension_numbers = #tpu.dot_dimension_numbers<[1], [0], [0], [1], [0, 0, 1, 1], [], []>, precision = #tpu.contract_precision<fp32>, transpose_lhs_hint = false} : vector<2976x96xf32>, vector<96x4xf32>, vector<2976x4xf32> -> vector<2976x4xf32>
    %get3A_35 = arith.constant 0 : index
    %get3A_36 = arith.constant 0 : index
    %get3A_37 = vector.load %arg7[%get3A_35, %get3A_36] : memref<96x4xf32, #tpu.memory_space<vmem>>, vector<96x4xf32>
    %dot_general3A_38 = arith.constant dense<0.000000e+00> : vector<2976x4xf32>
    %dot_general3A_39 = tpu.matmul %dot_general3A_29, %get3A_37, %dot_general3A_38 {dimension_numbers = #tpu.dot_dimension_numbers<[1], [0], [0], [1], [0, 0, 1, 1], [], []>, precision = #tpu.contract_precision<fp32>, transpose_lhs_hint = false} : vector<2976x96xf32>, vector<96x4xf32>, vector<2976x4xf32> -> vector<2976x4xf32>
    %broadcast_in_dim3A = arith.constant 0.000000e+00 : f32
    %broadcast_in_dim3A_40 = vector.broadcast %broadcast_in_dim3A : f32 to vector<2976x6xf32>
    %slice3A_41 = vector.extract_strided_slice %dot_general3A_29 {offsets = [0, 0], sizes = [2976, 48], strides = [1, 1]} : vector<2976x96xf32> to vector<2976x48xf32>
    %slice3A_42 = vector.extract_strided_slice %dot_general3A_34 {offsets = [0, 0], sizes = [2976, 2], strides = [1, 1]} : vector<2976x4xf32> to vector<2976x2xf32>
    %slice3A_43 = vector.extract_strided_slice %slice3A_41 {offsets = [0, 0], sizes = [2976, 32], strides = [1, 1]} : vector<2976x48xf32> to vector<2976x32xf32>
    %convert_element_type3A = arith.truncf %slice3A_43 : vector<2976x32xf32> to vector<2976x32xbf16>
    %bitcast_convert_type3A = tpu.bitcast %convert_element_type3A : vector<2976x32xbf16> -> vector<2976x32xi16>
    %convert_element_type3A_44 = arith.extsi %bitcast_convert_type3A : vector<2976x32xi16> to vector<2976x32xi32>
    %slice3A_45 = vector.extract_strided_slice %convert_element_type3A_44 {offsets = [0, 0], sizes = [2976, 16], strides = [1, 1]} : vector<2976x32xi32> to vector<2976x16xi32>
    %and3A = arith.constant 65535 : i32
    %and3A_46 = vector.broadcast %and3A : i32 to vector<2976x16xi32>
    %and3A_47 = arith.andi %slice3A_45, %and3A_46 : vector<2976x16xi32>
    %slice3A_48 = vector.extract_strided_slice %convert_element_type3A_44 {offsets = [0, 16], sizes = [2976, 16], strides = [1, 1]} : vector<2976x32xi32> to vector<2976x16xi32>
    %shift_left3A = arith.constant 16 : i32
    %shift_left3A_49 = vector.broadcast %shift_left3A : i32 to vector<2976x16xi32>
    %shift_left3A_50 = arith.shli %slice3A_48, %shift_left3A_49 : vector<2976x16xi32>
    %or3A = arith.ori %and3A_47, %shift_left3A_50 : vector<2976x16xi32>
    %bitcast_convert_type3A_51 = tpu.bitcast %or3A : vector<2976x16xi32> -> vector<2976x16xf32>
    %slice3A_52 = vector.extract_strided_slice %slice3A_41 {offsets = [0, 32], sizes = [2976, 16], strides = [1, 1]} : vector<2976x48xf32> to vector<2976x16xf32>
    %concatenate3A = tpu.concatenate %bitcast_convert_type3A_51, %slice3A_52, %slice3A_42, %broadcast_in_dim3A_40 in 1 : vector<2976x16xf32>, vector<2976x16xf32>, vector<2976x2xf32>, vector<2976x6xf32> -> vector<2976x40xf32>
    %swap3A = arith.constant 0 : index
    %swap3A_53 = arith.constant 0 : index
    %swap3A_54 = arith.constant 0 : index
    %swap3A_55 = vector.load %arg8[%swap3A, %swap3A_53, %swap3A_54] : memref<2x2976x40xf32, #tpu.memory_space<vmem>>, vector<1x2976x40xf32>
    %swap3A_56 = vector.shape_cast %swap3A_55 : vector<1x2976x40xf32> to vector<2976x40xf32>
    %swap3A_57 = vector.shape_cast %concatenate3A : vector<2976x40xf32> to vector<1x2976x40xf32>
    tpu.vector_store %arg8[%swap3A, %swap3A_53, %swap3A_54], %swap3A_57 {strides = array<i32>} : memref<2x2976x40xf32, #tpu.memory_space<vmem>>, vector<1x2976x40xf32>,
    %slice3A_58 = vector.extract_strided_slice %dot_general3A_29 {offsets = [0, 48], sizes = [2976, 48], strides = [1, 1]} : vector<2976x96xf32> to vector<2976x48xf32>
    %slice3A_59 = vector.extract_strided_slice %dot_general3A_34 {offsets = [0, 2], sizes = [2976, 2], strides = [1, 1]} : vector<2976x4xf32> to vector<2976x2xf32>
    %slice3A_60 = vector.extract_strided_slice %slice3A_58 {offsets = [0, 0], sizes = [2976, 32], strides = [1, 1]} : vector<2976x48xf32> to vector<2976x32xf32>
    %convert_element_type3A_61 = arith.truncf %slice3A_60 : vector<2976x32xf32> to vector<2976x32xbf16>
    %bitcast_convert_type3A_62 = tpu.bitcast %convert_element_type3A_61 : vector<2976x32xbf16> -> vector<2976x32xi16>
    %convert_element_type3A_63 = arith.extsi %bitcast_convert_type3A_62 : vector<2976x32xi16> to vector<2976x32xi32>
    %slice3A_64 = vector.extract_strided_slice %convert_element_type3A_63 {offsets = [0, 0], sizes = [2976, 16], strides = [1, 1]} : vector<2976x32xi32> to vector<2976x16xi32>
    %and3A_65 = arith.constant 65535 : i32
    %and3A_66 = vector.broadcast %and3A_65 : i32 to vector<2976x16xi32>
    %and3A_67 = arith.andi %slice3A_64, %and3A_66 : vector<2976x16xi32>
    %slice3A_68 = vector.extract_strided_slice %convert_element_type3A_63 {offsets = [0, 16], sizes = [2976, 16], strides = [1, 1]} : vector<2976x32xi32> to vector<2976x16xi32>
    %shift_left3A_69 = arith.constant 16 : i32
    %shift_left3A_70 = vector.broadcast %shift_left3A_69 : i32 to vector<2976x16xi32>
    %shift_left3A_71 = arith.shli %slice3A_68, %shift_left3A_70 : vector<2976x16xi32>
    %or3A_72 = arith.ori %and3A_67, %shift_left3A_71 : vector<2976x16xi32>
    %bitcast_convert_type3A_73 = tpu.bitcast %or3A_72 : vector<2976x16xi32> -> vector<2976x16xf32>
    %slice3A_74 = vector.extract_strided_slice %slice3A_58 {offsets = [0, 32], sizes = [2976, 16], strides = [1, 1]} : vector<2976x48xf32> to vector<2976x16xf32>
    %concatenate3A_75 = tpu.concatenate %bitcast_convert_type3A_73, %slice3A_74, %slice3A_59, %broadcast_in_dim3A_40 in 1 : vector<2976x16xf32>, vector<2976x16xf32>, vector<2976x2xf32>, vector<2976x6xf32> -> vector<2976x40xf32>
    %swap3A_76 = arith.constant 1 : index
    %swap3A_77 = arith.constant 0 : index
    %swap3A_78 = arith.constant 0 : index
    %swap3A_79 = vector.load %arg8[%swap3A_76, %swap3A_77, %swap3A_78] : memref<2x2976x40xf32, #tpu.memory_space<vmem>>, vector<1x2976x40xf32>
    %swap3A_80 = vector.shape_cast %swap3A_79 : vector<1x2976x40xf32> to vector<2976x40xf32>
    %swap3A_81 = vector.shape_cast %concatenate3A_75 : vector<2976x40xf32> to vector<1x2976x40xf32>
    tpu.vector_store %arg8[%swap3A_76, %swap3A_77, %swap3A_78], %swap3A_81 {strides = array<i32>} : memref<2x2976x40xf32, #tpu.memory_space<vmem>>, vector<1x2976x40xf32>,
    %slice3A_82 = vector.extract_strided_slice %dot_general3A_39 {offsets = [0, 0], sizes = [2976, 2], strides = [1, 1]} : vector<2976x4xf32> to vector<2976x2xf32>
    %concatenate3A_83 = tpu.concatenate %slice3A_82, %broadcast_in_dim3A_40 in 1 : vector<2976x2xf32>, vector<2976x6xf32> -> vector<2976x8xf32>
    %swap3A_84 = arith.constant 0 : index
    %swap3A_85 = arith.constant 0 : index
    %swap3A_86 = arith.constant 0 : index
    %swap3A_87 = vector.load %arg9[%swap3A_84, %swap3A_85, %swap3A_86] : memref<2x2976x8xf32, #tpu.memory_space<vmem>>, vector<1x2976x8xf32>
    %swap3A_88 = vector.shape_cast %swap3A_87 : vector<1x2976x8xf32> to vector<2976x8xf32>
    %swap3A_89 = vector.shape_cast %concatenate3A_83 : vector<2976x8xf32> to vector<1x2976x8xf32>
    tpu.vector_store %arg9[%swap3A_84, %swap3A_85, %swap3A_86], %swap3A_89 {strides = array<i32>} : memref<2x2976x8xf32, #tpu.memory_space<vmem>>, vector<1x2976x8xf32>,
    %slice3A_90 = vector.extract_strided_slice %dot_general3A_39 {offsets = [0, 2], sizes = [2976, 2], strides = [1, 1]} : vector<2976x4xf32> to vector<2976x2xf32>
    %concatenate3A_91 = tpu.concatenate %slice3A_90, %broadcast_in_dim3A_40 in 1 : vector<2976x2xf32>, vector<2976x6xf32> -> vector<2976x8xf32>
    %swap3A_92 = arith.constant 1 : index
    %swap3A_93 = arith.constant 0 : index
    %swap3A_94 = arith.constant 0 : index
    %swap3A_95 = vector.load %arg9[%swap3A_92, %swap3A_93, %swap3A_94] : memref<2x2976x8xf32, #tpu.memory_space<vmem>>, vector<1x2976x8xf32>
    %swap3A_96 = vector.shape_cast %swap3A_95 : vector<1x2976x8xf32> to vector<2976x8xf32>
    %swap3A_97 = vector.shape_cast %concatenate3A_91 : vector<2976x8xf32> to vector<1x2976x8xf32>
    tpu.vector_store %arg9[%swap3A_92, %swap3A_93, %swap3A_94], %swap3A_97 {strides = array<i32>} : memref<2x2976x8xf32, #tpu.memory_space<vmem>>, vector<1x2976x8xf32>,
    %reduce_max3A = arith.constant dense<0xFF800000> : vector<4xf32>
    %reduce_max3A_98 = vector.multi_reduction <maximumf>, %dot_general3A_34, %reduce_max3A [0] : vector<2976x4xf32> to vector<4xf32>
    %reduce_max3A_99 = arith.constant dense<0xFF800000> : vector<4xf32>
    %reduce_max3A_100 = vector.multi_reduction <maximumf>, %dot_general3A_39, %reduce_max3A_99 [0] : vector<2976x4xf32> to vector<4xf32>
    %broadcast_in_dim3A_101 = arith.constant 0.000000e+00 : f32
    %broadcast_in_dim3A_102 = vector.broadcast %broadcast_in_dim3A_101 : f32 to vector<4xf32>
    %concatenate3A_103 = tpu.concatenate %reduce_max3A_98, %broadcast_in_dim3A_102, %reduce_max3A_100 in 0 : vector<4xf32>, vector<4xf32>, vector<4xf32> -> vector<12xf32>
    %jit3A = arith.constant 0 : i32
    %convert_element_type3A_104 = arith.sitofp %jit3A : i32 to f32
    %pad3A = vector.broadcast %convert_element_type3A_104 : f32 to vector<116xf32>
    %pad3A_105 = tpu.concatenate %concatenate3A_103, %pad3A in 0 : vector<12xf32>, vector<116xf32> -> vector<128xf32>
    %broadcast_in_dim3A_106 = vector.shape_cast %pad3A_105 : vector<128xf32> to vector<1x128xf32>
    %eq3A = arith.constant 0 : i32
    %eq3A_107 = arith.cmpi eq, %arg0, %eq3A : i32
    %convert_element_type3A_108 = arith.extui %eq3A_107 : i1 to i32
    %cond3A = arith.constant 0 : i32
    %cond3A_109 = arith.cmpi ne, %convert_element_type3A_108, %cond3A : i32
    scf.if %cond3A_109 {
      %swap3A_119 = arith.constant 0 : index
      %swap3A_120 = arith.constant 0 : index
      %swap3A_121 = vector.load %arg10[%swap3A_119, %swap3A_120] : memref<1x128xf32, #tpu.memory_space<vmem>>, vector<1x128xf32>
      tpu.vector_store %arg10[%swap3A_119, %swap3A_120], %broadcast_in_dim3A_106 {strides = array<i32>} : memref<1x128xf32, #tpu.memory_space<vmem>>, vector<1x128xf32>,
    } else {
    }
    %gt3A = arith.constant 0 : i32
    %gt3A_110 = arith.cmpi sgt, %arg0, %gt3A : i32
    %convert_element_type3A_111 = arith.extui %gt3A_110 : i1 to i32
    %cond3A_112 = arith.constant 0 : i32
    %cond3A_113 = arith.cmpi ne, %convert_element_type3A_111, %cond3A_112 : i32
    scf.if %cond3A_113 {
      %get3A_119 = arith.constant 0 : index
      %get3A_120 = arith.constant 0 : index
      %get3A_121 = vector.load %arg10[%get3A_119, %get3A_120] : memref<1x128xf32, #tpu.memory_space<vmem>>, vector<1x128xf32>
      %max3A = arith.maximumf %get3A_121, %broadcast_in_dim3A_106 : vector<1x128xf32>
      %swap3A_122 = arith.constant 0 : index
      %swap3A_123 = arith.constant 0 : index
      %swap3A_124 = vector.load %arg10[%swap3A_122, %swap3A_123] : memref<1x128xf32, #tpu.memory_space<vmem>>, vector<1x128xf32>
      tpu.vector_store %arg10[%swap3A_122, %swap3A_123], %max3A {strides = array<i32>} : memref<1x128xf32, #tpu.memory_space<vmem>>, vector<1x128xf32>,
    } else {
    }
    %eq3A_114 = arith.constant 7 : i32
    %eq3A_115 = arith.cmpi eq, %arg0, %eq3A_114 : i32
    %convert_element_type3A_116 = arith.extui %eq3A_115 : i1 to i32
    %cond3A_117 = arith.constant 0 : i32
    %cond3A_118 = arith.cmpi ne, %convert_element_type3A_116, %cond3A_117 : i32
    scf.if %cond3A_118 {
      %get3A_119 = arith.constant 0 : index
      %get3A_120 = arith.constant 0 : index
      %get3A_121 = vector.load %arg10[%get3A_119, %get3A_120] : memref<1x128xf32, #tpu.memory_space<vmem>>, vector<1x1xf32>
      %get3A_122 = vector.extract %get3A_121[0, 0] : f32 from vector<1x1xf32>
      %get3A_123 = arith.constant 0 : index
      %get3A_124 = arith.constant 8 : index
      %get3A_125 = vector.load %arg10[%get3A_123, %get3A_124] : memref<1x128xf32, #tpu.memory_space<vmem>>, vector<1x1xf32>
      %get3A_126 = vector.extract %get3A_125[0, 0] : f32 from vector<1x1xf32>
      %add3A_127 = arith.addf %get3A_122, %get3A_126 : f32
      %get3A_128 = arith.constant 0 : index
      %get3A_129 = arith.constant 1 : index
      %get3A_130 = vector.load %arg10[%get3A_128, %get3A_129] : memref<1x128xf32, #tpu.memory_space<vmem>>, vector<1x1xf32>
      %get3A_131 = vector.extract %get3A_130[0, 0] : f32 from vector<1x1xf32>
      %get3A_132 = arith.constant 0 : index
      %get3A_133 = arith.constant 9 : index
      %get3A_134 = vector.load %arg10[%get3A_132, %get3A_133] : memref<1x128xf32, #tpu.memory_space<vmem>>, vector<1x1xf32>
      %get3A_135 = vector.extract %get3A_134[0, 0] : f32 from vector<1x1xf32>
      %add3A_136 = arith.addf %get3A_131, %get3A_135 : f32
      %get3A_137 = arith.constant 0 : index
      %get3A_138 = arith.constant 2 : index
      %get3A_139 = vector.load %arg10[%get3A_137, %get3A_138] : memref<1x128xf32, #tpu.memory_space<vmem>>, vector<1x1xf32>
      %get3A_140 = vector.extract %get3A_139[0, 0] : f32 from vector<1x1xf32>
      %get3A_141 = arith.constant 0 : index
      %get3A_142 = arith.constant 10 : index
      %get3A_143 = vector.load %arg10[%get3A_141, %get3A_142] : memref<1x128xf32, #tpu.memory_space<vmem>>, vector<1x1xf32>
      %get3A_144 = vector.extract %get3A_143[0, 0] : f32 from vector<1x1xf32>
      %add3A_145 = arith.addf %get3A_140, %get3A_144 : f32
      %get3A_146 = arith.constant 0 : index
      %get3A_147 = arith.constant 3 : index
      %get3A_148 = vector.load %arg10[%get3A_146, %get3A_147] : memref<1x128xf32, #tpu.memory_space<vmem>>, vector<1x1xf32>
      %get3A_149 = vector.extract %get3A_148[0, 0] : f32 from vector<1x1xf32>
      %get3A_150 = arith.constant 0 : index
      %get3A_151 = arith.constant 11 : index
      %get3A_152 = vector.load %arg10[%get3A_150, %get3A_151] : memref<1x128xf32, #tpu.memory_space<vmem>>, vector<1x1xf32>
      %get3A_153 = vector.extract %get3A_152[0, 0] : f32 from vector<1x1xf32>
      %add3A_154 = arith.addf %get3A_149, %get3A_153 : f32
      %iota3A = tpu.iota {dimensions = array<i32: 1>} : vector<2x32xi32>
      %iota3A_155 = tpu.iota {dimensions = array<i32: 0>} : vector<2x32xi32>
      %lt3A = arith.constant 16 : i32
      %lt3A_156 = vector.broadcast %lt3A : i32 to vector<2x32xi32>
      %lt3A_157 = arith.cmpi slt, %iota3A, %lt3A_156 : vector<2x32xi32>
      %eq3A_158 = arith.constant 0 : i32
      %eq3A_159 = vector.broadcast %eq3A_158 : i32 to vector<2x32xi32>
      %eq3A_160 = arith.cmpi eq, %iota3A_155, %eq3A_159 : vector<2x32xi32>
      %broadcast_in_dim3A_161 = vector.broadcast %add3A_127 : f32 to vector<2x32xf32>
      %broadcast_in_dim3A_162 = vector.broadcast %add3A_145 : f32 to vector<2x32xf32>
      %select_n3A = arith.select %eq3A_160, %broadcast_in_dim3A_161, %broadcast_in_dim3A_162 : vector<2x32xi1>, vector<2x32xf32>
      %eq3A_163 = arith.constant 0 : i32
      %eq3A_164 = vector.broadcast %eq3A_163 : i32 to vector<2x32xi32>
      %eq3A_165 = arith.cmpi eq, %iota3A_155, %eq3A_164 : vector<2x32xi32>
      %broadcast_in_dim3A_166 = vector.broadcast %add3A_136 : f32 to vector<2x32xf32>
      %broadcast_in_dim3A_167 = vector.broadcast %add3A_154 : f32 to vector<2x32xf32>
      %select_n3A_168 = arith.select %eq3A_165, %broadcast_in_dim3A_166, %broadcast_in_dim3A_167 : vector<2x32xi1>, vector<2x32xf32>
      %select_n3A_169 = arith.select %lt3A_157, %select_n3A, %select_n3A_168 : vector<2x32xi1>, vector<2x32xf32>
      %swap3A_170 = arith.constant 0 : index
      %swap3A_171 = arith.constant 0 : index
      %swap3A_172 = vector.load %arg11[%swap3A_170, %swap3A_171] : memref<2x32xf32, #tpu.memory_space<vmem>>, vector<2x32xf32>
      tpu.vector_store %arg11[%swap3A_170, %swap3A_171], %select_n3A_169 {strides = array<i32>} : memref<2x32xf32, #tpu.memory_space<vmem>>, vector<2x32xf32>,
    } else {
    }
    return
  }
  func.func @transform_0(%arg0: i32) -> (i32, i32) {
    %c0_i32 = arith.constant 0 : i32
    %c0_i32_0 = arith.constant 0 : i32
    return %arg0, %c0_i32 : i32, i32
  }
  func.func @transform_1(%arg0: i32) -> (i32, i32) {
    %c0_i32 = arith.constant 0 : i32
    %c0_i32_0 = arith.constant 0 : i32
    %c0_i32_1 = arith.constant 0 : i32
    return %c0_i32, %c0_i32_0 : i32, i32
  }
  func.func @transform_2(%arg0: i32) -> (i32, i32) {
    %c0_i32 = arith.constant 0 : i32
    %c0_i32_0 = arith.constant 0 : i32
    %c0_i32_1 = arith.constant 0 : i32
    return %c0_i32, %c0_i32_0 : i32, i32
  }
  func.func @transform_3(%arg0: i32) -> (i32, i32) {
    %c0_i32 = arith.constant 0 : i32
    %c0_i32_0 = arith.constant 0 : i32
    %c0_i32_1 = arith.constant 0 : i32
    return %c0_i32, %c0_i32_0 : i32, i32
  }
  func.func @transform_4(%arg0: i32) -> (i32, i32) {
    %c0_i32 = arith.constant 0 : i32
    %c0_i32_0 = arith.constant 0 : i32
    %c0_i32_1 = arith.constant 0 : i32
    return %c0_i32, %c0_i32_0 : i32, i32
  }
  func.func @transform_5(%arg0: i32) -> (i32, i32) {
    %c0_i32 = arith.constant 0 : i32
    %c0_i32_0 = arith.constant 0 : i32
    %c0_i32_1 = arith.constant 0 : i32
    return %c0_i32, %c0_i32_0 : i32, i32
  }
  func.func @transform_6(%arg0: i32) -> (i32, i32) {
    %c0_i32 = arith.constant 0 : i32
    %c0_i32_0 = arith.constant 0 : i32
    %c0_i32_1 = arith.constant 0 : i32
    return %c0_i32, %c0_i32_0 : i32, i32
  }
  func.func @transform_7(%arg0: i32) -> (i32, i32, i32) {
    %c0_i32 = arith.constant 0 : i32
    %c0_i32_0 = arith.constant 0 : i32
    %c0_i32_1 = arith.constant 0 : i32
    return %c0_i32, %arg0, %c0_i32_0 : i32, i32, i32
  }
  func.func @transform_8(%arg0: i32) -> (i32, i32, i32) {
    %c0_i32 = arith.constant 0 : i32
    %c0_i32_0 = arith.constant 0 : i32
    %c0_i32_1 = arith.constant 0 : i32
    return %c0_i32, %arg0, %c0_i32_0 : i32, i32, i32
  }
  func.func @transform_9(%arg0: i32) -> (i32, i32) {
    %c0_i32 = arith.constant 0 : i32
    %c0_i32_0 = arith.constant 0 : i32
    %c0_i32_1 = arith.constant 0 : i32
    return %c0_i32, %c0_i32_0 : i32, i32
  }
  func.func @transform_10(%arg0: i32) -> (i32, i32) {
    %c0_i32 = arith.constant 0 : i32
    %c0_i32_0 = arith.constant 0 : i32
    %c0_i32_1 = arith.constant 0 : i32
    return %c0_i32, %c0_i32_0 : i32, i32
  }
}

module attributes {stable_mosaic.version = 14 : i64} {
  func.func @_norm_body(%arg0: i32, %arg1: memref<2x2976x56xf32, #tpu.memory_space<vmem>>, %arg2: memref<2x2976x40xf32, #tpu.memory_space<vmem>>, %arg3: memref<2x2976x8xf32, #tpu.memory_space<vmem>>, %arg4: memref<1x128xf32, #tpu.memory_space<vmem>>, %arg5: memref<1x24xf32, #tpu.memory_space<vmem>>, %arg6: memref<2976x24xbf16, #tpu.memory_space<vmem>>) attributes {dimension_semantics = [#tpu.dimension_semantics<arbitrary>], iteration_bounds = array<i64: 8>, scalar_prefetch = 0 : i64, scratch_operands = 0 : i64, tpu.core_type = #tpu.core_type<tc>, window_params = [{transform_indices = @transform_0, window_bounds = array<i64: 2, 2976, 56>}, {transform_indices = @transform_1, window_bounds = array<i64: 2, 2976, 40>}, {transform_indices = @transform_2, window_bounds = array<i64: 2, 2976, 8>}, {pipeline_mode = #tpu.pipeline_mode<synchronous>, transform_indices = @transform_3, window_bounds = array<i64: 1, 128>}, {pipeline_mode = #tpu.pipeline_mode<synchronous>, transform_indices = @transform_4, window_bounds = array<i64: 1, 24>}, {transform_indices = @transform_5, window_bounds = array<i64: 2976, 24>}]} {
    %iota3A = tpu.iota {dimensions = array<i32: 1>} : vector<1x16xi32>
    %broadcast_in_dim3A = arith.constant 0.000000e+00 : f32
    %broadcast_in_dim3A_0 = vector.broadcast %broadcast_in_dim3A : f32 to vector<2976x24xf32>
    %get3A = arith.constant 0 : index
    %get3A_1 = arith.constant 0 : index
    %get3A_2 = vector.load %arg4[%get3A, %get3A_1] : memref<1x128xf32, #tpu.memory_space<vmem>>, vector<1x1xf32>
    %get3A_3 = vector.extract %get3A_2[0, 0] : f32 from vector<1x1xf32>
    %get3A_4 = arith.constant 0 : index
    %get3A_5 = arith.constant 8 : index
    %get3A_6 = vector.load %arg4[%get3A_4, %get3A_5] : memref<1x128xf32, #tpu.memory_space<vmem>>, vector<1x1xf32>
    %get3A_7 = vector.extract %get3A_6[0, 0] : f32 from vector<1x1xf32>
    %add3A = arith.addf %get3A_3, %get3A_7 : f32
    %get3A_8 = arith.constant 0 : index
    %get3A_9 = arith.constant 1 : index
    %get3A_10 = vector.load %arg4[%get3A_8, %get3A_9] : memref<1x128xf32, #tpu.memory_space<vmem>>, vector<1x1xf32>
    %get3A_11 = vector.extract %get3A_10[0, 0] : f32 from vector<1x1xf32>
    %get3A_12 = arith.constant 0 : index
    %get3A_13 = arith.constant 9 : index
    %get3A_14 = vector.load %arg4[%get3A_12, %get3A_13] : memref<1x128xf32, #tpu.memory_space<vmem>>, vector<1x1xf32>
    %get3A_15 = vector.extract %get3A_14[0, 0] : f32 from vector<1x1xf32>
    %add3A_16 = arith.addf %get3A_11, %get3A_15 : f32
    %get3A_17 = arith.constant 0 : index
    %get3A_18 = arith.constant 0 : index
    %get3A_19 = arith.constant 32 : index
    %get3A_20 = vector.load %arg2[%get3A_17, %get3A_18, %get3A_19] : memref<2x2976x40xf32, #tpu.memory_space<vmem>>, vector<1x2976x1xf32>
    %get3A_21 = vector.shape_cast %get3A_20 : vector<1x2976x1xf32> to vector<2976x1xf32>
    %get3A_22 = arith.constant 0 : index
    %get3A_23 = arith.constant 0 : index
    %get3A_24 = arith.constant 33 : index
    %get3A_25 = vector.load %arg2[%get3A_22, %get3A_23, %get3A_24] : memref<2x2976x40xf32, #tpu.memory_space<vmem>>, vector<1x2976x1xf32>
    %get3A_26 = vector.shape_cast %get3A_25 : vector<1x2976x1xf32> to vector<2976x1xf32>
    %get3A_27 = arith.constant 0 : index
    %get3A_28 = arith.constant 0 : index
    %get3A_29 = arith.constant 0 : index
    %get3A_30 = vector.load %arg3[%get3A_27, %get3A_28, %get3A_29] : memref<2x2976x8xf32, #tpu.memory_space<vmem>>, vector<1x2976x1xf32>
    %get3A_31 = vector.shape_cast %get3A_30 : vector<1x2976x1xf32> to vector<2976x1xf32>
    %get3A_32 = arith.constant 0 : index
    %get3A_33 = arith.constant 0 : index
    %get3A_34 = arith.constant 1 : index
    %get3A_35 = vector.load %arg3[%get3A_32, %get3A_33, %get3A_34] : memref<2x2976x8xf32, #tpu.memory_space<vmem>>, vector<1x2976x1xf32>
    %get3A_36 = vector.shape_cast %get3A_35 : vector<1x2976x1xf32> to vector<2976x1xf32>
    %add3A_37 = arith.addf %get3A_21, %get3A_31 : vector<2976x1xf32>
    %gt3A = arith.constant 0.000000e+00 : f32
    %gt3A_38 = vector.broadcast %gt3A : f32 to vector<2976x1xf32>
    %gt3A_39 = arith.cmpf ogt, %add3A_37, %gt3A_38 : vector<2976x1xf32>
    %mul3A = arith.constant 2.000000e-01 : f32
    %mul3A_40 = vector.broadcast %mul3A : f32 to vector<2976x1xf32>
    %mul3A_41 = arith.mulf %mul3A_40, %add3A_37 : vector<2976x1xf32>
    %select_n3A = arith.select %gt3A_39, %add3A_37, %mul3A_41 : vector<2976x1xi1>, vector<2976x1xf32>
    %sub3A = vector.broadcast %add3A : f32 to vector<2976x1xf32>
    %sub3A_42 = arith.subf %select_n3A, %sub3A : vector<2976x1xf32>
    %exp3A = math.exp %sub3A_42 : vector<2976x1xf32>
    %add3A_43 = arith.addf %get3A_26, %get3A_36 : vector<2976x1xf32>
    %gt3A_44 = arith.constant 0.000000e+00 : f32
    %gt3A_45 = vector.broadcast %gt3A_44 : f32 to vector<2976x1xf32>
    %gt3A_46 = arith.cmpf ogt, %add3A_43, %gt3A_45 : vector<2976x1xf32>
    %mul3A_47 = arith.constant 2.000000e-01 : f32
    %mul3A_48 = vector.broadcast %mul3A_47 : f32 to vector<2976x1xf32>
    %mul3A_49 = arith.mulf %mul3A_48, %add3A_43 : vector<2976x1xf32>
    %select_n3A_50 = arith.select %gt3A_46, %add3A_43, %mul3A_49 : vector<2976x1xi1>, vector<2976x1xf32>
    %sub3A_51 = vector.broadcast %add3A_16 : f32 to vector<2976x1xf32>
    %sub3A_52 = arith.subf %select_n3A_50, %sub3A_51 : vector<2976x1xf32>
    %exp3A_53 = math.exp %sub3A_52 : vector<2976x1xf32>
    %get3A_54 = arith.constant 0 : index
    %get3A_55 = arith.constant 0 : index
    %get3A_56 = arith.constant 48 : index
    %get3A_57 = vector.load %arg1[%get3A_54, %get3A_55, %get3A_56] : memref<2x2976x56xf32, #tpu.memory_space<vmem>>, vector<1x2976x1xf32>
    %get3A_58 = vector.shape_cast %get3A_57 : vector<1x2976x1xf32> to vector<2976x1xf32>
    %add3A_59 = arith.addf %get3A_58, %exp3A : vector<2976x1xf32>
    %get3A_60 = arith.constant 0 : index
    %get3A_61 = arith.constant 0 : index
    %get3A_62 = arith.constant 49 : index
    %get3A_63 = vector.load %arg1[%get3A_60, %get3A_61, %get3A_62] : memref<2x2976x56xf32, #tpu.memory_space<vmem>>, vector<1x2976x1xf32>
    %get3A_64 = vector.shape_cast %get3A_63 : vector<1x2976x1xf32> to vector<2976x1xf32>
    %add3A_65 = arith.addf %get3A_64, %exp3A_53 : vector<2976x1xf32>
    %lt3A = arith.constant 8 : i32
    %lt3A_66 = vector.broadcast %lt3A : i32 to vector<1x16xi32>
    %lt3A_67 = arith.cmpi slt, %iota3A, %lt3A_66 : vector<1x16xi32>
    %broadcast_in_dim3A_68 = vector.shape_cast %lt3A_67 : vector<1x16xi1> to vector<1x16xi1>
    %broadcast_in_dim3A_69 = vector.broadcast %broadcast_in_dim3A_68 : vector<1x16xi1> to vector<2976x16xi1>
    %broadcast_in_dim3A_70 = vector.shape_cast %exp3A : vector<2976x1xf32> to vector<2976x1xf32>
    %broadcast_in_dim3A_71 = vector.broadcast %broadcast_in_dim3A_70 : vector<2976x1xf32> to vector<2976x16xf32>
    %broadcast_in_dim3A_72 = vector.shape_cast %exp3A_53 : vector<2976x1xf32> to vector<2976x1xf32>
    %broadcast_in_dim3A_73 = vector.broadcast %broadcast_in_dim3A_72 : vector<2976x1xf32> to vector<2976x16xf32>
    %select_n3A_74 = arith.select %broadcast_in_dim3A_69, %broadcast_in_dim3A_71, %broadcast_in_dim3A_73 : vector<2976x16xi1>, vector<2976x16xf32>
    %lt3A_75 = arith.constant 8 : i32
    %lt3A_76 = vector.broadcast %lt3A_75 : i32 to vector<1x16xi32>
    %lt3A_77 = arith.cmpi slt, %iota3A, %lt3A_76 : vector<1x16xi32>
    %broadcast_in_dim3A_78 = vector.shape_cast %lt3A_77 : vector<1x16xi1> to vector<1x16xi1>
    %broadcast_in_dim3A_79 = vector.broadcast %broadcast_in_dim3A_78 : vector<1x16xi1> to vector<2976x16xi1>
    %broadcast_in_dim3A_80 = vector.shape_cast %add3A_59 : vector<2976x1xf32> to vector<2976x1xf32>
    %broadcast_in_dim3A_81 = vector.broadcast %broadcast_in_dim3A_80 : vector<2976x1xf32> to vector<2976x16xf32>
    %broadcast_in_dim3A_82 = vector.shape_cast %add3A_65 : vector<2976x1xf32> to vector<2976x1xf32>
    %broadcast_in_dim3A_83 = vector.broadcast %broadcast_in_dim3A_82 : vector<2976x1xf32> to vector<2976x16xf32>
    %select_n3A_84 = arith.select %broadcast_in_dim3A_79, %broadcast_in_dim3A_81, %broadcast_in_dim3A_83 : vector<2976x16xi1>, vector<2976x16xf32>
    %get3A_85 = arith.constant 0 : index
    %get3A_86 = arith.constant 0 : index
    %get3A_87 = arith.constant 0 : index
    %get3A_88 = vector.load %arg2[%get3A_85, %get3A_86, %get3A_87] : memref<2x2976x40xf32, #tpu.memory_space<vmem>>, vector<1x2976x16xf32>
    %get3A_89 = vector.shape_cast %get3A_88 : vector<1x2976x16xf32> to vector<2976x16xf32>
    %bitcast_convert_type3A = tpu.bitcast %get3A_89 : vector<2976x16xf32> -> vector<2976x16xi32>
    %shift_left3A = arith.constant 16 : i32
    %shift_left3A_90 = vector.broadcast %shift_left3A : i32 to vector<2976x16xi32>
    %shift_left3A_91 = arith.shli %bitcast_convert_type3A, %shift_left3A_90 : vector<2976x16xi32>
    %bitcast_convert_type3A_92 = tpu.bitcast %shift_left3A_91 : vector<2976x16xi32> -> vector<2976x16xf32>
    %and3A = arith.constant -65536 : i32
    %and3A_93 = vector.broadcast %and3A : i32 to vector<2976x16xi32>
    %and3A_94 = arith.andi %bitcast_convert_type3A, %and3A_93 : vector<2976x16xi32>
    %bitcast_convert_type3A_95 = tpu.bitcast %and3A_94 : vector<2976x16xi32> -> vector<2976x16xf32>
    %get3A_96 = arith.constant 0 : index
    %get3A_97 = arith.constant 0 : index
    %get3A_98 = arith.constant 16 : index
    %get3A_99 = vector.load %arg2[%get3A_96, %get3A_97, %get3A_98] : memref<2x2976x40xf32, #tpu.memory_space<vmem>>, vector<1x2976x16xf32>
    %get3A_100 = vector.shape_cast %get3A_99 : vector<1x2976x16xf32> to vector<2976x16xf32>
    %get3A_101 = arith.constant 0 : index
    %get3A_102 = arith.constant 0 : index
    %get3A_103 = arith.constant 0 : index
    %get3A_104 = vector.load %arg1[%get3A_101, %get3A_102, %get3A_103] : memref<2x2976x56xf32, #tpu.memory_space<vmem>>, vector<1x2976x16xf32>
    %get3A_105 = vector.shape_cast %get3A_104 : vector<1x2976x16xf32> to vector<2976x16xf32>
    %mul3A_106 = vector.broadcast %exp3A : vector<2976x1xf32> to vector<2976x16xf32>
    %mul3A_107 = arith.mulf %bitcast_convert_type3A_92, %mul3A_106 : vector<2976x16xf32>
    %add3A_108 = arith.addf %get3A_105, %mul3A_107 : vector<2976x16xf32>
    %div3A = vector.broadcast %add3A_59 : vector<2976x1xf32> to vector<2976x16xf32>
    %div3A_109 = arith.divf %add3A_108, %div3A : vector<2976x16xf32>
    %get3A_110 = arith.constant 0 : index
    %get3A_111 = arith.constant 0 : index
    %get3A_112 = arith.constant 16 : index
    %get3A_113 = vector.load %arg1[%get3A_110, %get3A_111, %get3A_112] : memref<2x2976x56xf32, #tpu.memory_space<vmem>>, vector<1x2976x16xf32>
    %get3A_114 = vector.shape_cast %get3A_113 : vector<1x2976x16xf32> to vector<2976x16xf32>
    %mul3A_115 = arith.mulf %bitcast_convert_type3A_95, %select_n3A_74 : vector<2976x16xf32>
    %add3A_116 = arith.addf %get3A_114, %mul3A_115 : vector<2976x16xf32>
    %div3A_117 = arith.divf %add3A_116, %select_n3A_84 : vector<2976x16xf32>
    %get3A_118 = arith.constant 0 : index
    %get3A_119 = arith.constant 0 : index
    %get3A_120 = arith.constant 32 : index
    %get3A_121 = vector.load %arg1[%get3A_118, %get3A_119, %get3A_120] : memref<2x2976x56xf32, #tpu.memory_space<vmem>>, vector<1x2976x16xf32>
    %get3A_122 = vector.shape_cast %get3A_121 : vector<1x2976x16xf32> to vector<2976x16xf32>
    %mul3A_123 = vector.broadcast %exp3A_53 : vector<2976x1xf32> to vector<2976x16xf32>
    %mul3A_124 = arith.mulf %get3A_100, %mul3A_123 : vector<2976x16xf32>
    %add3A_125 = arith.addf %get3A_122, %mul3A_124 : vector<2976x16xf32>
    %div3A_126 = vector.broadcast %add3A_65 : vector<2976x1xf32> to vector<2976x16xf32>
    %div3A_127 = arith.divf %add3A_125, %div3A_126 : vector<2976x16xf32>
    %slice3A = vector.extract_strided_slice %div3A_117 {offsets = [0, 0], sizes = [2976, 8], strides = [1, 1]} : vector<2976x16xf32> to vector<2976x8xf32>
    %concatenate3A = tpu.concatenate %div3A_109, %slice3A in 1 : vector<2976x16xf32>, vector<2976x8xf32> -> vector<2976x24xf32>
    %add3A_128 = arith.addf %broadcast_in_dim3A_0, %concatenate3A : vector<2976x24xf32>
    %slice3A_129 = vector.extract_strided_slice %div3A_117 {offsets = [0, 8], sizes = [2976, 8], strides = [1, 1]} : vector<2976x16xf32> to vector<2976x8xf32>
    %concatenate3A_130 = tpu.concatenate %slice3A_129, %div3A_127 in 1 : vector<2976x8xf32>, vector<2976x16xf32> -> vector<2976x24xf32>
    %add3A_131 = arith.addf %add3A_128, %concatenate3A_130 : vector<2976x24xf32>
    %get3A_132 = arith.constant 0 : index
    %get3A_133 = arith.constant 2 : index
    %get3A_134 = vector.load %arg4[%get3A_132, %get3A_133] : memref<1x128xf32, #tpu.memory_space<vmem>>, vector<1x1xf32>
    %get3A_135 = vector.extract %get3A_134[0, 0] : f32 from vector<1x1xf32>
    %get3A_136 = arith.constant 0 : index
    %get3A_137 = arith.constant 10 : index
    %get3A_138 = vector.load %arg4[%get3A_136, %get3A_137] : memref<1x128xf32, #tpu.memory_space<vmem>>, vector<1x1xf32>
    %get3A_139 = vector.extract %get3A_138[0, 0] : f32 from vector<1x1xf32>
    %add3A_140 = arith.addf %get3A_135, %get3A_139 : f32
    %get3A_141 = arith.constant 0 : index
    %get3A_142 = arith.constant 3 : index
    %get3A_143 = vector.load %arg4[%get3A_141, %get3A_142] : memref<1x128xf32, #tpu.memory_space<vmem>>, vector<1x1xf32>
    %get3A_144 = vector.extract %get3A_143[0, 0] : f32 from vector<1x1xf32>
    %get3A_145 = arith.constant 0 : index
    %get3A_146 = arith.constant 11 : index
    %get3A_147 = vector.load %arg4[%get3A_145, %get3A_146] : memref<1x128xf32, #tpu.memory_space<vmem>>, vector<1x1xf32>
    %get3A_148 = vector.extract %get3A_147[0, 0] : f32 from vector<1x1xf32>
    %add3A_149 = arith.addf %get3A_144, %get3A_148 : f32
    %get3A_150 = arith.constant 1 : index
    %get3A_151 = arith.constant 0 : index
    %get3A_152 = arith.constant 32 : index
    %get3A_153 = vector.load %arg2[%get3A_150, %get3A_151, %get3A_152] : memref<2x2976x40xf32, #tpu.memory_space<vmem>>, vector<1x2976x1xf32>
    %get3A_154 = vector.shape_cast %get3A_153 : vector<1x2976x1xf32> to vector<2976x1xf32>
    %get3A_155 = arith.constant 1 : index
    %get3A_156 = arith.constant 0 : index
    %get3A_157 = arith.constant 33 : index
    %get3A_158 = vector.load %arg2[%get3A_155, %get3A_156, %get3A_157] : memref<2x2976x40xf32, #tpu.memory_space<vmem>>, vector<1x2976x1xf32>
    %get3A_159 = vector.shape_cast %get3A_158 : vector<1x2976x1xf32> to vector<2976x1xf32>
    %get3A_160 = arith.constant 1 : index
    %get3A_161 = arith.constant 0 : index
    %get3A_162 = arith.constant 0 : index
    %get3A_163 = vector.load %arg3[%get3A_160, %get3A_161, %get3A_162] : memref<2x2976x8xf32, #tpu.memory_space<vmem>>, vector<1x2976x1xf32>
    %get3A_164 = vector.shape_cast %get3A_163 : vector<1x2976x1xf32> to vector<2976x1xf32>
    %get3A_165 = arith.constant 1 : index
    %get3A_166 = arith.constant 0 : index
    %get3A_167 = arith.constant 1 : index
    %get3A_168 = vector.load %arg3[%get3A_165, %get3A_166, %get3A_167] : memref<2x2976x8xf32, #tpu.memory_space<vmem>>, vector<1x2976x1xf32>
    %get3A_169 = vector.shape_cast %get3A_168 : vector<1x2976x1xf32> to vector<2976x1xf32>
    %add3A_170 = arith.addf %get3A_154, %get3A_164 : vector<2976x1xf32>
    %gt3A_171 = arith.constant 0.000000e+00 : f32
    %gt3A_172 = vector.broadcast %gt3A_171 : f32 to vector<2976x1xf32>
    %gt3A_173 = arith.cmpf ogt, %add3A_170, %gt3A_172 : vector<2976x1xf32>
    %mul3A_174 = arith.constant 2.000000e-01 : f32
    %mul3A_175 = vector.broadcast %mul3A_174 : f32 to vector<2976x1xf32>
    %mul3A_176 = arith.mulf %mul3A_175, %add3A_170 : vector<2976x1xf32>
    %select_n3A_177 = arith.select %gt3A_173, %add3A_170, %mul3A_176 : vector<2976x1xi1>, vector<2976x1xf32>
    %sub3A_178 = vector.broadcast %add3A_140 : f32 to vector<2976x1xf32>
    %sub3A_179 = arith.subf %select_n3A_177, %sub3A_178 : vector<2976x1xf32>
    %exp3A_180 = math.exp %sub3A_179 : vector<2976x1xf32>
    %add3A_181 = arith.addf %get3A_159, %get3A_169 : vector<2976x1xf32>
    %gt3A_182 = arith.constant 0.000000e+00 : f32
    %gt3A_183 = vector.broadcast %gt3A_182 : f32 to vector<2976x1xf32>
    %gt3A_184 = arith.cmpf ogt, %add3A_181, %gt3A_183 : vector<2976x1xf32>
    %mul3A_185 = arith.constant 2.000000e-01 : f32
    %mul3A_186 = vector.broadcast %mul3A_185 : f32 to vector<2976x1xf32>
    %mul3A_187 = arith.mulf %mul3A_186, %add3A_181 : vector<2976x1xf32>
    %select_n3A_188 = arith.select %gt3A_184, %add3A_181, %mul3A_187 : vector<2976x1xi1>, vector<2976x1xf32>
    %sub3A_189 = vector.broadcast %add3A_149 : f32 to vector<2976x1xf32>
    %sub3A_190 = arith.subf %select_n3A_188, %sub3A_189 : vector<2976x1xf32>
    %exp3A_191 = math.exp %sub3A_190 : vector<2976x1xf32>
    %get3A_192 = arith.constant 1 : index
    %get3A_193 = arith.constant 0 : index
    %get3A_194 = arith.constant 48 : index
    %get3A_195 = vector.load %arg1[%get3A_192, %get3A_193, %get3A_194] : memref<2x2976x56xf32, #tpu.memory_space<vmem>>, vector<1x2976x1xf32>
    %get3A_196 = vector.shape_cast %get3A_195 : vector<1x2976x1xf32> to vector<2976x1xf32>
    %add3A_197 = arith.addf %get3A_196, %exp3A_180 : vector<2976x1xf32>
    %get3A_198 = arith.constant 1 : index
    %get3A_199 = arith.constant 0 : index
    %get3A_200 = arith.constant 49 : index
    %get3A_201 = vector.load %arg1[%get3A_198, %get3A_199, %get3A_200] : memref<2x2976x56xf32, #tpu.memory_space<vmem>>, vector<1x2976x1xf32>
    %get3A_202 = vector.shape_cast %get3A_201 : vector<1x2976x1xf32> to vector<2976x1xf32>
    %add3A_203 = arith.addf %get3A_202, %exp3A_191 : vector<2976x1xf32>
    %lt3A_204 = arith.constant 8 : i32
    %lt3A_205 = vector.broadcast %lt3A_204 : i32 to vector<1x16xi32>
    %lt3A_206 = arith.cmpi slt, %iota3A, %lt3A_205 : vector<1x16xi32>
    %broadcast_in_dim3A_207 = vector.shape_cast %lt3A_206 : vector<1x16xi1> to vector<1x16xi1>
    %broadcast_in_dim3A_208 = vector.broadcast %broadcast_in_dim3A_207 : vector<1x16xi1> to vector<2976x16xi1>
    %broadcast_in_dim3A_209 = vector.shape_cast %exp3A_180 : vector<2976x1xf32> to vector<2976x1xf32>
    %broadcast_in_dim3A_210 = vector.broadcast %broadcast_in_dim3A_209 : vector<2976x1xf32> to vector<2976x16xf32>
    %broadcast_in_dim3A_211 = vector.shape_cast %exp3A_191 : vector<2976x1xf32> to vector<2976x1xf32>
    %broadcast_in_dim3A_212 = vector.broadcast %broadcast_in_dim3A_211 : vector<2976x1xf32> to vector<2976x16xf32>
    %select_n3A_213 = arith.select %broadcast_in_dim3A_208, %broadcast_in_dim3A_210, %broadcast_in_dim3A_212 : vector<2976x16xi1>, vector<2976x16xf32>
    %lt3A_214 = arith.constant 8 : i32
    %lt3A_215 = vector.broadcast %lt3A_214 : i32 to vector<1x16xi32>
    %lt3A_216 = arith.cmpi slt, %iota3A, %lt3A_215 : vector<1x16xi32>
    %broadcast_in_dim3A_217 = vector.shape_cast %lt3A_216 : vector<1x16xi1> to vector<1x16xi1>
    %broadcast_in_dim3A_218 = vector.broadcast %broadcast_in_dim3A_217 : vector<1x16xi1> to vector<2976x16xi1>
    %broadcast_in_dim3A_219 = vector.shape_cast %add3A_197 : vector<2976x1xf32> to vector<2976x1xf32>
    %broadcast_in_dim3A_220 = vector.broadcast %broadcast_in_dim3A_219 : vector<2976x1xf32> to vector<2976x16xf32>
    %broadcast_in_dim3A_221 = vector.shape_cast %add3A_203 : vector<2976x1xf32> to vector<2976x1xf32>
    %broadcast_in_dim3A_222 = vector.broadcast %broadcast_in_dim3A_221 : vector<2976x1xf32> to vector<2976x16xf32>
    %select_n3A_223 = arith.select %broadcast_in_dim3A_218, %broadcast_in_dim3A_220, %broadcast_in_dim3A_222 : vector<2976x16xi1>, vector<2976x16xf32>
    %get3A_224 = arith.constant 1 : index
    %get3A_225 = arith.constant 0 : index
    %get3A_226 = arith.constant 0 : index
    %get3A_227 = vector.load %arg2[%get3A_224, %get3A_225, %get3A_226] : memref<2x2976x40xf32, #tpu.memory_space<vmem>>, vector<1x2976x16xf32>
    %get3A_228 = vector.shape_cast %get3A_227 : vector<1x2976x16xf32> to vector<2976x16xf32>
    %bitcast_convert_type3A_229 = tpu.bitcast %get3A_228 : vector<2976x16xf32> -> vector<2976x16xi32>
    %shift_left3A_230 = arith.constant 16 : i32
    %shift_left3A_231 = vector.broadcast %shift_left3A_230 : i32 to vector<2976x16xi32>
    %shift_left3A_232 = arith.shli %bitcast_convert_type3A_229, %shift_left3A_231 : vector<2976x16xi32>
    %bitcast_convert_type3A_233 = tpu.bitcast %shift_left3A_232 : vector<2976x16xi32> -> vector<2976x16xf32>
    %and3A_234 = arith.constant -65536 : i32
    %and3A_235 = vector.broadcast %and3A_234 : i32 to vector<2976x16xi32>
    %and3A_236 = arith.andi %bitcast_convert_type3A_229, %and3A_235 : vector<2976x16xi32>
    %bitcast_convert_type3A_237 = tpu.bitcast %and3A_236 : vector<2976x16xi32> -> vector<2976x16xf32>
    %get3A_238 = arith.constant 1 : index
    %get3A_239 = arith.constant 0 : index
    %get3A_240 = arith.constant 16 : index
    %get3A_241 = vector.load %arg2[%get3A_238, %get3A_239, %get3A_240] : memref<2x2976x40xf32, #tpu.memory_space<vmem>>, vector<1x2976x16xf32>
    %get3A_242 = vector.shape_cast %get3A_241 : vector<1x2976x16xf32> to vector<2976x16xf32>
    %get3A_243 = arith.constant 1 : index
    %get3A_244 = arith.constant 0 : index
    %get3A_245 = arith.constant 0 : index
    %get3A_246 = vector.load %arg1[%get3A_243, %get3A_244, %get3A_245] : memref<2x2976x56xf32, #tpu.memory_space<vmem>>, vector<1x2976x16xf32>
    %get3A_247 = vector.shape_cast %get3A_246 : vector<1x2976x16xf32> to vector<2976x16xf32>
    %mul3A_248 = vector.broadcast %exp3A_180 : vector<2976x1xf32> to vector<2976x16xf32>
    %mul3A_249 = arith.mulf %bitcast_convert_type3A_233, %mul3A_248 : vector<2976x16xf32>
    %add3A_250 = arith.addf %get3A_247, %mul3A_249 : vector<2976x16xf32>
    %div3A_251 = vector.broadcast %add3A_197 : vector<2976x1xf32> to vector<2976x16xf32>
    %div3A_252 = arith.divf %add3A_250, %div3A_251 : vector<2976x16xf32>
    %get3A_253 = arith.constant 1 : index
    %get3A_254 = arith.constant 0 : index
    %get3A_255 = arith.constant 16 : index
    %get3A_256 = vector.load %arg1[%get3A_253, %get3A_254, %get3A_255] : memref<2x2976x56xf32, #tpu.memory_space<vmem>>, vector<1x2976x16xf32>
    %get3A_257 = vector.shape_cast %get3A_256 : vector<1x2976x16xf32> to vector<2976x16xf32>
    %mul3A_258 = arith.mulf %bitcast_convert_type3A_237, %select_n3A_213 : vector<2976x16xf32>
    %add3A_259 = arith.addf %get3A_257, %mul3A_258 : vector<2976x16xf32>
    %div3A_260 = arith.divf %add3A_259, %select_n3A_223 : vector<2976x16xf32>
    %get3A_261 = arith.constant 1 : index
    %get3A_262 = arith.constant 0 : index
    %get3A_263 = arith.constant 32 : index
    %get3A_264 = vector.load %arg1[%get3A_261, %get3A_262, %get3A_263] : memref<2x2976x56xf32, #tpu.memory_space<vmem>>, vector<1x2976x16xf32>
    %get3A_265 = vector.shape_cast %get3A_264 : vector<1x2976x16xf32> to vector<2976x16xf32>
    %mul3A_266 = vector.broadcast %exp3A_191 : vector<2976x1xf32> to vector<2976x16xf32>
    %mul3A_267 = arith.mulf %get3A_242, %mul3A_266 : vector<2976x16xf32>
    %add3A_268 = arith.addf %get3A_265, %mul3A_267 : vector<2976x16xf32>
    %div3A_269 = vector.broadcast %add3A_203 : vector<2976x1xf32> to vector<2976x16xf32>
    %div3A_270 = arith.divf %add3A_268, %div3A_269 : vector<2976x16xf32>
    %slice3A_271 = vector.extract_strided_slice %div3A_260 {offsets = [0, 0], sizes = [2976, 8], strides = [1, 1]} : vector<2976x16xf32> to vector<2976x8xf32>
    %concatenate3A_272 = tpu.concatenate %div3A_252, %slice3A_271 in 1 : vector<2976x16xf32>, vector<2976x8xf32> -> vector<2976x24xf32>
    %add3A_273 = arith.addf %add3A_131, %concatenate3A_272 : vector<2976x24xf32>
    %slice3A_274 = vector.extract_strided_slice %div3A_260 {offsets = [0, 8], sizes = [2976, 8], strides = [1, 1]} : vector<2976x16xf32> to vector<2976x8xf32>
    %concatenate3A_275 = tpu.concatenate %slice3A_274, %div3A_270 in 1 : vector<2976x8xf32>, vector<2976x16xf32> -> vector<2976x24xf32>
    %add3A_276 = arith.addf %add3A_273, %concatenate3A_275 : vector<2976x24xf32>
    %mul3A_277 = arith.constant 2.500000e-01 : f32
    %mul3A_278 = vector.broadcast %mul3A_277 : f32 to vector<2976x24xf32>
    %mul3A_279 = arith.mulf %mul3A_278, %add3A_276 : vector<2976x24xf32>
    %get3A_280 = arith.constant 0 : index
    %get3A_281 = arith.constant 0 : index
    %get3A_282 = vector.load %arg5[%get3A_280, %get3A_281] : memref<1x24xf32, #tpu.memory_space<vmem>>, vector<1x24xf32>
    %add3A_283 = vector.broadcast %get3A_282 : vector<1x24xf32> to vector<2976x24xf32>
    %add3A_284 = arith.addf %mul3A_279, %add3A_283 : vector<2976x24xf32>
    %gt3A_285 = arith.constant 0.000000e+00 : f32
    %gt3A_286 = vector.broadcast %gt3A_285 : f32 to vector<2976x24xf32>
    %gt3A_287 = arith.cmpf ogt, %add3A_284, %gt3A_286 : vector<2976x24xf32>
    %min3A = arith.constant 0.000000e+00 : f32
    %min3A_288 = vector.broadcast %min3A : f32 to vector<2976x24xf32>
    %min3A_289 = arith.minimumf %add3A_284, %min3A_288 : vector<2976x24xf32>
    %exp3A_290 = math.exp %min3A_289 : vector<2976x24xf32>
    %sub3A_291 = arith.constant 1.000000e+00 : f32
    %sub3A_292 = vector.broadcast %sub3A_291 : f32 to vector<2976x24xf32>
    %sub3A_293 = arith.subf %exp3A_290, %sub3A_292 : vector<2976x24xf32>
    %select_n3A_294 = arith.select %gt3A_287, %add3A_284, %sub3A_293 : vector<2976x24xi1>, vector<2976x24xf32>
    %convert_element_type3A = arith.truncf %select_n3A_294 : vector<2976x24xf32> to vector<2976x24xbf16>
    %swap3A = arith.constant 0 : index
    %swap3A_295 = arith.constant 0 : index
    %swap3A_296 = vector.load %arg6[%swap3A, %swap3A_295] : memref<2976x24xbf16, #tpu.memory_space<vmem>>, vector<2976x24xbf16>
    tpu.vector_store %arg6[%swap3A, %swap3A_295], %convert_element_type3A {strides = array<i32>} : memref<2976x24xbf16, #tpu.memory_space<vmem>>, vector<2976x24xbf16>,
    return
  }
  func.func @transform_0(%arg0: i32) -> (i32, i32, i32) {
    %c0_i32 = arith.constant 0 : i32
    %c0_i32_0 = arith.constant 0 : i32
    %c0_i32_1 = arith.constant 0 : i32
    return %c0_i32, %arg0, %c0_i32_0 : i32, i32, i32
  }
  func.func @transform_1(%arg0: i32) -> (i32, i32, i32) {
    %c0_i32 = arith.constant 0 : i32
    %c0_i32_0 = arith.constant 0 : i32
    %c0_i32_1 = arith.constant 0 : i32
    return %c0_i32, %arg0, %c0_i32_0 : i32, i32, i32
  }
  func.func @transform_2(%arg0: i32) -> (i32, i32, i32) {
    %c0_i32 = arith.constant 0 : i32
    %c0_i32_0 = arith.constant 0 : i32
    %c0_i32_1 = arith.constant 0 : i32
    return %c0_i32, %arg0, %c0_i32_0 : i32, i32, i32
  }
  func.func @transform_3(%arg0: i32) -> (i32, i32) {
    %c0_i32 = arith.constant 0 : i32
    %c0_i32_0 = arith.constant 0 : i32
    %c0_i32_1 = arith.constant 0 : i32
    return %c0_i32, %c0_i32_0 : i32, i32
  }
  func.func @transform_4(%arg0: i32) -> (i32, i32) {
    %c0_i32 = arith.constant 0 : i32
    %c0_i32_0 = arith.constant 0 : i32
    %c0_i32_1 = arith.constant 0 : i32
    return %c0_i32, %c0_i32_0 : i32, i32
  }
  func.func @transform_5(%arg0: i32) -> (i32, i32) {
    %c0_i32 = arith.constant 0 : i32
    %c0_i32_0 = arith.constant 0 : i32
    return %arg0, %c0_i32 : i32, i32
  }
}

module attributes {stable_mosaic.version = 14 : i64} {
  func.func @_conv_body(%arg0: i32, %arg1: memref<1x186x24xbf16, #tpu.memory_space<vmem>>, %arg2: memref<1488x8xbf16, #tpu.memory_space<vmem>>, %arg3: memref<1x8xf32, #tpu.memory_space<vmem>>, %arg4: memref<1x8x125xf32, #tpu.memory_space<vmem>>, %arg5: memref<125x1488xbf16, #tpu.memory_space<vmem>>) attributes {dimension_semantics = [#tpu.dimension_semantics<arbitrary>], iteration_bounds = array<i64: 128>, scalar_prefetch = 0 : i64, scratch_operands = 1 : i64, tpu.core_type = #tpu.core_type<tc>, window_params = [{transform_indices = @transform_0, window_bounds = array<i64: 1, 186, 24>}, {pipeline_mode = #tpu.pipeline_mode<synchronous>, transform_indices = @transform_1, window_bounds = array<i64: 1488, 8>}, {pipeline_mode = #tpu.pipeline_mode<synchronous>, transform_indices = @transform_2, window_bounds = array<i64: 1, 8>}, {transform_indices = @transform_3, window_bounds = array<i64: 1, 8, 125>}]} {
    %get3A = arith.constant 0 : index
    %get3A_0 = arith.constant 0 : index
    %get3A_1 = arith.constant 0 : index
    %get3A_2 = vector.load %arg1[%get3A, %get3A_0, %get3A_1] : memref<1x186x24xbf16, #tpu.memory_space<vmem>>, vector<1x125x24xbf16>
    %get3A_3 = vector.shape_cast %get3A_2 : vector<1x125x24xbf16> to vector<125x24xbf16>
    %swap3A = arith.constant 0 : index
    %swap3A_4 = arith.constant 0 : index
    %swap3A_5 = vector.load %arg5[%swap3A, %swap3A_4] : memref<125x1488xbf16, #tpu.memory_space<vmem>>, vector<125x24xbf16>
    tpu.vector_store %arg5[%swap3A, %swap3A_4], %get3A_3 {strides = array<i32>} : memref<125x1488xbf16, #tpu.memory_space<vmem>>, vector<125x24xbf16>,
    %get3A_6 = arith.constant 0 : index
    %get3A_7 = arith.constant 1 : index
    %get3A_8 = arith.constant 0 : index
    %get3A_9 = vector.load %arg1[%get3A_6, %get3A_7, %get3A_8] : memref<1x186x24xbf16, #tpu.memory_space<vmem>>, vector<1x125x24xbf16>
    %get3A_10 = vector.shape_cast %get3A_9 : vector<1x125x24xbf16> to vector<125x24xbf16>
    %swap3A_11 = arith.constant 0 : index
    %swap3A_12 = arith.constant 24 : index
    %swap3A_13 = vector.load %arg5[%swap3A_11, %swap3A_12] : memref<125x1488xbf16, #tpu.memory_space<vmem>>, vector<125x24xbf16>
    tpu.vector_store %arg5[%swap3A_11, %swap3A_12], %get3A_10 {strides = array<i32>} : memref<125x1488xbf16, #tpu.memory_space<vmem>>, vector<125x24xbf16>,
    %get3A_14 = arith.constant 0 : index
    %get3A_15 = arith.constant 2 : index
    %get3A_16 = arith.constant 0 : index
    %get3A_17 = vector.load %arg1[%get3A_14, %get3A_15, %get3A_16] : memref<1x186x24xbf16, #tpu.memory_space<vmem>>, vector<1x125x24xbf16>
    %get3A_18 = vector.shape_cast %get3A_17 : vector<1x125x24xbf16> to vector<125x24xbf16>
    %swap3A_19 = arith.constant 0 : index
    %swap3A_20 = arith.constant 48 : index
    %swap3A_21 = vector.load %arg5[%swap3A_19, %swap3A_20] : memref<125x1488xbf16, #tpu.memory_space<vmem>>, vector<125x24xbf16>
    tpu.vector_store %arg5[%swap3A_19, %swap3A_20], %get3A_18 {strides = array<i32>} : memref<125x1488xbf16, #tpu.memory_space<vmem>>, vector<125x24xbf16>,
    %get3A_22 = arith.constant 0 : index
    %get3A_23 = arith.constant 3 : index
    %get3A_24 = arith.constant 0 : index
    %get3A_25 = vector.load %arg1[%get3A_22, %get3A_23, %get3A_24] : memref<1x186x24xbf16, #tpu.memory_space<vmem>>, vector<1x125x24xbf16>
    %get3A_26 = vector.shape_cast %get3A_25 : vector<1x125x24xbf16> to vector<125x24xbf16>
    %swap3A_27 = arith.constant 0 : index
    %swap3A_28 = arith.constant 72 : index
    %swap3A_29 = vector.load %arg5[%swap3A_27, %swap3A_28] : memref<125x1488xbf16, #tpu.memory_space<vmem>>, vector<125x24xbf16>
    tpu.vector_store %arg5[%swap3A_27, %swap3A_28], %get3A_26 {strides = array<i32>} : memref<125x1488xbf16, #tpu.memory_space<vmem>>, vector<125x24xbf16>,
    %get3A_30 = arith.constant 0 : index
    %get3A_31 = arith.constant 4 : index
    %get3A_32 = arith.constant 0 : index
    %get3A_33 = vector.load %arg1[%get3A_30, %get3A_31, %get3A_32] : memref<1x186x24xbf16, #tpu.memory_space<vmem>>, vector<1x125x24xbf16>
    %get3A_34 = vector.shape_cast %get3A_33 : vector<1x125x24xbf16> to vector<125x24xbf16>
    %swap3A_35 = arith.constant 0 : index
    %swap3A_36 = arith.constant 96 : index
    %swap3A_37 = vector.load %arg5[%swap3A_35, %swap3A_36] : memref<125x1488xbf16, #tpu.memory_space<vmem>>, vector<125x24xbf16>
    tpu.vector_store %arg5[%swap3A_35, %swap3A_36], %get3A_34 {strides = array<i32>} : memref<125x1488xbf16, #tpu.memory_space<vmem>>, vector<125x24xbf16>,
    %get3A_38 = arith.constant 0 : index
    %get3A_39 = arith.constant 5 : index
    %get3A_40 = arith.constant 0 : index
    %get3A_41 = vector.load %arg1[%get3A_38, %get3A_39, %get3A_40] : memref<1x186x24xbf16, #tpu.memory_space<vmem>>, vector<1x125x24xbf16>
    %get3A_42 = vector.shape_cast %get3A_41 : vector<1x125x24xbf16> to vector<125x24xbf16>
    %swap3A_43 = arith.constant 0 : index
    %swap3A_44 = arith.constant 120 : index
    %swap3A_45 = vector.load %arg5[%swap3A_43, %swap3A_44] : memref<125x1488xbf16, #tpu.memory_space<vmem>>, vector<125x24xbf16>
    tpu.vector_store %arg5[%swap3A_43, %swap3A_44], %get3A_42 {strides = array<i32>} : memref<125x1488xbf16, #tpu.memory_space<vmem>>, vector<125x24xbf16>,
    %get3A_46 = arith.constant 0 : index
    %get3A_47 = arith.constant 6 : index
    %get3A_48 = arith.constant 0 : index
    %get3A_49 = vector.load %arg1[%get3A_46, %get3A_47, %get3A_48] : memref<1x186x24xbf16, #tpu.memory_space<vmem>>, vector<1x125x24xbf16>
    %get3A_50 = vector.shape_cast %get3A_49 : vector<1x125x24xbf16> to vector<125x24xbf16>
    %swap3A_51 = arith.constant 0 : index
    %swap3A_52 = arith.constant 144 : index
    %swap3A_53 = vector.load %arg5[%swap3A_51, %swap3A_52] : memref<125x1488xbf16, #tpu.memory_space<vmem>>, vector<125x24xbf16>
    tpu.vector_store %arg5[%swap3A_51, %swap3A_52], %get3A_50 {strides = array<i32>} : memref<125x1488xbf16, #tpu.memory_space<vmem>>, vector<125x24xbf16>,
    %get3A_54 = arith.constant 0 : index
    %get3A_55 = arith.constant 7 : index
    %get3A_56 = arith.constant 0 : index
    %get3A_57 = vector.load %arg1[%get3A_54, %get3A_55, %get3A_56] : memref<1x186x24xbf16, #tpu.memory_space<vmem>>, vector<1x125x24xbf16>
    %get3A_58 = vector.shape_cast %get3A_57 : vector<1x125x24xbf16> to vector<125x24xbf16>
    %swap3A_59 = arith.constant 0 : index
    %swap3A_60 = arith.constant 168 : index
    %swap3A_61 = vector.load %arg5[%swap3A_59, %swap3A_60] : memref<125x1488xbf16, #tpu.memory_space<vmem>>, vector<125x24xbf16>
    tpu.vector_store %arg5[%swap3A_59, %swap3A_60], %get3A_58 {strides = array<i32>} : memref<125x1488xbf16, #tpu.memory_space<vmem>>, vector<125x24xbf16>,
    %get3A_62 = arith.constant 0 : index
    %get3A_63 = arith.constant 8 : index
    %get3A_64 = arith.constant 0 : index
    %get3A_65 = vector.load %arg1[%get3A_62, %get3A_63, %get3A_64] : memref<1x186x24xbf16, #tpu.memory_space<vmem>>, vector<1x125x24xbf16>
    %get3A_66 = vector.shape_cast %get3A_65 : vector<1x125x24xbf16> to vector<125x24xbf16>
    %swap3A_67 = arith.constant 0 : index
    %swap3A_68 = arith.constant 192 : index
    %swap3A_69 = vector.load %arg5[%swap3A_67, %swap3A_68] : memref<125x1488xbf16, #tpu.memory_space<vmem>>, vector<125x24xbf16>
    tpu.vector_store %arg5[%swap3A_67, %swap3A_68], %get3A_66 {strides = array<i32>} : memref<125x1488xbf16, #tpu.memory_space<vmem>>, vector<125x24xbf16>,
    %get3A_70 = arith.constant 0 : index
    %get3A_71 = arith.constant 9 : index
    %get3A_72 = arith.constant 0 : index
    %get3A_73 = vector.load %arg1[%get3A_70, %get3A_71, %get3A_72] : memref<1x186x24xbf16, #tpu.memory_space<vmem>>, vector<1x125x24xbf16>
    %get3A_74 = vector.shape_cast %get3A_73 : vector<1x125x24xbf16> to vector<125x24xbf16>
    %swap3A_75 = arith.constant 0 : index
    %swap3A_76 = arith.constant 216 : index
    %swap3A_77 = vector.load %arg5[%swap3A_75, %swap3A_76] : memref<125x1488xbf16, #tpu.memory_space<vmem>>, vector<125x24xbf16>
    tpu.vector_store %arg5[%swap3A_75, %swap3A_76], %get3A_74 {strides = array<i32>} : memref<125x1488xbf16, #tpu.memory_space<vmem>>, vector<125x24xbf16>,
    %get3A_78 = arith.constant 0 : index
    %get3A_79 = arith.constant 10 : index
    %get3A_80 = arith.constant 0 : index
    %get3A_81 = vector.load %arg1[%get3A_78, %get3A_79, %get3A_80] : memref<1x186x24xbf16, #tpu.memory_space<vmem>>, vector<1x125x24xbf16>
    %get3A_82 = vector.shape_cast %get3A_81 : vector<1x125x24xbf16> to vector<125x24xbf16>
    %swap3A_83 = arith.constant 0 : index
    %swap3A_84 = arith.constant 240 : index
    %swap3A_85 = vector.load %arg5[%swap3A_83, %swap3A_84] : memref<125x1488xbf16, #tpu.memory_space<vmem>>, vector<125x24xbf16>
    tpu.vector_store %arg5[%swap3A_83, %swap3A_84], %get3A_82 {strides = array<i32>} : memref<125x1488xbf16, #tpu.memory_space<vmem>>, vector<125x24xbf16>,
    %get3A_86 = arith.constant 0 : index
    %get3A_87 = arith.constant 11 : index
    %get3A_88 = arith.constant 0 : index
    %get3A_89 = vector.load %arg1[%get3A_86, %get3A_87, %get3A_88] : memref<1x186x24xbf16, #tpu.memory_space<vmem>>, vector<1x125x24xbf16>
    %get3A_90 = vector.shape_cast %get3A_89 : vector<1x125x24xbf16> to vector<125x24xbf16>
    %swap3A_91 = arith.constant 0 : index
    %swap3A_92 = arith.constant 264 : index
    %swap3A_93 = vector.load %arg5[%swap3A_91, %swap3A_92] : memref<125x1488xbf16, #tpu.memory_space<vmem>>, vector<125x24xbf16>
    tpu.vector_store %arg5[%swap3A_91, %swap3A_92], %get3A_90 {strides = array<i32>} : memref<125x1488xbf16, #tpu.memory_space<vmem>>, vector<125x24xbf16>,
    %get3A_94 = arith.constant 0 : index
    %get3A_95 = arith.constant 12 : index
    %get3A_96 = arith.constant 0 : index
    %get3A_97 = vector.load %arg1[%get3A_94, %get3A_95, %get3A_96] : memref<1x186x24xbf16, #tpu.memory_space<vmem>>, vector<1x125x24xbf16>
    %get3A_98 = vector.shape_cast %get3A_97 : vector<1x125x24xbf16> to vector<125x24xbf16>
    %swap3A_99 = arith.constant 0 : index
    %swap3A_100 = arith.constant 288 : index
    %swap3A_101 = vector.load %arg5[%swap3A_99, %swap3A_100] : memref<125x1488xbf16, #tpu.memory_space<vmem>>, vector<125x24xbf16>
    tpu.vector_store %arg5[%swap3A_99, %swap3A_100], %get3A_98 {strides = array<i32>} : memref<125x1488xbf16, #tpu.memory_space<vmem>>, vector<125x24xbf16>,
    %get3A_102 = arith.constant 0 : index
    %get3A_103 = arith.constant 13 : index
    %get3A_104 = arith.constant 0 : index
    %get3A_105 = vector.load %arg1[%get3A_102, %get3A_103, %get3A_104] : memref<1x186x24xbf16, #tpu.memory_space<vmem>>, vector<1x125x24xbf16>
    %get3A_106 = vector.shape_cast %get3A_105 : vector<1x125x24xbf16> to vector<125x24xbf16>
    %swap3A_107 = arith.constant 0 : index
    %swap3A_108 = arith.constant 312 : index
    %swap3A_109 = vector.load %arg5[%swap3A_107, %swap3A_108] : memref<125x1488xbf16, #tpu.memory_space<vmem>>, vector<125x24xbf16>
    tpu.vector_store %arg5[%swap3A_107, %swap3A_108], %get3A_106 {strides = array<i32>} : memref<125x1488xbf16, #tpu.memory_space<vmem>>, vector<125x24xbf16>,
    %get3A_110 = arith.constant 0 : index
    %get3A_111 = arith.constant 14 : index
    %get3A_112 = arith.constant 0 : index
    %get3A_113 = vector.load %arg1[%get3A_110, %get3A_111, %get3A_112] : memref<1x186x24xbf16, #tpu.memory_space<vmem>>, vector<1x125x24xbf16>
    %get3A_114 = vector.shape_cast %get3A_113 : vector<1x125x24xbf16> to vector<125x24xbf16>
    %swap3A_115 = arith.constant 0 : index
    %swap3A_116 = arith.constant 336 : index
    %swap3A_117 = vector.load %arg5[%swap3A_115, %swap3A_116] : memref<125x1488xbf16, #tpu.memory_space<vmem>>, vector<125x24xbf16>
    tpu.vector_store %arg5[%swap3A_115, %swap3A_116], %get3A_114 {strides = array<i32>} : memref<125x1488xbf16, #tpu.memory_space<vmem>>, vector<125x24xbf16>,
    %get3A_118 = arith.constant 0 : index
    %get3A_119 = arith.constant 15 : index
    %get3A_120 = arith.constant 0 : index
    %get3A_121 = vector.load %arg1[%get3A_118, %get3A_119, %get3A_120] : memref<1x186x24xbf16, #tpu.memory_space<vmem>>, vector<1x125x24xbf16>
    %get3A_122 = vector.shape_cast %get3A_121 : vector<1x125x24xbf16> to vector<125x24xbf16>
    %swap3A_123 = arith.constant 0 : index
    %swap3A_124 = arith.constant 360 : index
    %swap3A_125 = vector.load %arg5[%swap3A_123, %swap3A_124] : memref<125x1488xbf16, #tpu.memory_space<vmem>>, vector<125x24xbf16>
    tpu.vector_store %arg5[%swap3A_123, %swap3A_124], %get3A_122 {strides = array<i32>} : memref<125x1488xbf16, #tpu.memory_space<vmem>>, vector<125x24xbf16>,
    %get3A_126 = arith.constant 0 : index
    %get3A_127 = arith.constant 16 : index
    %get3A_128 = arith.constant 0 : index
    %get3A_129 = vector.load %arg1[%get3A_126, %get3A_127, %get3A_128] : memref<1x186x24xbf16, #tpu.memory_space<vmem>>, vector<1x125x24xbf16>
    %get3A_130 = vector.shape_cast %get3A_129 : vector<1x125x24xbf16> to vector<125x24xbf16>
    %swap3A_131 = arith.constant 0 : index
    %swap3A_132 = arith.constant 384 : index
    %swap3A_133 = vector.load %arg5[%swap3A_131, %swap3A_132] : memref<125x1488xbf16, #tpu.memory_space<vmem>>, vector<125x24xbf16>
    tpu.vector_store %arg5[%swap3A_131, %swap3A_132], %get3A_130 {strides = array<i32>} : memref<125x1488xbf16, #tpu.memory_space<vmem>>, vector<125x24xbf16>,
    %get3A_134 = arith.constant 0 : index
    %get3A_135 = arith.constant 17 : index
    %get3A_136 = arith.constant 0 : index
    %get3A_137 = vector.load %arg1[%get3A_134, %get3A_135, %get3A_136] : memref<1x186x24xbf16, #tpu.memory_space<vmem>>, vector<1x125x24xbf16>
    %get3A_138 = vector.shape_cast %get3A_137 : vector<1x125x24xbf16> to vector<125x24xbf16>
    %swap3A_139 = arith.constant 0 : index
    %swap3A_140 = arith.constant 408 : index
    %swap3A_141 = vector.load %arg5[%swap3A_139, %swap3A_140] : memref<125x1488xbf16, #tpu.memory_space<vmem>>, vector<125x24xbf16>
    tpu.vector_store %arg5[%swap3A_139, %swap3A_140], %get3A_138 {strides = array<i32>} : memref<125x1488xbf16, #tpu.memory_space<vmem>>, vector<125x24xbf16>,
    %get3A_142 = arith.constant 0 : index
    %get3A_143 = arith.constant 18 : index
    %get3A_144 = arith.constant 0 : index
    %get3A_145 = vector.load %arg1[%get3A_142, %get3A_143, %get3A_144] : memref<1x186x24xbf16, #tpu.memory_space<vmem>>, vector<1x125x24xbf16>
    %get3A_146 = vector.shape_cast %get3A_145 : vector<1x125x24xbf16> to vector<125x24xbf16>
    %swap3A_147 = arith.constant 0 : index
    %swap3A_148 = arith.constant 432 : index
    %swap3A_149 = vector.load %arg5[%swap3A_147, %swap3A_148] : memref<125x1488xbf16, #tpu.memory_space<vmem>>, vector<125x24xbf16>
    tpu.vector_store %arg5[%swap3A_147, %swap3A_148], %get3A_146 {strides = array<i32>} : memref<125x1488xbf16, #tpu.memory_space<vmem>>, vector<125x24xbf16>,
    %get3A_150 = arith.constant 0 : index
    %get3A_151 = arith.constant 19 : index
    %get3A_152 = arith.constant 0 : index
    %get3A_153 = vector.load %arg1[%get3A_150, %get3A_151, %get3A_152] : memref<1x186x24xbf16, #tpu.memory_space<vmem>>, vector<1x125x24xbf16>
    %get3A_154 = vector.shape_cast %get3A_153 : vector<1x125x24xbf16> to vector<125x24xbf16>
    %swap3A_155 = arith.constant 0 : index
    %swap3A_156 = arith.constant 456 : index
    %swap3A_157 = vector.load %arg5[%swap3A_155, %swap3A_156] : memref<125x1488xbf16, #tpu.memory_space<vmem>>, vector<125x24xbf16>
    tpu.vector_store %arg5[%swap3A_155, %swap3A_156], %get3A_154 {strides = array<i32>} : memref<125x1488xbf16, #tpu.memory_space<vmem>>, vector<125x24xbf16>,
    %get3A_158 = arith.constant 0 : index
    %get3A_159 = arith.constant 20 : index
    %get3A_160 = arith.constant 0 : index
    %get3A_161 = vector.load %arg1[%get3A_158, %get3A_159, %get3A_160] : memref<1x186x24xbf16, #tpu.memory_space<vmem>>, vector<1x125x24xbf16>
    %get3A_162 = vector.shape_cast %get3A_161 : vector<1x125x24xbf16> to vector<125x24xbf16>
    %swap3A_163 = arith.constant 0 : index
    %swap3A_164 = arith.constant 480 : index
    %swap3A_165 = vector.load %arg5[%swap3A_163, %swap3A_164] : memref<125x1488xbf16, #tpu.memory_space<vmem>>, vector<125x24xbf16>
    tpu.vector_store %arg5[%swap3A_163, %swap3A_164], %get3A_162 {strides = array<i32>} : memref<125x1488xbf16, #tpu.memory_space<vmem>>, vector<125x24xbf16>,
    %get3A_166 = arith.constant 0 : index
    %get3A_167 = arith.constant 21 : index
    %get3A_168 = arith.constant 0 : index
    %get3A_169 = vector.load %arg1[%get3A_166, %get3A_167, %get3A_168] : memref<1x186x24xbf16, #tpu.memory_space<vmem>>, vector<1x125x24xbf16>
    %get3A_170 = vector.shape_cast %get3A_169 : vector<1x125x24xbf16> to vector<125x24xbf16>
    %swap3A_171 = arith.constant 0 : index
    %swap3A_172 = arith.constant 504 : index
    %swap3A_173 = vector.load %arg5[%swap3A_171, %swap3A_172] : memref<125x1488xbf16, #tpu.memory_space<vmem>>, vector<125x24xbf16>
    tpu.vector_store %arg5[%swap3A_171, %swap3A_172], %get3A_170 {strides = array<i32>} : memref<125x1488xbf16, #tpu.memory_space<vmem>>, vector<125x24xbf16>,
    %get3A_174 = arith.constant 0 : index
    %get3A_175 = arith.constant 22 : index
    %get3A_176 = arith.constant 0 : index
    %get3A_177 = vector.load %arg1[%get3A_174, %get3A_175, %get3A_176] : memref<1x186x24xbf16, #tpu.memory_space<vmem>>, vector<1x125x24xbf16>
    %get3A_178 = vector.shape_cast %get3A_177 : vector<1x125x24xbf16> to vector<125x24xbf16>
    %swap3A_179 = arith.constant 0 : index
    %swap3A_180 = arith.constant 528 : index
    %swap3A_181 = vector.load %arg5[%swap3A_179, %swap3A_180] : memref<125x1488xbf16, #tpu.memory_space<vmem>>, vector<125x24xbf16>
    tpu.vector_store %arg5[%swap3A_179, %swap3A_180], %get3A_178 {strides = array<i32>} : memref<125x1488xbf16, #tpu.memory_space<vmem>>, vector<125x24xbf16>,
    %get3A_182 = arith.constant 0 : index
    %get3A_183 = arith.constant 23 : index
    %get3A_184 = arith.constant 0 : index
    %get3A_185 = vector.load %arg1[%get3A_182, %get3A_183, %get3A_184] : memref<1x186x24xbf16, #tpu.memory_space<vmem>>, vector<1x125x24xbf16>
    %get3A_186 = vector.shape_cast %get3A_185 : vector<1x125x24xbf16> to vector<125x24xbf16>
    %swap3A_187 = arith.constant 0 : index
    %swap3A_188 = arith.constant 552 : index
    %swap3A_189 = vector.load %arg5[%swap3A_187, %swap3A_188] : memref<125x1488xbf16, #tpu.memory_space<vmem>>, vector<125x24xbf16>
    tpu.vector_store %arg5[%swap3A_187, %swap3A_188], %get3A_186 {strides = array<i32>} : memref<125x1488xbf16, #tpu.memory_space<vmem>>, vector<125x24xbf16>,
    %get3A_190 = arith.constant 0 : index
    %get3A_191 = arith.constant 24 : index
    %get3A_192 = arith.constant 0 : index
    %get3A_193 = vector.load %arg1[%get3A_190, %get3A_191, %get3A_192] : memref<1x186x24xbf16, #tpu.memory_space<vmem>>, vector<1x125x24xbf16>
    %get3A_194 = vector.shape_cast %get3A_193 : vector<1x125x24xbf16> to vector<125x24xbf16>
    %swap3A_195 = arith.constant 0 : index
    %swap3A_196 = arith.constant 576 : index
    %swap3A_197 = vector.load %arg5[%swap3A_195, %swap3A_196] : memref<125x1488xbf16, #tpu.memory_space<vmem>>, vector<125x24xbf16>
    tpu.vector_store %arg5[%swap3A_195, %swap3A_196], %get3A_194 {strides = array<i32>} : memref<125x1488xbf16, #tpu.memory_space<vmem>>, vector<125x24xbf16>,
    %get3A_198 = arith.constant 0 : index
    %get3A_199 = arith.constant 25 : index
    %get3A_200 = arith.constant 0 : index
    %get3A_201 = vector.load %arg1[%get3A_198, %get3A_199, %get3A_200] : memref<1x186x24xbf16, #tpu.memory_space<vmem>>, vector<1x125x24xbf16>
    %get3A_202 = vector.shape_cast %get3A_201 : vector<1x125x24xbf16> to vector<125x24xbf16>
    %swap3A_203 = arith.constant 0 : index
    %swap3A_204 = arith.constant 600 : index
    %swap3A_205 = vector.load %arg5[%swap3A_203, %swap3A_204] : memref<125x1488xbf16, #tpu.memory_space<vmem>>, vector<125x24xbf16>
    tpu.vector_store %arg5[%swap3A_203, %swap3A_204], %get3A_202 {strides = array<i32>} : memref<125x1488xbf16, #tpu.memory_space<vmem>>, vector<125x24xbf16>,
    %get3A_206 = arith.constant 0 : index
    %get3A_207 = arith.constant 26 : index
    %get3A_208 = arith.constant 0 : index
    %get3A_209 = vector.load %arg1[%get3A_206, %get3A_207, %get3A_208] : memref<1x186x24xbf16, #tpu.memory_space<vmem>>, vector<1x125x24xbf16>
    %get3A_210 = vector.shape_cast %get3A_209 : vector<1x125x24xbf16> to vector<125x24xbf16>
    %swap3A_211 = arith.constant 0 : index
    %swap3A_212 = arith.constant 624 : index
    %swap3A_213 = vector.load %arg5[%swap3A_211, %swap3A_212] : memref<125x1488xbf16, #tpu.memory_space<vmem>>, vector<125x24xbf16>
    tpu.vector_store %arg5[%swap3A_211, %swap3A_212], %get3A_210 {strides = array<i32>} : memref<125x1488xbf16, #tpu.memory_space<vmem>>, vector<125x24xbf16>,
    %get3A_214 = arith.constant 0 : index
    %get3A_215 = arith.constant 27 : index
    %get3A_216 = arith.constant 0 : index
    %get3A_217 = vector.load %arg1[%get3A_214, %get3A_215, %get3A_216] : memref<1x186x24xbf16, #tpu.memory_space<vmem>>, vector<1x125x24xbf16>
    %get3A_218 = vector.shape_cast %get3A_217 : vector<1x125x24xbf16> to vector<125x24xbf16>
    %swap3A_219 = arith.constant 0 : index
    %swap3A_220 = arith.constant 648 : index
    %swap3A_221 = vector.load %arg5[%swap3A_219, %swap3A_220] : memref<125x1488xbf16, #tpu.memory_space<vmem>>, vector<125x24xbf16>
    tpu.vector_store %arg5[%swap3A_219, %swap3A_220], %get3A_218 {strides = array<i32>} : memref<125x1488xbf16, #tpu.memory_space<vmem>>, vector<125x24xbf16>,
    %get3A_222 = arith.constant 0 : index
    %get3A_223 = arith.constant 28 : index
    %get3A_224 = arith.constant 0 : index
    %get3A_225 = vector.load %arg1[%get3A_222, %get3A_223, %get3A_224] : memref<1x186x24xbf16, #tpu.memory_space<vmem>>, vector<1x125x24xbf16>
    %get3A_226 = vector.shape_cast %get3A_225 : vector<1x125x24xbf16> to vector<125x24xbf16>
    %swap3A_227 = arith.constant 0 : index
    %swap3A_228 = arith.constant 672 : index
    %swap3A_229 = vector.load %arg5[%swap3A_227, %swap3A_228] : memref<125x1488xbf16, #tpu.memory_space<vmem>>, vector<125x24xbf16>
    tpu.vector_store %arg5[%swap3A_227, %swap3A_228], %get3A_226 {strides = array<i32>} : memref<125x1488xbf16, #tpu.memory_space<vmem>>, vector<125x24xbf16>,
    %get3A_230 = arith.constant 0 : index
    %get3A_231 = arith.constant 29 : index
    %get3A_232 = arith.constant 0 : index
    %get3A_233 = vector.load %arg1[%get3A_230, %get3A_231, %get3A_232] : memref<1x186x24xbf16, #tpu.memory_space<vmem>>, vector<1x125x24xbf16>
    %get3A_234 = vector.shape_cast %get3A_233 : vector<1x125x24xbf16> to vector<125x24xbf16>
    %swap3A_235 = arith.constant 0 : index
    %swap3A_236 = arith.constant 696 : index
    %swap3A_237 = vector.load %arg5[%swap3A_235, %swap3A_236] : memref<125x1488xbf16, #tpu.memory_space<vmem>>, vector<125x24xbf16>
    tpu.vector_store %arg5[%swap3A_235, %swap3A_236], %get3A_234 {strides = array<i32>} : memref<125x1488xbf16, #tpu.memory_space<vmem>>, vector<125x24xbf16>,
    %get3A_238 = arith.constant 0 : index
    %get3A_239 = arith.constant 30 : index
    %get3A_240 = arith.constant 0 : index
    %get3A_241 = vector.load %arg1[%get3A_238, %get3A_239, %get3A_240] : memref<1x186x24xbf16, #tpu.memory_space<vmem>>, vector<1x125x24xbf16>
    %get3A_242 = vector.shape_cast %get3A_241 : vector<1x125x24xbf16> to vector<125x24xbf16>
    %swap3A_243 = arith.constant 0 : index
    %swap3A_244 = arith.constant 720 : index
    %swap3A_245 = vector.load %arg5[%swap3A_243, %swap3A_244] : memref<125x1488xbf16, #tpu.memory_space<vmem>>, vector<125x24xbf16>
    tpu.vector_store %arg5[%swap3A_243, %swap3A_244], %get3A_242 {strides = array<i32>} : memref<125x1488xbf16, #tpu.memory_space<vmem>>, vector<125x24xbf16>,
    %get3A_246 = arith.constant 0 : index
    %get3A_247 = arith.constant 31 : index
    %get3A_248 = arith.constant 0 : index
    %get3A_249 = vector.load %arg1[%get3A_246, %get3A_247, %get3A_248] : memref<1x186x24xbf16, #tpu.memory_space<vmem>>, vector<1x125x24xbf16>
    %get3A_250 = vector.shape_cast %get3A_249 : vector<1x125x24xbf16> to vector<125x24xbf16>
    %swap3A_251 = arith.constant 0 : index
    %swap3A_252 = arith.constant 744 : index
    %swap3A_253 = vector.load %arg5[%swap3A_251, %swap3A_252] : memref<125x1488xbf16, #tpu.memory_space<vmem>>, vector<125x24xbf16>
    tpu.vector_store %arg5[%swap3A_251, %swap3A_252], %get3A_250 {strides = array<i32>} : memref<125x1488xbf16, #tpu.memory_space<vmem>>, vector<125x24xbf16>,
    %get3A_254 = arith.constant 0 : index
    %get3A_255 = arith.constant 32 : index
    %get3A_256 = arith.constant 0 : index
    %get3A_257 = vector.load %arg1[%get3A_254, %get3A_255, %get3A_256] : memref<1x186x24xbf16, #tpu.memory_space<vmem>>, vector<1x125x24xbf16>
    %get3A_258 = vector.shape_cast %get3A_257 : vector<1x125x24xbf16> to vector<125x24xbf16>
    %swap3A_259 = arith.constant 0 : index
    %swap3A_260 = arith.constant 768 : index
    %swap3A_261 = vector.load %arg5[%swap3A_259, %swap3A_260] : memref<125x1488xbf16, #tpu.memory_space<vmem>>, vector<125x24xbf16>
    tpu.vector_store %arg5[%swap3A_259, %swap3A_260], %get3A_258 {strides = array<i32>} : memref<125x1488xbf16, #tpu.memory_space<vmem>>, vector<125x24xbf16>,
    %get3A_262 = arith.constant 0 : index
    %get3A_263 = arith.constant 33 : index
    %get3A_264 = arith.constant 0 : index
    %get3A_265 = vector.load %arg1[%get3A_262, %get3A_263, %get3A_264] : memref<1x186x24xbf16, #tpu.memory_space<vmem>>, vector<1x125x24xbf16>
    %get3A_266 = vector.shape_cast %get3A_265 : vector<1x125x24xbf16> to vector<125x24xbf16>
    %swap3A_267 = arith.constant 0 : index
    %swap3A_268 = arith.constant 792 : index
    %swap3A_269 = vector.load %arg5[%swap3A_267, %swap3A_268] : memref<125x1488xbf16, #tpu.memory_space<vmem>>, vector<125x24xbf16>
    tpu.vector_store %arg5[%swap3A_267, %swap3A_268], %get3A_266 {strides = array<i32>} : memref<125x1488xbf16, #tpu.memory_space<vmem>>, vector<125x24xbf16>,
    %get3A_270 = arith.constant 0 : index
    %get3A_271 = arith.constant 34 : index
    %get3A_272 = arith.constant 0 : index
    %get3A_273 = vector.load %arg1[%get3A_270, %get3A_271, %get3A_272] : memref<1x186x24xbf16, #tpu.memory_space<vmem>>, vector<1x125x24xbf16>
    %get3A_274 = vector.shape_cast %get3A_273 : vector<1x125x24xbf16> to vector<125x24xbf16>
    %swap3A_275 = arith.constant 0 : index
    %swap3A_276 = arith.constant 816 : index
    %swap3A_277 = vector.load %arg5[%swap3A_275, %swap3A_276] : memref<125x1488xbf16, #tpu.memory_space<vmem>>, vector<125x24xbf16>
    tpu.vector_store %arg5[%swap3A_275, %swap3A_276], %get3A_274 {strides = array<i32>} : memref<125x1488xbf16, #tpu.memory_space<vmem>>, vector<125x24xbf16>,
    %get3A_278 = arith.constant 0 : index
    %get3A_279 = arith.constant 35 : index
    %get3A_280 = arith.constant 0 : index
    %get3A_281 = vector.load %arg1[%get3A_278, %get3A_279, %get3A_280] : memref<1x186x24xbf16, #tpu.memory_space<vmem>>, vector<1x125x24xbf16>
    %get3A_282 = vector.shape_cast %get3A_281 : vector<1x125x24xbf16> to vector<125x24xbf16>
    %swap3A_283 = arith.constant 0 : index
    %swap3A_284 = arith.constant 840 : index
    %swap3A_285 = vector.load %arg5[%swap3A_283, %swap3A_284] : memref<125x1488xbf16, #tpu.memory_space<vmem>>, vector<125x24xbf16>
    tpu.vector_store %arg5[%swap3A_283, %swap3A_284], %get3A_282 {strides = array<i32>} : memref<125x1488xbf16, #tpu.memory_space<vmem>>, vector<125x24xbf16>,
    %get3A_286 = arith.constant 0 : index
    %get3A_287 = arith.constant 36 : index
    %get3A_288 = arith.constant 0 : index
    %get3A_289 = vector.load %arg1[%get3A_286, %get3A_287, %get3A_288] : memref<1x186x24xbf16, #tpu.memory_space<vmem>>, vector<1x125x24xbf16>
    %get3A_290 = vector.shape_cast %get3A_289 : vector<1x125x24xbf16> to vector<125x24xbf16>
    %swap3A_291 = arith.constant 0 : index
    %swap3A_292 = arith.constant 864 : index
    %swap3A_293 = vector.load %arg5[%swap3A_291, %swap3A_292] : memref<125x1488xbf16, #tpu.memory_space<vmem>>, vector<125x24xbf16>
    tpu.vector_store %arg5[%swap3A_291, %swap3A_292], %get3A_290 {strides = array<i32>} : memref<125x1488xbf16, #tpu.memory_space<vmem>>, vector<125x24xbf16>,
    %get3A_294 = arith.constant 0 : index
    %get3A_295 = arith.constant 37 : index
    %get3A_296 = arith.constant 0 : index
    %get3A_297 = vector.load %arg1[%get3A_294, %get3A_295, %get3A_296] : memref<1x186x24xbf16, #tpu.memory_space<vmem>>, vector<1x125x24xbf16>
    %get3A_298 = vector.shape_cast %get3A_297 : vector<1x125x24xbf16> to vector<125x24xbf16>
    %swap3A_299 = arith.constant 0 : index
    %swap3A_300 = arith.constant 888 : index
    %swap3A_301 = vector.load %arg5[%swap3A_299, %swap3A_300] : memref<125x1488xbf16, #tpu.memory_space<vmem>>, vector<125x24xbf16>
    tpu.vector_store %arg5[%swap3A_299, %swap3A_300], %get3A_298 {strides = array<i32>} : memref<125x1488xbf16, #tpu.memory_space<vmem>>, vector<125x24xbf16>,
    %get3A_302 = arith.constant 0 : index
    %get3A_303 = arith.constant 38 : index
    %get3A_304 = arith.constant 0 : index
    %get3A_305 = vector.load %arg1[%get3A_302, %get3A_303, %get3A_304] : memref<1x186x24xbf16, #tpu.memory_space<vmem>>, vector<1x125x24xbf16>
    %get3A_306 = vector.shape_cast %get3A_305 : vector<1x125x24xbf16> to vector<125x24xbf16>
    %swap3A_307 = arith.constant 0 : index
    %swap3A_308 = arith.constant 912 : index
    %swap3A_309 = vector.load %arg5[%swap3A_307, %swap3A_308] : memref<125x1488xbf16, #tpu.memory_space<vmem>>, vector<125x24xbf16>
    tpu.vector_store %arg5[%swap3A_307, %swap3A_308], %get3A_306 {strides = array<i32>} : memref<125x1488xbf16, #tpu.memory_space<vmem>>, vector<125x24xbf16>,
    %get3A_310 = arith.constant 0 : index
    %get3A_311 = arith.constant 39 : index
    %get3A_312 = arith.constant 0 : index
    %get3A_313 = vector.load %arg1[%get3A_310, %get3A_311, %get3A_312] : memref<1x186x24xbf16, #tpu.memory_space<vmem>>, vector<1x125x24xbf16>
    %get3A_314 = vector.shape_cast %get3A_313 : vector<1x125x24xbf16> to vector<125x24xbf16>
    %swap3A_315 = arith.constant 0 : index
    %swap3A_316 = arith.constant 936 : index
    %swap3A_317 = vector.load %arg5[%swap3A_315, %swap3A_316] : memref<125x1488xbf16, #tpu.memory_space<vmem>>, vector<125x24xbf16>
    tpu.vector_store %arg5[%swap3A_315, %swap3A_316], %get3A_314 {strides = array<i32>} : memref<125x1488xbf16, #tpu.memory_space<vmem>>, vector<125x24xbf16>,
    %get3A_318 = arith.constant 0 : index
    %get3A_319 = arith.constant 40 : index
    %get3A_320 = arith.constant 0 : index
    %get3A_321 = vector.load %arg1[%get3A_318, %get3A_319, %get3A_320] : memref<1x186x24xbf16, #tpu.memory_space<vmem>>, vector<1x125x24xbf16>
    %get3A_322 = vector.shape_cast %get3A_321 : vector<1x125x24xbf16> to vector<125x24xbf16>
    %swap3A_323 = arith.constant 0 : index
    %swap3A_324 = arith.constant 960 : index
    %swap3A_325 = vector.load %arg5[%swap3A_323, %swap3A_324] : memref<125x1488xbf16, #tpu.memory_space<vmem>>, vector<125x24xbf16>
    tpu.vector_store %arg5[%swap3A_323, %swap3A_324], %get3A_322 {strides = array<i32>} : memref<125x1488xbf16, #tpu.memory_space<vmem>>, vector<125x24xbf16>,
    %get3A_326 = arith.constant 0 : index
    %get3A_327 = arith.constant 41 : index
    %get3A_328 = arith.constant 0 : index
    %get3A_329 = vector.load %arg1[%get3A_326, %get3A_327, %get3A_328] : memref<1x186x24xbf16, #tpu.memory_space<vmem>>, vector<1x125x24xbf16>
    %get3A_330 = vector.shape_cast %get3A_329 : vector<1x125x24xbf16> to vector<125x24xbf16>
    %swap3A_331 = arith.constant 0 : index
    %swap3A_332 = arith.constant 984 : index
    %swap3A_333 = vector.load %arg5[%swap3A_331, %swap3A_332] : memref<125x1488xbf16, #tpu.memory_space<vmem>>, vector<125x24xbf16>
    tpu.vector_store %arg5[%swap3A_331, %swap3A_332], %get3A_330 {strides = array<i32>} : memref<125x1488xbf16, #tpu.memory_space<vmem>>, vector<125x24xbf16>,
    %get3A_334 = arith.constant 0 : index
    %get3A_335 = arith.constant 42 : index
    %get3A_336 = arith.constant 0 : index
    %get3A_337 = vector.load %arg1[%get3A_334, %get3A_335, %get3A_336] : memref<1x186x24xbf16, #tpu.memory_space<vmem>>, vector<1x125x24xbf16>
    %get3A_338 = vector.shape_cast %get3A_337 : vector<1x125x24xbf16> to vector<125x24xbf16>
    %swap3A_339 = arith.constant 0 : index
    %swap3A_340 = arith.constant 1008 : index
    %swap3A_341 = vector.load %arg5[%swap3A_339, %swap3A_340] : memref<125x1488xbf16, #tpu.memory_space<vmem>>, vector<125x24xbf16>
    tpu.vector_store %arg5[%swap3A_339, %swap3A_340], %get3A_338 {strides = array<i32>} : memref<125x1488xbf16, #tpu.memory_space<vmem>>, vector<125x24xbf16>,
    %get3A_342 = arith.constant 0 : index
    %get3A_343 = arith.constant 43 : index
    %get3A_344 = arith.constant 0 : index
    %get3A_345 = vector.load %arg1[%get3A_342, %get3A_343, %get3A_344] : memref<1x186x24xbf16, #tpu.memory_space<vmem>>, vector<1x125x24xbf16>
    %get3A_346 = vector.shape_cast %get3A_345 : vector<1x125x24xbf16> to vector<125x24xbf16>
    %swap3A_347 = arith.constant 0 : index
    %swap3A_348 = arith.constant 1032 : index
    %swap3A_349 = vector.load %arg5[%swap3A_347, %swap3A_348] : memref<125x1488xbf16, #tpu.memory_space<vmem>>, vector<125x24xbf16>
    tpu.vector_store %arg5[%swap3A_347, %swap3A_348], %get3A_346 {strides = array<i32>} : memref<125x1488xbf16, #tpu.memory_space<vmem>>, vector<125x24xbf16>,
    %get3A_350 = arith.constant 0 : index
    %get3A_351 = arith.constant 44 : index
    %get3A_352 = arith.constant 0 : index
    %get3A_353 = vector.load %arg1[%get3A_350, %get3A_351, %get3A_352] : memref<1x186x24xbf16, #tpu.memory_space<vmem>>, vector<1x125x24xbf16>
    %get3A_354 = vector.shape_cast %get3A_353 : vector<1x125x24xbf16> to vector<125x24xbf16>
    %swap3A_355 = arith.constant 0 : index
    %swap3A_356 = arith.constant 1056 : index
    %swap3A_357 = vector.load %arg5[%swap3A_355, %swap3A_356] : memref<125x1488xbf16, #tpu.memory_space<vmem>>, vector<125x24xbf16>
    tpu.vector_store %arg5[%swap3A_355, %swap3A_356], %get3A_354 {strides = array<i32>} : memref<125x1488xbf16, #tpu.memory_space<vmem>>, vector<125x24xbf16>,
    %get3A_358 = arith.constant 0 : index
    %get3A_359 = arith.constant 45 : index
    %get3A_360 = arith.constant 0 : index
    %get3A_361 = vector.load %arg1[%get3A_358, %get3A_359, %get3A_360] : memref<1x186x24xbf16, #tpu.memory_space<vmem>>, vector<1x125x24xbf16>
    %get3A_362 = vector.shape_cast %get3A_361 : vector<1x125x24xbf16> to vector<125x24xbf16>
    %swap3A_363 = arith.constant 0 : index
    %swap3A_364 = arith.constant 1080 : index
    %swap3A_365 = vector.load %arg5[%swap3A_363, %swap3A_364] : memref<125x1488xbf16, #tpu.memory_space<vmem>>, vector<125x24xbf16>
    tpu.vector_store %arg5[%swap3A_363, %swap3A_364], %get3A_362 {strides = array<i32>} : memref<125x1488xbf16, #tpu.memory_space<vmem>>, vector<125x24xbf16>,
    %get3A_366 = arith.constant 0 : index
    %get3A_367 = arith.constant 46 : index
    %get3A_368 = arith.constant 0 : index
    %get3A_369 = vector.load %arg1[%get3A_366, %get3A_367, %get3A_368] : memref<1x186x24xbf16, #tpu.memory_space<vmem>>, vector<1x125x24xbf16>
    %get3A_370 = vector.shape_cast %get3A_369 : vector<1x125x24xbf16> to vector<125x24xbf16>
    %swap3A_371 = arith.constant 0 : index
    %swap3A_372 = arith.constant 1104 : index
    %swap3A_373 = vector.load %arg5[%swap3A_371, %swap3A_372] : memref<125x1488xbf16, #tpu.memory_space<vmem>>, vector<125x24xbf16>
    tpu.vector_store %arg5[%swap3A_371, %swap3A_372], %get3A_370 {strides = array<i32>} : memref<125x1488xbf16, #tpu.memory_space<vmem>>, vector<125x24xbf16>,
    %get3A_374 = arith.constant 0 : index
    %get3A_375 = arith.constant 47 : index
    %get3A_376 = arith.constant 0 : index
    %get3A_377 = vector.load %arg1[%get3A_374, %get3A_375, %get3A_376] : memref<1x186x24xbf16, #tpu.memory_space<vmem>>, vector<1x125x24xbf16>
    %get3A_378 = vector.shape_cast %get3A_377 : vector<1x125x24xbf16> to vector<125x24xbf16>
    %swap3A_379 = arith.constant 0 : index
    %swap3A_380 = arith.constant 1128 : index
    %swap3A_381 = vector.load %arg5[%swap3A_379, %swap3A_380] : memref<125x1488xbf16, #tpu.memory_space<vmem>>, vector<125x24xbf16>
    tpu.vector_store %arg5[%swap3A_379, %swap3A_380], %get3A_378 {strides = array<i32>} : memref<125x1488xbf16, #tpu.memory_space<vmem>>, vector<125x24xbf16>,
    %get3A_382 = arith.constant 0 : index
    %get3A_383 = arith.constant 48 : index
    %get3A_384 = arith.constant 0 : index
    %get3A_385 = vector.load %arg1[%get3A_382, %get3A_383, %get3A_384] : memref<1x186x24xbf16, #tpu.memory_space<vmem>>, vector<1x125x24xbf16>
    %get3A_386 = vector.shape_cast %get3A_385 : vector<1x125x24xbf16> to vector<125x24xbf16>
    %swap3A_387 = arith.constant 0 : index
    %swap3A_388 = arith.constant 1152 : index
    %swap3A_389 = vector.load %arg5[%swap3A_387, %swap3A_388] : memref<125x1488xbf16, #tpu.memory_space<vmem>>, vector<125x24xbf16>
    tpu.vector_store %arg5[%swap3A_387, %swap3A_388], %get3A_386 {strides = array<i32>} : memref<125x1488xbf16, #tpu.memory_space<vmem>>, vector<125x24xbf16>,
    %get3A_390 = arith.constant 0 : index
    %get3A_391 = arith.constant 49 : index
    %get3A_392 = arith.constant 0 : index
    %get3A_393 = vector.load %arg1[%get3A_390, %get3A_391, %get3A_392] : memref<1x186x24xbf16, #tpu.memory_space<vmem>>, vector<1x125x24xbf16>
    %get3A_394 = vector.shape_cast %get3A_393 : vector<1x125x24xbf16> to vector<125x24xbf16>
    %swap3A_395 = arith.constant 0 : index
    %swap3A_396 = arith.constant 1176 : index
    %swap3A_397 = vector.load %arg5[%swap3A_395, %swap3A_396] : memref<125x1488xbf16, #tpu.memory_space<vmem>>, vector<125x24xbf16>
    tpu.vector_store %arg5[%swap3A_395, %swap3A_396], %get3A_394 {strides = array<i32>} : memref<125x1488xbf16, #tpu.memory_space<vmem>>, vector<125x24xbf16>,
    %get3A_398 = arith.constant 0 : index
    %get3A_399 = arith.constant 50 : index
    %get3A_400 = arith.constant 0 : index
    %get3A_401 = vector.load %arg1[%get3A_398, %get3A_399, %get3A_400] : memref<1x186x24xbf16, #tpu.memory_space<vmem>>, vector<1x125x24xbf16>
    %get3A_402 = vector.shape_cast %get3A_401 : vector<1x125x24xbf16> to vector<125x24xbf16>
    %swap3A_403 = arith.constant 0 : index
    %swap3A_404 = arith.constant 1200 : index
    %swap3A_405 = vector.load %arg5[%swap3A_403, %swap3A_404] : memref<125x1488xbf16, #tpu.memory_space<vmem>>, vector<125x24xbf16>
    tpu.vector_store %arg5[%swap3A_403, %swap3A_404], %get3A_402 {strides = array<i32>} : memref<125x1488xbf16, #tpu.memory_space<vmem>>, vector<125x24xbf16>,
    %get3A_406 = arith.constant 0 : index
    %get3A_407 = arith.constant 51 : index
    %get3A_408 = arith.constant 0 : index
    %get3A_409 = vector.load %arg1[%get3A_406, %get3A_407, %get3A_408] : memref<1x186x24xbf16, #tpu.memory_space<vmem>>, vector<1x125x24xbf16>
    %get3A_410 = vector.shape_cast %get3A_409 : vector<1x125x24xbf16> to vector<125x24xbf16>
    %swap3A_411 = arith.constant 0 : index
    %swap3A_412 = arith.constant 1224 : index
    %swap3A_413 = vector.load %arg5[%swap3A_411, %swap3A_412] : memref<125x1488xbf16, #tpu.memory_space<vmem>>, vector<125x24xbf16>
    tpu.vector_store %arg5[%swap3A_411, %swap3A_412], %get3A_410 {strides = array<i32>} : memref<125x1488xbf16, #tpu.memory_space<vmem>>, vector<125x24xbf16>,
    %get3A_414 = arith.constant 0 : index
    %get3A_415 = arith.constant 52 : index
    %get3A_416 = arith.constant 0 : index
    %get3A_417 = vector.load %arg1[%get3A_414, %get3A_415, %get3A_416] : memref<1x186x24xbf16, #tpu.memory_space<vmem>>, vector<1x125x24xbf16>
    %get3A_418 = vector.shape_cast %get3A_417 : vector<1x125x24xbf16> to vector<125x24xbf16>
    %swap3A_419 = arith.constant 0 : index
    %swap3A_420 = arith.constant 1248 : index
    %swap3A_421 = vector.load %arg5[%swap3A_419, %swap3A_420] : memref<125x1488xbf16, #tpu.memory_space<vmem>>, vector<125x24xbf16>
    tpu.vector_store %arg5[%swap3A_419, %swap3A_420], %get3A_418 {strides = array<i32>} : memref<125x1488xbf16, #tpu.memory_space<vmem>>, vector<125x24xbf16>,
    %get3A_422 = arith.constant 0 : index
    %get3A_423 = arith.constant 53 : index
    %get3A_424 = arith.constant 0 : index
    %get3A_425 = vector.load %arg1[%get3A_422, %get3A_423, %get3A_424] : memref<1x186x24xbf16, #tpu.memory_space<vmem>>, vector<1x125x24xbf16>
    %get3A_426 = vector.shape_cast %get3A_425 : vector<1x125x24xbf16> to vector<125x24xbf16>
    %swap3A_427 = arith.constant 0 : index
    %swap3A_428 = arith.constant 1272 : index
    %swap3A_429 = vector.load %arg5[%swap3A_427, %swap3A_428] : memref<125x1488xbf16, #tpu.memory_space<vmem>>, vector<125x24xbf16>
    tpu.vector_store %arg5[%swap3A_427, %swap3A_428], %get3A_426 {strides = array<i32>} : memref<125x1488xbf16, #tpu.memory_space<vmem>>, vector<125x24xbf16>,
    %get3A_430 = arith.constant 0 : index
    %get3A_431 = arith.constant 54 : index
    %get3A_432 = arith.constant 0 : index
    %get3A_433 = vector.load %arg1[%get3A_430, %get3A_431, %get3A_432] : memref<1x186x24xbf16, #tpu.memory_space<vmem>>, vector<1x125x24xbf16>
    %get3A_434 = vector.shape_cast %get3A_433 : vector<1x125x24xbf16> to vector<125x24xbf16>
    %swap3A_435 = arith.constant 0 : index
    %swap3A_436 = arith.constant 1296 : index
    %swap3A_437 = vector.load %arg5[%swap3A_435, %swap3A_436] : memref<125x1488xbf16, #tpu.memory_space<vmem>>, vector<125x24xbf16>
    tpu.vector_store %arg5[%swap3A_435, %swap3A_436], %get3A_434 {strides = array<i32>} : memref<125x1488xbf16, #tpu.memory_space<vmem>>, vector<125x24xbf16>,
    %get3A_438 = arith.constant 0 : index
    %get3A_439 = arith.constant 55 : index
    %get3A_440 = arith.constant 0 : index
    %get3A_441 = vector.load %arg1[%get3A_438, %get3A_439, %get3A_440] : memref<1x186x24xbf16, #tpu.memory_space<vmem>>, vector<1x125x24xbf16>
    %get3A_442 = vector.shape_cast %get3A_441 : vector<1x125x24xbf16> to vector<125x24xbf16>
    %swap3A_443 = arith.constant 0 : index
    %swap3A_444 = arith.constant 1320 : index
    %swap3A_445 = vector.load %arg5[%swap3A_443, %swap3A_444] : memref<125x1488xbf16, #tpu.memory_space<vmem>>, vector<125x24xbf16>
    tpu.vector_store %arg5[%swap3A_443, %swap3A_444], %get3A_442 {strides = array<i32>} : memref<125x1488xbf16, #tpu.memory_space<vmem>>, vector<125x24xbf16>,
    %get3A_446 = arith.constant 0 : index
    %get3A_447 = arith.constant 56 : index
    %get3A_448 = arith.constant 0 : index
    %get3A_449 = vector.load %arg1[%get3A_446, %get3A_447, %get3A_448] : memref<1x186x24xbf16, #tpu.memory_space<vmem>>, vector<1x125x24xbf16>
    %get3A_450 = vector.shape_cast %get3A_449 : vector<1x125x24xbf16> to vector<125x24xbf16>
    %swap3A_451 = arith.constant 0 : index
    %swap3A_452 = arith.constant 1344 : index
    %swap3A_453 = vector.load %arg5[%swap3A_451, %swap3A_452] : memref<125x1488xbf16, #tpu.memory_space<vmem>>, vector<125x24xbf16>
    tpu.vector_store %arg5[%swap3A_451, %swap3A_452], %get3A_450 {strides = array<i32>} : memref<125x1488xbf16, #tpu.memory_space<vmem>>, vector<125x24xbf16>,
    %get3A_454 = arith.constant 0 : index
    %get3A_455 = arith.constant 57 : index
    %get3A_456 = arith.constant 0 : index
    %get3A_457 = vector.load %arg1[%get3A_454, %get3A_455, %get3A_456] : memref<1x186x24xbf16, #tpu.memory_space<vmem>>, vector<1x125x24xbf16>
    %get3A_458 = vector.shape_cast %get3A_457 : vector<1x125x24xbf16> to vector<125x24xbf16>
    %swap3A_459 = arith.constant 0 : index
    %swap3A_460 = arith.constant 1368 : index
    %swap3A_461 = vector.load %arg5[%swap3A_459, %swap3A_460] : memref<125x1488xbf16, #tpu.memory_space<vmem>>, vector<125x24xbf16>
    tpu.vector_store %arg5[%swap3A_459, %swap3A_460], %get3A_458 {strides = array<i32>} : memref<125x1488xbf16, #tpu.memory_space<vmem>>, vector<125x24xbf16>,
    %get3A_462 = arith.constant 0 : index
    %get3A_463 = arith.constant 58 : index
    %get3A_464 = arith.constant 0 : index
    %get3A_465 = vector.load %arg1[%get3A_462, %get3A_463, %get3A_464] : memref<1x186x24xbf16, #tpu.memory_space<vmem>>, vector<1x125x24xbf16>
    %get3A_466 = vector.shape_cast %get3A_465 : vector<1x125x24xbf16> to vector<125x24xbf16>
    %swap3A_467 = arith.constant 0 : index
    %swap3A_468 = arith.constant 1392 : index
    %swap3A_469 = vector.load %arg5[%swap3A_467, %swap3A_468] : memref<125x1488xbf16, #tpu.memory_space<vmem>>, vector<125x24xbf16>
    tpu.vector_store %arg5[%swap3A_467, %swap3A_468], %get3A_466 {strides = array<i32>} : memref<125x1488xbf16, #tpu.memory_space<vmem>>, vector<125x24xbf16>,
    %get3A_470 = arith.constant 0 : index
    %get3A_471 = arith.constant 59 : index
    %get3A_472 = arith.constant 0 : index
    %get3A_473 = vector.load %arg1[%get3A_470, %get3A_471, %get3A_472] : memref<1x186x24xbf16, #tpu.memory_space<vmem>>, vector<1x125x24xbf16>
    %get3A_474 = vector.shape_cast %get3A_473 : vector<1x125x24xbf16> to vector<125x24xbf16>
    %swap3A_475 = arith.constant 0 : index
    %swap3A_476 = arith.constant 1416 : index
    %swap3A_477 = vector.load %arg5[%swap3A_475, %swap3A_476] : memref<125x1488xbf16, #tpu.memory_space<vmem>>, vector<125x24xbf16>
    tpu.vector_store %arg5[%swap3A_475, %swap3A_476], %get3A_474 {strides = array<i32>} : memref<125x1488xbf16, #tpu.memory_space<vmem>>, vector<125x24xbf16>,
    %get3A_478 = arith.constant 0 : index
    %get3A_479 = arith.constant 60 : index
    %get3A_480 = arith.constant 0 : index
    %get3A_481 = vector.load %arg1[%get3A_478, %get3A_479, %get3A_480] : memref<1x186x24xbf16, #tpu.memory_space<vmem>>, vector<1x125x24xbf16>
    %get3A_482 = vector.shape_cast %get3A_481 : vector<1x125x24xbf16> to vector<125x24xbf16>
    %swap3A_483 = arith.constant 0 : index
    %swap3A_484 = arith.constant 1440 : index
    %swap3A_485 = vector.load %arg5[%swap3A_483, %swap3A_484] : memref<125x1488xbf16, #tpu.memory_space<vmem>>, vector<125x24xbf16>
    tpu.vector_store %arg5[%swap3A_483, %swap3A_484], %get3A_482 {strides = array<i32>} : memref<125x1488xbf16, #tpu.memory_space<vmem>>, vector<125x24xbf16>,
    %get3A_486 = arith.constant 0 : index
    %get3A_487 = arith.constant 61 : index
    %get3A_488 = arith.constant 0 : index
    %get3A_489 = vector.load %arg1[%get3A_486, %get3A_487, %get3A_488] : memref<1x186x24xbf16, #tpu.memory_space<vmem>>, vector<1x125x24xbf16>
    %get3A_490 = vector.shape_cast %get3A_489 : vector<1x125x24xbf16> to vector<125x24xbf16>
    %swap3A_491 = arith.constant 0 : index
    %swap3A_492 = arith.constant 1464 : index
    %swap3A_493 = vector.load %arg5[%swap3A_491, %swap3A_492] : memref<125x1488xbf16, #tpu.memory_space<vmem>>, vector<125x24xbf16>
    tpu.vector_store %arg5[%swap3A_491, %swap3A_492], %get3A_490 {strides = array<i32>} : memref<125x1488xbf16, #tpu.memory_space<vmem>>, vector<125x24xbf16>,
    %get3A_494 = arith.constant 0 : index
    %get3A_495 = arith.constant 0 : index
    %get3A_496 = vector.load %arg5[%get3A_494, %get3A_495] : memref<125x1488xbf16, #tpu.memory_space<vmem>>, vector<125x1488xbf16>
    %get3A_497 = arith.constant 0 : index
    %get3A_498 = arith.constant 0 : index
    %get3A_499 = vector.load %arg2[%get3A_497, %get3A_498] : memref<1488x8xbf16, #tpu.memory_space<vmem>>, vector<1488x8xbf16>
    %dot_general3A = arith.constant dense<0.000000e+00> : vector<125x8xf32>
    %dot_general3A_500 = tpu.matmul %get3A_496, %get3A_499, %dot_general3A {dimension_numbers = #tpu.dot_dimension_numbers<[1], [0], [0], [1], [0, 0, 1, 1], [], []>, transpose_lhs_hint = false} : vector<125x1488xbf16>, vector<1488x8xbf16>, vector<125x8xf32> -> vector<125x8xf32>
    %get3A_501 = arith.constant 0 : index
    %get3A_502 = arith.constant 0 : index
    %get3A_503 = vector.load %arg3[%get3A_501, %get3A_502] : memref<1x8xf32, #tpu.memory_space<vmem>>, vector<1x8xf32>
    %add3A = vector.broadcast %get3A_503 : vector<1x8xf32> to vector<125x8xf32>
    %add3A_504 = arith.addf %dot_general3A_500, %add3A : vector<125x8xf32>
    %transpose3A = tpu.transpose %add3A_504, [1, 0] : vector<125x8xf32> -> vector<8x125xf32>
    %gt3A = arith.constant 0.000000e+00 : f32
    %gt3A_505 = vector.broadcast %gt3A : f32 to vector<8x125xf32>
    %gt3A_506 = arith.cmpf ogt, %transpose3A, %gt3A_505 : vector<8x125xf32>
    %mul3A = arith.constant 0.00999999977 : f32
    %mul3A_507 = vector.broadcast %mul3A : f32 to vector<8x125xf32>
    %mul3A_508 = arith.mulf %mul3A_507, %transpose3A : vector<8x125xf32>
    %select_n3A = arith.select %gt3A_506, %transpose3A, %mul3A_508 : vector<8x125xi1>, vector<8x125xf32>
    %swap3A_509 = arith.constant 0 : index
    %swap3A_510 = arith.constant 0 : index
    %swap3A_511 = arith.constant 0 : index
    %swap3A_512 = vector.load %arg4[%swap3A_509, %swap3A_510, %swap3A_511] : memref<1x8x125xf32, #tpu.memory_space<vmem>>, vector<1x8x125xf32>
    %swap3A_513 = vector.shape_cast %swap3A_512 : vector<1x8x125xf32> to vector<8x125xf32>
    %swap3A_514 = vector.shape_cast %select_n3A : vector<8x125xf32> to vector<1x8x125xf32>
    tpu.vector_store %arg4[%swap3A_509, %swap3A_510, %swap3A_511], %swap3A_514 {strides = array<i32>} : memref<1x8x125xf32, #tpu.memory_space<vmem>>, vector<1x8x125xf32>,
    return
  }
  func.func @transform_0(%arg0: i32) -> (i32, i32, i32) {
    %c0_i32 = arith.constant 0 : i32
    %c0_i32_0 = arith.constant 0 : i32
    %c0_i32_1 = arith.constant 0 : i32
    return %arg0, %c0_i32, %c0_i32_0 : i32, i32, i32
  }
  func.func @transform_1(%arg0: i32) -> (i32, i32) {
    %c0_i32 = arith.constant 0 : i32
    %c0_i32_0 = arith.constant 0 : i32
    %c0_i32_1 = arith.constant 0 : i32
    return %c0_i32, %c0_i32_0 : i32, i32
  }
  func.func @transform_2(%arg0: i32) -> (i32, i32) {
    %c0_i32 = arith.constant 0 : i32
    %c0_i32_0 = arith.constant 0 : i32
    %c0_i32_1 = arith.constant 0 : i32
    return %c0_i32, %c0_i32_0 : i32, i32
  }
  func.func @transform_3(%arg0: i32) -> (i32, i32, i32) {
    %c0_i32 = arith.constant 0 : i32
    %c0_i32_0 = arith.constant 0 : i32
    %c0_i32_1 = arith.constant 0 : i32
    return %arg0, %c0_i32, %c0_i32_0 : i32, i32, i32
  }
}

</mosaic_0001>

<sc_bundles>
// kernel: kernel.7.cloned.1.call-start
scs
__scs_entry_jumppad:
0x0: {  	(pc) =	sbr.rel $0x88, $3  }
0x1: {  	(tag) =	ssettag $0x0;
	lr =	simm.s32 $0x1  }
0x2: {  	[smem:$0x3F97] =	sst lr;
	_ =	strace $0xD0000000  }
0x3: {  	_ = 	snop  }
0x4: {  	_ = 	snop  }
0x5: {  	_ = 	snop  }
0x6: {  	_ = 	snop  }
0x7: {  	_ = 	snop  }
__scs_overlays_trampoline_lowered:
0x8: {  	[smem:$0x3FA6] =	sst s0  }
0x9: {  	[smem:$0x3FA7] =	sst s1  }
0xa: {  	[smem:$0x3FA8] =	sst s2  }
0xb: {  	[smem:$0x3FA9] =	sst s3  }
0xc: {  	[smem:$0x3FAA] =	sst s4  }
0xd: {  	[smem:$0x3FAB] =	sst s5  }
0xe: {  	[smem:$0x3FAC] =	sst s6  }
0xf: {  	[smem:$0x3FAD] =	sst s7  }
0x10: {  	[smem:$0x3FAE] =	sst s8  }
0x11: {  	[smem:$0x3FAF] =	sst s9;
	s0 =	simm.s32 @!p0 $0x0  }
0x12: {  	s1 =	sld [smem:$0x3F95];
	s0 =	simm.s32 @p0 $0x1  }
0x13: {  	[smem:$0x3FB0] =	sst s0;
	s0 =	simm.s32 @!p1 $0x0  }
0x14: {  	s2 =	sld [smem:$0x3F94];
	s0 =	simm.s32 @p1 $0x1  }
0x15: {  	[smem:$0x3FB1] =	sst s0;
	s0 =	simm.s32 @!p2 $0x0  }
0x16: {  	s3 =	sld [smem:$0x3FDB];
	s0 =	simm.s32 @p2 $0x1  }
0x17: {  	s4 =	simm.s32 $0x1BF5;
	[smem:$0x3FB3] =	sst s0  }
0x18: {  	s0 =	sld [smem:$0x3F96];
	_ =	swait.ge [sflag:s4], $0x0  }
0x19: {  	s7 =	sld [smem:$0x3F97]  }
0x1a: {  	s8 =	sadd.s32 $0xFFFFE003, lr  }
0x1b: {  	s9 =	sadd.s32 $0xFFFFFEF7, lr;
	s5 =	simm.s32 $0xFFFFFFFF;
	p2 =	slt.u32 s8, $0xFFFFF086  }
0x1c: {  	p1 =	slt.u32 s9, $0xF7A;
	s5 =	simm.s32 @!p2 $0x0  }
0x1d: {  	s5 =	simm.s32 @p1 $0x1;
	p0 =	seq.s32 s7, s2  }
0x1e: {  	s7 =	smul.u32 @!p0 $0xF7A, s2;
	p2 =	seq.s32 @!p0 s5, $0x0  }
0x1f: {  	s9 =	smul.u32 $0xF7A, s1;
	s8 =	simm.s32 @!p0 $0x1BF5;
	p2 =	por !p2, p0  }
0x20: {  	[sflag:s8] =	ssyncset.s32 @!p0 $0xFFFFF086;
	s6 =	sadd.s32 @!p0 s3, s7;
	s7 =	simm.s32 @!p0 $0x108  }
0x21: {  	s3 =	sadd.s32 s3, s9;
	s6 =	sadd.s32 @!p0 $0x88, s6;
	s7 =	simm.s32 @p2 $0x1082  }
0x22: {  	[simem:s7], [sflag:s8] =	dma.local @!p0 [hbm:s6], $0xF7A  }
0x23: {  	s9 =	sor.u32 $0xD0000000, s2;
	s6 =	simm.s32 $0x108;
	_ =	swait.ge @!p0 [sflag:s8], $0x0  }
0x24: {  	s3 =	sadd.s32 $0x88, s3;
	s6 =	simm.s32 @!p1 $0x1082;
	[sflag:s4] =	ssyncset.s32 $0xFFFFF086  }
0x25: {  	[simem:s6], [sflag:s4] =	dma.local [hbm:s3], $0xF7A  }
0x26: {  	[smem:$0x3F97] =	sst s1;
	(tag) =	ssettag s2;
	_ =	strace s9  }
0x27: {  	s1 =	sld [smem:$0x3FA7]  }
0x28: {  	s2 =	sld [smem:$0x3FA8]  }
0x29: {  	s4 =	sld [smem:$0x3FAA]  }
0x2a: {  	p0 =	seq.s32 s5, $0x0;
	s5 =	sld [smem:$0x3FAB]  }
0x2b: {  	s6 =	sld [smem:$0x3FAC]  }
0x2c: {  	s7 =	sld [smem:$0x3FAD]  }
0x2d: {  	s3 =	simm.s32 $0x108;
	s8 =	sld [smem:$0x3FAE]  }
0x2e: {  	s3 =	simm.s32 @!p0 $0x1082;
	s9 =	sld [smem:$0x3FAF]  }
0x2f: {  	lr =	sadd.s32 s0, s3;
	s0 =	sld [smem:$0x3FA6]  }
0x30: {  	s3 =	sld [smem:$0x3FA9]  }
0x31: {  	[smem:$0x3FB2] =	sst s10  }
0x32: {  	s10 =	sld [smem:$0x3FB0];
	_ =	sdelay $0x3  }
0x33: {  	p0 =	seq.s32 s10, $0x1;
	s10 =	sld [smem:$0x3FB2];
	_ =	sdelay $0x3  }
0x34: {  	[smem:$0x3FB2] =	sst s10  }
0x35: {  	s10 =	sld [smem:$0x3FB1];
	_ =	sdelay $0x3  }
0x36: {  	p1 =	seq.s32 s10, $0x1;
	s10 =	sld [smem:$0x3FB2];
	_ =	sdelay $0x3  }
0x37: {  	[smem:$0x3FB2] =	sst s10  }
0x38: {  	s10 =	sld [smem:$0x3FB3]  }
0x39: {  	_ = 	snop;
	(pc) =	sbr.ind lr, $3  }
0x3a: {  	_ = 	snop  }
0x3b: {  	_ = 	snop  }
0x3c: {  	p2 =	seq.s32 s10, $0x1;
	s10 =	sld [smem:$0x3FB2]  }
0x3d: {  	_ =	shalt  }
0x3e: {  	_ =	shalt  }
0x3f: {  	_ =	shalt  }
0x40: {  	_ =	shalt  }
0x41: {  	_ =	shalt  }
0x42: {  	_ =	shalt  }
0x43: {  	_ =	shalt  }
0x44: {  	_ =	shalt  }
0x45: {  	_ =	shalt  }
0x46: {  	_ =	shalt  }
0x47: {  	_ =	shalt  }
0x48: {  	_ =	shalt  }
0x49: {  	_ =	shalt  }
0x4a: {  	_ =	shalt  }
0x4b: {  	_ =	shalt  }
0x4c: {  	_ =	shalt  }
0x4d: {  	_ =	shalt  }
0x4e: {  	_ =	shalt  }
0x4f: {  	_ =	shalt  }
0x50: {  	_ =	shalt  }
0x51: {  	_ =	shalt  }
0x52: {  	_ =	shalt  }
0x53: {  	_ =	shalt  }
0x54: {  	_ =	shalt  }
0x55: {  	_ =	shalt  }
0x56: {  	_ =	shalt  }
0x57: {  	_ =	shalt  }
0x58: {  	_ =	shalt  }
0x59: {  	_ =	shalt  }
0x5a: {  	_ =	shalt  }
0x5b: {  	_ =	shalt  }
0x5c: {  	_ =	shalt  }
0x5d: {  	_ =	shalt  }
0x5e: {  	_ =	shalt  }
0x5f: {  	_ =	shalt  }
0x60: {  	_ =	shalt  }
0x61: {  	_ =	shalt  }
0x62: {  	_ =	shalt  }
0x63: {  	_ =	shalt  }
0x64: {  	_ =	shalt  }
0x65: {  	_ =	shalt  }
0x66: {  	_ =	shalt  }
0x67: {  	_ =	shalt  }
0x68: {  	_ =	shalt  }
0x69: {  	_ =	shalt  }
0x6a: {  	_ =	shalt  }
0x6b: {  	_ =	shalt  }
0x6c: {  	_ =	shalt  }
0x6d: {  	_ =	shalt  }
0x6e: {  	_ =	shalt  }
0x6f: {  	_ =	shalt  }
0x70: {  	_ =	shalt  }
0x71: {  	_ =	shalt  }
0x72: {  	_ =	shalt  }
0x73: {  	_ =	shalt  }
0x74: {  	_ =	shalt  }
0x75: {  	_ =	shalt  }
0x76: {  	_ =	shalt  }
0x77: {  	_ =	shalt  }
0x78: {  	_ =	shalt  }
0x79: {  	_ =	shalt  }
0x7a: {  	_ =	shalt  }
0x7b: {  	_ =	shalt  }
0x7c: {  	_ =	shalt  }
0x7d: {  	_ =	shalt  }
0x7e: {  	_ =	shalt  }
0x7f: {  	_ =	shalt  }
0x80: {  	_ =	shalt  }
0x81: {  	_ =	shalt  }
0x82: {  	_ =	shalt  }
0x83: {  	_ =	shalt  }
0x84: {  	_ =	shalt  }
0x85: {  	_ =	shalt  }
0x86: {  	_ =	shalt  }
0x87: {  	_ =	shalt  }
.Lfunc_end0:
.L_simem_size_0:
called_computation_lowered:
.L_overlay_start_0:
0x88: {  	s2 =	sld [smem:$0x3FD9]  }
0x89: {  	s3 =	sld [smem:$0x3FFE];
	_ =	sdelay $0x1  }
0x8a: {  	s1 =	srdreg.scid  }
0x8b: {  	s0 =	sand.u32 $0x1, s1  }
0x8c: {  	s17 =	sshll.u32 s0, $0xA;
	s2 =	sadd.s32 s3, s2  }
0x8d: {  	s2 =	sadd.s32 s2, s17  }
0x8e: {  	[smem:$0x3FBE] =	sst s2  }
0x8f: {  	_ = 	snop  }
0x90: {  	s2 =	sld [smem:$0x3FD0];
	(tm) =	ssettm $0x1  }
0x91: {  	s18 =	sld [smem:$0x3FFB];
	_ =	sdelay $0x3  }
0x92: {  	_ =	strace s18  }
0x93: {  	s3 =	sld [smem:$0x3FFC];
	_ =	sdelay $0x3  }
0x94: {  	_ =	strace s3  }
0x95: {  	s3 =	sld [smem:$0x3FFD];
	_ =	sdelay $0x3  }
0x96: {  	_ =	strace s3  }
0x97: {  	_ =	strace $0x8FFFFFFF  }
0x98: {  	s19 =	sld [smem:$0x3FDB];
	_ =	sdelay $0x1  }
0x99: {  	s4 =	simm.s32 $_scs_section_size  }
0x9a: {  	s5 =	simm.s32 $_size__tile_overlayer_lowered;
	s6 =	simm.s32 $_tile_overlayer_lowered  }
0x9b: {  	s22 =	simm.s32 $0x1BFF;
	s21 =	sshll.u32 s6, $0x1;
	s3 =	sadd.s32 s4, s19  }
0x9c: {  	s7 =	simm.s32 $0x0;
	s20 =	sshll.u32 s5, $0x1;
	s5 =	sadd.s32 s21, s3  }
0x9d: {  	[timem:s7], [sflag:s22] =	dma.local [hbm:s5], s20  }
0x9e: {  	_ =	swait.ge [sflag:s22], s20  }
0x9f: {  	s4 =	ssub.s32 $0x0, s20;
	[sflag:s22] =	ssyncset.done $0x0  }
0xa0: {  	[sflag:s22] =	ssyncadd.s32 s4;
	_ =	sdelay $0x1  }
0xa1: {  	s23 =	simm.s32 $0x1B8B  }
0xa2: {  	_ =	swait.ge [sflag:s23], $0x1  }
0xa3: {  	[sflag:s23] =	ssyncset.done $0x0  }
0xa4: {  	s25 =	simm.s32 $0x1B8E;
	s24 =	sld [smem:$0x3FFE];
	[sflag:s23] =	ssyncadd.s32 $0xFFFFFFFF  }
0xa5: {  	s26 =	simm.s32 $execute0_lowered;
	[smem:$0x3FD2] =	sst s25  }
0xa6: {  	s5 =	sshll.u32 s26, $0x1;
	_ =	strace $0x80000046;
	[dreg:$0x1] =	wrdreg $0xFFFFFFFF  }
0xa7: {  	s28 =	simm.s32 $_size_execute0_lowered;
	s3 =	sadd.s32 s3, s5;
	[dreg:$0x0] =	wrdreg $0x0  }
0xa8: {  	s5 =	sshll.u32 s28, $0x1;
	[dreg:$0x2] =	wrdreg s3  }
0xa9: {  	[dreg:$0x3] =	wrdreg s5  }
0xaa: {  	[dreg:$0x4] =	wrdreg $0xC0  }
0xab: {  	_ =	task [dreg:s7], $0x5FFFF  }
0xac: {  	[dreg:$0x1] =	wrdreg $0xFFFFFFFF  }
0xad: {  	[dreg:$0x0] =	wrdreg $0x60  }
0xae: {  	[dreg:$0x2] =	wrdreg s24  }
0xaf: {  	[dreg:$0x3] =	wrdreg s2  }
0xb0: {  	[dreg:$0x4] =	wrdreg $0x0  }
0xb1: {  	[dreg:$0x5] =	wrdreg $0x9  }
0xb2: {  	_ =	task.clear_ibuf [dreg:s7], $0x6FFFF;
	_ =	strace $0x90000046  }
0xb3: {  	s29 =	simm.s32 $0x9;
	_ =	strace $0x80000048  }
0xb4: {  	_ =	swait.ge [sflag:s29], $0x1  }
0xb5: {  	[sflag:s29] =	ssyncadd.s32 $0xFFFFFFFF  }
0xb6: {  	_ =	strace $0x90000048  }
0xb7: {  	_ =	sfence  }
0xb8: {  	s30 =	sld [smem:$0x0];
	_ =	sdelay $0x2  }
0xb9: {  	s31 =	sshll.u32 s1, $0xD;
	s1 =	sshrl.u32 s1, $0x2  }
0xba: {  	s3 =	sand.u32 $0x4000, s31;
	s1 =	sadd.s32 s1, s30  }
0xbb: {  	s0 =	sor.u32 s3, s0;
	s1 =	sshll.u32 s1, $0x11  }
0xbc: {  	s0 =	sor.u32 s1, s0  }
0xbd: {  	s0 =	sadd.s32 $0x8F2B, s0  }
0xbe: {  	[sflag:s0] =	ssyncadd.remote.s32 $0x1  }
0xbf: {  	_ =	sfence.sel $0xFFFF  }
0xc0: {  	[dreg:$0x0] =	wrdreg $0xFFFFFFFF;
	(pc) =	sbr.abs _section_cstart, $3  }
0xc1: {  	[dreg:$0x1] =	wrdreg $0xFFFFFFFF  }
0xc2: {  	_ =	task.clear_ibuf [dreg:s7], $0x2FFFF;
	_ =	strace $0x9FFFFFFF  }
0xc3: {  	(tm) =	ssettm $0x7FFFFFFF  }
tec
execute0_lowered:
.L_overlay_start_1:
0x0: {  	(tag) =	ssettag $0x1  }
0x1: {  	s0 =	rddreg [dreg:$0x0];
	s11 =	stileid.u32  }
0x2: {  	s2 =	rddreg [dreg:$0x1];
	s17 =	smul.u32 $0x51600, s11  }
0x3: {  	s3 =	srdreg.scid;
	s9 =	smul.u32 $0x14580, s11  }
0x4: {  	s10 =	simm.s32 $0x0;
	s3 =	sand.u32 $0x1, s3;
	s29 =	smul.u32 $0xBA, s11  }
0x5: {  	[smem:$0x7FF] =	sst s10;
	s6 =	sadd.s32 $0x1BB200, s0;
	s4 =	smul.u32 $0x1D100, s3  }
0x6: {  	s1 =	rddreg [dreg:$0x2];
	_ =	strace $0x80000047;
	s5 =	smul.u32 $0x5D00, s3  }
0x7: {  	[dreg:$0x5] =	wrdreg s6;
	s7 =	smul.u32 $0x28B00, s3;
	s8 =	ssub.s32 $0x2, s3  }
0x8: {  	s3 =	sshll.u32 s3, $0x2;
	s6 =	sshrl.u32 s17, $0x2;
	s18 =	sshrl.u32 s8, $0x1  }
0x9: {  	[dreg:$0x12] =	wrdreg s29;
	s2 =	sadd.s32 s2, s3;
	s4 =	sadd.s32 s4, s0  }
0xa: {  	s5 =	sadd.s32 s5, s0;
	s0 =	sadd.s32 s7, s0;
	s6 =	sadd.s32 s6, s1  }
0xb: {  	s7 =	ssub.s32 s8, s18;
	s8 =	sadd.s32 s9, s1;
	[dreg:$0x13] =	wrdreg s2  }
0xc: {  	s12 =	sadd.s32 $0x1B20, s6;
	[dreg:$0x6] =	wrdreg s8  }
0xd: {  	s13 =	simm.s32 $0x1B990;
	s19 =	sadd.s32 $0x3640, s6;
	[dreg:$0x7] =	wrdreg s12  }
0xe: {  	s14 =	simm.s32 $0x1BA10;
	s20 =	sadd.s32 $0x5160, s6;
	[dreg:$0x8] =	wrdreg s19  }
0xf: {  	s11 =	simm.s32 $0x17D90;
	s21 =	sadd.s32 $0x6C80, s6;
	[dreg:$0x9] =	wrdreg s20  }
0x10: {  	s30 =	sshrl.u32 s9, $0x3;
	s22 =	sadd.s32 $0x87A0, s6;
	[dreg:$0xa] =	wrdreg s21  }
0x11: {  	s3 =	simm.s32 $0x15190;
	s23 =	sadd.s32 $0xA2C0, s6;
	[dreg:$0xb] =	wrdreg s22  }
0x12: {  	s9 =	simm.s32 $0x16590;
	s24 =	sadd.s32 $0xBDE0, s6;
	[dreg:$0xc] =	wrdreg s23  }
0x13: {  	s18 =	simm.s32 $0x2;
	s25 =	sadd.s32 $0xD900, s6;
	[dreg:$0xd] =	wrdreg s24  }
0x14: {  	s26 =	sadd.s32 $0xF420, s6;
	s28 =	sadd.s32 $0x10F40, s6;
	[dreg:$0xe] =	wrdreg s25  }
0x15: {  	v0 =	vlaneseq.u32;
	s6 =	sadd.s32 $0x12A60, s6;
	s0 =	sadd.s32 $0x1C6C00, s0;
	[dreg:$0xf] =	wrdreg s26  }
.Ltmp0:
0x16: {  	v9 =	vmul.u32 $0x38, v0;
	s31 =	smax.u32 s7, $0x1;
	[dreg:$0x10] =	wrdreg s28;
	(pc) =	sbr.rel .LBB2_1-.Ltmp0, $4  }
0x17: {  	v1 =	vimm.f32 $0.0e+00;
	s7 =	simm.s32 $0x17990;
	[dreg:$0x11] =	wrdreg s6;
	s19 =	sadd.s32 $0x175600, s4  }
0x18: {  	vm0 =	vmmov $0xff;
	v2 =	vadd.s32 $0x30, v9;
	v3 =	vadd.s32 $0x31, v9;
	s20 =	sadd.s32 $0x1AF800, s5;
	[dreg:$0x14] =	wrdreg s31;
	s22 =	simm.s32 $0x18190  }
0x19: {  	v4 =	vadd.s32 $0x32, v9;
	v5 =	vadd.s32 $0x33, v9;
	v6 =	vadd.s32 $0x34, v9;
	s23 =	simm.s32 $0x19D90;
	s0 =	sadd.s32 s30, s0;
	s5 =	simm.s32 $0x6  }
0x1a: {  	v7 =	vadd.s32 $0x35, v9;
	v8 =	vadd.s32 $0x36, v9;
	v9 =	vadd.s32 $0x37, v9;
	s12 =	simm.s32 $0x3;
	[dreg:$0x15] =	wrdreg s0;
	s0 =	simm.s32 $0x80  }
.LBB2_20:
0x1b: {  	s2 =	simm.s32 $0x4  }
0x1c: {  	_ =	swait.ge [sflag:s2], $0x1C00  }
0x1d: {  	[sflag:s2] =	ssyncset.done $0x0  }
0x1e: {  	s29 =	simm.s32 $0x5;
	[sflag:s2] =	ssyncadd.s32 $0xFFFFE400  }
0x1f: {  	_ =	swait.ge [sflag:s29], $0x1C00  }
0x20: {  	[sflag:s29] =	ssyncset.done $0x0  }
0x21: {  	[sflag:s29] =	ssyncadd.s32 $0xFFFFE400  }
0x22: {  	s30 =	stileid.u32;
	[bflag:$0x0] =	sbarrier.arrive $0xFFFF  }
0x23: {  	s2 =	sshll.u32 s30, $0x6;
	s8 =	rddreg [dreg:$0x6]  }
0x24: {  	s2 =	sor.u32 $0x1C06, s2;
	s5 =	rddreg [dreg:$0x15];
	s4 =	sshrl.u32 s8, $0x3  }
0x25: {  	[hbm:s5], [sflag:s2] =	dma.local [spmem:s4], $0x28B0  }
0x26: {  	s5 =	simm.s32 $0x6  }
0x27: {  	_ =	swait.ge [sflag:s5], $0x28B0  }
0x28: {  	s10 =	rddreg [dreg:$0x4]  }
0x29: {  	s31 =	rddreg [dreg:$0x14];
	s10 =	sadd.s32 $0x1, s10  }
0x2a: {  	p0 =	sne.s32 s10, s31  }
.Ltmp1:
0x2b: {  	_ = 	snop;
	(pc) =	sbr.rel @!p0 .LBB2_21-.Ltmp1, $3  }
0x2c: {  	_ =	sdelay $0x1  }
0x2d: {  	[sflag:s5] =	ssyncset.done $0x0  }
0x2e: {  	[sflag:s5] =	ssyncadd.s32 $0xFFFFD750  }
.LBB2_1:
0x2f: {  	s2 =	simm.s32 $0x10  }
0x30: {  	[tilespmem:s2+$0x19DA0] =	vst v1  }
0x31: {  	[tilespmem:s2+$0x18180] =	vst v1  }
0x32: {  	[tilespmem:s2+$0x18190] =	vst v1  }
0x33: {  	[tilespmem:s2+$0x181A0] =	vst v1  }
0x34: {  	s4 =	simm.s32 $0x120;
	[tilespmem:s2+$0x19D80] =	vst v1  }
.LBB2_2:
0x35: {  	p0 =	sne.s32 s4, $0x6F60;
	[tilespmem:s2+$0x19D90] =	vst v1;
	s2 =	sshra.s32 s4, $0x2;
	s4 =	sadd.s32 $0xE0, s4  }
.Ltmp2:
0x36: {  	[tilespmem:s2+$0x19DA0] =	vst v1;
	(pc) =	sbr.rel @p0 .LBB2_2-.Ltmp2, $4  }
0x37: {  	[tilespmem:s2+$0x18180] =	vst v1  }
0x38: {  	[tilespmem:s2+$0x18190] =	vst v1  }
0x39: {  	[tilespmem:s2+$0x181A0] =	vst v1  }
0x3a: {  	[tilespmem:s2+$0x19D80] =	vst v1  }
0x3b: {  	s4 =	simm.s32 $0x0  }
0x3c: {  	v10 =	vmov s4  }
0x3d: {  	v10 =	vmul.u32 $0x38, v10;
	_ =	sdelay $0x1  }
0x3e: {  	v17 =	vbroadcast v10, $0x0;
	_ =	sdelay $0x1  }
0x3f: {  	v10 =	vadd.s32 v2, v17  }
0x40: {  	v11 =	vadd.s32 v3, v17  }
0x41: {  	v12 =	vadd.s32 v4, v17  }
0x42: {  	v13 =	vadd.s32 v5, v17  }
0x43: {  	[tilespmem:s2+$0x19D90] =	vst v1;
	v14 =	vadd.s32 v6, v17  }
0x44: {  	v15 =	vadd.s32 v7, v17;
	[tilespmem:v10+s22+$0x0] =	vst.idx.msk $0xffff, v1  }
0x45: {  	v16 =	vadd.s32 v8, v17;
	[tilespmem:v11+s22+$0x0] =	vst.idx.msk $0xffff, v1  }
0x46: {  	v17 =	vadd.s32 v9, v17;
	[tilespmem:v12+s22+$0x0] =	vst.idx.msk $0xffff, v1  }
0x47: {  	[tilespmem:v13+s22+$0x0] =	vst.idx.msk $0xffff, v1  }
0x48: {  	[tilespmem:v14+s22+$0x0] =	vst.idx.msk $0xffff, v1  }
0x49: {  	[dreg:$0x4] =	wrdreg s10;
	s2 =	simm.s32 $0x10;
	[tilespmem:v15+s22+$0x0] =	vst.idx.msk $0xffff, v1  }
.LBB2_4:
0x4a: {  	v18 =	vmov s2;
	p0 =	sne.s32 s2, $0x70;
	s2 =	sadd.s32 $0x10, s2;
	[tilespmem:v16+s22+$0x0] =	vst.idx.msk $0xffff, v1  }
0x4b: {  	v18 =	vmul.u32 $0x38, v18;
	[tilespmem:v17+s22+$0x0] =	vst.idx.msk $0xffff, v1  }
0x4c: {  	[tilespmem:v10+s23+$0x0] =	vst.idx.msk $0xffff, v1  }
0x4d: {  	v18 =	vbroadcast v18, $0x0;
	[tilespmem:v11+s23+$0x0] =	vst.idx.msk $0xffff, v1  }
0x4e: {  	[tilespmem:v12+s23+$0x0] =	vst.idx.msk $0xffff, v1  }
0x4f: {  	v10 =	vadd.s32 v2, v18;
	[tilespmem:v13+s23+$0x0] =	vst.idx.msk $0xffff, v1  }
0x50: {  	v11 =	vadd.s32 v3, v18;
	[tilespmem:v14+s23+$0x0] =	vst.idx.msk $0xffff, v1  }
0x51: {  	v12 =	vadd.s32 v4, v18;
	[tilespmem:v15+s23+$0x0] =	vst.idx.msk $0xffff, v1  }
0x52: {  	v13 =	vadd.s32 v5, v18;
	[tilespmem:v16+s23+$0x0] =	vst.idx.msk $0xffff, v1  }
0x53: {  	v14 =	vadd.s32 v6, v18;
	[tilespmem:v17+s23+$0x0] =	vst.idx.msk $0xffff, v1  }
0x54: {  	v15 =	vadd.s32 v7, v18;
	[tilespmem:v10+s22+$0x0] =	vst.idx.msk $0xffff, v1  }
.Ltmp3:
0x55: {  	v16 =	vadd.s32 v8, v18;
	[tilespmem:v11+s22+$0x0] =	vst.idx.msk $0xffff, v1;
	(pc) =	sbr.rel @p0 .LBB2_4-.Ltmp3, $4  }
0x56: {  	v17 =	vadd.s32 v9, v18;
	[tilespmem:v12+s22+$0x0] =	vst.idx.msk $0xffff, v1  }
0x57: {  	[tilespmem:v13+s22+$0x0] =	vst.idx.msk $0xffff, v1  }
0x58: {  	[tilespmem:v14+s22+$0x0] =	vst.idx.msk $0xffff, v1  }
0x59: {  	[tilespmem:v15+s22+$0x0] =	vst.idx.msk $0xffff, v1  }
0x5a: {  	_ =	sdelay $0x3  }
0x5b: {  	[tilespmem:v16+s22+$0x0] =	vst.idx.msk $0xffff, v1  }
0x5c: {  	[tilespmem:v17+s22+$0x0] =	vst.idx.msk $0xffff, v1  }
0x5d: {  	[tilespmem:v10+s23+$0x0] =	vst.idx.msk $0xffff, v1  }
0x5e: {  	[tilespmem:v11+s23+$0x0] =	vst.idx.msk $0xffff, v1  }
0x5f: {  	[tilespmem:v12+s23+$0x0] =	vst.idx.msk $0xffff, v1  }
0x60: {  	[tilespmem:v13+s23+$0x0] =	vst.idx.msk $0xffff, v1  }
0x61: {  	[tilespmem:v14+s23+$0x0] =	vst.idx.msk $0xffff, v1  }
0x62: {  	[tilespmem:v15+s23+$0x0] =	vst.idx.msk $0xffff, v1  }
0x63: {  	[tilespmem:v16+s23+$0x0] =	vst.idx.msk $0xffff, v1  }
0x64: {  	[tilespmem:v17+s23+$0x0] =	vst.idx.msk $0xffff, v1  }
0x65: {  	[spmem:s8] =	stream.linear.scatter [tilespmem:s22], [sflag:$0x6], $0x1B20, $0x38;
	[tilespmem:$0x1BAB0] =	vst v63  }
0x66: {  	_ =	swait.ge [sflag:s5], $0x1B20  }
0x67: {  	[sflag:s5] =	ssyncset.done $0x0  }
0x68: {  	s2 =	rddreg [dreg:$0x7];
	[sflag:s5] =	ssyncadd.s32 $0xFFFFE4E0  }
0x69: {  	[spmem:s2] =	stream.linear.scatter [tilespmem:s22], [sflag:$0x6], $0x1B20, $0x38;
	[tilespmem:$0x1BAB0] =	vst v63  }
0x6a: {  	_ =	swait.ge [sflag:s5], $0x1B20  }
0x6b: {  	[sflag:s5] =	ssyncset.done $0x0  }
0x6c: {  	s15 =	rddreg [dreg:$0x8];
	[sflag:s5] =	ssyncadd.s32 $0xFFFFE4E0  }
0x6d: {  	[spmem:s15] =	stream.linear.scatter [tilespmem:s22], [sflag:$0x6], $0x1B20, $0x38;
	[tilespmem:$0x1BAB0] =	vst v63  }
0x6e: {  	_ =	swait.ge [sflag:s5], $0x1B20  }
0x6f: {  	[sflag:s5] =	ssyncset.done $0x0  }
0x70: {  	s16 =	rddreg [dreg:$0x9];
	[sflag:s5] =	ssyncadd.s32 $0xFFFFE4E0  }
0x71: {  	[spmem:s16] =	stream.linear.scatter [tilespmem:s22], [sflag:$0x6], $0x1B20, $0x38;
	[tilespmem:$0x1BAB0] =	vst v63  }
0x72: {  	_ =	swait.ge [sflag:s5], $0x1B20  }
0x73: {  	[sflag:s5] =	ssyncset.done $0x0  }
0x74: {  	s17 =	rddreg [dreg:$0xa];
	[sflag:s5] =	ssyncadd.s32 $0xFFFFE4E0  }
0x75: {  	[spmem:s17] =	stream.linear.scatter [tilespmem:s22], [sflag:$0x6], $0x1B20, $0x38;
	[tilespmem:$0x1BAB0] =	vst v63  }
0x76: {  	_ =	swait.ge [sflag:s5], $0x1B20  }
0x77: {  	[sflag:s5] =	ssyncset.done $0x0  }
0x78: {  	s21 =	rddreg [dreg:$0xb];
	[sflag:s5] =	ssyncadd.s32 $0xFFFFE4E0  }
0x79: {  	[spmem:s21] =	stream.linear.scatter [tilespmem:s22], [sflag:$0x6], $0x1B20, $0x38;
	[tilespmem:$0x1BAB0] =	vst v63  }
0x7a: {  	_ =	swait.ge [sflag:s5], $0x1B20  }
0x7b: {  	[sflag:s5] =	ssyncset.done $0x0  }
0x7c: {  	s24 =	rddreg [dreg:$0xc];
	[sflag:s5] =	ssyncadd.s32 $0xFFFFE4E0  }
0x7d: {  	[spmem:s24] =	stream.linear.scatter [tilespmem:s22], [sflag:$0x6], $0x1B20, $0x38;
	[tilespmem:$0x1BAB0] =	vst v63  }
0x7e: {  	_ =	swait.ge [sflag:s5], $0x1B20  }
0x7f: {  	[sflag:s5] =	ssyncset.done $0x0  }
0x80: {  	s25 =	rddreg [dreg:$0xd];
	[sflag:s5] =	ssyncadd.s32 $0xFFFFE4E0  }
0x81: {  	[spmem:s25] =	stream.linear.scatter [tilespmem:s22], [sflag:$0x6], $0x1B20, $0x38;
	[tilespmem:$0x1BAB0] =	vst v63  }
0x82: {  	_ =	swait.ge [sflag:s5], $0x1B20  }
0x83: {  	[sflag:s5] =	ssyncset.done $0x0  }
0x84: {  	s26 =	rddreg [dreg:$0xe];
	[sflag:s5] =	ssyncadd.s32 $0xFFFFE4E0  }
0x85: {  	[spmem:s26] =	stream.linear.scatter [tilespmem:s22], [sflag:$0x6], $0x1B20, $0x38;
	[tilespmem:$0x1BAB0] =	vst v63  }
0x86: {  	_ =	swait.ge [sflag:s5], $0x1B20  }
0x87: {  	[sflag:s5] =	ssyncset.done $0x0  }
0x88: {  	s28 =	rddreg [dreg:$0xf];
	[sflag:s5] =	ssyncadd.s32 $0xFFFFE4E0  }
0x89: {  	[spmem:s28] =	stream.linear.scatter [tilespmem:s22], [sflag:$0x6], $0x1B20, $0x38;
	[tilespmem:$0x1BAB0] =	vst v63  }
0x8a: {  	_ =	swait.ge [sflag:s5], $0x1B20  }
0x8b: {  	[sflag:s5] =	ssyncset.done $0x0  }
0x8c: {  	s29 =	rddreg [dreg:$0x10];
	[sflag:s5] =	ssyncadd.s32 $0xFFFFE4E0  }
0x8d: {  	[spmem:s29] =	stream.linear.scatter [tilespmem:s22], [sflag:$0x6], $0x1B20, $0x38;
	[tilespmem:$0x1BAB0] =	vst v63  }
0x8e: {  	_ =	swait.ge [sflag:s5], $0x1B20  }
0x8f: {  	[sflag:s5] =	ssyncset.done $0x0  }
0x90: {  	s30 =	rddreg [dreg:$0x11];
	[sflag:s5] =	ssyncadd.s32 $0xFFFFE4E0  }
0x91: {  	[spmem:s30] =	stream.linear.scatter [tilespmem:s22], [sflag:$0x6], $0x1B20, $0x38;
	[tilespmem:$0x1BAB0] =	vst v63  }
0x92: {  	_ =	swait.ge [sflag:s5], $0x1B20  }
0x93: {  	s6 =	simm.s32 $0x0;
	[sflag:s5] =	ssyncset.done $0x0  }
0x94: {  	s4 =	simm.s32 $0x1BA90;
	s31 =	rddreg [dreg:$0x13];
	[sflag:s5] =	ssyncadd.s32 $0xFFFFE4E0  }
0x95: {  	[tilespmem:s4], [sflag:$0x6] =	stream.linear.gather [hbm4b:s31+s6], $0x20, $0x38;
	[tilespmem:$0x1BAB0] =	vst v63  }
0x96: {  	_ =	swait.ge [sflag:s5], $0x20  }
.Ltmp4:
0x97: {  	[sflag:s5] =	ssyncset.done $0x0;
	(pc) =	sbr.rel .LBB2_6-.Ltmp4, $4  }
0x98: {  	[sflag:s5] =	ssyncadd.s32 $0xFFFFFFE0  }
0x99: {  	[bflag:$0x0] =	sbarrier.arrive $0xFFFF  }
0x9a: {  	v10 =	vld [tilespmem:$0x1BA90]  }
0x9b: {  	s8 =	simm.s32 $0xBA;
	v11 =	vld [tilespmem:$0x1BAA0]  }
.LBB2_19:
0x9c: {  	s6 =	rddreg [dreg:$0x16]  }
0x9d: {  	s6 =	sadd.s32 $0x1, s6  }
0x9e: {  	p0 =	sne.s32 s6, $0xC  }
.Ltmp5:
0x9f: {  	_ = 	snop;
	(pc) =	sbr.rel @!p0 .LBB2_20-.Ltmp5, $3  }
0xa0: {  	_ =	sdelay $0x1  }
0xa1: {  	s8 =	rddreg [dreg:$0x17]  }
0xa2: {  	s8 =	sadd.s32 $0xFFFFFFF0, s8  }
.LBB2_6:
0xa3: {  	s15 =	sshll.u32 s6, $0x4;
	s2 =	rddreg [dreg:$0x12]  }
0xa4: {  	s2 =	sadd.s32 s2, s15  }
0xa5: {  	[dreg:$0x16] =	wrdreg s6;
	v12 =	vadd.s32 s2, v0  }
0xa6: {  	s21 =	rddreg [dreg:$0x5];
	s4 =	simm.s32 $0x10;
	v12 =	vmin.u32 v12, $0xB9F  }
0xa7: {  	s5 =	simm.s32 $0x14580;
	s24 =	simm.s32 $0x14590;
	s25 =	simm.s32 $0x1;
	[tilespmem:$0x14580] =	vst v12  }
0xa8: {  	[tilespmem:s24], [sflag:$0x1] =	stream.indirect.gather [hbm4b:s21+s4], $0x80, s5, s4, $0xb8;
	[tilespmem:$0x1BAB0] =	vst v63  }
0xa9: {  	_ =	swait.ge [sflag:s25], $0x800  }
0xaa: {  	[sflag:s25] =	ssyncset.done $0x0  }
0xab: {  	[sflag:s25] =	ssyncadd.s32 $0xFFFFF800  }
0xac: {  	v21 =	vld [tilespmem:$0x14590];
	_ =	sdelay $0x1  }
0xad: {  	v13 =	vld [tilespmem:$0x145A0];
	_ =	sdelay $0x1  }
0xae: {  	v14 =	vld [tilespmem:$0x145B0]  }
0xaf: {  	v15 =	vshrl.u32 v21, $0xF  }
0xb0: {  	v22 =	vld [tilespmem:$0x145C0];
	v12 =	vand.u32 $0x7FFF, v21;
	[tilespmem:$0x14D90] =	vst v15  }
0xb1: {  	v23 =	vshrl.u32 v13, $0xF;
	[tilespmem:$0x14F90] =	vst v12  }
0xb2: {  	v25 =	vld [tilespmem:$0x145D0];
	v24 =	vand.u32 $0x7FFF, v13;
	[tilespmem:$0x14DA0] =	vst v23  }
0xb3: {  	v26 =	vshrl.u32 v14, $0xF;
	[tilespmem:$0x14FA0] =	vst v24  }
0xb4: {  	v28 =	vld [tilespmem:$0x145E0];
	v27 =	vand.u32 $0x7FFF, v14;
	[tilespmem:$0x14DB0] =	vst v26  }
0xb5: {  	v29 =	vshrl.u32 v22, $0xF;
	[tilespmem:$0x14FB0] =	vst v27  }
0xb6: {  	v31 =	vld [tilespmem:$0x145F0];
	v30 =	vand.u32 $0x7FFF, v22;
	[tilespmem:$0x14DC0] =	vst v29  }
0xb7: {  	v32 =	vshrl.u32 v25, $0xF;
	[tilespmem:$0x14FC0] =	vst v30  }
0xb8: {  	v34 =	vld [tilespmem:$0x14600];
	v33 =	vand.u32 $0x7FFF, v25;
	[tilespmem:$0x14DD0] =	vst v32  }
0xb9: {  	v35 =	vshrl.u32 v28, $0xF;
	[tilespmem:$0x14FD0] =	vst v33  }
0xba: {  	v36 =	vand.u32 $0x7FFF, v28;
	[tilespmem:$0x14DE0] =	vst v35  }
0xbb: {  	v37 =	vshrl.u32 v31, $0xF;
	[tilespmem:$0x14FE0] =	vst v36  }
0xbc: {  	v38 =	vand.u32 $0x7FFF, v31;
	[tilespmem:$0x14DF0] =	vst v37  }
0xbd: {  	v39 =	vshrl.u32 v34, $0xF;
	[tilespmem:$0x14FF0] =	vst v38  }
0xbe: {  	v40 =	vand.u32 $0x7FFF, v34;
	[tilespmem:$0x14E00] =	vst v39  }
0xbf: {  	s26 =	simm.s32 $0x14D90;
	[tilespmem:$0x15000] =	vst v40  }
0xc0: {  	[tilespmem:s3], [sflag:$0x2] =	stream.indirect.gather [hbm4b:s19+s0], $0x28, s26, s0, $0xb8;
	[tilespmem:$0x1BAB0] =	vst v63  }
0xc1: {  	s28 =	simm.s32 $0x14F90  }
0xc2: {  	[tilespmem:s7], [sflag:$0x2] =	stream.indirect.gather [hbm4b:s20+s0], $0x8, s28, s0, $0xb8;
	[tilespmem:$0x1BAB0] =	vst v63  }
0xc3: {  	v41 =	vld [tilespmem:$0x14610];
	_ =	sdelay $0x1  }
0xc4: {  	v42 =	vld [tilespmem:$0x14620];
	_ =	sdelay $0x1  }
0xc5: {  	v43 =	vld [tilespmem:$0x14630]  }
0xc6: {  	v44 =	vshrl.u32 v41, $0xF  }
0xc7: {  	v45 =	vld [tilespmem:$0x14640];
	v12 =	vand.u32 $0x7FFF, v41;
	[tilespmem:$0x14E10] =	vst v44  }
0xc8: {  	v46 =	vshrl.u32 v42, $0xF;
	[tilespmem:$0x15010] =	vst v12  }
0xc9: {  	v48 =	vld [tilespmem:$0x14650];
	v47 =	vand.u32 $0x7FFF, v42;
	[tilespmem:$0x14E20] =	vst v46  }
0xca: {  	v49 =	vshrl.u32 v43, $0xF;
	[tilespmem:$0x15020] =	vst v47  }
0xcb: {  	v51 =	vld [tilespmem:$0x14660];
	v50 =	vand.u32 $0x7FFF, v43;
	[tilespmem:$0x14E30] =	vst v49  }
0xcc: {  	v52 =	vshrl.u32 v45, $0xF;
	[tilespmem:$0x15030] =	vst v50  }
0xcd: {  	v54 =	vld [tilespmem:$0x14670];
	v53 =	vand.u32 $0x7FFF, v45;
	[tilespmem:$0x14E40] =	vst v52  }
0xce: {  	v55 =	vshrl.u32 v48, $0xF;
	[tilespmem:$0x15040] =	vst v53  }
0xcf: {  	v57 =	vld [tilespmem:$0x14680];
	v56 =	vand.u32 $0x7FFF, v48;
	[tilespmem:$0x14E50] =	vst v55  }
0xd0: {  	v58 =	vshrl.u32 v51, $0xF;
	[tilespmem:$0x15050] =	vst v56  }
0xd1: {  	v59 =	vand.u32 $0x7FFF, v51;
	[tilespmem:$0x14E60] =	vst v58  }
0xd2: {  	v60 =	vshrl.u32 v54, $0xF;
	[tilespmem:$0x15060] =	vst v59  }
0xd3: {  	v61 =	vand.u32 $0x7FFF, v54;
	[tilespmem:$0x14E70] =	vst v60  }
0xd4: {  	v62 =	vshrl.u32 v57, $0xF;
	[tilespmem:$0x15070] =	vst v61  }
.Ltmp6:
0xd5: {  	s29 =	simm.s32 $0x14E10;
	v63 =	vand.u32 $0x7FFF, v57;
	[tilespmem:$0x14E80] =	vst v62;
	(pc) =	sbr.rel .LBB2_7-.Ltmp6, $4  }
0xd6: {  	s30 =	simm.s32 $0x15010;
	s16 =	smin.u32 s8, $0x10;
	s31 =	ssub.s32 $0xBA, s15;
	[tilespmem:$0x15080] =	vst v63  }
0xd7: {  	[tilespmem:s9], [sflag:$0x3] =	stream.indirect.gather [hbm4b:s19+s0], $0x28, s29, s0, $0xb8;
	[tilespmem:$0x1BAB0] =	vst v63  }
0xd8: {  	s2 =	simm.s32 $0x0;
	s5 =	smin.u32 s31, $0x10;
	[dreg:$0x17] =	wrdreg s8  }
0xd9: {  	[tilespmem:s11], [sflag:$0x3] =	stream.indirect.gather [hbm4b:s20+s0], $0x8, s30, s0, $0xb8;
	[tilespmem:$0x1BAB0] =	vst v63  }
.LBB2_17:
0xda: {  	s17 =	sadd.s32 $0xFFFFFFFD, s4;
	v13 =	vld [tilespmem:s6+$0x0]  }
0xdb: {  	v14 =	vmov s17  }
0xdc: {  	v14 =	vand.u32 $0xFFFFFFFC, v14  }
0xdd: {  	v14 =	vbroadcast v14, $0x0;
	_ =	sdelay $0x1  }
0xde: {  	v12 =	vmul.f32 v13, v12;
	_ =	sdelay $0x1  }
0xdf: {  	s24 =	sadd.s32 $0xA0, s6;
	[tilespmem:s10+$0x0] =	vst v12  }
0xe0: {  	v12 =	vld [tilespmem:s24+$0xFFFFFF78]  }
0xe1: {  	v51 =	vld.idx.msk [tilespmem:v14+s13+$0x0], $0xffff  }
0xe2: {  	v14 =	vld.idx.msk [tilespmem:v14+s14+$0x0], $0xffff;
	_ =	sdelay $0x3  }
0xe3: {  	v15 =	vshll.u32 v12, $0x10  }
0xe4: {  	v12 =	vand.u32 $0xFFFF0000, v12;
	v15 =	vmul.f32 v15, v51;
	v13 =	vsel vm0, v51, v14  }
0xe5: {  	v12 =	vmul.f32 v12, v13  }
0xe6: {  	[tilespmem:s8+$0xFFFFFF38] =	vst v15  }
0xe7: {  	[tilespmem:s8+$0xFFFFFF48] =	vst v12  }
0xe8: {  	s25 =	sadd.s32 $0xFFFFFFFE, s4;
	v12 =	vld [tilespmem:s24+$0xFFFFFF88]  }
0xe9: {  	v52 =	vmov s25  }
0xea: {  	v13 =	vand.u32 $0xFFFFFFFD, v52  }
0xeb: {  	v13 =	vbroadcast v13, $0x0;
	_ =	sdelay $0x1  }
0xec: {  	v12 =	vmul.f32 v12, v14;
	_ =	sdelay $0x1  }
0xed: {  	[tilespmem:s8+$0xFFFFFF58] =	vst v12  }
0xee: {  	v12 =	vld [tilespmem:s24+$0xFFFFFFA0]  }
0xef: {  	v53 =	vld.idx.msk [tilespmem:v13+s13+$0x0], $0xffff  }
0xf0: {  	v13 =	vld.idx.msk [tilespmem:v13+s14+$0x0], $0xffff;
	_ =	sdelay $0x3  }
0xf1: {  	v54 =	vshll.u32 v12, $0x10  }
0xf2: {  	v12 =	vand.u32 $0xFFFF0000, v12;
	v14 =	vsel vm0, v53, v13;
	v15 =	vmul.f32 v54, v53  }
0xf3: {  	v12 =	vmul.f32 v12, v14  }
0xf4: {  	[tilespmem:s8+$0xFFFFFF70] =	vst v15  }
0xf5: {  	s26 =	sadd.s32 $0xFFFFFFFF, s4;
	[tilespmem:s8+$0xFFFFFF80] =	vst v12  }
0xf6: {  	v55 =	vmov s26;
	v12 =	vld [tilespmem:s24+$0xFFFFFFB0]  }
0xf7: {  	v14 =	vand.u32 $0xFFFFFFFE, v55  }
0xf8: {  	v14 =	vbroadcast v14, $0x0;
	_ =	sdelay $0x2  }
0xf9: {  	v12 =	vmul.f32 v12, v13;
	_ =	sdelay $0x1  }
0xfa: {  	[tilespmem:s8+$0xFFFFFF90] =	vst v12  }
0xfb: {  	v12 =	vld.idx.msk [tilespmem:v14+s13+$0x0], $0xffff  }
0xfc: {  	v56 =	vld.idx.msk [tilespmem:v14+s14+$0x0], $0xffff  }
0xfd: {  	v57 =	vld [tilespmem:s24+$0xFFFFFFC8];
	_ =	sdelay $0x4  }
0xfe: {  	v58 =	vsel vm0, v12, v56;
	v16 =	vand.u32 $0xFFFF0000, v57  }
0xff: {  	v14 =	vshll.u32 v57, $0x10;
	v15 =	vmul.f32 v16, v58  }
0x100: {  	v12 =	vmul.f32 v14, v12  }
0x101: {  	[tilespmem:s8+$0xFFFFFFB8] =	vst v15  }
0x102: {  	[tilespmem:s8+$0xFFFFFFA8] =	vst v12  }
0x103: {  	v12 =	vld [tilespmem:s24+$0xFFFFFFD8];
	_ =	sdelay $0x2  }
0x104: {  	v59 =	vmov s4;
	_ =	sdelay $0x1  }
0x105: {  	v12 =	vmul.f32 v12, v56;
	_ =	sdelay $0x1  }
0x106: {  	[tilespmem:s8+$0xFFFFFFC8] =	vst v12  }
0x107: {  	v12 =	vld.idx.msk [tilespmem:v59+s13+$0x0], $0xffff  }
0x108: {  	v60 =	vld.idx.msk [tilespmem:v59+s14+$0x0], $0xffff  }
0x109: {  	v61 =	vld [tilespmem:s24+$0xFFFFFFF0];
	_ =	sdelay $0x4  }
0x10a: {  	v62 =	vsel vm0, v12, v60;
	v63 =	vand.u32 $0xFFFF0000, v61  }
0x10b: {  	v14 =	vshll.u32 v61, $0x10;
	v15 =	vmul.f32 v63, v62  }
0x10c: {  	v12 =	vmul.f32 v14, v12  }
0x10d: {  	[tilespmem:s8+$0xFFFFFFF0] =	vst v15  }
0x10e: {  	[tilespmem:s8+$0xFFFFFFE0] =	vst v12  }
0x10f: {  	v12 =	vld [tilespmem:s24+$0x0];
	_ =	sdelay $0x4  }
0x110: {  	v12 =	vmul.f32 v12, v60  }
0x111: {  	s31 =	sshll.u32 s30, $0x7  }
0x112: {  	p0 =	sge.u32 s28, s5;
	s4 =	sadd.s32 $0x14F90, s31;
	[tilespmem:s8+$0x0] =	vst v12  }
0x113: {  	[spmem:s1] =	stream.indirect.scatter.add.f32 [tilespmem:s23], [sflag:$0x5], $0x38, s4, s0, $0xb8;
	[tilespmem:$0x1BAB0] =	vst v63  }
0x114: {  	s4 =	sshll.u32 @!p0 s28, $0x7  }
0x115: {  	s4 =	sand.u32 @!p0 $0x3FFFFF80, s4  }
0x116: {  	v12 =	vld @!p0 [tilespmem:s4+$0x14590];
	_ =	sdelay $0x4  }
0x117: {  	s6 =	sshll.u32 @!p0 s29, $0x7;
	v13 =	vshrl.u32 @!p0 v12, $0xF  }
0x118: {  	v12 =	vand.u32 @!p0 $0x7FFF, v12;
	[tilespmem:s6+$0x14D90] =	vst @!p0 v13  }
0x119: {  	[tilespmem:s6+$0x14F90] =	vst @!p0 v12  }
0x11a: {  	v12 =	vld @!p0 [tilespmem:s4+$0x145A0];
	_ =	sdelay $0x4  }
0x11b: {  	v13 =	vshrl.u32 @!p0 v12, $0xF  }
0x11c: {  	v12 =	vand.u32 @!p0 $0x7FFF, v12;
	[tilespmem:s6+$0x14DA0] =	vst @!p0 v13  }
0x11d: {  	[tilespmem:s6+$0x14FA0] =	vst @!p0 v12  }
0x11e: {  	v12 =	vld @!p0 [tilespmem:s4+$0x145B0];
	_ =	sdelay $0x4  }
0x11f: {  	v13 =	vshrl.u32 @!p0 v12, $0xF  }
0x120: {  	v12 =	vand.u32 @!p0 $0x7FFF, v12;
	[tilespmem:s6+$0x14DB0] =	vst @!p0 v13  }
0x121: {  	[tilespmem:s6+$0x14FB0] =	vst @!p0 v12  }
0x122: {  	v12 =	vld @!p0 [tilespmem:s4+$0x145C0];
	_ =	sdelay $0x4  }
0x123: {  	v13 =	vshrl.u32 @!p0 v12, $0xF  }
0x124: {  	v12 =	vand.u32 @!p0 $0x7FFF, v12;
	[tilespmem:s6+$0x14DC0] =	vst @!p0 v13  }
0x125: {  	[tilespmem:s6+$0x14FC0] =	vst @!p0 v12  }
0x126: {  	v12 =	vld @!p0 [tilespmem:s4+$0x145D0];
	_ =	sdelay $0x4  }
0x127: {  	v13 =	vshrl.u32 @!p0 v12, $0xF  }
0x128: {  	v12 =	vand.u32 @!p0 $0x7FFF, v12;
	[tilespmem:s6+$0x14DD0] =	vst @!p0 v13  }
0x129: {  	[tilespmem:s6+$0x14FD0] =	vst @!p0 v12  }
0x12a: {  	v12 =	vld @!p0 [tilespmem:s4+$0x145E0];
	_ =	sdelay $0x4  }
0x12b: {  	v13 =	vshrl.u32 @!p0 v12, $0xF  }
0x12c: {  	v12 =	vand.u32 @!p0 $0x7FFF, v12;
	[tilespmem:s6+$0x14DE0] =	vst @!p0 v13  }
0x12d: {  	[tilespmem:s6+$0x14FE0] =	vst @!p0 v12  }
0x12e: {  	v12 =	vld @!p0 [tilespmem:s4+$0x145F0];
	_ =	sdelay $0x4  }
0x12f: {  	v13 =	vshrl.u32 @!p0 v12, $0xF  }
0x130: {  	v12 =	vand.u32 @!p0 $0x7FFF, v12;
	[tilespmem:s6+$0x14DF0] =	vst @!p0 v13  }
0x131: {  	[tilespmem:s6+$0x14FF0] =	vst @!p0 v12  }
0x132: {  	v12 =	vld @!p0 [tilespmem:s4+$0x14600];
	_ =	sdelay $0x4  }
0x133: {  	v13 =	vshrl.u32 @!p0 v12, $0xF  }
0x134: {  	v12 =	vand.u32 @!p0 $0x7FFF, v12;
	[tilespmem:s6+$0x14E00] =	vst @!p0 v13  }
0x135: {  	s10 =	simm.s32 @!p0 $0x16590;
	s8 =	simm.s32 @!p0 $0x80;
	s4 =	sadd.s32 @!p0 $0x14D90, s6;
	[tilespmem:s6+$0x15000] =	vst @!p0 v12  }
0x136: {  	[tilespmem:s10], [sflag:$0x3] =	stream.indirect.gather @!p0 [hbm4b:s19+s8], $0x28, s4, s8, $0xb8;
	[tilespmem:$0x1BAB0] =	vst v63  }
0x137: {  	s4 =	sadd.s32 @!p0 $0x14F90, s6;
	s6 =	simm.s32 @!p0 $0x17D90  }
0x138: {  	[tilespmem:s6], [sflag:$0x3] =	stream.indirect.gather @!p0 [hbm4b:s20+s8], $0x8, s4, s8, $0xb8;
	[tilespmem:$0x1BAB0] =	vst v63  }
.LBB2_18:
0x139: {  	s2 =	sadd.s32 $0x1, s2  }
0x13a: {  	p0 =	sne.s32 s2, s16  }
.Ltmp7:
0x13b: {  	_ = 	snop;
	(pc) =	sbr.rel @!p0 .LBB2_19-.Ltmp7, $1  }
0x13c: {  	_ =	sdelay $0x3  }
.LBB2_7:
0x13d: {  	s6 =	sand.u32 $0x1, s2  }
0x13e: {  	p0 =	seq.s32 s6, $0x1  }
.Ltmp8:
0x13f: {  	_ = 	snop;
	(pc) =	sbr.rel @p0 .LBB2_13-.Ltmp8, $3  }
0x140: {  	_ =	sdelay $0x1  }
0x141: {  	s28 =	sadd.s32 $0x2, s2  }
0x142: {  	s26 =	sadd.s32 s15, s2;
	s30 =	sand.u32 $0x3, s2;
	s29 =	sand.u32 $0x3, s28  }
0x143: {  	s4 =	simm.s32 $0x0  }
0x144: {  	_ =	swait.ge [sflag:s18], $0x1400;
	v12 =	vor.u32 s4, v0  }
0x145: {  	[sflag:s18] =	ssyncset.done $0x0;
	v13 =	vmul.u32 $0x28, v12;
	v14 =	vshll.u32 v12, $0x3  }
0x146: {  	[sflag:s18] =	ssyncadd.s32 $0xFFFFEC00;
	v16 =	vor.u32 $0x1, v14  }
0x147: {  	_ =	swait.ge [sflag:s18], $0x400;
	v15 =	vadd.s32 $0x20, v13  }
0x148: {  	v13 =	vadd.s32 $0x21, v13;
	[sflag:s18] =	ssyncset.done $0x0  }
0x149: {  	[sflag:s18] =	ssyncadd.s32 $0xFFFFFC00  }
0x14a: {  	v14 =	vld.idx.msk [tilespmem:v14+s7+$0x0], $0xffff  }
0x14b: {  	v16 =	vld.idx.msk [tilespmem:v16+s7+$0x0], $0xffff  }
0x14c: {  	v15 =	vld.idx.msk [tilespmem:v15+s3+$0x0], $0xffff  }
0x14d: {  	v13 =	vld.idx.msk [tilespmem:v13+s3+$0x0], $0xffff;
	_ =	sdelay $0x3  }
0x14e: {  	v14 =	vadd.f32 v14, v15  }
0x14f: {  	v13 =	vadd.f32 v16, v13  }
0x150: {  	v15 =	vmul.f32 $2.000000030e-01, v14  }
0x151: {  	vm1 =	vgt.f32 v14, $0.0e+00;
	v16 =	vmul.f32 $2.000000030e-01, v13  }
0x152: {  	v14 =	vsel vm1, v14, v15;
	vm1 =	vgt.f32 v13, $0.0e+00  }
0x153: {  	v14 =	vsub.f32 v14, v10;
	v13 =	vsel vm1, v13, v16  }
0x154: {  	v13 =	vsub.f32 v13, v11  }
0x155: {  	v14 =	vmul.f32 $1.442695020e+00, v14  }
0x156: {  	v13 =	vmul.f32 $1.442695020e+00, v13  }
0x157: {  	(erf) = vpow2.f32 v14  }
0x158: {  	(erf) = vpow2.f32 v13;
	_ =	sdelay $0x3  }
0x159: {  	s25 =	simm.s32 $0x10;
	v12 =	vmul.u32 $0x38, v12  }
0x15a: {  	v13 =	vor.u32 s25, v0  }
0x15b: {  	v14 =	vadd.s32 $0x30, v12;
	v15 =	vmul.u32 $0x28, v13  }
0x15c: {  	v12 =	vadd.s32 $0x31, v12  }
0x15d: {  	s4 =	simm.s32 $0x1B9A0;
	v16 =	vadd.s32 $0x20, v15;
	v17 =	vpop (erf)  }
0x15e: {  	s8 =	simm.s32 $0x1BA20;
	v18 =	vshll.u32 v13, $0x3;
	[tilespmem:s4+$0xFFFFFFF0] =	vst v17;
	v19 =	vpop (erf)  }
0x15f: {  	[tilespmem:s8+$0xFFFFFFF0] =	vst v19  }
0x160: {  	[tilespmem:v14+s22+$0x0] =	vst.idx.msk $0xffff, v17  }
0x161: {  	[tilespmem:v12+s22+$0x0] =	vst.idx.msk $0xffff, v19  }
0x162: {  	v12 =	vld.idx.msk [tilespmem:v16+s3+$0x0], $0xffff  }
0x163: {  	v14 =	vld.idx.msk [tilespmem:v18+s7+$0x0], $0xffff  }
0x164: {  	v15 =	vadd.s32 $0x21, v15  }
0x165: {  	v16 =	vor.u32 $0x1, v18;
	_ =	sdelay $0x2  }
0x166: {  	v12 =	vadd.f32 v14, v12  }
0x167: {  	v15 =	vld.idx.msk [tilespmem:v15+s3+$0x0], $0xffff  }
0x168: {  	v14 =	vld.idx.msk [tilespmem:v16+s7+$0x0], $0xffff;
	v16 =	vmul.f32 $2.000000030e-01, v12  }
0x169: {  	vm1 =	vgt.f32 v12, $0.0e+00  }
0x16a: {  	v12 =	vsel vm1, v12, v16  }
0x16b: {  	v12 =	vsub.f32 v12, v10;
	_ =	sdelay $0x1  }
0x16c: {  	v14 =	vadd.f32 v14, v15;
	v12 =	vmul.f32 $1.442695020e+00, v12;
	_ =	sdelay $0x1  }
0x16d: {  	(erf) = vpow2.f32 v12;
	v12 =	vmul.f32 $2.000000030e-01, v14  }
0x16e: {  	vm1 =	vgt.f32 v14, $0.0e+00  }
0x16f: {  	v12 =	vsel vm1, v14, v12  }
0x170: {  	v12 =	vsub.f32 v12, v11;
	_ =	sdelay $0x1  }
0x171: {  	v12 =	vmul.f32 $1.442695020e+00, v12;
	_ =	sdelay $0x1  }
0x172: {  	(erf) = vpow2.f32 v12;
	_ =	sdelay $0x3  }
0x173: {  	s10 =	simm.s32 $0x20;
	v13 =	vmul.u32 $0x38, v13  }
0x174: {  	v12 =	vor.u32 s10, v0  }
0x175: {  	v14 =	vadd.s32 $0x30, v13;
	v13 =	vadd.s32 $0x31, v13;
	v15 =	vshll.u32 v12, $0x3;
	v17 =	vpop (erf)  }
0x176: {  	s31 =	simm.s32 $0x40;
	s17 =	simm.s32 $0x1BA20;
	v18 =	vmul.u32 $0x28, v12;
	v12 =	vmul.u32 $0x38, v12;
	v16 =	vor.u32 $0x1, v15;
	[tilespmem:s4+$0x0] =	vst v17  }
.LBB2_9:
0x177: {  	s4 =	sadd.s32 $0x20, s4  }
0x178: {  	v19 =	vadd.s32 $0x20, v18;
	s8 =	sadd.s32 $0x20, s8;
	v20 =	vpop (erf);
	s24 =	smov.u32 s31;
	s25 =	sadd.s32 $0x20, s31  }
0x179: {  	p0 =	sne.s32 s31, $0x60;
	v18 =	vadd.s32 $0x21, v18;
	[tilespmem:s17+$0x0] =	vst v20;
	s17 =	smov.u32 s8  }
0x17a: {  	[tilespmem:v14+s22+$0x0] =	vst.idx.msk $0xffff, v17  }
0x17b: {  	[tilespmem:v13+s22+$0x0] =	vst.idx.msk $0xffff, v20  }
0x17c: {  	v13 =	vld.idx.msk [tilespmem:v15+s7+$0x0], $0xffff  }
0x17d: {  	v14 =	vld.idx.msk [tilespmem:v19+s3+$0x0], $0xffff  }
0x17e: {  	v15 =	vld.idx.msk [tilespmem:v18+s3+$0x0], $0xffff  }
0x17f: {  	v16 =	vld.idx.msk [tilespmem:v16+s7+$0x0], $0xffff;
	_ =	sdelay $0x3  }
0x180: {  	v13 =	vadd.f32 v13, v14;
	_ =	sdelay $0x1  }
0x181: {  	v14 =	vadd.f32 v16, v15;
	v15 =	vmul.f32 $2.000000030e-01, v13  }
0x182: {  	vm1 =	vgt.f32 v13, $0.0e+00  }
0x183: {  	v13 =	vsel vm1, v13, v15;
	v15 =	vmul.f32 $2.000000030e-01, v14  }
0x184: {  	vm1 =	vgt.f32 v14, $0.0e+00;
	v13 =	vsub.f32 v13, v10  }
0x185: {  	v14 =	vsel vm1, v14, v15  }
0x186: {  	v13 =	vmul.f32 $1.442695020e+00, v13;
	v14 =	vsub.f32 v14, v11;
	_ =	sdelay $0x1  }
0x187: {  	v14 =	vmul.f32 $1.442695020e+00, v14  }
0x188: {  	(erf) = vpow2.f32 v13  }
0x189: {  	(erf) = vpow2.f32 v14;
	_ =	sdelay $0x3  }
0x18a: {  	s31 =	sadd.s32 $0x10, s10;
	s10 =	smov.u32 s24  }
0x18b: {  	v13 =	vor.u32 s31, v0  }
0x18c: {  	v14 =	vadd.s32 $0x30, v12;
	v15 =	vmul.u32 $0x28, v13;
	v16 =	vmul.u32 $0x38, v13  }
0x18d: {  	v12 =	vadd.s32 $0x31, v12  }
0x18e: {  	v17 =	vadd.s32 $0x20, v15;
	v18 =	vpop (erf)  }
0x18f: {  	v13 =	vshll.u32 v13, $0x3;
	[tilespmem:s4+$0xFFFFFFF0] =	vst v18;
	v19 =	vpop (erf)  }
0x190: {  	v20 =	vor.u32 $0x1, v13;
	[tilespmem:s8+$0xFFFFFFF0] =	vst v19  }
0x191: {  	[tilespmem:v14+s22+$0x0] =	vst.idx.msk $0xffff, v18;
	v14 =	vadd.s32 $0x21, v15  }
0x192: {  	[tilespmem:v12+s22+$0x0] =	vst.idx.msk $0xffff, v19  }
0x193: {  	v12 =	vld.idx.msk [tilespmem:v17+s3+$0x0], $0xffff  }
0x194: {  	v13 =	vld.idx.msk [tilespmem:v13+s7+$0x0], $0xffff  }
0x195: {  	v15 =	vld.idx.msk [tilespmem:v20+s7+$0x0], $0xffff  }
0x196: {  	v14 =	vld.idx.msk [tilespmem:v14+s3+$0x0], $0xffff;
	_ =	sdelay $0x3  }
0x197: {  	v12 =	vadd.f32 v13, v12;
	_ =	sdelay $0x1  }
0x198: {  	v13 =	vadd.f32 v15, v14;
	v14 =	vmul.f32 $2.000000030e-01, v12  }
0x199: {  	vm1 =	vgt.f32 v12, $0.0e+00  }
0x19a: {  	v12 =	vsel vm1, v12, v14;
	v14 =	vmul.f32 $2.000000030e-01, v13  }
0x19b: {  	vm1 =	vgt.f32 v13, $0.0e+00;
	v12 =	vsub.f32 v12, v10  }
0x19c: {  	v13 =	vsel vm1, v13, v14  }
0x19d: {  	v12 =	vmul.f32 $1.442695020e+00, v12;
	v13 =	vsub.f32 v13, v11;
	_ =	sdelay $0x1  }
0x19e: {  	v13 =	vmul.f32 $1.442695020e+00, v13;
	(erf) = vpow2.f32 v12;
	_ =	sdelay $0x1  }
0x19f: {  	(erf) = vpow2.f32 v13;
	_ =	sdelay $0x3  }
.Ltmp9:
0x1a0: {  	(pc) =	sbr.rel @p0 .LBB2_9-.Ltmp9, $4  }
0x1a1: {  	_ = 	snop  }
0x1a2: {  	v14 =	vadd.s32 $0x30, v16;
	v12 =	vor.u32 s10, v0;
	v13 =	vadd.s32 $0x31, v16  }
0x1a3: {  	v18 =	vmul.u32 $0x28, v12;
	v15 =	vshll.u32 v12, $0x3;
	v12 =	vmul.u32 $0x38, v12;
	v17 =	vpop (erf)  }
0x1a4: {  	s31 =	smov.u32 s25;
	v16 =	vor.u32 $0x1, v15;
	[tilespmem:s4+$0x0] =	vst v17  }
0x1a5: {  	_ =	sdelay $0x1  }
0x1a6: {  	v20 =	vpop (erf)  }
0x1a7: {  	v19 =	vadd.s32 $0x20, v18;
	[tilespmem:s17+$0x0] =	vst v20  }
0x1a8: {  	v54 =	vadd.s32 $0x21, v18;
	[tilespmem:v14+s22+$0x0] =	vst.idx.msk $0xffff, v17  }
0x1a9: {  	[tilespmem:v13+s22+$0x0] =	vst.idx.msk $0xffff, v20  }
0x1aa: {  	v13 =	vld.idx.msk [tilespmem:v15+s7+$0x0], $0xffff  }
0x1ab: {  	v16 =	vld.idx.msk [tilespmem:v16+s7+$0x0], $0xffff  }
0x1ac: {  	v14 =	vld.idx.msk [tilespmem:v19+s3+$0x0], $0xffff  }
0x1ad: {  	v15 =	vld.idx.msk [tilespmem:v54+s3+$0x0], $0xffff;
	_ =	sdelay $0x3  }
0x1ae: {  	v13 =	vadd.f32 v13, v14  }
0x1af: {  	v14 =	vadd.f32 v16, v15  }
0x1b0: {  	v15 =	vmul.f32 $2.000000030e-01, v13  }
0x1b1: {  	vm1 =	vgt.f32 v13, $0.0e+00;
	v16 =	vmul.f32 $2.000000030e-01, v14  }
0x1b2: {  	v13 =	vsel vm1, v13, v15;
	vm1 =	vgt.f32 v14, $0.0e+00  }
0x1b3: {  	v13 =	vsub.f32 v13, v10;
	v14 =	vsel vm1, v14, v16  }
0x1b4: {  	v14 =	vsub.f32 v14, v11  }
0x1b5: {  	v13 =	vmul.f32 $1.442695020e+00, v13  }
0x1b6: {  	v14 =	vmul.f32 $1.442695020e+00, v14  }
0x1b7: {  	(erf) = vpow2.f32 v13  }
0x1b8: {  	(erf) = vpow2.f32 v14;
	_ =	sdelay $0x3  }
0x1b9: {  	s10 =	sadd.s32 $0x10, s10  }
0x1ba: {  	v13 =	vor.u32 s10, v0  }
0x1bb: {  	v14 =	vadd.s32 $0x30, v12;
	v15 =	vmul.u32 $0x28, v13  }
0x1bc: {  	v12 =	vadd.s32 $0x31, v12  }
0x1bd: {  	s4 =	sadd.s32 $0x20, s4;
	v55 =	vadd.s32 $0x20, v15;
	v56 =	vpop (erf)  }
0x1be: {  	s8 =	sadd.s32 $0x20, s8;
	v57 =	vshll.u32 v13, $0x3;
	[tilespmem:s4+$0xFFFFFFF0] =	vst v56;
	v58 =	vpop (erf)  }
0x1bf: {  	v59 =	vor.u32 $0x1, v57;
	[tilespmem:s8+$0xFFFFFFF0] =	vst v58  }
0x1c0: {  	[tilespmem:v14+s22+$0x0] =	vst.idx.msk $0xffff, v56;
	v14 =	vadd.s32 $0x21, v15  }
0x1c1: {  	[tilespmem:v12+s22+$0x0] =	vst.idx.msk $0xffff, v58  }
0x1c2: {  	v12 =	vld.idx.msk [tilespmem:v55+s3+$0x0], $0xffff  }
0x1c3: {  	v15 =	vld.idx.msk [tilespmem:v57+s7+$0x0], $0xffff  }
0x1c4: {  	v60 =	vld.idx.msk [tilespmem:v59+s7+$0x0], $0xffff  }
0x1c5: {  	v14 =	vld.idx.msk [tilespmem:v14+s3+$0x0], $0xffff;
	_ =	sdelay $0x3  }
0x1c6: {  	v12 =	vadd.f32 v15, v12  }
0x1c7: {  	v14 =	vadd.f32 v60, v14  }
0x1c8: {  	v15 =	vmul.f32 $2.000000030e-01, v12  }
0x1c9: {  	vm1 =	vgt.f32 v12, $0.0e+00;
	v16 =	vmul.f32 $2.000000030e-01, v14  }
0x1ca: {  	v12 =	vsel vm1, v12, v15;
	vm1 =	vgt.f32 v14, $0.0e+00  }
0x1cb: {  	v12 =	vsub.f32 v12, v10;
	v14 =	vsel vm1, v14, v16  }
0x1cc: {  	v14 =	vsub.f32 v14, v11  }
0x1cd: {  	v12 =	vmul.f32 $1.442695020e+00, v12  }
0x1ce: {  	v14 =	vmul.f32 $1.442695020e+00, v14  }
0x1cf: {  	(erf) = vpow2.f32 v12  }
0x1d0: {  	(erf) = vpow2.f32 v14;
	_ =	sdelay $0x3  }
0x1d1: {  	v12 =	vmul.u32 $0x38, v13;
	_ =	sdelay $0x1  }
0x1d2: {  	v13 =	vadd.s32 $0x30, v12  }
0x1d3: {  	v12 =	vadd.s32 $0x31, v12  }
0x1d4: {  	s17 =	simm.s32 $0x0;
	v14 =	vpop (erf)  }
0x1d5: {  	v61 =	vmov s17;
	[tilespmem:s4+$0x0] =	vst v14;
	v15 =	vpop (erf)  }
0x1d6: {  	v16 =	vand.u32 $0xFFFFFFFC, v61;
	[tilespmem:s8+$0x0] =	vst v15  }
0x1d7: {  	p0 =	slt.u32 s26, $0x2;
	[tilespmem:v13+s22+$0x0] =	vst.idx.msk $0xffff, v14;
	v13 =	vbroadcast v16, $0x0  }
0x1d8: {  	s4 =	simm.s32 @!p0 $0x4;
	[tilespmem:v12+s22+$0x0] =	vst.idx.msk $0xffff, v15  }
0x1d9: {  	_ =	swait.ge @!p0 [sflag:s4], $0x1C00  }
0x1da: {  	[sflag:s4] =	ssyncset.done @!p0 $0x0  }
0x1db: {  	s8 =	simm.s32 $0x151E0;
	[sflag:s4] =	ssyncadd.s32 @!p0 $0xFFFFE400  }
0x1dc: {  	v12 =	vld [tilespmem:s8+$0xFFFFFFB0]  }
0x1dd: {  	v14 =	vld.idx.msk [tilespmem:v13+s13+$0x0], $0xffff  }
0x1de: {  	v13 =	vld.idx.msk [tilespmem:v13+s14+$0x0], $0xffff;
	_ =	sdelay $0x3  }
0x1df: {  	v15 =	vshll.u32 v12, $0x10  }
0x1e0: {  	v12 =	vand.u32 $0xFFFF0000, v12;
	v15 =	vmul.f32 v15, v14;
	v14 =	vsel vm0, v14, v13  }
0x1e1: {  	s25 =	simm.s32 $0x18200;
	v12 =	vmul.f32 v12, v14  }
0x1e2: {  	[tilespmem:s25+$0xFFFFFF90] =	vst v15  }
0x1e3: {  	[tilespmem:s25+$0xFFFFFFA0] =	vst v12  }
0x1e4: {  	s21 =	simm.s32 $0x1;
	v12 =	vld [tilespmem:s8+$0xFFFFFFC0]  }
0x1e5: {  	v14 =	vmov s21  }
0x1e6: {  	v14 =	vand.u32 $0xFFFFFFFD, v14  }
0x1e7: {  	v14 =	vbroadcast v14, $0x0;
	_ =	sdelay $0x1  }
0x1e8: {  	v12 =	vmul.f32 v12, v13;
	_ =	sdelay $0x1  }
0x1e9: {  	[tilespmem:s25+$0xFFFFFFB0] =	vst v12  }
0x1ea: {  	v12 =	vld [tilespmem:s8+$0xFFFFFFD8]  }
0x1eb: {  	v13 =	vld.idx.msk [tilespmem:v14+s13+$0x0], $0xffff  }
0x1ec: {  	v14 =	vld.idx.msk [tilespmem:v14+s14+$0x0], $0xffff;
	_ =	sdelay $0x3  }
0x1ed: {  	v15 =	vshll.u32 v12, $0x10  }
0x1ee: {  	v12 =	vand.u32 $0xFFFF0000, v12;
	v15 =	vmul.f32 v15, v13;
	v13 =	vsel vm0, v13, v14  }
0x1ef: {  	v12 =	vmul.f32 v12, v13  }
0x1f0: {  	[tilespmem:s25+$0xFFFFFFC8] =	vst v15  }
0x1f1: {  	s24 =	simm.s32 $0x2;
	[tilespmem:s25+$0xFFFFFFD8] =	vst v12  }
0x1f2: {  	v13 =	vmov s24;
	v12 =	vld [tilespmem:s8+$0xFFFFFFE8]  }
0x1f3: {  	v13 =	vand.u32 $0xFFFFFFFE, v13  }
0x1f4: {  	v13 =	vbroadcast v13, $0x0;
	_ =	sdelay $0x2  }
0x1f5: {  	v12 =	vmul.f32 v12, v14;
	_ =	sdelay $0x1  }
0x1f6: {  	[tilespmem:s25+$0xFFFFFFE8] =	vst v12  }
0x1f7: {  	v12 =	vld.idx.msk [tilespmem:v13+s13+$0x0], $0xffff  }
0x1f8: {  	v13 =	vld.idx.msk [tilespmem:v13+s14+$0x0], $0xffff  }
0x1f9: {  	v14 =	vld [tilespmem:s8+$0x0];
	_ =	sdelay $0x4  }
0x1fa: {  	v15 =	vsel vm0, v12, v13;
	v62 =	vand.u32 $0xFFFF0000, v14  }
0x1fb: {  	v14 =	vshll.u32 v14, $0x10;
	v15 =	vmul.f32 v62, v15  }
0x1fc: {  	v12 =	vmul.f32 v14, v12  }
0x1fd: {  	[tilespmem:s25+$0x10] =	vst v15  }
0x1fe: {  	[tilespmem:s25+$0x0] =	vst v12  }
0x1ff: {  	v12 =	vld [tilespmem:s8+$0x10];
	_ =	sdelay $0x1  }
0x200: {  	s31 =	simm.s32 $0x3  }
0x201: {  	v14 =	vmov s31;
	_ =	sdelay $0x1  }
0x202: {  	v12 =	vmul.f32 v12, v13;
	_ =	sdelay $0x1  }
0x203: {  	[tilespmem:s25+$0x20] =	vst v12  }
0x204: {  	v13 =	vld.idx.msk [tilespmem:v14+s13+$0x0], $0xffff  }
0x205: {  	v12 =	vld.idx.msk [tilespmem:v14+s14+$0x0], $0xffff  }
0x206: {  	v14 =	vld [tilespmem:s8+$0x28];
	_ =	sdelay $0x4  }
0x207: {  	v15 =	vsel vm0, v13, v12;
	v63 =	vand.u32 $0xFFFF0000, v14  }
0x208: {  	v14 =	vshll.u32 v14, $0x10;
	v15 =	vmul.f32 v63, v15  }
0x209: {  	v13 =	vmul.f32 v14, v13  }
0x20a: {  	[tilespmem:s25+$0x48] =	vst v15  }
0x20b: {  	s17 =	simm.s32 $0xB;
	s10 =	simm.s32 $0x182E0;
	s4 =	simm.s32 $0x7;
	[tilespmem:s25+$0x38] =	vst v13  }
.LBB2_11:
0x20c: {  	s21 =	sadd.s32 $0xFFFFFFFD, s4  }
0x20d: {  	v13 =	vld [tilespmem:s8+$0x38];
	s8 =	sadd.s32 $0xA0, s8;
	s31 =	smov.u32 s17;
	s24 =	sadd.s32 $0x4, s17  }
0x20e: {  	p0 =	sne.s32 s17, $0x7F;
	v14 =	vmov s21  }
0x20f: {  	v14 =	vand.u32 $0xFFFFFFFC, v14  }
0x210: {  	v14 =	vbroadcast v14, $0x0;
	_ =	sdelay $0x1  }
0x211: {  	v12 =	vmul.f32 v13, v12;
	_ =	sdelay $0x1  }
0x212: {  	[tilespmem:s25+$0x58] =	vst v12;
	s25 =	smov.u32 s10  }
0x213: {  	v12 =	vld [tilespmem:s8+$0xFFFFFFB0]  }
0x214: {  	v13 =	vld.idx.msk [tilespmem:v14+s13+$0x0], $0xffff  }
0x215: {  	v14 =	vld.idx.msk [tilespmem:v14+s14+$0x0], $0xffff;
	_ =	sdelay $0x3  }
0x216: {  	v15 =	vshll.u32 v12, $0x10  }
0x217: {  	v12 =	vand.u32 $0xFFFF0000, v12;
	v15 =	vmul.f32 v15, v13  }
0x218: {  	v13 =	vsel vm0, v13, v14  }
0x219: {  	v12 =	vmul.f32 v12, v13  }
0x21a: {  	[tilespmem:s10+$0xFFFFFF90] =	vst v15  }
0x21b: {  	[tilespmem:s10+$0xFFFFFFA0] =	vst v12  }
0x21c: {  	s17 =	sadd.s32 $0xFFFFFFFE, s4;
	v12 =	vld [tilespmem:s8+$0xFFFFFFC0]  }
0x21d: {  	v13 =	vmov s17  }
0x21e: {  	v13 =	vand.u32 $0xFFFFFFFD, v13  }
0x21f: {  	v13 =	vbroadcast v13, $0x0;
	_ =	sdelay $0x1  }
0x220: {  	v12 =	vmul.f32 v12, v14;
	_ =	sdelay $0x1  }
0x221: {  	[tilespmem:s10+$0xFFFFFFB0] =	vst v12  }
0x222: {  	v12 =	vld [tilespmem:s8+$0xFFFFFFD8]  }
0x223: {  	v14 =	vld.idx.msk [tilespmem:v13+s13+$0x0], $0xffff  }
0x224: {  	v13 =	vld.idx.msk [tilespmem:v13+s14+$0x0], $0xffff;
	_ =	sdelay $0x2  }
0x225: {  	v15 =	vshll.u32 v12, $0x10;
	v12 =	vand.u32 $0xFFFF0000, v12;
	_ =	sdelay $0x1  }
0x226: {  	v15 =	vmul.f32 v15, v14  }
0x227: {  	v14 =	vsel vm0, v14, v13  }
0x228: {  	v12 =	vmul.f32 v12, v14  }
0x229: {  	[tilespmem:s10+$0xFFFFFFC8] =	vst v15  }
0x22a: {  	s17 =	sadd.s32 $0xFFFFFFFF, s4;
	[tilespmem:s10+$0xFFFFFFD8] =	vst v12  }
0x22b: {  	v14 =	vmov s17;
	v12 =	vld [tilespmem:s8+$0xFFFFFFE8]  }
0x22c: {  	v14 =	vand.u32 $0xFFFFFFFE, v14  }
0x22d: {  	v14 =	vbroadcast v14, $0x0;
	_ =	sdelay $0x2  }
0x22e: {  	v12 =	vmul.f32 v12, v13;
	_ =	sdelay $0x1  }
0x22f: {  	[tilespmem:s10+$0xFFFFFFE8] =	vst v12  }
0x230: {  	v12 =	vld.idx.msk [tilespmem:v14+s13+$0x0], $0xffff  }
0x231: {  	v13 =	vld.idx.msk [tilespmem:v14+s14+$0x0], $0xffff  }
0x232: {  	v14 =	vld [tilespmem:s8+$0x0];
	_ =	sdelay $0x4  }
0x233: {  	v15 =	vsel vm0, v12, v13;
	v16 =	vshll.u32 v14, $0x10;
	v14 =	vand.u32 $0xFFFF0000, v14  }
0x234: {  	v12 =	vmul.f32 v16, v12;
	v14 =	vmul.f32 v14, v15;
	_ =	sdelay $0x1  }
0x235: {  	[tilespmem:s10+$0x10] =	vst v14  }
0x236: {  	[tilespmem:s10+$0x0] =	vst v12  }
0x237: {  	v12 =	vld [tilespmem:s8+$0x10];
	_ =	sdelay $0x2  }
0x238: {  	v14 =	vmov s4;
	s4 =	smov.u32 s31;
	_ =	sdelay $0x1  }
0x239: {  	v12 =	vmul.f32 v12, v13;
	_ =	sdelay $0x1  }
0x23a: {  	[tilespmem:s10+$0x20] =	vst v12  }
0x23b: {  	v13 =	vld.idx.msk [tilespmem:v14+s13+$0x0], $0xffff  }
0x23c: {  	v12 =	vld.idx.msk [tilespmem:v14+s14+$0x0], $0xffff  }
0x23d: {  	v14 =	vld [tilespmem:s8+$0x28];
	_ =	sdelay $0x4  }
.Ltmp10:
0x23e: {  	v15 =	vsel vm0, v13, v12;
	v16 =	vshll.u32 v14, $0x10;
	v14 =	vand.u32 $0xFFFF0000, v14;
	(pc) =	sbr.rel @p0 .LBB2_11-.Ltmp10, $3  }
0x23f: {  	v13 =	vmul.f32 v16, v13;
	v14 =	vmul.f32 v14, v15;
	_ =	sdelay $0x1  }
0x240: {  	[tilespmem:s10+$0x48] =	vst v14  }
0x241: {  	s17 =	smov.u32 s24;
	s10 =	sadd.s32 $0xE0, s10;
	[tilespmem:s25+$0x38] =	vst v13  }
0x242: {  	s17 =	sadd.s32 $0xFFFFFFFD, s4;
	v13 =	vld [tilespmem:s8+$0x38]  }
0x243: {  	v14 =	vmov s17  }
0x244: {  	v14 =	vand.u32 $0xFFFFFFFC, v14  }
0x245: {  	v14 =	vbroadcast v14, $0x0;
	_ =	sdelay $0x1  }
0x246: {  	v12 =	vmul.f32 v13, v12;
	_ =	sdelay $0x1  }
0x247: {  	s21 =	sadd.s32 $0xA0, s8;
	[tilespmem:s25+$0x58] =	vst v12  }
0x248: {  	v12 =	vld [tilespmem:s21+$0xFFFFFFB0]  }
0x249: {  	v51 =	vld.idx.msk [tilespmem:v14+s13+$0x0], $0xffff  }
0x24a: {  	v14 =	vld.idx.msk [tilespmem:v14+s14+$0x0], $0xffff;
	_ =	sdelay $0x3  }
0x24b: {  	v15 =	vshll.u32 v12, $0x10  }
0x24c: {  	v12 =	vand.u32 $0xFFFF0000, v12;
	v15 =	vmul.f32 v15, v51;
	v13 =	vsel vm0, v51, v14  }
0x24d: {  	v12 =	vmul.f32 v12, v13  }
0x24e: {  	[tilespmem:s10+$0xFFFFFF90] =	vst v15  }
0x24f: {  	[tilespmem:s10+$0xFFFFFFA0] =	vst v12  }
0x250: {  	s24 =	sadd.s32 $0xFFFFFFFE, s4;
	v12 =	vld [tilespmem:s21+$0xFFFFFFC0]  }
0x251: {  	v52 =	vmov s24  }
0x252: {  	v13 =	vand.u32 $0xFFFFFFFD, v52  }
0x253: {  	v13 =	vbroadcast v13, $0x0;
	_ =	sdelay $0x1  }
0x254: {  	v12 =	vmul.f32 v12, v14;
	_ =	sdelay $0x1  }
0x255: {  	[tilespmem:s10+$0xFFFFFFB0] =	vst v12  }
0x256: {  	v12 =	vld [tilespmem:s21+$0xFFFFFFD8]  }
0x257: {  	v53 =	vld.idx.msk [tilespmem:v13+s13+$0x0], $0xffff  }
0x258: {  	v13 =	vld.idx.msk [tilespmem:v13+s14+$0x0], $0xffff;
	_ =	sdelay $0x3  }
0x259: {  	v54 =	vshll.u32 v12, $0x10  }
0x25a: {  	v12 =	vand.u32 $0xFFFF0000, v12;
	v14 =	vsel vm0, v53, v13;
	v15 =	vmul.f32 v54, v53  }
0x25b: {  	v12 =	vmul.f32 v12, v14  }
0x25c: {  	[tilespmem:s10+$0xFFFFFFC8] =	vst v15  }
0x25d: {  	s25 =	sadd.s32 $0xFFFFFFFF, s4;
	[tilespmem:s10+$0xFFFFFFD8] =	vst v12  }
0x25e: {  	v55 =	vmov s25;
	v12 =	vld [tilespmem:s21+$0xFFFFFFE8]  }
0x25f: {  	v14 =	vand.u32 $0xFFFFFFFE, v55  }
0x260: {  	v14 =	vbroadcast v14, $0x0;
	_ =	sdelay $0x2  }
0x261: {  	v12 =	vmul.f32 v12, v13;
	_ =	sdelay $0x1  }
0x262: {  	[tilespmem:s10+$0xFFFFFFE8] =	vst v12  }
0x263: {  	v12 =	vld.idx.msk [tilespmem:v14+s13+$0x0], $0xffff  }
0x264: {  	v56 =	vld.idx.msk [tilespmem:v14+s14+$0x0], $0xffff  }
0x265: {  	v57 =	vld [tilespmem:s21+$0x0];
	_ =	sdelay $0x4  }
0x266: {  	v58 =	vsel vm0, v12, v56;
	v16 =	vand.u32 $0xFFFF0000, v57  }
0x267: {  	v14 =	vshll.u32 v57, $0x10;
	v15 =	vmul.f32 v16, v58  }
0x268: {  	v12 =	vmul.f32 v14, v12  }
0x269: {  	[tilespmem:s10+$0x10] =	vst v15  }
0x26a: {  	[tilespmem:s10+$0x0] =	vst v12  }
0x26b: {  	v12 =	vld [tilespmem:s21+$0x10];
	_ =	sdelay $0x2  }
0x26c: {  	v59 =	vmov s4;
	_ =	sdelay $0x1  }
0x26d: {  	v12 =	vmul.f32 v12, v56;
	_ =	sdelay $0x1  }
0x26e: {  	[tilespmem:s10+$0x20] =	vst v12  }
0x26f: {  	v12 =	vld.idx.msk [tilespmem:v59+s13+$0x0], $0xffff  }
0x270: {  	v60 =	vld.idx.msk [tilespmem:v59+s14+$0x0], $0xffff  }
0x271: {  	v61 =	vld [tilespmem:s21+$0x28];
	_ =	sdelay $0x4  }
0x272: {  	v62 =	vsel vm0, v12, v60;
	v63 =	vand.u32 $0xFFFF0000, v61  }
0x273: {  	v14 =	vshll.u32 v61, $0x10;
	v15 =	vmul.f32 v63, v62  }
0x274: {  	v12 =	vmul.f32 v14, v12  }
0x275: {  	[tilespmem:s10+$0x48] =	vst v15  }
0x276: {  	[tilespmem:s10+$0x38] =	vst v12  }
0x277: {  	v12 =	vld [tilespmem:s21+$0x38];
	_ =	sdelay $0x4  }
0x278: {  	v12 =	vmul.f32 v12, v60  }
0x279: {  	s31 =	sshll.u32 s30, $0x7  }
0x27a: {  	p0 =	sge.u32 s28, s5;
	s4 =	sadd.s32 $0x14F90, s31;
	[tilespmem:s10+$0x58] =	vst v12  }
0x27b: {  	[spmem:s1] =	stream.indirect.scatter.add.f32 [tilespmem:s22], [sflag:$0x4], $0x38, s4, s0, $0xb8;
	[tilespmem:$0x1BAB0] =	vst v63  }
0x27c: {  	s4 =	sshll.u32 @!p0 s28, $0x7  }
0x27d: {  	s4 =	sand.u32 @!p0 $0x3FFFFF80, s4  }
0x27e: {  	v12 =	vld @!p0 [tilespmem:s4+$0x14590];
	_ =	sdelay $0x4  }
0x27f: {  	s8 =	sshll.u32 @!p0 s29, $0x7;
	v13 =	vshrl.u32 @!p0 v12, $0xF  }
0x280: {  	v12 =	vand.u32 @!p0 $0x7FFF, v12;
	[tilespmem:s8+$0x14D90] =	vst @!p0 v13  }
0x281: {  	[tilespmem:s8+$0x14F90] =	vst @!p0 v12  }
0x282: {  	v12 =	vld @!p0 [tilespmem:s4+$0x145A0];
	_ =	sdelay $0x4  }
0x283: {  	v13 =	vshrl.u32 @!p0 v12, $0xF  }
0x284: {  	v12 =	vand.u32 @!p0 $0x7FFF, v12;
	[tilespmem:s8+$0x14DA0] =	vst @!p0 v13  }
0x285: {  	[tilespmem:s8+$0x14FA0] =	vst @!p0 v12  }
0x286: {  	v12 =	vld @!p0 [tilespmem:s4+$0x145B0];
	_ =	sdelay $0x4  }
0x287: {  	v13 =	vshrl.u32 @!p0 v12, $0xF  }
0x288: {  	v12 =	vand.u32 @!p0 $0x7FFF, v12;
	[tilespmem:s8+$0x14DB0] =	vst @!p0 v13  }
0x289: {  	[tilespmem:s8+$0x14FB0] =	vst @!p0 v12  }
0x28a: {  	v12 =	vld @!p0 [tilespmem:s4+$0x145C0];
	_ =	sdelay $0x4  }
0x28b: {  	v13 =	vshrl.u32 @!p0 v12, $0xF  }
0x28c: {  	v12 =	vand.u32 @!p0 $0x7FFF, v12;
	[tilespmem:s8+$0x14DC0] =	vst @!p0 v13  }
0x28d: {  	[tilespmem:s8+$0x14FC0] =	vst @!p0 v12  }
0x28e: {  	v12 =	vld @!p0 [tilespmem:s4+$0x145D0];
	_ =	sdelay $0x4  }
0x28f: {  	v13 =	vshrl.u32 @!p0 v12, $0xF  }
0x290: {  	v12 =	vand.u32 @!p0 $0x7FFF, v12;
	[tilespmem:s8+$0x14DD0] =	vst @!p0 v13  }
0x291: {  	[tilespmem:s8+$0x14FD0] =	vst @!p0 v12  }
0x292: {  	v12 =	vld @!p0 [tilespmem:s4+$0x145E0];
	_ =	sdelay $0x4  }
0x293: {  	v13 =	vshrl.u32 @!p0 v12, $0xF  }
0x294: {  	v12 =	vand.u32 @!p0 $0x7FFF, v12;
	[tilespmem:s8+$0x14DE0] =	vst @!p0 v13  }
0x295: {  	[tilespmem:s8+$0x14FE0] =	vst @!p0 v12  }
0x296: {  	v12 =	vld @!p0 [tilespmem:s4+$0x145F0];
	_ =	sdelay $0x4  }
0x297: {  	v13 =	vshrl.u32 @!p0 v12, $0xF  }
0x298: {  	v12 =	vand.u32 @!p0 $0x7FFF, v12;
	[tilespmem:s8+$0x14DF0] =	vst @!p0 v13  }
0x299: {  	[tilespmem:s8+$0x14FF0] =	vst @!p0 v12  }
0x29a: {  	v12 =	vld @!p0 [tilespmem:s4+$0x14600];
	_ =	sdelay $0x4  }
0x29b: {  	v13 =	vshrl.u32 @!p0 v12, $0xF  }
0x29c: {  	v12 =	vand.u32 @!p0 $0x7FFF, v12;
	[tilespmem:s8+$0x14E00] =	vst @!p0 v13  }
0x29d: {  	s17 =	simm.s32 @!p0 $0x15190;
	s10 =	simm.s32 @!p0 $0x80;
	s4 =	sadd.s32 @!p0 $0x14D90, s8;
	[tilespmem:s8+$0x15000] =	vst @!p0 v12  }
0x29e: {  	[tilespmem:s17], [sflag:$0x2] =	stream.indirect.gather @!p0 [hbm4b:s19+s10], $0x28, s4, s10, $0xb8;
	[tilespmem:$0x1BAB0] =	vst v63  }
0x29f: {  	s4 =	sadd.s32 @!p0 $0x14F90, s8;
	s8 =	simm.s32 @!p0 $0x17990  }
0x2a0: {  	[tilespmem:s8], [sflag:$0x2] =	stream.indirect.gather @!p0 [hbm4b:s20+s10], $0x8, s4, s10, $0xb8;
	[tilespmem:$0x1BAB0] =	vst v63  }
0x2a1: {  	p0 =	seq.s32 s6, $0x0  }
.Ltmp11:
0x2a2: {  	_ = 	snop;
	(pc) =	sbr.rel @p0 .LBB2_18-.Ltmp11, $1  }
0x2a3: {  	_ =	sdelay $0x3  }
.LBB2_13:
0x2a4: {  	s4 =	simm.s32 $0x0  }
0x2a5: {  	_ =	swait.ge [sflag:s12], $0x1400;
	v12 =	vor.u32 s4, v0  }
0x2a6: {  	[sflag:s12] =	ssyncset.done $0x0;
	v13 =	vmul.u32 $0x28, v12;
	v14 =	vshll.u32 v12, $0x3  }
0x2a7: {  	[sflag:s12] =	ssyncadd.s32 $0xFFFFEC00;
	v16 =	vor.u32 $0x1, v14  }
0x2a8: {  	_ =	swait.ge [sflag:s12], $0x400;
	v15 =	vadd.s32 $0x20, v13  }
0x2a9: {  	v13 =	vadd.s32 $0x21, v13;
	[sflag:s12] =	ssyncset.done $0x0  }
0x2aa: {  	[sflag:s12] =	ssyncadd.s32 $0xFFFFFC00  }
0x2ab: {  	v14 =	vld.idx.msk [tilespmem:v14+s11+$0x0], $0xffff  }
0x2ac: {  	v16 =	vld.idx.msk [tilespmem:v16+s11+$0x0], $0xffff  }
0x2ad: {  	v15 =	vld.idx.msk [tilespmem:v15+s9+$0x0], $0xffff  }
0x2ae: {  	v13 =	vld.idx.msk [tilespmem:v13+s9+$0x0], $0xffff;
	_ =	sdelay $0x3  }
0x2af: {  	v14 =	vadd.f32 v14, v15  }
0x2b0: {  	v13 =	vadd.f32 v16, v13  }
0x2b1: {  	v15 =	vmul.f32 $2.000000030e-01, v14  }
0x2b2: {  	vm1 =	vgt.f32 v14, $0.0e+00;
	v16 =	vmul.f32 $2.000000030e-01, v13  }
0x2b3: {  	v14 =	vsel vm1, v14, v15;
	vm1 =	vgt.f32 v13, $0.0e+00  }
0x2b4: {  	v14 =	vsub.f32 v14, v10;
	v13 =	vsel vm1, v13, v16  }
0x2b5: {  	v13 =	vsub.f32 v13, v11  }
0x2b6: {  	v14 =	vmul.f32 $1.442695020e+00, v14  }
0x2b7: {  	v13 =	vmul.f32 $1.442695020e+00, v13  }
0x2b8: {  	(erf) = vpow2.f32 v14  }
0x2b9: {  	(erf) = vpow2.f32 v13;
	_ =	sdelay $0x3  }
0x2ba: {  	s31 =	simm.s32 $0x10;
	v12 =	vmul.u32 $0x38, v12  }
0x2bb: {  	v13 =	vor.u32 s31, v0  }
0x2bc: {  	v14 =	vadd.s32 $0x30, v12;
	v15 =	vmul.u32 $0x28, v13  }
0x2bd: {  	v12 =	vadd.s32 $0x31, v12  }
0x2be: {  	s4 =	simm.s32 $0x1B9A0;
	v16 =	vadd.s32 $0x20, v15;
	v17 =	vpop (erf)  }
0x2bf: {  	s6 =	simm.s32 $0x1BA20;
	v18 =	vshll.u32 v13, $0x3;
	[tilespmem:s4+$0xFFFFFFF0] =	vst v17;
	v19 =	vpop (erf)  }
0x2c0: {  	[tilespmem:s6+$0xFFFFFFF0] =	vst v19  }
0x2c1: {  	[tilespmem:v14+s23+$0x0] =	vst.idx.msk $0xffff, v17  }
0x2c2: {  	[tilespmem:v12+s23+$0x0] =	vst.idx.msk $0xffff, v19  }
0x2c3: {  	v12 =	vld.idx.msk [tilespmem:v16+s9+$0x0], $0xffff  }
0x2c4: {  	v14 =	vld.idx.msk [tilespmem:v18+s11+$0x0], $0xffff  }
0x2c5: {  	v15 =	vadd.s32 $0x21, v15  }
0x2c6: {  	v16 =	vor.u32 $0x1, v18;
	_ =	sdelay $0x2  }
0x2c7: {  	v12 =	vadd.f32 v14, v12  }
0x2c8: {  	v15 =	vld.idx.msk [tilespmem:v15+s9+$0x0], $0xffff  }
0x2c9: {  	v14 =	vld.idx.msk [tilespmem:v16+s11+$0x0], $0xffff;
	v16 =	vmul.f32 $2.000000030e-01, v12  }
0x2ca: {  	vm1 =	vgt.f32 v12, $0.0e+00  }
0x2cb: {  	v12 =	vsel vm1, v12, v16  }
0x2cc: {  	v12 =	vsub.f32 v12, v10;
	_ =	sdelay $0x1  }
0x2cd: {  	v14 =	vadd.f32 v14, v15;
	v12 =	vmul.f32 $1.442695020e+00, v12;
	_ =	sdelay $0x1  }
0x2ce: {  	(erf) = vpow2.f32 v12;
	v12 =	vmul.f32 $2.000000030e-01, v14  }
0x2cf: {  	vm1 =	vgt.f32 v14, $0.0e+00  }
0x2d0: {  	v12 =	vsel vm1, v14, v12  }
0x2d1: {  	v12 =	vsub.f32 v12, v11;
	_ =	sdelay $0x1  }
0x2d2: {  	v12 =	vmul.f32 $1.442695020e+00, v12;
	_ =	sdelay $0x1  }
0x2d3: {  	(erf) = vpow2.f32 v12;
	_ =	sdelay $0x3  }
0x2d4: {  	s8 =	simm.s32 $0x20;
	v13 =	vmul.u32 $0x38, v13  }
0x2d5: {  	v12 =	vor.u32 s8, v0  }
0x2d6: {  	v14 =	vadd.s32 $0x30, v13;
	v13 =	vadd.s32 $0x31, v13;
	v15 =	vshll.u32 v12, $0x3;
	v17 =	vpop (erf)  }
0x2d7: {  	s25 =	simm.s32 $0x40;
	s10 =	simm.s32 $0x1BA20;
	v18 =	vmul.u32 $0x28, v12;
	v12 =	vmul.u32 $0x38, v12;
	v16 =	vor.u32 $0x1, v15;
	[tilespmem:s4+$0x0] =	vst v17  }
.LBB2_14:
0x2d8: {  	s4 =	sadd.s32 $0x20, s4  }
0x2d9: {  	v19 =	vadd.s32 $0x20, v18;
	s6 =	sadd.s32 $0x20, s6;
	v20 =	vpop (erf);
	s21 =	smov.u32 s25;
	s17 =	sadd.s32 $0x20, s25  }
0x2da: {  	p0 =	sne.s32 s25, $0x60;
	v18 =	vadd.s32 $0x21, v18;
	[tilespmem:s10+$0x0] =	vst v20;
	s10 =	smov.u32 s6  }
0x2db: {  	[tilespmem:v14+s23+$0x0] =	vst.idx.msk $0xffff, v17  }
0x2dc: {  	[tilespmem:v13+s23+$0x0] =	vst.idx.msk $0xffff, v20  }
0x2dd: {  	v13 =	vld.idx.msk [tilespmem:v15+s11+$0x0], $0xffff  }
0x2de: {  	v14 =	vld.idx.msk [tilespmem:v19+s9+$0x0], $0xffff  }
0x2df: {  	v15 =	vld.idx.msk [tilespmem:v18+s9+$0x0], $0xffff  }
0x2e0: {  	v16 =	vld.idx.msk [tilespmem:v16+s11+$0x0], $0xffff;
	_ =	sdelay $0x3  }
0x2e1: {  	v13 =	vadd.f32 v13, v14;
	_ =	sdelay $0x1  }
0x2e2: {  	v14 =	vadd.f32 v16, v15;
	v15 =	vmul.f32 $2.000000030e-01, v13  }
0x2e3: {  	vm1 =	vgt.f32 v13, $0.0e+00  }
0x2e4: {  	v13 =	vsel vm1, v13, v15;
	v15 =	vmul.f32 $2.000000030e-01, v14  }
0x2e5: {  	vm1 =	vgt.f32 v14, $0.0e+00;
	v13 =	vsub.f32 v13, v10  }
0x2e6: {  	v14 =	vsel vm1, v14, v15  }
0x2e7: {  	v13 =	vmul.f32 $1.442695020e+00, v13;
	v14 =	vsub.f32 v14, v11;
	_ =	sdelay $0x1  }
0x2e8: {  	v14 =	vmul.f32 $1.442695020e+00, v14  }
0x2e9: {  	(erf) = vpow2.f32 v13  }
0x2ea: {  	(erf) = vpow2.f32 v14;
	_ =	sdelay $0x3  }
0x2eb: {  	s24 =	sadd.s32 $0x10, s8;
	s8 =	smov.u32 s21  }
0x2ec: {  	v13 =	vor.u32 s24, v0  }
0x2ed: {  	v14 =	vadd.s32 $0x30, v12;
	v15 =	vmul.u32 $0x28, v13;
	v16 =	vmul.u32 $0x38, v13  }
0x2ee: {  	v12 =	vadd.s32 $0x31, v12  }
0x2ef: {  	v17 =	vadd.s32 $0x20, v15;
	v18 =	vpop (erf)  }
0x2f0: {  	v13 =	vshll.u32 v13, $0x3;
	[tilespmem:s4+$0xFFFFFFF0] =	vst v18;
	v19 =	vpop (erf)  }
0x2f1: {  	v20 =	vor.u32 $0x1, v13;
	[tilespmem:s6+$0xFFFFFFF0] =	vst v19  }
0x2f2: {  	[tilespmem:v14+s23+$0x0] =	vst.idx.msk $0xffff, v18;
	v14 =	vadd.s32 $0x21, v15  }
0x2f3: {  	[tilespmem:v12+s23+$0x0] =	vst.idx.msk $0xffff, v19  }
0x2f4: {  	v12 =	vld.idx.msk [tilespmem:v17+s9+$0x0], $0xffff  }
0x2f5: {  	v13 =	vld.idx.msk [tilespmem:v13+s11+$0x0], $0xffff  }
0x2f6: {  	v15 =	vld.idx.msk [tilespmem:v20+s11+$0x0], $0xffff  }
0x2f7: {  	v14 =	vld.idx.msk [tilespmem:v14+s9+$0x0], $0xffff;
	_ =	sdelay $0x3  }
0x2f8: {  	v12 =	vadd.f32 v13, v12;
	_ =	sdelay $0x1  }
0x2f9: {  	v13 =	vadd.f32 v15, v14;
	v14 =	vmul.f32 $2.000000030e-01, v12  }
0x2fa: {  	vm1 =	vgt.f32 v12, $0.0e+00  }
0x2fb: {  	v12 =	vsel vm1, v12, v14;
	v14 =	vmul.f32 $2.000000030e-01, v13  }
0x2fc: {  	vm1 =	vgt.f32 v13, $0.0e+00;
	v12 =	vsub.f32 v12, v10  }
0x2fd: {  	v13 =	vsel vm1, v13, v14  }
0x2fe: {  	v12 =	vmul.f32 $1.442695020e+00, v12;
	v13 =	vsub.f32 v13, v11;
	_ =	sdelay $0x1  }
0x2ff: {  	v13 =	vmul.f32 $1.442695020e+00, v13;
	(erf) = vpow2.f32 v12;
	_ =	sdelay $0x1  }
0x300: {  	(erf) = vpow2.f32 v13;
	_ =	sdelay $0x3  }
.Ltmp12:
0x301: {  	(pc) =	sbr.rel @p0 .LBB2_14-.Ltmp12, $4  }
0x302: {  	_ = 	snop  }
0x303: {  	v14 =	vadd.s32 $0x30, v16;
	v12 =	vor.u32 s8, v0;
	v13 =	vadd.s32 $0x31, v16  }
0x304: {  	v18 =	vmul.u32 $0x28, v12;
	v15 =	vshll.u32 v12, $0x3;
	v12 =	vmul.u32 $0x38, v12;
	v17 =	vpop (erf)  }
0x305: {  	s25 =	smov.u32 s17;
	v16 =	vor.u32 $0x1, v15;
	[tilespmem:s4+$0x0] =	vst v17  }
0x306: {  	_ =	sdelay $0x1  }
0x307: {  	v20 =	vpop (erf)  }
0x308: {  	v19 =	vadd.s32 $0x20, v18;
	[tilespmem:s10+$0x0] =	vst v20  }
0x309: {  	v54 =	vadd.s32 $0x21, v18;
	[tilespmem:v14+s23+$0x0] =	vst.idx.msk $0xffff, v17  }
0x30a: {  	[tilespmem:v13+s23+$0x0] =	vst.idx.msk $0xffff, v20  }
0x30b: {  	v13 =	vld.idx.msk [tilespmem:v15+s11+$0x0], $0xffff  }
0x30c: {  	v16 =	vld.idx.msk [tilespmem:v16+s11+$0x0], $0xffff  }
0x30d: {  	v14 =	vld.idx.msk [tilespmem:v19+s9+$0x0], $0xffff  }
0x30e: {  	v15 =	vld.idx.msk [tilespmem:v54+s9+$0x0], $0xffff;
	_ =	sdelay $0x3  }
0x30f: {  	v13 =	vadd.f32 v13, v14  }
0x310: {  	v14 =	vadd.f32 v16, v15  }
0x311: {  	v15 =	vmul.f32 $2.000000030e-01, v13  }
0x312: {  	vm1 =	vgt.f32 v13, $0.0e+00;
	v16 =	vmul.f32 $2.000000030e-01, v14  }
0x313: {  	v13 =	vsel vm1, v13, v15;
	vm1 =	vgt.f32 v14, $0.0e+00  }
0x314: {  	v13 =	vsub.f32 v13, v10;
	v14 =	vsel vm1, v14, v16  }
0x315: {  	v14 =	vsub.f32 v14, v11  }
0x316: {  	v13 =	vmul.f32 $1.442695020e+00, v13  }
0x317: {  	v14 =	vmul.f32 $1.442695020e+00, v14  }
0x318: {  	(erf) = vpow2.f32 v13  }
0x319: {  	(erf) = vpow2.f32 v14;
	_ =	sdelay $0x3  }
0x31a: {  	s8 =	sadd.s32 $0x10, s8  }
0x31b: {  	v13 =	vor.u32 s8, v0  }
0x31c: {  	v14 =	vadd.s32 $0x30, v12;
	v15 =	vmul.u32 $0x28, v13  }
0x31d: {  	v12 =	vadd.s32 $0x31, v12  }
0x31e: {  	s4 =	sadd.s32 $0x20, s4;
	v55 =	vadd.s32 $0x20, v15;
	v56 =	vpop (erf)  }
0x31f: {  	s6 =	sadd.s32 $0x20, s6;
	v57 =	vshll.u32 v13, $0x3;
	[tilespmem:s4+$0xFFFFFFF0] =	vst v56;
	v58 =	vpop (erf)  }
0x320: {  	v59 =	vor.u32 $0x1, v57;
	[tilespmem:s6+$0xFFFFFFF0] =	vst v58  }
0x321: {  	[tilespmem:v14+s23+$0x0] =	vst.idx.msk $0xffff, v56;
	v14 =	vadd.s32 $0x21, v15  }
0x322: {  	[tilespmem:v12+s23+$0x0] =	vst.idx.msk $0xffff, v58  }
0x323: {  	v12 =	vld.idx.msk [tilespmem:v55+s9+$0x0], $0xffff  }
0x324: {  	v15 =	vld.idx.msk [tilespmem:v57+s11+$0x0], $0xffff  }
0x325: {  	v60 =	vld.idx.msk [tilespmem:v59+s11+$0x0], $0xffff  }
0x326: {  	v14 =	vld.idx.msk [tilespmem:v14+s9+$0x0], $0xffff;
	_ =	sdelay $0x3  }
0x327: {  	v12 =	vadd.f32 v15, v12  }
0x328: {  	v14 =	vadd.f32 v60, v14  }
0x329: {  	v15 =	vmul.f32 $2.000000030e-01, v12  }
0x32a: {  	vm1 =	vgt.f32 v12, $0.0e+00;
	v16 =	vmul.f32 $2.000000030e-01, v14  }
0x32b: {  	v12 =	vsel vm1, v12, v15;
	vm1 =	vgt.f32 v14, $0.0e+00  }
0x32c: {  	v12 =	vsub.f32 v12, v10;
	v14 =	vsel vm1, v14, v16  }
0x32d: {  	v14 =	vsub.f32 v14, v11  }
0x32e: {  	v12 =	vmul.f32 $1.442695020e+00, v12  }
0x32f: {  	v14 =	vmul.f32 $1.442695020e+00, v14  }
0x330: {  	(erf) = vpow2.f32 v12  }
0x331: {  	(erf) = vpow2.f32 v14;
	_ =	sdelay $0x3  }
0x332: {  	v12 =	vmul.u32 $0x38, v13;
	_ =	sdelay $0x1  }
0x333: {  	v13 =	vadd.s32 $0x30, v12  }
0x334: {  	v12 =	vadd.s32 $0x31, v12  }
0x335: {  	s24 =	simm.s32 $0x0;
	v14 =	vpop (erf)  }
0x336: {  	v61 =	vmov s24;
	[tilespmem:s4+$0x0] =	vst v14;
	v15 =	vpop (erf)  }
0x337: {  	v16 =	vand.u32 $0xFFFFFFFC, v61;
	[tilespmem:s6+$0x0] =	vst v15  }
0x338: {  	p0 =	slt.u32 s26, $0x2;
	[tilespmem:v13+s23+$0x0] =	vst.idx.msk $0xffff, v14;
	v13 =	vbroadcast v16, $0x0  }
0x339: {  	s4 =	simm.s32 @!p0 $0x5;
	[tilespmem:v12+s23+$0x0] =	vst.idx.msk $0xffff, v15  }
0x33a: {  	_ =	swait.ge @!p0 [sflag:s4], $0x1C00  }
0x33b: {  	[sflag:s4] =	ssyncset.done @!p0 $0x0  }
0x33c: {  	s6 =	simm.s32 $0x16618;
	[sflag:s4] =	ssyncadd.s32 @!p0 $0xFFFFE400  }
0x33d: {  	v12 =	vld [tilespmem:s6+$0xFFFFFF78]  }
0x33e: {  	v14 =	vld.idx.msk [tilespmem:v13+s13+$0x0], $0xffff  }
0x33f: {  	v13 =	vld.idx.msk [tilespmem:v13+s14+$0x0], $0xffff;
	_ =	sdelay $0x3  }
0x340: {  	v15 =	vshll.u32 v12, $0x10  }
0x341: {  	v12 =	vand.u32 $0xFFFF0000, v12;
	v15 =	vmul.f32 v15, v14;
	v14 =	vsel vm0, v14, v13  }
0x342: {  	s10 =	simm.s32 $0x19E58;
	v12 =	vmul.f32 v12, v14  }
0x343: {  	[tilespmem:s10+$0xFFFFFF38] =	vst v15  }
0x344: {  	[tilespmem:s10+$0xFFFFFF48] =	vst v12  }
0x345: {  	s25 =	simm.s32 $0x1;
	v12 =	vld [tilespmem:s6+$0xFFFFFF88]  }
0x346: {  	v14 =	vmov s25  }
0x347: {  	v14 =	vand.u32 $0xFFFFFFFD, v14  }
0x348: {  	v14 =	vbroadcast v14, $0x0;
	_ =	sdelay $0x1  }
0x349: {  	v12 =	vmul.f32 v12, v13;
	_ =	sdelay $0x1  }
0x34a: {  	[tilespmem:s10+$0xFFFFFF58] =	vst v12  }
0x34b: {  	v12 =	vld [tilespmem:s6+$0xFFFFFFA0]  }
0x34c: {  	v13 =	vld.idx.msk [tilespmem:v14+s13+$0x0], $0xffff  }
0x34d: {  	v14 =	vld.idx.msk [tilespmem:v14+s14+$0x0], $0xffff;
	_ =	sdelay $0x3  }
0x34e: {  	v15 =	vshll.u32 v12, $0x10  }
0x34f: {  	v12 =	vand.u32 $0xFFFF0000, v12;
	v15 =	vmul.f32 v15, v13;
	v13 =	vsel vm0, v13, v14  }
0x350: {  	v12 =	vmul.f32 v12, v13  }
0x351: {  	[tilespmem:s10+$0xFFFFFF70] =	vst v15  }
0x352: {  	s26 =	simm.s32 $0x2;
	[tilespmem:s10+$0xFFFFFF80] =	vst v12  }
0x353: {  	v13 =	vmov s26;
	v12 =	vld [tilespmem:s6+$0xFFFFFFB0]  }
0x354: {  	v13 =	vand.u32 $0xFFFFFFFE, v13  }
0x355: {  	v13 =	vbroadcast v13, $0x0;
	_ =	sdelay $0x2  }
0x356: {  	v12 =	vmul.f32 v12, v14;
	_ =	sdelay $0x1  }
0x357: {  	[tilespmem:s10+$0xFFFFFF90] =	vst v12  }
0x358: {  	v12 =	vld.idx.msk [tilespmem:v13+s13+$0x0], $0xffff  }
0x359: {  	v13 =	vld.idx.msk [tilespmem:v13+s14+$0x0], $0xffff  }
0x35a: {  	v14 =	vld [tilespmem:s6+$0xFFFFFFC8];
	_ =	sdelay $0x4  }
0x35b: {  	v15 =	vsel vm0, v12, v13;
	v62 =	vand.u32 $0xFFFF0000, v14  }
0x35c: {  	v14 =	vshll.u32 v14, $0x10;
	v15 =	vmul.f32 v62, v15  }
0x35d: {  	v12 =	vmul.f32 v14, v12  }
0x35e: {  	[tilespmem:s10+$0xFFFFFFB8] =	vst v15  }
0x35f: {  	[tilespmem:s10+$0xFFFFFFA8] =	vst v12  }
0x360: {  	v12 =	vld [tilespmem:s6+$0xFFFFFFD8];
	_ =	sdelay $0x1  }
0x361: {  	s31 =	simm.s32 $0x3  }
0x362: {  	v14 =	vmov s31;
	_ =	sdelay $0x1  }
0x363: {  	v12 =	vmul.f32 v12, v13;
	_ =	sdelay $0x1  }
0x364: {  	[tilespmem:s10+$0xFFFFFFC8] =	vst v12  }
0x365: {  	v13 =	vld.idx.msk [tilespmem:v14+s13+$0x0], $0xffff  }
0x366: {  	v12 =	vld.idx.msk [tilespmem:v14+s14+$0x0], $0xffff  }
0x367: {  	v14 =	vld [tilespmem:s6+$0xFFFFFFF0];
	_ =	sdelay $0x4  }
0x368: {  	v15 =	vsel vm0, v13, v12;
	v63 =	vand.u32 $0xFFFF0000, v14  }
0x369: {  	v14 =	vshll.u32 v14, $0x10;
	v15 =	vmul.f32 v63, v15  }
0x36a: {  	v13 =	vmul.f32 v14, v13  }
0x36b: {  	[tilespmem:s10+$0xFFFFFFF0] =	vst v15  }
0x36c: {  	s24 =	simm.s32 $0xB;
	s8 =	simm.s32 $0x19F38;
	s4 =	simm.s32 $0x7;
	[tilespmem:s10+$0xFFFFFFE0] =	vst v13  }
.LBB2_16:
0x36d: {  	s21 =	sadd.s32 $0xFFFFFFFD, s4  }
0x36e: {  	v13 =	vld [tilespmem:s6+$0x0];
	s6 =	sadd.s32 $0xA0, s6;
	s25 =	smov.u32 s24;
	s17 =	sadd.s32 $0x4, s24  }
0x36f: {  	p0 =	sne.s32 s24, $0x7F;
	v14 =	vmov s21  }
0x370: {  	v14 =	vand.u32 $0xFFFFFFFC, v14  }
0x371: {  	v14 =	vbroadcast v14, $0x0;
	_ =	sdelay $0x1  }
0x372: {  	v12 =	vmul.f32 v13, v12;
	_ =	sdelay $0x1  }
0x373: {  	[tilespmem:s10+$0x0] =	vst v12;
	s10 =	smov.u32 s8  }
0x374: {  	v12 =	vld [tilespmem:s6+$0xFFFFFF78]  }
0x375: {  	v13 =	vld.idx.msk [tilespmem:v14+s13+$0x0], $0xffff  }
0x376: {  	v14 =	vld.idx.msk [tilespmem:v14+s14+$0x0], $0xffff;
	_ =	sdelay $0x3  }
0x377: {  	v15 =	vshll.u32 v12, $0x10  }
0x378: {  	v12 =	vand.u32 $0xFFFF0000, v12;
	v15 =	vmul.f32 v15, v13  }
0x379: {  	v13 =	vsel vm0, v13, v14  }
0x37a: {  	v12 =	vmul.f32 v12, v13  }
0x37b: {  	[tilespmem:s8+$0xFFFFFF38] =	vst v15  }
0x37c: {  	[tilespmem:s8+$0xFFFFFF48] =	vst v12  }
0x37d: {  	s21 =	sadd.s32 $0xFFFFFFFE, s4;
	v12 =	vld [tilespmem:s6+$0xFFFFFF88]  }
0x37e: {  	v13 =	vmov s21  }
0x37f: {  	v13 =	vand.u32 $0xFFFFFFFD, v13  }
0x380: {  	v13 =	vbroadcast v13, $0x0;
	_ =	sdelay $0x1  }
0x381: {  	v12 =	vmul.f32 v12, v14;
	_ =	sdelay $0x1  }
0x382: {  	[tilespmem:s8+$0xFFFFFF58] =	vst v12  }
0x383: {  	v12 =	vld [tilespmem:s6+$0xFFFFFFA0]  }
0x384: {  	v14 =	vld.idx.msk [tilespmem:v13+s13+$0x0], $0xffff  }
0x385: {  	v13 =	vld.idx.msk [tilespmem:v13+s14+$0x0], $0xffff;
	_ =	sdelay $0x2  }
0x386: {  	v15 =	vshll.u32 v12, $0x10;
	v12 =	vand.u32 $0xFFFF0000, v12;
	_ =	sdelay $0x1  }
0x387: {  	v15 =	vmul.f32 v15, v14  }
0x388: {  	v14 =	vsel vm0, v14, v13  }
0x389: {  	v12 =	vmul.f32 v12, v14  }
0x38a: {  	[tilespmem:s8+$0xFFFFFF70] =	vst v15  }
0x38b: {  	s21 =	sadd.s32 $0xFFFFFFFF, s4;
	[tilespmem:s8+$0xFFFFFF80] =	vst v12  }
0x38c: {  	v14 =	vmov s21;
	v12 =	vld [tilespmem:s6+$0xFFFFFFB0]  }
0x38d: {  	v14 =	vand.u32 $0xFFFFFFFE, v14  }
0x38e: {  	v14 =	vbroadcast v14, $0x0;
	_ =	sdelay $0x2  }
0x38f: {  	v12 =	vmul.f32 v12, v13;
	_ =	sdelay $0x1  }
0x390: {  	[tilespmem:s8+$0xFFFFFF90] =	vst v12  }
0x391: {  	v12 =	vld.idx.msk [tilespmem:v14+s13+$0x0], $0xffff  }
0x392: {  	v13 =	vld.idx.msk [tilespmem:v14+s14+$0x0], $0xffff  }
0x393: {  	v14 =	vld [tilespmem:s6+$0xFFFFFFC8];
	_ =	sdelay $0x4  }
0x394: {  	v15 =	vsel vm0, v12, v13;
	v16 =	vshll.u32 v14, $0x10;
	v14 =	vand.u32 $0xFFFF0000, v14  }
0x395: {  	v12 =	vmul.f32 v16, v12;
	v14 =	vmul.f32 v14, v15;
	_ =	sdelay $0x1  }
0x396: {  	[tilespmem:s8+$0xFFFFFFB8] =	vst v14  }
0x397: {  	[tilespmem:s8+$0xFFFFFFA8] =	vst v12  }
0x398: {  	v12 =	vld [tilespmem:s6+$0xFFFFFFD8];
	_ =	sdelay $0x2  }
0x399: {  	v14 =	vmov s4;
	s4 =	smov.u32 s25;
	_ =	sdelay $0x1  }
0x39a: {  	v12 =	vmul.f32 v12, v13;
	_ =	sdelay $0x1  }
0x39b: {  	[tilespmem:s8+$0xFFFFFFC8] =	vst v12  }
0x39c: {  	v13 =	vld.idx.msk [tilespmem:v14+s13+$0x0], $0xffff  }
0x39d: {  	v12 =	vld.idx.msk [tilespmem:v14+s14+$0x0], $0xffff  }
0x39e: {  	v14 =	vld [tilespmem:s6+$0xFFFFFFF0];
	_ =	sdelay $0x4  }
.Ltmp13:
0x39f: {  	v15 =	vsel vm0, v13, v12;
	v16 =	vshll.u32 v14, $0x10;
	v14 =	vand.u32 $0xFFFF0000, v14;
	(pc) =	sbr.rel @p0 .LBB2_16-.Ltmp13, $3  }
0x3a0: {  	v13 =	vmul.f32 v16, v13;
	v14 =	vmul.f32 v14, v15;
	_ =	sdelay $0x1  }
0x3a1: {  	[tilespmem:s8+$0xFFFFFFF0] =	vst v14  }
0x3a2: {  	s24 =	smov.u32 s17;
	s8 =	sadd.s32 $0xE0, s8;
	[tilespmem:s10+$0xFFFFFFE0] =	vst v13  }
.Ltmp14:
0x3a3: {  	_ = 	snop;
	(pc) =	sbr.rel .LBB2_17-.Ltmp14, $1  }
0x3a4: {  	_ =	sdelay $0x3  }
.LBB2_21:
0x3a5: {  	_ =	sfence.sel $0x180000  }
0x3a6: {  	[bflag:$0x0] =	sbarrier.arrive $0xFFFF  }
0x3a7: {  	_ =	strace $0x90000047  }
0x3a8: {  	s0 =	stileid.u32;
	[bflag:$0x2] =	sbarrier.arrive $0xFFFF  }
0x3a9: {  	p0 =	sne.s32 s0, $0x0;
	s0 =	rddreg [dreg:$0x3]  }
0x3aa: {  	s0 =	sadd.s32 @!p0 $0x100000, s0  }
0x3ab: {  	[sflag:s0] =	ssyncadd.tile.s32 @!p0 $0x1;
	_ =	shalt  }
.Lfunc_end2:
_tile_overlayer_lowered:
.L_overlay_start_2:
0x3ac: {  	(tag) =	ssettag $0x2  }
0x3ad: {  	s0 =	rddreg [dreg:$0x0];
	s2 =	stileid.u32  }
0x3ae: {  	s1 =	rddreg [dreg:$0x1];
	p0 =	sne.s32 s2, $0x0  }
0x3af: {  	s3 =	rddreg [dreg:$0x2];
	[bflag:$0x3] =	sbarrier.arrive $0xFFFF;
	s2 =	simm.s32 @!p0 $0x1C06  }
0x3b0: {  	[timem:s3], [sflag:s2] =	dma.local @!p0 [hbm:s0], s1  }
0x3b1: {  	s0 =	simm.s32 @!p0 $0x6  }
0x3b2: {  	_ =	swait.ge @!p0 [sflag:s0], s1  }
0x3b3: {  	s1 =	ssub.s32 @!p0 $0x0, s1;
	[sflag:s0] =	ssyncset.done @!p0 $0x0  }
0x3b4: {  	[sflag:s0] =	ssyncadd.s32 @!p0 s1  }
0x3b5: {  	[bflag:$0x3] =	sbarrier.arrive $0xFFFF  }
0x3b6: {  	_ =	shalt  }

</sc_bundles>
